<compile_context>
chip_gen: v7x
topology: tpu7x:2x2x1
jax: 0.10.2.dev20260603
libtpu: 0.0.44.dev20260713+nightly
codegen_flags: <defaults>
</compile_context>

<pallas_src>
import functools

import jax
import jax.numpy as jnp
import numpy as np
from jax import lax
from jax.experimental import pallas as pl
from jax.experimental.pallas import tpu as pltpu
from jax.experimental.pallas import tpu_sc as plsc

_N = 10000
_E = 320000
_IN = 128
_HID = 16
_NC = 16
_H0 = 4
_SLOPE = 0.2
_EPS = 1e-9

_ROWB = 1000



def _mm_kernel(x_ref, w_ref, o_ref):
    o_ref[...] = jnp.dot(x_ref[...], w_ref[...],
                         preferred_element_type=jnp.float32)


def _stage_a(T, Wcat0):
    return pl.pallas_call(
        _mm_kernel,
        grid=(_N // _ROWB,),
        in_specs=[
            pl.BlockSpec((_ROWB, _IN), lambda i: (i, 0)),
            pl.BlockSpec((_IN, 72), lambda i: (0, 0)),
        ],
        out_specs=pl.BlockSpec((_ROWB, 72), lambda i: (i, 0)),
        out_shape=jax.ShapeDtypeStruct((_N, 72), jnp.float32),
    )(T, Wcat0)


def _stage_c_kernel(num_ref, den_ref, r_ref, w_ref, o_ref):
    ns = num_ref[0] + num_ref[1]
    ds_ = den_ref[0] + den_ref[1]
    den_exp = jnp.dot(ds_, r_ref[...], preferred_element_type=jnp.float32)
    x = ns / (den_exp + _EPS)
    h = jnp.where(x > 0, x, jnp.exp(x) - 1.0)
    o_ref[...] = jnp.dot(h, w_ref[...], preferred_element_type=jnp.float32)


def _stage_c(num2, den2, R, Wcat1):
    return pl.pallas_call(
        _stage_c_kernel,
        grid=(_N // _ROWB,),
        in_specs=[
            pl.BlockSpec((2, _ROWB, 64), lambda i: (0, i, 0)),
            pl.BlockSpec((2, _ROWB, 16), lambda i: (0, i, 0)),
            pl.BlockSpec((16, 64), lambda i: (0, 0)),
            pl.BlockSpec((64, 18), lambda i: (0, 0)),
        ],
        out_specs=pl.BlockSpec((_ROWB, 18), lambda i: (i, 0)),
        out_shape=jax.ShapeDtypeStruct((_N, 18), jnp.float32),
    )(num2, den2, R, Wcat1)


def _stage_e_kernel(num_ref, den_ref, r_ref, o_ref):
    ns = num_ref[0] + num_ref[1]
    ds_ = den_ref[0] + den_ref[1]
    den_exp = jnp.dot(ds_, r_ref[...], preferred_element_type=jnp.float32)
    o_ref[...] = ns / (den_exp + _EPS)


def _stage_e(num2, den2, R1):
    return pl.pallas_call(
        _stage_e_kernel,
        grid=(_N // _ROWB,),
        in_specs=[
            pl.BlockSpec((2, _ROWB, 16), lambda i: (0, i, 0)),
            pl.BlockSpec((2, _ROWB, 16), lambda i: (0, i, 0)),
            pl.BlockSpec((16, 16), lambda i: (0, 0)),
        ],
        out_specs=pl.BlockSpec((_ROWB, 16), lambda i: (i, 0)),
        out_shape=jax.ShapeDtypeStruct((_N, 16), jnp.float32),
    )(num2, den2, R1)



_L = 16
_NCsc = 2
_NSsc = 16
_NW = _NCsc * _NSsc
_K = 400
_KL = 2000
_NP = 10240


_SC_PARAMS = pltpu.CompilerParams(use_tc_tiling_on_sc=False,
                                  needs_layout_passes=False)


def _edge_logits_sc(src, dst, eler, heads):
    epw = _E // _NW
    nchunk = epw // _KL
    tw = 2 * heads
    mesh = plsc.VectorSubcoreMesh(core_axis_name="c", subcore_axis_name="s")

    @functools.partial(
        pl.kernel,
        out_type=jax.ShapeDtypeStruct((heads * _E,), jnp.float32),
        mesh=mesh,
        compiler_params=_SC_PARAMS,
        scratch_types=[
            pltpu.VMEM((_N * 2 * heads,), jnp.float32),
            pltpu.VMEM((_KL,), jnp.int32),
            pltpu.VMEM((_KL,), jnp.int32),
            pltpu.VMEM((heads, _KL), jnp.float32),
        ],
    )
    def k(src_h, dst_h, eler_h, w_o, eler_v, srcb, dstb, wstage):
        c = lax.axis_index("c")
        s = lax.axis_index("s")
        wid = c * _NSsc + s
        pltpu.sync_copy(eler_h, eler_v)

        def chunk(i, carry):
            base = wid * epw + i * _KL
            pltpu.sync_copy(src_h.at[pl.ds(base, _KL)], srcb)
            pltpu.sync_copy(dst_h.at[pl.ds(base, _KL)], dstb)

            def group(g, carry2):
                src16 = srcb[pl.ds(g * _L, _L)]
                dst16 = dstb[pl.ds(g * _L, _L)]
                for h in range(heads):
                    el = plsc.load_gather(eler_v, [src16 * tw + h])
                    er = plsc.load_gather(eler_v, [dst16 * tw + (heads + h)])
                    x = el + er
                    x = jnp.where(x > 0, x, x * _SLOPE)
                    wstage[h, pl.ds(g * _L, _L)] = jnp.exp(x)
                return carry2

            lax.fori_loop(0, _KL // _L, group, 0)
            for h in range(heads):
                pltpu.sync_copy(wstage.at[h],
                                w_o.at[pl.ds(h * _E + base, _KL)])
            return carry

        lax.fori_loop(0, nchunk, chunk, 0)

    return k(src, dst, eler)


def _edge_accum_sc(src, dst, w, feat, zw, z16, heads, width):
    epw = _E // _NW
    nchunk = epw // _K
    rpt = _NP // _NSsc
    mesh = plsc.VectorSubcoreMesh(core_axis_name="c", subcore_axis_name="s")

    @functools.partial(
        pl.kernel,
        out_type=[jax.ShapeDtypeStruct((_NCsc, _NP, width), jnp.float32),
                  jax.ShapeDtypeStruct((_NCsc, _NP, 16), jnp.float32)],
        mesh=mesh,
        compiler_params=_SC_PARAMS,
        scratch_types=[
            pltpu.VMEM((2, _K), jnp.int32),
            pltpu.VMEM((2, _K), jnp.int32),
            pltpu.VMEM((2, _K, width), jnp.float32),
            pltpu.VMEM((2, heads * _K), jnp.float32),
            pltpu.VMEM((2, _K, 16), jnp.float32),
            pltpu.VMEM_SHARED((_NP, width), jnp.float32),
            pltpu.VMEM_SHARED((_NP, 16), jnp.float32),
            pltpu.SemaphoreType.DMA((2,)),
            pltpu.SemaphoreType.DMA((2,)),
        ],
    )
    def k(src_h, dst_h, w_h, feat_h, zw_h, z16_h, num_o, den_o,
          srcb, dstb, featb, wbuf, wb, num_sp, den_sp, sem, ssem):
        c = lax.axis_index("c")
        s = lax.axis_index("s")
        wid = c * _NSsc + s
        pltpu.sync_copy(zw_h.at[pl.ds(s * rpt, rpt)],
                        num_sp.at[pl.ds(s * rpt, rpt)])
        pltpu.sync_copy(z16_h.at[pl.ds(s * rpt, rpt)],
                        den_sp.at[pl.ds(s * rpt, rpt)])
        plsc.subcore_barrier()
        lanes = lax.iota(jnp.int32, _L)
        onehot = [jnp.where(lanes == h, 1.0, 0.0) for h in range(heads)]

        def issue(i, slot):
            base = wid * epw + i * _K
            pltpu.sync_copy(src_h.at[pl.ds(base, _K)], srcb.at[slot])
            pltpu.sync_copy(dst_h.at[pl.ds(base, _K)], dstb.at[slot])
            for h in range(heads):
                pltpu.async_copy(w_h.at[pl.ds(h * _E + base, _K)],
                                 wbuf.at[slot, pl.ds(h * _K, _K)],
                                 sem.at[slot])
            pltpu.async_copy(feat_h.at[srcb.at[slot]], featb.at[slot],
                             sem.at[slot])

        issue(0, 0)

        def chunk(i, carry):
            b = lax.rem(i, 2)
            nb = 1 - b

            @pl.when(i > 0)
            def _drain_prev_scatter():
                pltpu.make_async_copy(
                    feat_h.at[pl.ds(0, _K)], featb.at[nb],
                    ssem.at[nb]).wait()
                pltpu.make_async_copy(
                    feat_h.at[pl.ds(0, _K)], wb.at[nb], ssem.at[nb]).wait()

            @pl.when(i + 1 < nchunk)
            def _prefetch():
                issue(i + 1, nb)

            for h in range(heads):
                pltpu.make_async_copy(
                    w_h.at[pl.ds(0, _K)],
                    wbuf.at[b, pl.ds(h * _K, _K)], sem.at[b]).wait()
            pltpu.make_async_copy(
                feat_h.at[pl.ds(0, _K)], featb.at[b], sem.at[b]).wait()

            def group(g, carry2):
                wlist = [wbuf[b, pl.ds(h * _K + g * _L, _L)]
                         for h in range(heads)]
                for kk in range(_L):
                    row = g * _L + kk
                    lane = jnp.full((_L,), kk, jnp.int32)
                    acc = jnp.zeros((_L,), jnp.float32)
                    for h in range(heads):
                        wsv = wlist[h].at[lane].get(
                            mode="promise_in_bounds")
                        acc = acc + wsv * onehot[h]
                        featb[b, row, pl.ds(h * _L, _L)] = (
                            featb[b, row, pl.ds(h * _L, _L)] * wsv)
                    wb[b, row, :] = acc
                return carry2

            lax.fori_loop(0, _K // _L, group, 0)
            pltpu.async_copy(featb.at[b], num_sp.at[dstb.at[b]],
                             ssem.at[b], add=True)
            pltpu.async_copy(wb.at[b], den_sp.at[dstb.at[b]],
                             ssem.at[b], add=True)
            return carry

        lax.fori_loop(0, nchunk, chunk, 0)
        lb = (nchunk - 1) % 2
        pltpu.make_async_copy(
            feat_h.at[pl.ds(0, _K)], featb.at[lb], ssem.at[lb]).wait()
        pltpu.make_async_copy(
            feat_h.at[pl.ds(0, _K)], wb.at[lb], ssem.at[lb]).wait()
        plsc.subcore_barrier()
        pltpu.sync_copy(num_sp.at[pl.ds(s * rpt, rpt)],
                        num_o.at[c, pl.ds(s * rpt, rpt)])
        pltpu.sync_copy(den_sp.at[pl.ds(s * rpt, rpt)],
                        den_o.at[c, pl.ds(s * rpt, rpt)])

    return k(src, dst, w, feat, zw, z16)


def _edge_pass_sc(src, dst, eler, feat, zw, z16, heads, width):
    w = _edge_logits_sc(src, dst, eler, heads)
    return _edge_accum_sc(src, dst, w, feat, zw, z16, heads, width)



def kernel(T, edge_index, W0, al0, ar0, W1, al1, ar1):
    src = edge_index[0]
    dst = edge_index[1]

    Al0 = (al0[:, :, None] * jnp.eye(_H0)[:, None, :]).reshape(64, _H0)
    Ar0 = (ar0[:, :, None] * jnp.eye(_H0)[:, None, :]).reshape(64, _H0)
    Wcat0 = jnp.concatenate([W0, W0 @ Al0, W0 @ Ar0], axis=1)
    Wcat1 = jnp.concatenate([W1, W1 @ al1[0][:, None],
                             W1 @ ar1[0][:, None]], axis=1)
    R = (jnp.eye(_H0)[:, :, None]
         * jnp.ones((1, 1, _HID))).reshape(_H0, 64)
    R = jnp.pad(R, ((0, 12), (0, 0)))
    R1 = jnp.zeros((16, 16), jnp.float32).at[0, :].set(1.0)

    z64 = jnp.zeros((_NP, 64), jnp.float32)
    z16 = jnp.zeros((_NP, 16), jnp.float32)

    y0 = _stage_a(T, Wcat0)
    feat0, eler0 = y0[:, :64], y0[:, 64:72]

    num2, den2 = _edge_pass_sc(src, dst, eler0.reshape(-1), feat0,
                               z64, z16, _H0, 64)
    num2, den2 = num2[:, :_N], den2[:, :_N]

    y1 = _stage_c(num2, den2, R, Wcat1)
    feat1, eler1 = y1[:, :16], y1[:, 16:18]

    num12, den12 = _edge_pass_sc(src, dst, eler1.reshape(-1), feat1,
                                 z16, z16, 1, 16)
    num12, den12 = num12[:, :_N], den12[:, :_N]

    return _stage_e(num12, den12, R1)

# --- scband reference (transcript-rebuilt; emitter-appended) ---
"""Pipeline reference for scband-prob-traffic-gat-dgl-25134148616276 (READ-ONLY COPY).

The authoritative reference and input builder live on the scoring server;
editing this copy changes nothing except your own understanding.
"""

import jax, jax.numpy as jnp
import numpy as np

N_NODES = 10000
N_EDGES = 320000
IN_DIM = 128
HIDDEN = 16
NUM_CLASSES = 16
HEADS0 = 4
HEADS1 = 1
NEG_SLOPE = 0.2


def setup_inputs(seed: int = 0) -> dict:
    key = jax.random.key(seed)
    ks = jax.random.split(key, 9)
    T = jax.random.normal(ks[0], (N_NODES, IN_DIM), dtype=jnp.float32)
    edge_index = jax.random.randint(ks[1], (2, N_EDGES), 0, N_NODES, dtype=jnp.int64 if jax.config.jax_enable_x64 else jnp.int32).astype(jnp.int32)
    # GAT layer 0: in_dim -> hidden, 4 heads (concat)
    W0 = jax.random.normal(ks[2], (IN_DIM, HEADS0 * HIDDEN), dtype=jnp.float32) * (1.0 / np.sqrt(IN_DIM))
    al0 = jax.random.normal(ks[3], (HEADS0, HIDDEN), dtype=jnp.float32) * 0.1
    ar0 = jax.random.normal(ks[4], (HEADS0, HIDDEN), dtype=jnp.float32) * 0.1
    # GAT layer 1 (output): heads0*hidden -> num_classes, 1 head (mean)
    W1 = jax.random.normal(ks[5], (HEADS0 * HIDDEN, HEADS1 * NUM_CLASSES), dtype=jnp.float32) * (1.0 / np.sqrt(HEADS0 * HIDDEN))
    al1 = jax.random.normal(ks[6], (HEADS1, NUM_CLASSES), dtype=jnp.float32) * 0.1
    ar1 = jax.random.normal(ks[7], (HEADS1, NUM_CLASSES), dtype=jnp.float32) * 0.1
    return {"T": T, "edge_index": edge_index, "W0": W0, "al0": al0, "ar0": ar0,
            "W1": W1, "al1": al1, "ar1": ar1}


def _gat_layer(h, src, dst, W, al, ar, heads, out_dim, merge):
    n = h.shape[0]
    feat = (h @ W).reshape(n, heads, out_dim)              # [N, H, D]
    el = jnp.sum(feat * al[None, :, :], axis=-1)           # [N, H]
    er = jnp.sum(feat * ar[None, :, :], axis=-1)           # [N, H]
    e = jax.nn.leaky_relu(el[src] + er[dst], NEG_SLOPE)    # [E, H]
    # edge softmax over incoming edges of each dst node
    emax = jax.ops.segment_max(e, dst, num_segments=n)     # [N, H]
    emax = jnp.where(jnp.isfinite(emax), emax, 0.0)
    ee = jnp.exp(e - emax[dst])                            # [E, H]
    esum = jax.ops.segment_sum(ee, dst, num_segments=n)    # [N, H]
    alpha = ee / (esum[dst] + 1e-9)                        # [E, H]
    msg = feat[src] * alpha[:, :, None]                    # [E, H, D]
    out = jax.ops.segment_sum(msg, dst, num_segments=n)    # [N, H, D]
    if merge == "cat":
        return out.reshape(n, heads * out_dim)
    return jnp.mean(out, axis=1)


def reference(T, edge_index, W0, al0, ar0, W1, al1, ar1):
    src = edge_index[0]
    dst = edge_index[1]
    # hidden GAT layer with elu activation, concatenated heads
    h = _gat_layer(T, src, dst, W0, al0, ar0, HEADS0, HIDDEN, "cat")
    h = jax.nn.elu(h)
    # output GAT layer, mean over heads (dropout prob 0 -> identity in eval)
    c = _gat_layer(h, src, dst, W1, al1, ar1, HEADS1, NUM_CLASSES, "mean")
    return c

if __name__ == "__main__":
    import jax
    _d = setup_inputs()
    print(jax.jit(kernel)(*tuple(_d.values())))

</pallas_src>

<mosaic_0001>
#map = affine_map<(d0, d1) -> (0)>
#map1 = affine_map<(d0, d1) -> (0, 0)>
#map2 = affine_map<(d0, d1) -> (0, 0, 0)>
module attributes {stable_mosaic.version = 14 : i64} {
  func.func @k(%arg0: i32, %arg1: i32, %arg2: memref<320000xi32, #tpu.memory_space<hbm>>, %arg3: memref<320000xi32, #tpu.memory_space<hbm>>, %arg4: memref<1280000xf32, #tpu.memory_space<hbm>>, %arg5: memref<10000x64xf32, #tpu.memory_space<hbm>>, %arg6: memref<10240x64xf32, #tpu.memory_space<hbm>>, %arg7: memref<10240x16xf32, #tpu.memory_space<hbm>>, %arg8: memref<2x10240x64xf32, #tpu.memory_space<hbm>>, %arg9: memref<2x10240x16xf32, #tpu.memory_space<hbm>>, %arg10: memref<2x400xi32, #tpu.memory_space<vmem>>, %arg11: memref<2x400xi32, #tpu.memory_space<vmem>>, %arg12: memref<2x400x64xf32, #tpu.memory_space<vmem>>, %arg13: memref<2x1600xf32, #tpu.memory_space<vmem>>, %arg14: memref<2x400x16xf32, #tpu.memory_space<vmem>>, %arg15: memref<10240x64xf32, #tpu.memory_space<vmem_shared>>, %arg16: memref<10240x16xf32, #tpu.memory_space<vmem_shared>>, %arg17: memref<2x!tpu.dma_semaphore, #tpu.memory_space<semaphore_mem>>, %arg18: memref<2x!tpu.dma_semaphore, #tpu.memory_space<semaphore_mem>>) attributes {dimension_semantics = [#tpu.dimension_semantics<core_parallel>, #tpu.dimension_semantics<subcore_parallel>], iteration_bounds = array<i64: 2, 16>, scalar_prefetch = 0 : i64, scratch_operands = 9 : i64, tpu.core_type = #tpu.core_type<sc_vector_subcore>, window_params = [{transform_indices = #map}, {transform_indices = #map}, {transform_indices = #map}, {transform_indices = #map1}, {transform_indices = #map1}, {transform_indices = #map1}, {transform_indices = #map2}, {transform_indices = #map2}]} {
    %mul3A = arith.constant 16 : i32
    %mul3A_0 = arith.muli %arg0, %mul3A : i32
    %add3A = arith.addi %mul3A_0, %arg1 : i32
    %mul3A_1 = arith.constant 640 : i32
    %mul3A_2 = arith.muli %arg1, %mul3A_1 : i32
    %mul3A_3 = arith.constant 640 : i32
    %mul3A_4 = arith.muli %arg1, %mul3A_3 : i32
    "tpu.region"() ({
      %run_scoped3A_161 = tpu.sem_alloc : memref<!tpu.dma_semaphore, #tpu.memory_space<semaphore_mem>>
      %dma_start3A_162 = arith.constant 0 : i32
      %dma_start3A_163 = tpu.memref_slice %arg15[%mul3A_4, %dma_start3A_162] : memref<10240x64xf32, #tpu.memory_space<vmem_shared>> -> memref<640x64xf32, #tpu.memory_space<vmem_shared>>
      %dma_start3A_164 = arith.constant 0 : i32
      %dma_start3A_165 = tpu.memref_slice %arg6[%mul3A_2, %dma_start3A_164] : memref<10240x64xf32, #tpu.memory_space<hbm>> -> memref<640x64xf32, #tpu.memory_space<hbm>>
      tpu.enqueue_dma source(%dma_start3A_165 : memref<640x64xf32, #tpu.memory_space<hbm>>) target(%dma_start3A_163 : memref<640x64xf32, #tpu.memory_space<vmem_shared>>) target_semaphore(%run_scoped3A_161 : memref<!tpu.dma_semaphore, #tpu.memory_space<semaphore_mem>>)
      %dma_wait3A_166 = arith.constant 0 : i32
      %dma_wait3A_167 = tpu.memref_slice %arg15[%mul3A_4, %dma_wait3A_166] : memref<10240x64xf32, #tpu.memory_space<vmem_shared>> -> memref<640x64xf32, #tpu.memory_space<vmem_shared>>
      %dma_wait3A_168 = arith.constant 0 : i32
      %dma_wait3A_169 = tpu.memref_slice %arg6[%mul3A_2, %dma_wait3A_168] : memref<10240x64xf32, #tpu.memory_space<hbm>> -> memref<640x64xf32, #tpu.memory_space<hbm>>
      tpu.wait_dma2 semaphore(%run_scoped3A_161 : memref<!tpu.dma_semaphore, #tpu.memory_space<semaphore_mem>>) src(%dma_wait3A_169 : memref<640x64xf32, #tpu.memory_space<hbm>>) dst(%dma_wait3A_167 : memref<640x64xf32, #tpu.memory_space<vmem_shared>>)
      tpu.yield
    }) : () -> ()
    %mul3A_5 = arith.constant 640 : i32
    %mul3A_6 = arith.muli %arg1, %mul3A_5 : i32
    %mul3A_7 = arith.constant 640 : i32
    %mul3A_8 = arith.muli %arg1, %mul3A_7 : i32
    "tpu.region"() ({
      %run_scoped3A_161 = tpu.sem_alloc : memref<!tpu.dma_semaphore, #tpu.memory_space<semaphore_mem>>
      %dma_start3A_162 = arith.constant 0 : i32
      %dma_start3A_163 = tpu.memref_slice %arg16[%mul3A_8, %dma_start3A_162] : memref<10240x16xf32, #tpu.memory_space<vmem_shared>> -> memref<640x16xf32, #tpu.memory_space<vmem_shared>>
      %dma_start3A_164 = arith.constant 0 : i32
      %dma_start3A_165 = tpu.memref_slice %arg7[%mul3A_6, %dma_start3A_164] : memref<10240x16xf32, #tpu.memory_space<hbm>> -> memref<640x16xf32, #tpu.memory_space<hbm>>
      tpu.enqueue_dma source(%dma_start3A_165 : memref<640x16xf32, #tpu.memory_space<hbm>>) target(%dma_start3A_163 : memref<640x16xf32, #tpu.memory_space<vmem_shared>>) target_semaphore(%run_scoped3A_161 : memref<!tpu.dma_semaphore, #tpu.memory_space<semaphore_mem>>)
      %dma_wait3A_166 = arith.constant 0 : i32
      %dma_wait3A_167 = tpu.memref_slice %arg16[%mul3A_8, %dma_wait3A_166] : memref<10240x16xf32, #tpu.memory_space<vmem_shared>> -> memref<640x16xf32, #tpu.memory_space<vmem_shared>>
      %dma_wait3A_168 = arith.constant 0 : i32
      %dma_wait3A_169 = tpu.memref_slice %arg7[%mul3A_6, %dma_wait3A_168] : memref<10240x16xf32, #tpu.memory_space<hbm>> -> memref<640x16xf32, #tpu.memory_space<hbm>>
      tpu.wait_dma2 semaphore(%run_scoped3A_161 : memref<!tpu.dma_semaphore, #tpu.memory_space<semaphore_mem>>) src(%dma_wait3A_169 : memref<640x16xf32, #tpu.memory_space<hbm>>) dst(%dma_wait3A_167 : memref<640x16xf32, #tpu.memory_space<vmem_shared>>)
      tpu.yield
    }) : () -> ()
    %barrier3A = arith.constant 0 : index
    tpu.barrier barrier_id(%barrier3A)
    %iota3A = tpu.iota {dimensions = array<i32: 0>} : vector<16xi32>
    %eq3A = arith.constant 0 : i32
    %eq3A_9 = vector.broadcast %eq3A : i32 to vector<16xi32>
    %eq3A_10 = arith.cmpi eq, %iota3A, %eq3A_9 : vector<16xi32>
    %jit3A = arith.constant 1.000000e+00 : f32
    %jit3A_11 = arith.constant 0.000000e+00 : f32
    %broadcast_in_dim3A = vector.broadcast %jit3A : f32 to vector<16xf32>
    %broadcast_in_dim3A_12 = vector.broadcast %jit3A_11 : f32 to vector<16xf32>
    %select_n3A = arith.select %eq3A_10, %broadcast_in_dim3A, %broadcast_in_dim3A_12 : vector<16xi1>, vector<16xf32>
    %eq3A_13 = arith.constant 1 : i32
    %eq3A_14 = vector.broadcast %eq3A_13 : i32 to vector<16xi32>
    %eq3A_15 = arith.cmpi eq, %iota3A, %eq3A_14 : vector<16xi32>
    %jit3A_16 = arith.constant 1.000000e+00 : f32
    %jit3A_17 = arith.constant 0.000000e+00 : f32
    %broadcast_in_dim3A_18 = vector.broadcast %jit3A_16 : f32 to vector<16xf32>
    %broadcast_in_dim3A_19 = vector.broadcast %jit3A_17 : f32 to vector<16xf32>
    %select_n3A_20 = arith.select %eq3A_15, %broadcast_in_dim3A_18, %broadcast_in_dim3A_19 : vector<16xi1>, vector<16xf32>
    %eq3A_21 = arith.constant 2 : i32
    %eq3A_22 = vector.broadcast %eq3A_21 : i32 to vector<16xi32>
    %eq3A_23 = arith.cmpi eq, %iota3A, %eq3A_22 : vector<16xi32>
    %jit3A_24 = arith.constant 1.000000e+00 : f32
    %jit3A_25 = arith.constant 0.000000e+00 : f32
    %broadcast_in_dim3A_26 = vector.broadcast %jit3A_24 : f32 to vector<16xf32>
    %broadcast_in_dim3A_27 = vector.broadcast %jit3A_25 : f32 to vector<16xf32>
    %select_n3A_28 = arith.select %eq3A_23, %broadcast_in_dim3A_26, %broadcast_in_dim3A_27 : vector<16xi1>, vector<16xf32>
    %eq3A_29 = arith.constant 3 : i32
    %eq3A_30 = vector.broadcast %eq3A_29 : i32 to vector<16xi32>
    %eq3A_31 = arith.cmpi eq, %iota3A, %eq3A_30 : vector<16xi32>
    %jit3A_32 = arith.constant 1.000000e+00 : f32
    %jit3A_33 = arith.constant 0.000000e+00 : f32
    %broadcast_in_dim3A_34 = vector.broadcast %jit3A_32 : f32 to vector<16xf32>
    %broadcast_in_dim3A_35 = vector.broadcast %jit3A_33 : f32 to vector<16xf32>
    %select_n3A_36 = arith.select %eq3A_31, %broadcast_in_dim3A_34, %broadcast_in_dim3A_35 : vector<16xi1>, vector<16xf32>
    %mul3A_37 = arith.constant 10000 : i32
    %mul3A_38 = arith.muli %add3A, %mul3A_37 : i32
    %add3A_39 = arith.constant 0 : i32
    %add3A_40 = arith.addi %mul3A_38, %add3A_39 : i32
    %run_scoped3A = arith.constant 0 : i32
    "tpu.region"() ({
      %run_scoped3A_161 = tpu.sem_alloc : memref<!tpu.dma_semaphore, #tpu.memory_space<semaphore_mem>>
      %dma_start3A_162 = arith.constant 0 : i32
      %dma_start3A_163 = tpu.memref_slice %arg10[%run_scoped3A, %dma_start3A_162] : memref<2x400xi32, #tpu.memory_space<vmem>> -> memref<1x400xi32, #tpu.memory_space<vmem>>
      %dma_start3A_164 = tpu.memref_squeeze %dma_start3A_163 : memref<1x400xi32, #tpu.memory_space<vmem>> -> memref<400xi32, #tpu.memory_space<vmem>>
      %dma_start3A_165 = tpu.memref_slice %arg2[%add3A_40] : memref<320000xi32, #tpu.memory_space<hbm>> -> memref<400xi32, #tpu.memory_space<hbm>>
      %dma_start3A_166 = arith.constant 0 : i32
      %dma_start3A_167 = tpu.memref_slice %arg10[%run_scoped3A, %dma_start3A_166] : memref<2x400xi32, #tpu.memory_space<vmem>> -> memref<1x400xi32, #tpu.memory_space<vmem>>
      %dma_start3A_168 = tpu.memref_squeeze %dma_start3A_167 : memref<1x400xi32, #tpu.memory_space<vmem>> -> memref<400xi32, #tpu.memory_space<vmem>>
      %dma_start3A_169 = tpu.memref_slice %arg2[%add3A_40] : memref<320000xi32, #tpu.memory_space<hbm>> -> memref<400xi32, #tpu.memory_space<hbm>>
      tpu.enqueue_dma source(%dma_start3A_169 : memref<400xi32, #tpu.memory_space<hbm>>) target(%dma_start3A_168 : memref<400xi32, #tpu.memory_space<vmem>>) target_semaphore(%run_scoped3A_161 : memref<!tpu.dma_semaphore, #tpu.memory_space<semaphore_mem>>)
      %dma_wait3A_170 = arith.constant 0 : i32
      %dma_wait3A_171 = tpu.memref_slice %arg10[%run_scoped3A, %dma_wait3A_170] : memref<2x400xi32, #tpu.memory_space<vmem>> -> memref<1x400xi32, #tpu.memory_space<vmem>>
      %dma_wait3A_172 = tpu.memref_squeeze %dma_wait3A_171 : memref<1x400xi32, #tpu.memory_space<vmem>> -> memref<400xi32, #tpu.memory_space<vmem>>
      %dma_wait3A_173 = tpu.memref_slice %arg2[%add3A_40] : memref<320000xi32, #tpu.memory_space<hbm>> -> memref<400xi32, #tpu.memory_space<hbm>>
      %dma_wait3A_174 = arith.constant 0 : i32
      %dma_wait3A_175 = tpu.memref_slice %arg10[%run_scoped3A, %dma_wait3A_174] : memref<2x400xi32, #tpu.memory_space<vmem>> -> memref<1x400xi32, #tpu.memory_space<vmem>>
      %dma_wait3A_176 = tpu.memref_squeeze %dma_wait3A_175 : memref<1x400xi32, #tpu.memory_space<vmem>> -> memref<400xi32, #tpu.memory_space<vmem>>
      %dma_wait3A_177 = tpu.memref_slice %arg2[%add3A_40] : memref<320000xi32, #tpu.memory_space<hbm>> -> memref<400xi32, #tpu.memory_space<hbm>>
      tpu.wait_dma2 semaphore(%run_scoped3A_161 : memref<!tpu.dma_semaphore, #tpu.memory_space<semaphore_mem>>) src(%dma_wait3A_177 : memref<400xi32, #tpu.memory_space<hbm>>) dst(%dma_wait3A_176 : memref<400xi32, #tpu.memory_space<vmem>>)
      tpu.yield
    }) : () -> ()
    %run_scoped3A_41 = arith.constant 0 : i32
    "tpu.region"() ({
      %run_scoped3A_161 = tpu.sem_alloc : memref<!tpu.dma_semaphore, #tpu.memory_space<semaphore_mem>>
      %dma_start3A_162 = arith.constant 0 : i32
      %dma_start3A_163 = tpu.memref_slice %arg11[%run_scoped3A_41, %dma_start3A_162] : memref<2x400xi32, #tpu.memory_space<vmem>> -> memref<1x400xi32, #tpu.memory_space<vmem>>
      %dma_start3A_164 = tpu.memref_squeeze %dma_start3A_163 : memref<1x400xi32, #tpu.memory_space<vmem>> -> memref<400xi32, #tpu.memory_space<vmem>>
      %dma_start3A_165 = tpu.memref_slice %arg3[%add3A_40] : memref<320000xi32, #tpu.memory_space<hbm>> -> memref<400xi32, #tpu.memory_space<hbm>>
      %dma_start3A_166 = arith.constant 0 : i32
      %dma_start3A_167 = tpu.memref_slice %arg11[%run_scoped3A_41, %dma_start3A_166] : memref<2x400xi32, #tpu.memory_space<vmem>> -> memref<1x400xi32, #tpu.memory_space<vmem>>
      %dma_start3A_168 = tpu.memref_squeeze %dma_start3A_167 : memref<1x400xi32, #tpu.memory_space<vmem>> -> memref<400xi32, #tpu.memory_space<vmem>>
      %dma_start3A_169 = tpu.memref_slice %arg3[%add3A_40] : memref<320000xi32, #tpu.memory_space<hbm>> -> memref<400xi32, #tpu.memory_space<hbm>>
      tpu.enqueue_dma source(%dma_start3A_169 : memref<400xi32, #tpu.memory_space<hbm>>) target(%dma_start3A_168 : memref<400xi32, #tpu.memory_space<vmem>>) target_semaphore(%run_scoped3A_161 : memref<!tpu.dma_semaphore, #tpu.memory_space<semaphore_mem>>)
      %dma_wait3A_170 = arith.constant 0 : i32
      %dma_wait3A_171 = tpu.memref_slice %arg11[%run_scoped3A_41, %dma_wait3A_170] : memref<2x400xi32, #tpu.memory_space<vmem>> -> memref<1x400xi32, #tpu.memory_space<vmem>>
      %dma_wait3A_172 = tpu.memref_squeeze %dma_wait3A_171 : memref<1x400xi32, #tpu.memory_space<vmem>> -> memref<400xi32, #tpu.memory_space<vmem>>
      %dma_wait3A_173 = tpu.memref_slice %arg3[%add3A_40] : memref<320000xi32, #tpu.memory_space<hbm>> -> memref<400xi32, #tpu.memory_space<hbm>>
      %dma_wait3A_174 = arith.constant 0 : i32
      %dma_wait3A_175 = tpu.memref_slice %arg11[%run_scoped3A_41, %dma_wait3A_174] : memref<2x400xi32, #tpu.memory_space<vmem>> -> memref<1x400xi32, #tpu.memory_space<vmem>>
      %dma_wait3A_176 = tpu.memref_squeeze %dma_wait3A_175 : memref<1x400xi32, #tpu.memory_space<vmem>> -> memref<400xi32, #tpu.memory_space<vmem>>
      %dma_wait3A_177 = tpu.memref_slice %arg3[%add3A_40] : memref<320000xi32, #tpu.memory_space<hbm>> -> memref<400xi32, #tpu.memory_space<hbm>>
      tpu.wait_dma2 semaphore(%run_scoped3A_161 : memref<!tpu.dma_semaphore, #tpu.memory_space<semaphore_mem>>) src(%dma_wait3A_177 : memref<400xi32, #tpu.memory_space<hbm>>) dst(%dma_wait3A_176 : memref<400xi32, #tpu.memory_space<vmem>>)
      tpu.yield
    }) : () -> ()
    %add3A_42 = arith.constant 0 : i32
    %add3A_43 = arith.addi %add3A_42, %add3A_40 : i32
    %dma_start3A = arith.constant 0 : i32
    %dma_start3A_44 = arith.constant 0 : i32
    %dma_start3A_45 = arith.constant 0 : i32
    %dma_start3A_46 = tpu.memref_slice %arg13[%dma_start3A, %dma_start3A_45] : memref<2x1600xf32, #tpu.memory_space<vmem>> -> memref<1x400xf32, #tpu.memory_space<vmem>>
    %dma_start3A_47 = tpu.memref_squeeze %dma_start3A_46 : memref<1x400xf32, #tpu.memory_space<vmem>> -> memref<400xf32, #tpu.memory_space<vmem>>
    %dma_start3A_48 = tpu.memref_slice %arg4[%add3A_43] : memref<1280000xf32, #tpu.memory_space<hbm>> -> memref<400xf32, #tpu.memory_space<hbm>>
    %dma_start3A_49 = tpu.memref_slice %arg17[%dma_start3A_44] : memref<2x!tpu.dma_semaphore, #tpu.memory_space<semaphore_mem>> -> memref<1x!tpu.dma_semaphore, #tpu.memory_space<semaphore_mem>>
    %dma_start3A_50 = tpu.memref_squeeze %dma_start3A_49 : memref<1x!tpu.dma_semaphore, #tpu.memory_space<semaphore_mem>> -> memref<!tpu.dma_semaphore, #tpu.memory_space<semaphore_mem>>
    %dma_start3A_51 = arith.constant 0 : i32
    %dma_start3A_52 = tpu.memref_slice %arg13[%dma_start3A, %dma_start3A_51] : memref<2x1600xf32, #tpu.memory_space<vmem>> -> memref<1x400xf32, #tpu.memory_space<vmem>>
    %dma_start3A_53 = tpu.memref_squeeze %dma_start3A_52 : memref<1x400xf32, #tpu.memory_space<vmem>> -> memref<400xf32, #tpu.memory_space<vmem>>
    %dma_start3A_54 = tpu.memref_slice %arg4[%add3A_43] : memref<1280000xf32, #tpu.memory_space<hbm>> -> memref<400xf32, #tpu.memory_space<hbm>>
    tpu.enqueue_dma source(%dma_start3A_54 : memref<400xf32, #tpu.memory_space<hbm>>) target(%dma_start3A_53 : memref<400xf32, #tpu.memory_space<vmem>>) target_semaphore(%dma_start3A_50 : memref<!tpu.dma_semaphore, #tpu.memory_space<semaphore_mem>>)
    %add3A_55 = arith.constant 320000 : i32
    %add3A_56 = arith.addi %add3A_55, %add3A_40 : i32
    %dma_start3A_57 = arith.constant 0 : i32
    %dma_start3A_58 = arith.constant 0 : i32
    %dma_start3A_59 = arith.constant 400 : i32
    %dma_start3A_60 = tpu.memref_slice %arg13[%dma_start3A_57, %dma_start3A_59] : memref<2x1600xf32, #tpu.memory_space<vmem>> -> memref<1x400xf32, #tpu.memory_space<vmem>>
    %dma_start3A_61 = tpu.memref_squeeze %dma_start3A_60 : memref<1x400xf32, #tpu.memory_space<vmem>> -> memref<400xf32, #tpu.memory_space<vmem>>
    %dma_start3A_62 = tpu.memref_slice %arg4[%add3A_56] : memref<1280000xf32, #tpu.memory_space<hbm>> -> memref<400xf32, #tpu.memory_space<hbm>>
    %dma_start3A_63 = tpu.memref_slice %arg17[%dma_start3A_58] : memref<2x!tpu.dma_semaphore, #tpu.memory_space<semaphore_mem>> -> memref<1x!tpu.dma_semaphore, #tpu.memory_space<semaphore_mem>>
    %dma_start3A_64 = tpu.memref_squeeze %dma_start3A_63 : memref<1x!tpu.dma_semaphore, #tpu.memory_space<semaphore_mem>> -> memref<!tpu.dma_semaphore, #tpu.memory_space<semaphore_mem>>
    %dma_start3A_65 = arith.constant 400 : i32
    %dma_start3A_66 = tpu.memref_slice %arg13[%dma_start3A_57, %dma_start3A_65] : memref<2x1600xf32, #tpu.memory_space<vmem>> -> memref<1x400xf32, #tpu.memory_space<vmem>>
    %dma_start3A_67 = tpu.memref_squeeze %dma_start3A_66 : memref<1x400xf32, #tpu.memory_space<vmem>> -> memref<400xf32, #tpu.memory_space<vmem>>
    %dma_start3A_68 = tpu.memref_slice %arg4[%add3A_56] : memref<1280000xf32, #tpu.memory_space<hbm>> -> memref<400xf32, #tpu.memory_space<hbm>>
    tpu.enqueue_dma source(%dma_start3A_68 : memref<400xf32, #tpu.memory_space<hbm>>) target(%dma_start3A_67 : memref<400xf32, #tpu.memory_space<vmem>>) target_semaphore(%dma_start3A_64 : memref<!tpu.dma_semaphore, #tpu.memory_space<semaphore_mem>>)
    %add3A_69 = arith.constant 640000 : i32
    %add3A_70 = arith.addi %add3A_69, %add3A_40 : i32
    %dma_start3A_71 = arith.constant 0 : i32
    %dma_start3A_72 = arith.constant 0 : i32
    %dma_start3A_73 = arith.constant 800 : i32
    %dma_start3A_74 = tpu.memref_slice %arg13[%dma_start3A_71, %dma_start3A_73] : memref<2x1600xf32, #tpu.memory_space<vmem>> -> memref<1x400xf32, #tpu.memory_space<vmem>>
    %dma_start3A_75 = tpu.memref_squeeze %dma_start3A_74 : memref<1x400xf32, #tpu.memory_space<vmem>> -> memref<400xf32, #tpu.memory_space<vmem>>
    %dma_start3A_76 = tpu.memref_slice %arg4[%add3A_70] : memref<1280000xf32, #tpu.memory_space<hbm>> -> memref<400xf32, #tpu.memory_space<hbm>>
    %dma_start3A_77 = tpu.memref_slice %arg17[%dma_start3A_72] : memref<2x!tpu.dma_semaphore, #tpu.memory_space<semaphore_mem>> -> memref<1x!tpu.dma_semaphore, #tpu.memory_space<semaphore_mem>>
    %dma_start3A_78 = tpu.memref_squeeze %dma_start3A_77 : memref<1x!tpu.dma_semaphore, #tpu.memory_space<semaphore_mem>> -> memref<!tpu.dma_semaphore, #tpu.memory_space<semaphore_mem>>
    %dma_start3A_79 = arith.constant 800 : i32
    %dma_start3A_80 = tpu.memref_slice %arg13[%dma_start3A_71, %dma_start3A_79] : memref<2x1600xf32, #tpu.memory_space<vmem>> -> memref<1x400xf32, #tpu.memory_space<vmem>>
    %dma_start3A_81 = tpu.memref_squeeze %dma_start3A_80 : memref<1x400xf32, #tpu.memory_space<vmem>> -> memref<400xf32, #tpu.memory_space<vmem>>
    %dma_start3A_82 = tpu.memref_slice %arg4[%add3A_70] : memref<1280000xf32, #tpu.memory_space<hbm>> -> memref<400xf32, #tpu.memory_space<hbm>>
    tpu.enqueue_dma source(%dma_start3A_82 : memref<400xf32, #tpu.memory_space<hbm>>) target(%dma_start3A_81 : memref<400xf32, #tpu.memory_space<vmem>>) target_semaphore(%dma_start3A_78 : memref<!tpu.dma_semaphore, #tpu.memory_space<semaphore_mem>>)
    %add3A_83 = arith.constant 960000 : i32
    %add3A_84 = arith.addi %add3A_83, %add3A_40 : i32
    %dma_start3A_85 = arith.constant 0 : i32
    %dma_start3A_86 = arith.constant 0 : i32
    %dma_start3A_87 = arith.constant 1200 : i32
    %dma_start3A_88 = tpu.memref_slice %arg13[%dma_start3A_85, %dma_start3A_87] : memref<2x1600xf32, #tpu.memory_space<vmem>> -> memref<1x400xf32, #tpu.memory_space<vmem>>
    %dma_start3A_89 = tpu.memref_squeeze %dma_start3A_88 : memref<1x400xf32, #tpu.memory_space<vmem>> -> memref<400xf32, #tpu.memory_space<vmem>>
    %dma_start3A_90 = tpu.memref_slice %arg4[%add3A_84] : memref<1280000xf32, #tpu.memory_space<hbm>> -> memref<400xf32, #tpu.memory_space<hbm>>
    %dma_start3A_91 = tpu.memref_slice %arg17[%dma_start3A_86] : memref<2x!tpu.dma_semaphore, #tpu.memory_space<semaphore_mem>> -> memref<1x!tpu.dma_semaphore, #tpu.memory_space<semaphore_mem>>
    %dma_start3A_92 = tpu.memref_squeeze %dma_start3A_91 : memref<1x!tpu.dma_semaphore, #tpu.memory_space<semaphore_mem>> -> memref<!tpu.dma_semaphore, #tpu.memory_space<semaphore_mem>>
    %dma_start3A_93 = arith.constant 1200 : i32
    %dma_start3A_94 = tpu.memref_slice %arg13[%dma_start3A_85, %dma_start3A_93] : memref<2x1600xf32, #tpu.memory_space<vmem>> -> memref<1x400xf32, #tpu.memory_space<vmem>>
    %dma_start3A_95 = tpu.memref_squeeze %dma_start3A_94 : memref<1x400xf32, #tpu.memory_space<vmem>> -> memref<400xf32, #tpu.memory_space<vmem>>
    %dma_start3A_96 = tpu.memref_slice %arg4[%add3A_84] : memref<1280000xf32, #tpu.memory_space<hbm>> -> memref<400xf32, #tpu.memory_space<hbm>>
    tpu.enqueue_dma source(%dma_start3A_96 : memref<400xf32, #tpu.memory_space<hbm>>) target(%dma_start3A_95 : memref<400xf32, #tpu.memory_space<vmem>>) target_semaphore(%dma_start3A_92 : memref<!tpu.dma_semaphore, #tpu.memory_space<semaphore_mem>>)
    %dma_start3A_97 = arith.constant 0 : i32
    %dma_start3A_98 = arith.constant 0 : i32
    %dma_start3A_99 = arith.constant 0 : i32
    %dma_start3A_100 = arith.constant 0 : i32
    %dma_start3A_101 = arith.constant 0 : i32
    %dma_start3A_102 = tpu.memref_slice %arg12[%dma_start3A_98, %dma_start3A_100, %dma_start3A_101] : memref<2x400x64xf32, #tpu.memory_space<vmem>> -> memref<1x400x64xf32, #tpu.memory_space<vmem>>
    %dma_start3A_103 = tpu.memref_squeeze %dma_start3A_102 : memref<1x400x64xf32, #tpu.memory_space<vmem>> -> memref<400x64xf32, #tpu.memory_space<vmem>>
    %dma_start3A_104 = arith.constant 0 : i32
    %dma_start3A_105 = tpu.memref_slice %arg10[%dma_start3A_97, %dma_start3A_104] : memref<2x400xi32, #tpu.memory_space<vmem>> -> memref<1x400xi32, #tpu.memory_space<vmem>>
    %dma_start3A_106 = tpu.memref_squeeze %dma_start3A_105 : memref<1x400xi32, #tpu.memory_space<vmem>> -> memref<400xi32, #tpu.memory_space<vmem>>
    %dma_start3A_107 = arith.constant 0 : i32
    %dma_start3A_108 = arith.constant 0 : i32
    %dma_start3A_109 = tpu.memref_slice %arg5[%dma_start3A_107, %dma_start3A_108] : memref<10000x64xf32, #tpu.memory_space<hbm>> -> memref<10000x64xf32, #tpu.memory_space<hbm>>
    %dma_start3A_110 = tpu.memref_slice %arg17[%dma_start3A_99] : memref<2x!tpu.dma_semaphore, #tpu.memory_space<semaphore_mem>> -> memref<1x!tpu.dma_semaphore, #tpu.memory_space<semaphore_mem>>
    %dma_start3A_111 = tpu.memref_squeeze %dma_start3A_110 : memref<1x!tpu.dma_semaphore, #tpu.memory_space<semaphore_mem>> -> memref<!tpu.dma_semaphore, #tpu.memory_space<semaphore_mem>>
    tpu.enqueue_indirect_dma source(%dma_start3A_109 : memref<10000x64xf32, #tpu.memory_space<hbm>>) target(%dma_start3A_103 : memref<400x64xf32, #tpu.memory_space<vmem>>) offsets(%dma_start3A_106 : memref<400xi32, #tpu.memory_space<vmem>>) semaphore(%dma_start3A_111 : memref<!tpu.dma_semaphore, #tpu.memory_space<semaphore_mem>>)
    %scan3A = arith.constant 0 : i32
    %scan3A_112 = arith.constant 0 : i32
    %scan3A_113 = arith.constant 25 : i32
    %scan3A_114 = arith.addi %scan3A_112, %scan3A_113 : i32
    %scan3A_115 = arith.constant 1 : i32
    scf.for %scan3A_161 = %scan3A_112 to %scan3A_114 step %scan3A_115  : i32 {
      %rem3A = arith.constant 2 : i32
      %rem3A_162 = arith.remsi %scan3A_161, %rem3A : i32
      %sub3A = arith.constant 1 : i32
      %sub3A_163 = arith.subi %sub3A, %rem3A_162 : i32
      %gt3A = arith.constant 0 : i32
      %gt3A_164 = arith.cmpi sgt, %scan3A_161, %gt3A : i32
      %convert_element_type3A = arith.extui %gt3A_164 : i1 to i32
      %cond3A = arith.constant 0 : i32
      %cond3A_165 = arith.cmpi ne, %convert_element_type3A, %cond3A : i32
      scf.if %cond3A_165 {
        %dma_wait3A_266 = arith.constant 0 : i32
        %dma_wait3A_267 = arith.constant 0 : i32
        %dma_wait3A_268 = tpu.memref_slice %arg12[%sub3A_163, %dma_wait3A_266, %dma_wait3A_267] : memref<2x400x64xf32, #tpu.memory_space<vmem>> -> memref<1x400x64xf32, #tpu.memory_space<vmem>>
        %dma_wait3A_269 = tpu.memref_squeeze %dma_wait3A_268 : memref<1x400x64xf32, #tpu.memory_space<vmem>> -> memref<400x64xf32, #tpu.memory_space<vmem>>
        %dma_wait3A_270 = arith.constant 0 : i32
        %dma_wait3A_271 = arith.constant 0 : i32
        %dma_wait3A_272 = tpu.memref_slice %arg5[%dma_wait3A_270, %dma_wait3A_271] : memref<10000x64xf32, #tpu.memory_space<hbm>> -> memref<400x64xf32, #tpu.memory_space<hbm>>
        %dma_wait3A_273 = tpu.memref_slice %arg18[%sub3A_163] : memref<2x!tpu.dma_semaphore, #tpu.memory_space<semaphore_mem>> -> memref<1x!tpu.dma_semaphore, #tpu.memory_space<semaphore_mem>>
        %dma_wait3A_274 = tpu.memref_squeeze %dma_wait3A_273 : memref<1x!tpu.dma_semaphore, #tpu.memory_space<semaphore_mem>> -> memref<!tpu.dma_semaphore, #tpu.memory_space<semaphore_mem>>
        %dma_wait3A_275 = arith.constant 0 : i32
        %dma_wait3A_276 = arith.constant 0 : i32
        %dma_wait3A_277 = tpu.memref_slice %arg12[%sub3A_163, %dma_wait3A_275, %dma_wait3A_276] : memref<2x400x64xf32, #tpu.memory_space<vmem>> -> memref<1x400x64xf32, #tpu.memory_space<vmem>>
        %dma_wait3A_278 = tpu.memref_squeeze %dma_wait3A_277 : memref<1x400x64xf32, #tpu.memory_space<vmem>> -> memref<400x64xf32, #tpu.memory_space<vmem>>
        %dma_wait3A_279 = arith.constant 0 : i32
        %dma_wait3A_280 = arith.constant 0 : i32
        %dma_wait3A_281 = tpu.memref_slice %arg5[%dma_wait3A_279, %dma_wait3A_280] : memref<10000x64xf32, #tpu.memory_space<hbm>> -> memref<400x64xf32, #tpu.memory_space<hbm>>
        tpu.wait_dma2 semaphore(%dma_wait3A_274 : memref<!tpu.dma_semaphore, #tpu.memory_space<semaphore_mem>>) src(%dma_wait3A_281 : memref<400x64xf32, #tpu.memory_space<hbm>>) dst(%dma_wait3A_278 : memref<400x64xf32, #tpu.memory_space<vmem>>)
        %dma_wait3A_282 = arith.constant 0 : i32
        %dma_wait3A_283 = arith.constant 0 : i32
        %dma_wait3A_284 = tpu.memref_slice %arg14[%sub3A_163, %dma_wait3A_282, %dma_wait3A_283] : memref<2x400x16xf32, #tpu.memory_space<vmem>> -> memref<1x400x16xf32, #tpu.memory_space<vmem>>
        %dma_wait3A_285 = tpu.memref_squeeze %dma_wait3A_284 : memref<1x400x16xf32, #tpu.memory_space<vmem>> -> memref<400x16xf32, #tpu.memory_space<vmem>>
        %dma_wait3A_286 = arith.constant 0 : i32
        %dma_wait3A_287 = arith.constant 0 : i32
        %dma_wait3A_288 = tpu.memref_slice %arg5[%dma_wait3A_286, %dma_wait3A_287] : memref<10000x64xf32, #tpu.memory_space<hbm>> -> memref<400x64xf32, #tpu.memory_space<hbm>>
        %dma_wait3A_289 = tpu.memref_slice %arg18[%sub3A_163] : memref<2x!tpu.dma_semaphore, #tpu.memory_space<semaphore_mem>> -> memref<1x!tpu.dma_semaphore, #tpu.memory_space<semaphore_mem>>
        %dma_wait3A_290 = tpu.memref_squeeze %dma_wait3A_289 : memref<1x!tpu.dma_semaphore, #tpu.memory_space<semaphore_mem>> -> memref<!tpu.dma_semaphore, #tpu.memory_space<semaphore_mem>>
        %dma_wait3A_291 = arith.constant 0 : i32
        %dma_wait3A_292 = arith.constant 0 : i32
        %dma_wait3A_293 = tpu.memref_slice %arg14[%sub3A_163, %dma_wait3A_291, %dma_wait3A_292] : memref<2x400x16xf32, #tpu.memory_space<vmem>> -> memref<1x400x16xf32, #tpu.memory_space<vmem>>
        %dma_wait3A_294 = tpu.memref_squeeze %dma_wait3A_293 : memref<1x400x16xf32, #tpu.memory_space<vmem>> -> memref<400x16xf32, #tpu.memory_space<vmem>>
        %dma_wait3A_295 = arith.constant 0 : i32
        %dma_wait3A_296 = arith.constant 0 : i32
        %dma_wait3A_297 = tpu.memref_slice %arg5[%dma_wait3A_295, %dma_wait3A_296] : memref<10000x64xf32, #tpu.memory_space<hbm>> -> memref<400x64xf32, #tpu.memory_space<hbm>>
        tpu.wait_dma2 semaphore(%dma_wait3A_290 : memref<!tpu.dma_semaphore, #tpu.memory_space<semaphore_mem>>) src(%dma_wait3A_297 : memref<400x64xf32, #tpu.memory_space<hbm>>) dst(%dma_wait3A_294 : memref<400x16xf32, #tpu.memory_space<vmem>>)
      } else {
      }
      %add3A_166 = arith.constant 1 : i32
      %add3A_167 = arith.addi %scan3A_161, %add3A_166 : i32
      %lt3A = arith.constant 25 : i32
      %lt3A_168 = arith.cmpi slt, %add3A_167, %lt3A : i32
      %convert_element_type3A_169 = arith.extui %lt3A_168 : i1 to i32
      %cond3A_170 = arith.constant 0 : i32
      %cond3A_171 = arith.cmpi ne, %convert_element_type3A_169, %cond3A_170 : i32
      scf.if %cond3A_171 {
        %add3A_266 = arith.constant 1 : i32
        %add3A_267 = arith.addi %scan3A_161, %add3A_266 : i32
        %mul3A_268 = arith.constant 10000 : i32
        %mul3A_269 = arith.muli %add3A, %mul3A_268 : i32
        %mul3A_270 = arith.constant 400 : i32
        %mul3A_271 = arith.muli %add3A_267, %mul3A_270 : i32
        %add3A_272 = arith.addi %mul3A_269, %mul3A_271 : i32
        "tpu.region"() ({
          %run_scoped3A_333 = tpu.sem_alloc : memref<!tpu.dma_semaphore, #tpu.memory_space<semaphore_mem>>
          %dma_start3A_334 = arith.constant 0 : i32
          %dma_start3A_335 = tpu.memref_slice %arg10[%sub3A_163, %dma_start3A_334] : memref<2x400xi32, #tpu.memory_space<vmem>> -> memref<1x400xi32, #tpu.memory_space<vmem>>
          %dma_start3A_336 = tpu.memref_squeeze %dma_start3A_335 : memref<1x400xi32, #tpu.memory_space<vmem>> -> memref<400xi32, #tpu.memory_space<vmem>>
          %dma_start3A_337 = tpu.memref_slice %arg2[%add3A_272] : memref<320000xi32, #tpu.memory_space<hbm>> -> memref<400xi32, #tpu.memory_space<hbm>>
          %dma_start3A_338 = arith.constant 0 : i32
          %dma_start3A_339 = tpu.memref_slice %arg10[%sub3A_163, %dma_start3A_338] : memref<2x400xi32, #tpu.memory_space<vmem>> -> memref<1x400xi32, #tpu.memory_space<vmem>>
          %dma_start3A_340 = tpu.memref_squeeze %dma_start3A_339 : memref<1x400xi32, #tpu.memory_space<vmem>> -> memref<400xi32, #tpu.memory_space<vmem>>
          %dma_start3A_341 = tpu.memref_slice %arg2[%add3A_272] : memref<320000xi32, #tpu.memory_space<hbm>> -> memref<400xi32, #tpu.memory_space<hbm>>
          tpu.enqueue_dma source(%dma_start3A_341 : memref<400xi32, #tpu.memory_space<hbm>>) target(%dma_start3A_340 : memref<400xi32, #tpu.memory_space<vmem>>) target_semaphore(%run_scoped3A_333 : memref<!tpu.dma_semaphore, #tpu.memory_space<semaphore_mem>>)
          %dma_wait3A_342 = arith.constant 0 : i32
          %dma_wait3A_343 = tpu.memref_slice %arg10[%sub3A_163, %dma_wait3A_342] : memref<2x400xi32, #tpu.memory_space<vmem>> -> memref<1x400xi32, #tpu.memory_space<vmem>>
          %dma_wait3A_344 = tpu.memref_squeeze %dma_wait3A_343 : memref<1x400xi32, #tpu.memory_space<vmem>> -> memref<400xi32, #tpu.memory_space<vmem>>
          %dma_wait3A_345 = tpu.memref_slice %arg2[%add3A_272] : memref<320000xi32, #tpu.memory_space<hbm>> -> memref<400xi32, #tpu.memory_space<hbm>>
          %dma_wait3A_346 = arith.constant 0 : i32
          %dma_wait3A_347 = tpu.memref_slice %arg10[%sub3A_163, %dma_wait3A_346] : memref<2x400xi32, #tpu.memory_space<vmem>> -> memref<1x400xi32, #tpu.memory_space<vmem>>
          %dma_wait3A_348 = tpu.memref_squeeze %dma_wait3A_347 : memref<1x400xi32, #tpu.memory_space<vmem>> -> memref<400xi32, #tpu.memory_space<vmem>>
          %dma_wait3A_349 = tpu.memref_slice %arg2[%add3A_272] : memref<320000xi32, #tpu.memory_space<hbm>> -> memref<400xi32, #tpu.memory_space<hbm>>
          tpu.wait_dma2 semaphore(%run_scoped3A_333 : memref<!tpu.dma_semaphore, #tpu.memory_space<semaphore_mem>>) src(%dma_wait3A_349 : memref<400xi32, #tpu.memory_space<hbm>>) dst(%dma_wait3A_348 : memref<400xi32, #tpu.memory_space<vmem>>)
          tpu.yield
        }) : () -> ()
        "tpu.region"() ({
          %run_scoped3A_333 = tpu.sem_alloc : memref<!tpu.dma_semaphore, #tpu.memory_space<semaphore_mem>>
          %dma_start3A_334 = arith.constant 0 : i32
          %dma_start3A_335 = tpu.memref_slice %arg11[%sub3A_163, %dma_start3A_334] : memref<2x400xi32, #tpu.memory_space<vmem>> -> memref<1x400xi32, #tpu.memory_space<vmem>>
          %dma_start3A_336 = tpu.memref_squeeze %dma_start3A_335 : memref<1x400xi32, #tpu.memory_space<vmem>> -> memref<400xi32, #tpu.memory_space<vmem>>
          %dma_start3A_337 = tpu.memref_slice %arg3[%add3A_272] : memref<320000xi32, #tpu.memory_space<hbm>> -> memref<400xi32, #tpu.memory_space<hbm>>
          %dma_start3A_338 = arith.constant 0 : i32
          %dma_start3A_339 = tpu.memref_slice %arg11[%sub3A_163, %dma_start3A_338] : memref<2x400xi32, #tpu.memory_space<vmem>> -> memref<1x400xi32, #tpu.memory_space<vmem>>
          %dma_start3A_340 = tpu.memref_squeeze %dma_start3A_339 : memref<1x400xi32, #tpu.memory_space<vmem>> -> memref<400xi32, #tpu.memory_space<vmem>>
          %dma_start3A_341 = tpu.memref_slice %arg3[%add3A_272] : memref<320000xi32, #tpu.memory_space<hbm>> -> memref<400xi32, #tpu.memory_space<hbm>>
          tpu.enqueue_dma source(%dma_start3A_341 : memref<400xi32, #tpu.memory_space<hbm>>) target(%dma_start3A_340 : memref<400xi32, #tpu.memory_space<vmem>>) target_semaphore(%run_scoped3A_333 : memref<!tpu.dma_semaphore, #tpu.memory_space<semaphore_mem>>)
          %dma_wait3A_342 = arith.constant 0 : i32
          %dma_wait3A_343 = tpu.memref_slice %arg11[%sub3A_163, %dma_wait3A_342] : memref<2x400xi32, #tpu.memory_space<vmem>> -> memref<1x400xi32, #tpu.memory_space<vmem>>
          %dma_wait3A_344 = tpu.memref_squeeze %dma_wait3A_343 : memref<1x400xi32, #tpu.memory_space<vmem>> -> memref<400xi32, #tpu.memory_space<vmem>>
          %dma_wait3A_345 = tpu.memref_slice %arg3[%add3A_272] : memref<320000xi32, #tpu.memory_space<hbm>> -> memref<400xi32, #tpu.memory_space<hbm>>
          %dma_wait3A_346 = arith.constant 0 : i32
          %dma_wait3A_347 = tpu.memref_slice %arg11[%sub3A_163, %dma_wait3A_346] : memref<2x400xi32, #tpu.memory_space<vmem>> -> memref<1x400xi32, #tpu.memory_space<vmem>>
          %dma_wait3A_348 = tpu.memref_squeeze %dma_wait3A_347 : memref<1x400xi32, #tpu.memory_space<vmem>> -> memref<400xi32, #tpu.memory_space<vmem>>
          %dma_wait3A_349 = tpu.memref_slice %arg3[%add3A_272] : memref<320000xi32, #tpu.memory_space<hbm>> -> memref<400xi32, #tpu.memory_space<hbm>>
          tpu.wait_dma2 semaphore(%run_scoped3A_333 : memref<!tpu.dma_semaphore, #tpu.memory_space<semaphore_mem>>) src(%dma_wait3A_349 : memref<400xi32, #tpu.memory_space<hbm>>) dst(%dma_wait3A_348 : memref<400xi32, #tpu.memory_space<vmem>>)
          tpu.yield
        }) : () -> ()
        %add3A_273 = arith.constant 0 : i32
        %add3A_274 = arith.addi %add3A_273, %add3A_272 : i32
        %dma_start3A_275 = arith.constant 0 : i32
        %dma_start3A_276 = tpu.memref_slice %arg13[%sub3A_163, %dma_start3A_275] : memref<2x1600xf32, #tpu.memory_space<vmem>> -> memref<1x400xf32, #tpu.memory_space<vmem>>
        %dma_start3A_277 = tpu.memref_squeeze %dma_start3A_276 : memref<1x400xf32, #tpu.memory_space<vmem>> -> memref<400xf32, #tpu.memory_space<vmem>>
        %dma_start3A_278 = tpu.memref_slice %arg4[%add3A_274] : memref<1280000xf32, #tpu.memory_space<hbm>> -> memref<400xf32, #tpu.memory_space<hbm>>
        %dma_start3A_279 = tpu.memref_slice %arg17[%sub3A_163] : memref<2x!tpu.dma_semaphore, #tpu.memory_space<semaphore_mem>> -> memref<1x!tpu.dma_semaphore, #tpu.memory_space<semaphore_mem>>
        %dma_start3A_280 = tpu.memref_squeeze %dma_start3A_279 : memref<1x!tpu.dma_semaphore, #tpu.memory_space<semaphore_mem>> -> memref<!tpu.dma_semaphore, #tpu.memory_space<semaphore_mem>>
        %dma_start3A_281 = arith.constant 0 : i32
        %dma_start3A_282 = tpu.memref_slice %arg13[%sub3A_163, %dma_start3A_281] : memref<2x1600xf32, #tpu.memory_space<vmem>> -> memref<1x400xf32, #tpu.memory_space<vmem>>
        %dma_start3A_283 = tpu.memref_squeeze %dma_start3A_282 : memref<1x400xf32, #tpu.memory_space<vmem>> -> memref<400xf32, #tpu.memory_space<vmem>>
        %dma_start3A_284 = tpu.memref_slice %arg4[%add3A_274] : memref<1280000xf32, #tpu.memory_space<hbm>> -> memref<400xf32, #tpu.memory_space<hbm>>
        tpu.enqueue_dma source(%dma_start3A_284 : memref<400xf32, #tpu.memory_space<hbm>>) target(%dma_start3A_283 : memref<400xf32, #tpu.memory_space<vmem>>) target_semaphore(%dma_start3A_280 : memref<!tpu.dma_semaphore, #tpu.memory_space<semaphore_mem>>)
        %add3A_285 = arith.constant 320000 : i32
        %add3A_286 = arith.addi %add3A_285, %add3A_272 : i32
        %dma_start3A_287 = arith.constant 400 : i32
        %dma_start3A_288 = tpu.memref_slice %arg13[%sub3A_163, %dma_start3A_287] : memref<2x1600xf32, #tpu.memory_space<vmem>> -> memref<1x400xf32, #tpu.memory_space<vmem>>
        %dma_start3A_289 = tpu.memref_squeeze %dma_start3A_288 : memref<1x400xf32, #tpu.memory_space<vmem>> -> memref<400xf32, #tpu.memory_space<vmem>>
        %dma_start3A_290 = tpu.memref_slice %arg4[%add3A_286] : memref<1280000xf32, #tpu.memory_space<hbm>> -> memref<400xf32, #tpu.memory_space<hbm>>
        %dma_start3A_291 = tpu.memref_slice %arg17[%sub3A_163] : memref<2x!tpu.dma_semaphore, #tpu.memory_space<semaphore_mem>> -> memref<1x!tpu.dma_semaphore, #tpu.memory_space<semaphore_mem>>
        %dma_start3A_292 = tpu.memref_squeeze %dma_start3A_291 : memref<1x!tpu.dma_semaphore, #tpu.memory_space<semaphore_mem>> -> memref<!tpu.dma_semaphore, #tpu.memory_space<semaphore_mem>>
        %dma_start3A_293 = arith.constant 400 : i32
        %dma_start3A_294 = tpu.memref_slice %arg13[%sub3A_163, %dma_start3A_293] : memref<2x1600xf32, #tpu.memory_space<vmem>> -> memref<1x400xf32, #tpu.memory_space<vmem>>
        %dma_start3A_295 = tpu.memref_squeeze %dma_start3A_294 : memref<1x400xf32, #tpu.memory_space<vmem>> -> memref<400xf32, #tpu.memory_space<vmem>>
        %dma_start3A_296 = tpu.memref_slice %arg4[%add3A_286] : memref<1280000xf32, #tpu.memory_space<hbm>> -> memref<400xf32, #tpu.memory_space<hbm>>
        tpu.enqueue_dma source(%dma_start3A_296 : memref<400xf32, #tpu.memory_space<hbm>>) target(%dma_start3A_295 : memref<400xf32, #tpu.memory_space<vmem>>) target_semaphore(%dma_start3A_292 : memref<!tpu.dma_semaphore, #tpu.memory_space<semaphore_mem>>)
        %add3A_297 = arith.constant 640000 : i32
        %add3A_298 = arith.addi %add3A_297, %add3A_272 : i32
        %dma_start3A_299 = arith.constant 800 : i32
        %dma_start3A_300 = tpu.memref_slice %arg13[%sub3A_163, %dma_start3A_299] : memref<2x1600xf32, #tpu.memory_space<vmem>> -> memref<1x400xf32, #tpu.memory_space<vmem>>
        %dma_start3A_301 = tpu.memref_squeeze %dma_start3A_300 : memref<1x400xf32, #tpu.memory_space<vmem>> -> memref<400xf32, #tpu.memory_space<vmem>>
        %dma_start3A_302 = tpu.memref_slice %arg4[%add3A_298] : memref<1280000xf32, #tpu.memory_space<hbm>> -> memref<400xf32, #tpu.memory_space<hbm>>
        %dma_start3A_303 = tpu.memref_slice %arg17[%sub3A_163] : memref<2x!tpu.dma_semaphore, #tpu.memory_space<semaphore_mem>> -> memref<1x!tpu.dma_semaphore, #tpu.memory_space<semaphore_mem>>
        %dma_start3A_304 = tpu.memref_squeeze %dma_start3A_303 : memref<1x!tpu.dma_semaphore, #tpu.memory_space<semaphore_mem>> -> memref<!tpu.dma_semaphore, #tpu.memory_space<semaphore_mem>>
        %dma_start3A_305 = arith.constant 800 : i32
        %dma_start3A_306 = tpu.memref_slice %arg13[%sub3A_163, %dma_start3A_305] : memref<2x1600xf32, #tpu.memory_space<vmem>> -> memref<1x400xf32, #tpu.memory_space<vmem>>
        %dma_start3A_307 = tpu.memref_squeeze %dma_start3A_306 : memref<1x400xf32, #tpu.memory_space<vmem>> -> memref<400xf32, #tpu.memory_space<vmem>>
        %dma_start3A_308 = tpu.memref_slice %arg4[%add3A_298] : memref<1280000xf32, #tpu.memory_space<hbm>> -> memref<400xf32, #tpu.memory_space<hbm>>
        tpu.enqueue_dma source(%dma_start3A_308 : memref<400xf32, #tpu.memory_space<hbm>>) target(%dma_start3A_307 : memref<400xf32, #tpu.memory_space<vmem>>) target_semaphore(%dma_start3A_304 : memref<!tpu.dma_semaphore, #tpu.memory_space<semaphore_mem>>)
        %add3A_309 = arith.constant 960000 : i32
        %add3A_310 = arith.addi %add3A_309, %add3A_272 : i32
        %dma_start3A_311 = arith.constant 1200 : i32
        %dma_start3A_312 = tpu.memref_slice %arg13[%sub3A_163, %dma_start3A_311] : memref<2x1600xf32, #tpu.memory_space<vmem>> -> memref<1x400xf32, #tpu.memory_space<vmem>>
        %dma_start3A_313 = tpu.memref_squeeze %dma_start3A_312 : memref<1x400xf32, #tpu.memory_space<vmem>> -> memref<400xf32, #tpu.memory_space<vmem>>
        %dma_start3A_314 = tpu.memref_slice %arg4[%add3A_310] : memref<1280000xf32, #tpu.memory_space<hbm>> -> memref<400xf32, #tpu.memory_space<hbm>>
        %dma_start3A_315 = tpu.memref_slice %arg17[%sub3A_163] : memref<2x!tpu.dma_semaphore, #tpu.memory_space<semaphore_mem>> -> memref<1x!tpu.dma_semaphore, #tpu.memory_space<semaphore_mem>>
        %dma_start3A_316 = tpu.memref_squeeze %dma_start3A_315 : memref<1x!tpu.dma_semaphore, #tpu.memory_space<semaphore_mem>> -> memref<!tpu.dma_semaphore, #tpu.memory_space<semaphore_mem>>
        %dma_start3A_317 = arith.constant 1200 : i32
        %dma_start3A_318 = tpu.memref_slice %arg13[%sub3A_163, %dma_start3A_317] : memref<2x1600xf32, #tpu.memory_space<vmem>> -> memref<1x400xf32, #tpu.memory_space<vmem>>
        %dma_start3A_319 = tpu.memref_squeeze %dma_start3A_318 : memref<1x400xf32, #tpu.memory_space<vmem>> -> memref<400xf32, #tpu.memory_space<vmem>>
        %dma_start3A_320 = tpu.memref_slice %arg4[%add3A_310] : memref<1280000xf32, #tpu.memory_space<hbm>> -> memref<400xf32, #tpu.memory_space<hbm>>
        tpu.enqueue_dma source(%dma_start3A_320 : memref<400xf32, #tpu.memory_space<hbm>>) target(%dma_start3A_319 : memref<400xf32, #tpu.memory_space<vmem>>) target_semaphore(%dma_start3A_316 : memref<!tpu.dma_semaphore, #tpu.memory_space<semaphore_mem>>)
        %dma_start3A_321 = arith.constant 0 : i32
        %dma_start3A_322 = arith.constant 0 : i32
        %dma_start3A_323 = tpu.memref_slice %arg12[%sub3A_163, %dma_start3A_321, %dma_start3A_322] : memref<2x400x64xf32, #tpu.memory_space<vmem>> -> memref<1x400x64xf32, #tpu.memory_space<vmem>>
        %dma_start3A_324 = tpu.memref_squeeze %dma_start3A_323 : memref<1x400x64xf32, #tpu.memory_space<vmem>> -> memref<400x64xf32, #tpu.memory_space<vmem>>
        %dma_start3A_325 = arith.constant 0 : i32
        %dma_start3A_326 = tpu.memref_slice %arg10[%sub3A_163, %dma_start3A_325] : memref<2x400xi32, #tpu.memory_space<vmem>> -> memref<1x400xi32, #tpu.memory_space<vmem>>
        %dma_start3A_327 = tpu.memref_squeeze %dma_start3A_326 : memref<1x400xi32, #tpu.memory_space<vmem>> -> memref<400xi32, #tpu.memory_space<vmem>>
        %dma_start3A_328 = arith.constant 0 : i32
        %dma_start3A_329 = arith.constant 0 : i32
        %dma_start3A_330 = tpu.memref_slice %arg5[%dma_start3A_328, %dma_start3A_329] : memref<10000x64xf32, #tpu.memory_space<hbm>> -> memref<10000x64xf32, #tpu.memory_space<hbm>>
        %dma_start3A_331 = tpu.memref_slice %arg17[%sub3A_163] : memref<2x!tpu.dma_semaphore, #tpu.memory_space<semaphore_mem>> -> memref<1x!tpu.dma_semaphore, #tpu.memory_space<semaphore_mem>>
        %dma_start3A_332 = tpu.memref_squeeze %dma_start3A_331 : memref<1x!tpu.dma_semaphore, #tpu.memory_space<semaphore_mem>> -> memref<!tpu.dma_semaphore, #tpu.memory_space<semaphore_mem>>
        tpu.enqueue_indirect_dma source(%dma_start3A_330 : memref<10000x64xf32, #tpu.memory_space<hbm>>) target(%dma_start3A_324 : memref<400x64xf32, #tpu.memory_space<vmem>>) offsets(%dma_start3A_327 : memref<400xi32, #tpu.memory_space<vmem>>) semaphore(%dma_start3A_332 : memref<!tpu.dma_semaphore, #tpu.memory_space<semaphore_mem>>)
      } else {
      }
      %dma_wait3A_172 = arith.constant 0 : i32
      %dma_wait3A_173 = tpu.memref_slice %arg13[%rem3A_162, %dma_wait3A_172] : memref<2x1600xf32, #tpu.memory_space<vmem>> -> memref<1x400xf32, #tpu.memory_space<vmem>>
      %dma_wait3A_174 = tpu.memref_squeeze %dma_wait3A_173 : memref<1x400xf32, #tpu.memory_space<vmem>> -> memref<400xf32, #tpu.memory_space<vmem>>
      %dma_wait3A_175 = arith.constant 0 : i32
      %dma_wait3A_176 = tpu.memref_slice %arg4[%dma_wait3A_175] : memref<1280000xf32, #tpu.memory_space<hbm>> -> memref<400xf32, #tpu.memory_space<hbm>>
      %dma_wait3A_177 = tpu.memref_slice %arg17[%rem3A_162] : memref<2x!tpu.dma_semaphore, #tpu.memory_space<semaphore_mem>> -> memref<1x!tpu.dma_semaphore, #tpu.memory_space<semaphore_mem>>
      %dma_wait3A_178 = tpu.memref_squeeze %dma_wait3A_177 : memref<1x!tpu.dma_semaphore, #tpu.memory_space<semaphore_mem>> -> memref<!tpu.dma_semaphore, #tpu.memory_space<semaphore_mem>>
      %dma_wait3A_179 = arith.constant 0 : i32
      %dma_wait3A_180 = tpu.memref_slice %arg13[%rem3A_162, %dma_wait3A_179] : memref<2x1600xf32, #tpu.memory_space<vmem>> -> memref<1x400xf32, #tpu.memory_space<vmem>>
      %dma_wait3A_181 = tpu.memref_squeeze %dma_wait3A_180 : memref<1x400xf32, #tpu.memory_space<vmem>> -> memref<400xf32, #tpu.memory_space<vmem>>
      %dma_wait3A_182 = arith.constant 0 : i32
      %dma_wait3A_183 = tpu.memref_slice %arg4[%dma_wait3A_182] : memref<1280000xf32, #tpu.memory_space<hbm>> -> memref<400xf32, #tpu.memory_space<hbm>>
      tpu.wait_dma2 semaphore(%dma_wait3A_178 : memref<!tpu.dma_semaphore, #tpu.memory_space<semaphore_mem>>) src(%dma_wait3A_183 : memref<400xf32, #tpu.memory_space<hbm>>) dst(%dma_wait3A_181 : memref<400xf32, #tpu.memory_space<vmem>>)
      %dma_wait3A_184 = arith.constant 400 : i32
      %dma_wait3A_185 = tpu.memref_slice %arg13[%rem3A_162, %dma_wait3A_184] : memref<2x1600xf32, #tpu.memory_space<vmem>> -> memref<1x400xf32, #tpu.memory_space<vmem>>
      %dma_wait3A_186 = tpu.memref_squeeze %dma_wait3A_185 : memref<1x400xf32, #tpu.memory_space<vmem>> -> memref<400xf32, #tpu.memory_space<vmem>>
      %dma_wait3A_187 = arith.constant 0 : i32
      %dma_wait3A_188 = tpu.memref_slice %arg4[%dma_wait3A_187] : memref<1280000xf32, #tpu.memory_space<hbm>> -> memref<400xf32, #tpu.memory_space<hbm>>
      %dma_wait3A_189 = tpu.memref_slice %arg17[%rem3A_162] : memref<2x!tpu.dma_semaphore, #tpu.memory_space<semaphore_mem>> -> memref<1x!tpu.dma_semaphore, #tpu.memory_space<semaphore_mem>>
      %dma_wait3A_190 = tpu.memref_squeeze %dma_wait3A_189 : memref<1x!tpu.dma_semaphore, #tpu.memory_space<semaphore_mem>> -> memref<!tpu.dma_semaphore, #tpu.memory_space<semaphore_mem>>
      %dma_wait3A_191 = arith.constant 400 : i32
      %dma_wait3A_192 = tpu.memref_slice %arg13[%rem3A_162, %dma_wait3A_191] : memref<2x1600xf32, #tpu.memory_space<vmem>> -> memref<1x400xf32, #tpu.memory_space<vmem>>
      %dma_wait3A_193 = tpu.memref_squeeze %dma_wait3A_192 : memref<1x400xf32, #tpu.memory_space<vmem>> -> memref<400xf32, #tpu.memory_space<vmem>>
      %dma_wait3A_194 = arith.constant 0 : i32
      %dma_wait3A_195 = tpu.memref_slice %arg4[%dma_wait3A_194] : memref<1280000xf32, #tpu.memory_space<hbm>> -> memref<400xf32, #tpu.memory_space<hbm>>
      tpu.wait_dma2 semaphore(%dma_wait3A_190 : memref<!tpu.dma_semaphore, #tpu.memory_space<semaphore_mem>>) src(%dma_wait3A_195 : memref<400xf32, #tpu.memory_space<hbm>>) dst(%dma_wait3A_193 : memref<400xf32, #tpu.memory_space<vmem>>)
      %dma_wait3A_196 = arith.constant 800 : i32
      %dma_wait3A_197 = tpu.memref_slice %arg13[%rem3A_162, %dma_wait3A_196] : memref<2x1600xf32, #tpu.memory_space<vmem>> -> memref<1x400xf32, #tpu.memory_space<vmem>>
      %dma_wait3A_198 = tpu.memref_squeeze %dma_wait3A_197 : memref<1x400xf32, #tpu.memory_space<vmem>> -> memref<400xf32, #tpu.memory_space<vmem>>
      %dma_wait3A_199 = arith.constant 0 : i32
      %dma_wait3A_200 = tpu.memref_slice %arg4[%dma_wait3A_199] : memref<1280000xf32, #tpu.memory_space<hbm>> -> memref<400xf32, #tpu.memory_space<hbm>>
      %dma_wait3A_201 = tpu.memref_slice %arg17[%rem3A_162] : memref<2x!tpu.dma_semaphore, #tpu.memory_space<semaphore_mem>> -> memref<1x!tpu.dma_semaphore, #tpu.memory_space<semaphore_mem>>
      %dma_wait3A_202 = tpu.memref_squeeze %dma_wait3A_201 : memref<1x!tpu.dma_semaphore, #tpu.memory_space<semaphore_mem>> -> memref<!tpu.dma_semaphore, #tpu.memory_space<semaphore_mem>>
      %dma_wait3A_203 = arith.constant 800 : i32
      %dma_wait3A_204 = tpu.memref_slice %arg13[%rem3A_162, %dma_wait3A_203] : memref<2x1600xf32, #tpu.memory_space<vmem>> -> memref<1x400xf32, #tpu.memory_space<vmem>>
      %dma_wait3A_205 = tpu.memref_squeeze %dma_wait3A_204 : memref<1x400xf32, #tpu.memory_space<vmem>> -> memref<400xf32, #tpu.memory_space<vmem>>
      %dma_wait3A_206 = arith.constant 0 : i32
      %dma_wait3A_207 = tpu.memref_slice %arg4[%dma_wait3A_206] : memref<1280000xf32, #tpu.memory_space<hbm>> -> memref<400xf32, #tpu.memory_space<hbm>>
      tpu.wait_dma2 semaphore(%dma_wait3A_202 : memref<!tpu.dma_semaphore, #tpu.memory_space<semaphore_mem>>) src(%dma_wait3A_207 : memref<400xf32, #tpu.memory_space<hbm>>) dst(%dma_wait3A_205 : memref<400xf32, #tpu.memory_space<vmem>>)
      %dma_wait3A_208 = arith.constant 1200 : i32
      %dma_wait3A_209 = tpu.memref_slice %arg13[%rem3A_162, %dma_wait3A_208] : memref<2x1600xf32, #tpu.memory_space<vmem>> -> memref<1x400xf32, #tpu.memory_space<vmem>>
      %dma_wait3A_210 = tpu.memref_squeeze %dma_wait3A_209 : memref<1x400xf32, #tpu.memory_space<vmem>> -> memref<400xf32, #tpu.memory_space<vmem>>
      %dma_wait3A_211 = arith.constant 0 : i32
      %dma_wait3A_212 = tpu.memref_slice %arg4[%dma_wait3A_211] : memref<1280000xf32, #tpu.memory_space<hbm>> -> memref<400xf32, #tpu.memory_space<hbm>>
      %dma_wait3A_213 = tpu.memref_slice %arg17[%rem3A_162] : memref<2x!tpu.dma_semaphore, #tpu.memory_space<semaphore_mem>> -> memref<1x!tpu.dma_semaphore, #tpu.memory_space<semaphore_mem>>
      %dma_wait3A_214 = tpu.memref_squeeze %dma_wait3A_213 : memref<1x!tpu.dma_semaphore, #tpu.memory_space<semaphore_mem>> -> memref<!tpu.dma_semaphore, #tpu.memory_space<semaphore_mem>>
      %dma_wait3A_215 = arith.constant 1200 : i32
      %dma_wait3A_216 = tpu.memref_slice %arg13[%rem3A_162, %dma_wait3A_215] : memref<2x1600xf32, #tpu.memory_space<vmem>> -> memref<1x400xf32, #tpu.memory_space<vmem>>
      %dma_wait3A_217 = tpu.memref_squeeze %dma_wait3A_216 : memref<1x400xf32, #tpu.memory_space<vmem>> -> memref<400xf32, #tpu.memory_space<vmem>>
      %dma_wait3A_218 = arith.constant 0 : i32
      %dma_wait3A_219 = tpu.memref_slice %arg4[%dma_wait3A_218] : memref<1280000xf32, #tpu.memory_space<hbm>> -> memref<400xf32, #tpu.memory_space<hbm>>
      tpu.wait_dma2 semaphore(%dma_wait3A_214 : memref<!tpu.dma_semaphore, #tpu.memory_space<semaphore_mem>>) src(%dma_wait3A_219 : memref<400xf32, #tpu.memory_space<hbm>>) dst(%dma_wait3A_217 : memref<400xf32, #tpu.memory_space<vmem>>)
      %dma_wait3A_220 = arith.constant 0 : i32
      %dma_wait3A_221 = arith.constant 0 : i32
      %dma_wait3A_222 = tpu.memref_slice %arg12[%rem3A_162, %dma_wait3A_220, %dma_wait3A_221] : memref<2x400x64xf32, #tpu.memory_space<vmem>> -> memref<1x400x64xf32, #tpu.memory_space<vmem>>
      %dma_wait3A_223 = tpu.memref_squeeze %dma_wait3A_222 : memref<1x400x64xf32, #tpu.memory_space<vmem>> -> memref<400x64xf32, #tpu.memory_space<vmem>>
      %dma_wait3A_224 = arith.constant 0 : i32
      %dma_wait3A_225 = arith.constant 0 : i32
      %dma_wait3A_226 = tpu.memref_slice %arg5[%dma_wait3A_224, %dma_wait3A_225] : memref<10000x64xf32, #tpu.memory_space<hbm>> -> memref<400x64xf32, #tpu.memory_space<hbm>>
      %dma_wait3A_227 = tpu.memref_slice %arg17[%rem3A_162] : memref<2x!tpu.dma_semaphore, #tpu.memory_space<semaphore_mem>> -> memref<1x!tpu.dma_semaphore, #tpu.memory_space<semaphore_mem>>
      %dma_wait3A_228 = tpu.memref_squeeze %dma_wait3A_227 : memref<1x!tpu.dma_semaphore, #tpu.memory_space<semaphore_mem>> -> memref<!tpu.dma_semaphore, #tpu.memory_space<semaphore_mem>>
      %dma_wait3A_229 = arith.constant 0 : i32
      %dma_wait3A_230 = arith.constant 0 : i32
      %dma_wait3A_231 = tpu.memref_slice %arg12[%rem3A_162, %dma_wait3A_229, %dma_wait3A_230] : memref<2x400x64xf32, #tpu.memory_space<vmem>> -> memref<1x400x64xf32, #tpu.memory_space<vmem>>
      %dma_wait3A_232 = tpu.memref_squeeze %dma_wait3A_231 : memref<1x400x64xf32, #tpu.memory_space<vmem>> -> memref<400x64xf32, #tpu.memory_space<vmem>>
      %dma_wait3A_233 = arith.constant 0 : i32
      %dma_wait3A_234 = arith.constant 0 : i32
      %dma_wait3A_235 = tpu.memref_slice %arg5[%dma_wait3A_233, %dma_wait3A_234] : memref<10000x64xf32, #tpu.memory_space<hbm>> -> memref<400x64xf32, #tpu.memory_space<hbm>>
      tpu.wait_dma2 semaphore(%dma_wait3A_228 : memref<!tpu.dma_semaphore, #tpu.memory_space<semaphore_mem>>) src(%dma_wait3A_235 : memref<400x64xf32, #tpu.memory_space<hbm>>) dst(%dma_wait3A_232 : memref<400x64xf32, #tpu.memory_space<vmem>>)
      %scan3A_236 = arith.constant 0 : i32
      %scan3A_237 = arith.constant 0 : i32
      %scan3A_238 = arith.constant 25 : i32
      %scan3A_239 = arith.addi %scan3A_237, %scan3A_238 : i32
      %scan3A_240 = arith.constant 1 : i32
      scf.for %scan3A_266 = %scan3A_237 to %scan3A_239 step %scan3A_240  : i32 {
        %mul3A_267 = arith.constant 16 : i32
        %mul3A_268 = arith.muli %scan3A_266, %mul3A_267 : i32
        %add3A_269 = arith.constant 0 : i32
        %add3A_270 = arith.addi %add3A_269, %mul3A_268 : i32
        %get3A = arith.index_cast %rem3A_162 : i32 to index
        %get3A_271 = arith.index_cast %add3A_270 : i32 to index
        %get3A_272 = tpu.vector_load %arg13[%get3A, %get3A_271] {strides = array<i32>} : memref<2x1600xf32, #tpu.memory_space<vmem>>, vector<16xf32>,
        %mul3A_273 = arith.constant 16 : i32
        %mul3A_274 = arith.muli %scan3A_266, %mul3A_273 : i32
        %add3A_275 = arith.constant 400 : i32
        %add3A_276 = arith.addi %add3A_275, %mul3A_274 : i32
        %get3A_277 = arith.index_cast %rem3A_162 : i32 to index
        %get3A_278 = arith.index_cast %add3A_276 : i32 to index
        %get3A_279 = tpu.vector_load %arg13[%get3A_277, %get3A_278] {strides = array<i32>} : memref<2x1600xf32, #tpu.memory_space<vmem>>, vector<16xf32>,
        %mul3A_280 = arith.constant 16 : i32
        %mul3A_281 = arith.muli %scan3A_266, %mul3A_280 : i32
        %add3A_282 = arith.constant 800 : i32
        %add3A_283 = arith.addi %add3A_282, %mul3A_281 : i32
        %get3A_284 = arith.index_cast %rem3A_162 : i32 to index
        %get3A_285 = arith.index_cast %add3A_283 : i32 to index
        %get3A_286 = tpu.vector_load %arg13[%get3A_284, %get3A_285] {strides = array<i32>} : memref<2x1600xf32, #tpu.memory_space<vmem>>, vector<16xf32>,
        %mul3A_287 = arith.constant 16 : i32
        %mul3A_288 = arith.muli %scan3A_266, %mul3A_287 : i32
        %add3A_289 = arith.constant 1200 : i32
        %add3A_290 = arith.addi %add3A_289, %mul3A_288 : i32
        %get3A_291 = arith.index_cast %rem3A_162 : i32 to index
        %get3A_292 = arith.index_cast %add3A_290 : i32 to index
        %get3A_293 = tpu.vector_load %arg13[%get3A_291, %get3A_292] {strides = array<i32>} : memref<2x1600xf32, #tpu.memory_space<vmem>>, vector<16xf32>,
        %mul3A_294 = arith.constant 16 : i32
        %mul3A_295 = arith.muli %scan3A_266, %mul3A_294 : i32
        %add3A_296 = arith.constant 0 : i32
        %add3A_297 = arith.addi %mul3A_295, %add3A_296 : i32
        %broadcast_in_dim3A_298 = arith.constant 0 : i32
        %broadcast_in_dim3A_299 = vector.broadcast %broadcast_in_dim3A_298 : i32 to vector<16xi32>
        %broadcast_in_dim3A_300 = arith.constant 0.000000e+00 : f32
        %broadcast_in_dim3A_301 = vector.broadcast %broadcast_in_dim3A_300 : f32 to vector<16xf32>
        %lt3A_302 = arith.constant 0 : i32
        %lt3A_303 = vector.broadcast %lt3A_302 : i32 to vector<16xi32>
        %lt3A_304 = arith.cmpi slt, %broadcast_in_dim3A_299, %lt3A_303 : vector<16xi32>
        %add3A_305 = arith.constant 16 : i32
        %add3A_306 = vector.broadcast %add3A_305 : i32 to vector<16xi32>
        %add3A_307 = arith.addi %broadcast_in_dim3A_299, %add3A_306 : vector<16xi32>
        %select_n3A_308 = arith.select %lt3A_304, %add3A_307, %broadcast_in_dim3A_299 : vector<16xi1>, vector<16xi32>
        %broadcast_in_dim3A_309 = vector.shape_cast %select_n3A_308 : vector<16xi32> to vector<16x1xi32>
        %gather3A = vector.shape_cast %broadcast_in_dim3A_309 : vector<16x1xi32> to vector<16xi32>
        %gather3A_310 = tpu.dynamic_gather %get3A_272[%gather3A] in [0] : vector<16xf32>, vector<16xi32> -> vector<16xf32>
        %mul3A_311 = arith.mulf %gather3A_310, %select_n3A : vector<16xf32>
        %add3A_312 = arith.addf %broadcast_in_dim3A_301, %mul3A_311 : vector<16xf32>
        %get3A_313 = arith.index_cast %rem3A_162 : i32 to index
        %get3A_314 = arith.index_cast %add3A_297 : i32 to index
        %get3A_315 = arith.constant 0 : index
        %get3A_316 = tpu.vector_load %arg12[%get3A_313, %get3A_314, %get3A_315] {strides = array<i32>} : memref<2x400x64xf32, #tpu.memory_space<vmem>>, vector<16xf32>,
        %mul3A_317 = arith.mulf %get3A_316, %gather3A_310 : vector<16xf32>
        %swap3A = arith.index_cast %rem3A_162 : i32 to index
        %swap3A_318 = arith.index_cast %add3A_297 : i32 to index
        %swap3A_319 = arith.constant 0 : index
        %swap3A_320 = tpu.vector_load %arg12[%swap3A, %swap3A_318, %swap3A_319] {strides = array<i32>} : memref<2x400x64xf32, #tpu.memory_space<vmem>>, vector<16xf32>,
        tpu.vector_store %arg12[%swap3A, %swap3A_318, %swap3A_319], %mul3A_317 {strides = array<i32>} : memref<2x400x64xf32, #tpu.memory_space<vmem>>, vector<16xf32>,
        %lt3A_321 = arith.constant 0 : i32
        %lt3A_322 = vector.broadcast %lt3A_321 : i32 to vector<16xi32>
        %lt3A_323 = arith.cmpi slt, %broadcast_in_dim3A_299, %lt3A_322 : vector<16xi32>
        %add3A_324 = arith.constant 16 : i32
        %add3A_325 = vector.broadcast %add3A_324 : i32 to vector<16xi32>
        %add3A_326 = arith.addi %broadcast_in_dim3A_299, %add3A_325 : vector<16xi32>
        %select_n3A_327 = arith.select %lt3A_323, %add3A_326, %broadcast_in_dim3A_299 : vector<16xi1>, vector<16xi32>
        %broadcast_in_dim3A_328 = vector.shape_cast %select_n3A_327 : vector<16xi32> to vector<16x1xi32>
        %gather3A_329 = vector.shape_cast %broadcast_in_dim3A_328 : vector<16x1xi32> to vector<16xi32>
        %gather3A_330 = tpu.dynamic_gather %get3A_279[%gather3A_329] in [0] : vector<16xf32>, vector<16xi32> -> vector<16xf32>
        %mul3A_331 = arith.mulf %gather3A_330, %select_n3A_20 : vector<16xf32>
        %add3A_332 = arith.addf %add3A_312, %mul3A_331 : vector<16xf32>
        %get3A_333 = arith.index_cast %rem3A_162 : i32 to index
        %get3A_334 = arith.index_cast %add3A_297 : i32 to index
        %get3A_335 = arith.constant 16 : index
        %get3A_336 = tpu.vector_load %arg12[%get3A_333, %get3A_334, %get3A_335] {strides = array<i32>} : memref<2x400x64xf32, #tpu.memory_space<vmem>>, vector<16xf32>,
        %mul3A_337 = arith.mulf %get3A_336, %gather3A_330 : vector<16xf32>
        %swap3A_338 = arith.index_cast %rem3A_162 : i32 to index
        %swap3A_339 = arith.index_cast %add3A_297 : i32 to index
        %swap3A_340 = arith.constant 16 : index
        %swap3A_341 = tpu.vector_load %arg12[%swap3A_338, %swap3A_339, %swap3A_340] {strides = array<i32>} : memref<2x400x64xf32, #tpu.memory_space<vmem>>, vector<16xf32>,
        tpu.vector_store %arg12[%swap3A_338, %swap3A_339, %swap3A_340], %mul3A_337 {strides = array<i32>} : memref<2x400x64xf32, #tpu.memory_space<vmem>>, vector<16xf32>,
        %lt3A_342 = arith.constant 0 : i32
        %lt3A_343 = vector.broadcast %lt3A_342 : i32 to vector<16xi32>
        %lt3A_344 = arith.cmpi slt, %broadcast_in_dim3A_299, %lt3A_343 : vector<16xi32>
        %add3A_345 = arith.constant 16 : i32
        %add3A_346 = vector.broadcast %add3A_345 : i32 to vector<16xi32>
        %add3A_347 = arith.addi %broadcast_in_dim3A_299, %add3A_346 : vector<16xi32>
        %select_n3A_348 = arith.select %lt3A_344, %add3A_347, %broadcast_in_dim3A_299 : vector<16xi1>, vector<16xi32>
        %broadcast_in_dim3A_349 = vector.shape_cast %select_n3A_348 : vector<16xi32> to vector<16x1xi32>
        %gather3A_350 = vector.shape_cast %broadcast_in_dim3A_349 : vector<16x1xi32> to vector<16xi32>
        %gather3A_351 = tpu.dynamic_gather %get3A_286[%gather3A_350] in [0] : vector<16xf32>, vector<16xi32> -> vector<16xf32>
        %mul3A_352 = arith.mulf %gather3A_351, %select_n3A_28 : vector<16xf32>
        %add3A_353 = arith.addf %add3A_332, %mul3A_352 : vector<16xf32>
        %get3A_354 = arith.index_cast %rem3A_162 : i32 to index
        %get3A_355 = arith.index_cast %add3A_297 : i32 to index
        %get3A_356 = arith.constant 32 : index
        %get3A_357 = tpu.vector_load %arg12[%get3A_354, %get3A_355, %get3A_356] {strides = array<i32>} : memref<2x400x64xf32, #tpu.memory_space<vmem>>, vector<16xf32>,
        %mul3A_358 = arith.mulf %get3A_357, %gather3A_351 : vector<16xf32>
        %swap3A_359 = arith.index_cast %rem3A_162 : i32 to index
        %swap3A_360 = arith.index_cast %add3A_297 : i32 to index
        %swap3A_361 = arith.constant 32 : index
        %swap3A_362 = tpu.vector_load %arg12[%swap3A_359, %swap3A_360, %swap3A_361] {strides = array<i32>} : memref<2x400x64xf32, #tpu.memory_space<vmem>>, vector<16xf32>,
        tpu.vector_store %arg12[%swap3A_359, %swap3A_360, %swap3A_361], %mul3A_358 {strides = array<i32>} : memref<2x400x64xf32, #tpu.memory_space<vmem>>, vector<16xf32>,
        %lt3A_363 = arith.constant 0 : i32
        %lt3A_364 = vector.broadcast %lt3A_363 : i32 to vector<16xi32>
        %lt3A_365 = arith.cmpi slt, %broadcast_in_dim3A_299, %lt3A_364 : vector<16xi32>
        %add3A_366 = arith.constant 16 : i32
        %add3A_367 = vector.broadcast %add3A_366 : i32 to vector<16xi32>
        %add3A_368 = arith.addi %broadcast_in_dim3A_299, %add3A_367 : vector<16xi32>
        %select_n3A_369 = arith.select %lt3A_365, %add3A_368, %broadcast_in_dim3A_299 : vector<16xi1>, vector<16xi32>
        %broadcast_in_dim3A_370 = vector.shape_cast %select_n3A_369 : vector<16xi32> to vector<16x1xi32>
        %gather3A_371 = vector.shape_cast %broadcast_in_dim3A_370 : vector<16x1xi32> to vector<16xi32>
        %gather3A_372 = tpu.dynamic_gather %get3A_293[%gather3A_371] in [0] : vector<16xf32>, vector<16xi32> -> vector<16xf32>
        %mul3A_373 = arith.mulf %gather3A_372, %select_n3A_36 : vector<16xf32>
        %add3A_374 = arith.addf %add3A_353, %mul3A_373 : vector<16xf32>
        %get3A_375 = arith.index_cast %rem3A_162 : i32 to index
        %get3A_376 = arith.index_cast %add3A_297 : i32 to index
        %get3A_377 = arith.constant 48 : index
        %get3A_378 = tpu.vector_load %arg12[%get3A_375, %get3A_376, %get3A_377] {strides = array<i32>} : memref<2x400x64xf32, #tpu.memory_space<vmem>>, vector<16xf32>,
        %mul3A_379 = arith.mulf %get3A_378, %gather3A_372 : vector<16xf32>
        %swap3A_380 = arith.index_cast %rem3A_162 : i32 to index
        %swap3A_381 = arith.index_cast %add3A_297 : i32 to index
        %swap3A_382 = arith.constant 48 : index
        %swap3A_383 = tpu.vector_load %arg12[%swap3A_380, %swap3A_381, %swap3A_382] {strides = array<i32>} : memref<2x400x64xf32, #tpu.memory_space<vmem>>, vector<16xf32>,
        tpu.vector_store %arg12[%swap3A_380, %swap3A_381, %swap3A_382], %mul3A_379 {strides = array<i32>} : memref<2x400x64xf32, #tpu.memory_space<vmem>>, vector<16xf32>,
        %swap3A_384 = arith.index_cast %rem3A_162 : i32 to index
        %swap3A_385 = arith.index_cast %add3A_297 : i32 to index
        %swap3A_386 = arith.constant 0 : index
        %swap3A_387 = tpu.vector_load %arg14[%swap3A_384, %swap3A_385, %swap3A_386] {strides = array<i32>} : memref<2x400x16xf32, #tpu.memory_space<vmem>>, vector<16xf32>,
        tpu.vector_store %arg14[%swap3A_384, %swap3A_385, %swap3A_386], %add3A_374 {strides = array<i32>} : memref<2x400x16xf32, #tpu.memory_space<vmem>>, vector<16xf32>,
        %mul3A_388 = arith.constant 16 : i32
        %mul3A_389 = arith.muli %scan3A_266, %mul3A_388 : i32
        %add3A_390 = arith.constant 1 : i32
        %add3A_391 = arith.addi %mul3A_389, %add3A_390 : i32
        %broadcast_in_dim3A_392 = arith.constant 1 : i32
        %broadcast_in_dim3A_393 = vector.broadcast %broadcast_in_dim3A_392 : i32 to vector<16xi32>
        %broadcast_in_dim3A_394 = arith.constant 0.000000e+00 : f32
        %broadcast_in_dim3A_395 = vector.broadcast %broadcast_in_dim3A_394 : f32 to vector<16xf32>
        %lt3A_396 = arith.constant 0 : i32
        %lt3A_397 = vector.broadcast %lt3A_396 : i32 to vector<16xi32>
        %lt3A_398 = arith.cmpi slt, %broadcast_in_dim3A_393, %lt3A_397 : vector<16xi32>
        %add3A_399 = arith.constant 16 : i32
        %add3A_400 = vector.broadcast %add3A_399 : i32 to vector<16xi32>
        %add3A_401 = arith.addi %broadcast_in_dim3A_393, %add3A_400 : vector<16xi32>
        %select_n3A_402 = arith.select %lt3A_398, %add3A_401, %broadcast_in_dim3A_393 : vector<16xi1>, vector<16xi32>
        %broadcast_in_dim3A_403 = vector.shape_cast %select_n3A_402 : vector<16xi32> to vector<16x1xi32>
        %gather3A_404 = vector.shape_cast %broadcast_in_dim3A_403 : vector<16x1xi32> to vector<16xi32>
        %gather3A_405 = tpu.dynamic_gather %get3A_272[%gather3A_404] in [0] : vector<16xf32>, vector<16xi32> -> vector<16xf32>
        %mul3A_406 = arith.mulf %gather3A_405, %select_n3A : vector<16xf32>
        %add3A_407 = arith.addf %broadcast_in_dim3A_395, %mul3A_406 : vector<16xf32>
        %get3A_408 = arith.index_cast %rem3A_162 : i32 to index
        %get3A_409 = arith.index_cast %add3A_391 : i32 to index
        %get3A_410 = arith.constant 0 : index
        %get3A_411 = tpu.vector_load %arg12[%get3A_408, %get3A_409, %get3A_410] {strides = array<i32>} : memref<2x400x64xf32, #tpu.memory_space<vmem>>, vector<16xf32>,
        %mul3A_412 = arith.mulf %get3A_411, %gather3A_405 : vector<16xf32>
        %swap3A_413 = arith.index_cast %rem3A_162 : i32 to index
        %swap3A_414 = arith.index_cast %add3A_391 : i32 to index
        %swap3A_415 = arith.constant 0 : index
        %swap3A_416 = tpu.vector_load %arg12[%swap3A_413, %swap3A_414, %swap3A_415] {strides = array<i32>} : memref<2x400x64xf32, #tpu.memory_space<vmem>>, vector<16xf32>,
        tpu.vector_store %arg12[%swap3A_413, %swap3A_414, %swap3A_415], %mul3A_412 {strides = array<i32>} : memref<2x400x64xf32, #tpu.memory_space<vmem>>, vector<16xf32>,
        %lt3A_417 = arith.constant 0 : i32
        %lt3A_418 = vector.broadcast %lt3A_417 : i32 to vector<16xi32>
        %lt3A_419 = arith.cmpi slt, %broadcast_in_dim3A_393, %lt3A_418 : vector<16xi32>
        %add3A_420 = arith.constant 16 : i32
        %add3A_421 = vector.broadcast %add3A_420 : i32 to vector<16xi32>
        %add3A_422 = arith.addi %broadcast_in_dim3A_393, %add3A_421 : vector<16xi32>
        %select_n3A_423 = arith.select %lt3A_419, %add3A_422, %broadcast_in_dim3A_393 : vector<16xi1>, vector<16xi32>
        %broadcast_in_dim3A_424 = vector.shape_cast %select_n3A_423 : vector<16xi32> to vector<16x1xi32>
        %gather3A_425 = vector.shape_cast %broadcast_in_dim3A_424 : vector<16x1xi32> to vector<16xi32>
        %gather3A_426 = tpu.dynamic_gather %get3A_279[%gather3A_425] in [0] : vector<16xf32>, vector<16xi32> -> vector<16xf32>
        %mul3A_427 = arith.mulf %gather3A_426, %select_n3A_20 : vector<16xf32>
        %add3A_428 = arith.addf %add3A_407, %mul3A_427 : vector<16xf32>
        %get3A_429 = arith.index_cast %rem3A_162 : i32 to index
        %get3A_430 = arith.index_cast %add3A_391 : i32 to index
        %get3A_431 = arith.constant 16 : index
        %get3A_432 = tpu.vector_load %arg12[%get3A_429, %get3A_430, %get3A_431] {strides = array<i32>} : memref<2x400x64xf32, #tpu.memory_space<vmem>>, vector<16xf32>,
        %mul3A_433 = arith.mulf %get3A_432, %gather3A_426 : vector<16xf32>
        %swap3A_434 = arith.index_cast %rem3A_162 : i32 to index
        %swap3A_435 = arith.index_cast %add3A_391 : i32 to index
        %swap3A_436 = arith.constant 16 : index
        %swap3A_437 = tpu.vector_load %arg12[%swap3A_434, %swap3A_435, %swap3A_436] {strides = array<i32>} : memref<2x400x64xf32, #tpu.memory_space<vmem>>, vector<16xf32>,
        tpu.vector_store %arg12[%swap3A_434, %swap3A_435, %swap3A_436], %mul3A_433 {strides = array<i32>} : memref<2x400x64xf32, #tpu.memory_space<vmem>>, vector<16xf32>,
        %lt3A_438 = arith.constant 0 : i32
        %lt3A_439 = vector.broadcast %lt3A_438 : i32 to vector<16xi32>
        %lt3A_440 = arith.cmpi slt, %broadcast_in_dim3A_393, %lt3A_439 : vector<16xi32>
        %add3A_441 = arith.constant 16 : i32
        %add3A_442 = vector.broadcast %add3A_441 : i32 to vector<16xi32>
        %add3A_443 = arith.addi %broadcast_in_dim3A_393, %add3A_442 : vector<16xi32>
        %select_n3A_444 = arith.select %lt3A_440, %add3A_443, %broadcast_in_dim3A_393 : vector<16xi1>, vector<16xi32>
        %broadcast_in_dim3A_445 = vector.shape_cast %select_n3A_444 : vector<16xi32> to vector<16x1xi32>
        %gather3A_446 = vector.shape_cast %broadcast_in_dim3A_445 : vector<16x1xi32> to vector<16xi32>
        %gather3A_447 = tpu.dynamic_gather %get3A_286[%gather3A_446] in [0] : vector<16xf32>, vector<16xi32> -> vector<16xf32>
        %mul3A_448 = arith.mulf %gather3A_447, %select_n3A_28 : vector<16xf32>
        %add3A_449 = arith.addf %add3A_428, %mul3A_448 : vector<16xf32>
        %get3A_450 = arith.index_cast %rem3A_162 : i32 to index
        %get3A_451 = arith.index_cast %add3A_391 : i32 to index
        %get3A_452 = arith.constant 32 : index
        %get3A_453 = tpu.vector_load %arg12[%get3A_450, %get3A_451, %get3A_452] {strides = array<i32>} : memref<2x400x64xf32, #tpu.memory_space<vmem>>, vector<16xf32>,
        %mul3A_454 = arith.mulf %get3A_453, %gather3A_447 : vector<16xf32>
        %swap3A_455 = arith.index_cast %rem3A_162 : i32 to index
        %swap3A_456 = arith.index_cast %add3A_391 : i32 to index
        %swap3A_457 = arith.constant 32 : index
        %swap3A_458 = tpu.vector_load %arg12[%swap3A_455, %swap3A_456, %swap3A_457] {strides = array<i32>} : memref<2x400x64xf32, #tpu.memory_space<vmem>>, vector<16xf32>,
        tpu.vector_store %arg12[%swap3A_455, %swap3A_456, %swap3A_457], %mul3A_454 {strides = array<i32>} : memref<2x400x64xf32, #tpu.memory_space<vmem>>, vector<16xf32>,
        %lt3A_459 = arith.constant 0 : i32
        %lt3A_460 = vector.broadcast %lt3A_459 : i32 to vector<16xi32>
        %lt3A_461 = arith.cmpi slt, %broadcast_in_dim3A_393, %lt3A_460 : vector<16xi32>
        %add3A_462 = arith.constant 16 : i32
        %add3A_463 = vector.broadcast %add3A_462 : i32 to vector<16xi32>
        %add3A_464 = arith.addi %broadcast_in_dim3A_393, %add3A_463 : vector<16xi32>
        %select_n3A_465 = arith.select %lt3A_461, %add3A_464, %broadcast_in_dim3A_393 : vector<16xi1>, vector<16xi32>
        %broadcast_in_dim3A_466 = vector.shape_cast %select_n3A_465 : vector<16xi32> to vector<16x1xi32>
        %gather3A_467 = vector.shape_cast %broadcast_in_dim3A_466 : vector<16x1xi32> to vector<16xi32>
        %gather3A_468 = tpu.dynamic_gather %get3A_293[%gather3A_467] in [0] : vector<16xf32>, vector<16xi32> -> vector<16xf32>
        %mul3A_469 = arith.mulf %gather3A_468, %select_n3A_36 : vector<16xf32>
        %add3A_470 = arith.addf %add3A_449, %mul3A_469 : vector<16xf32>
        %get3A_471 = arith.index_cast %rem3A_162 : i32 to index
        %get3A_472 = arith.index_cast %add3A_391 : i32 to index
        %get3A_473 = arith.constant 48 : index
        %get3A_474 = tpu.vector_load %arg12[%get3A_471, %get3A_472, %get3A_473] {strides = array<i32>} : memref<2x400x64xf32, #tpu.memory_space<vmem>>, vector<16xf32>,
        %mul3A_475 = arith.mulf %get3A_474, %gather3A_468 : vector<16xf32>
        %swap3A_476 = arith.index_cast %rem3A_162 : i32 to index
        %swap3A_477 = arith.index_cast %add3A_391 : i32 to index
        %swap3A_478 = arith.constant 48 : index
        %swap3A_479 = tpu.vector_load %arg12[%swap3A_476, %swap3A_477, %swap3A_478] {strides = array<i32>} : memref<2x400x64xf32, #tpu.memory_space<vmem>>, vector<16xf32>,
        tpu.vector_store %arg12[%swap3A_476, %swap3A_477, %swap3A_478], %mul3A_475 {strides = array<i32>} : memref<2x400x64xf32, #tpu.memory_space<vmem>>, vector<16xf32>,
        %swap3A_480 = arith.index_cast %rem3A_162 : i32 to index
        %swap3A_481 = arith.index_cast %add3A_391 : i32 to index
        %swap3A_482 = arith.constant 0 : index
        %swap3A_483 = tpu.vector_load %arg14[%swap3A_480, %swap3A_481, %swap3A_482] {strides = array<i32>} : memref<2x400x16xf32, #tpu.memory_space<vmem>>, vector<16xf32>,
        tpu.vector_store %arg14[%swap3A_480, %swap3A_481, %swap3A_482], %add3A_470 {strides = array<i32>} : memref<2x400x16xf32, #tpu.memory_space<vmem>>, vector<16xf32>,
        %mul3A_484 = arith.constant 16 : i32
        %mul3A_485 = arith.muli %scan3A_266, %mul3A_484 : i32
        %add3A_486 = arith.constant 2 : i32
        %add3A_487 = arith.addi %mul3A_485, %add3A_486 : i32
        %broadcast_in_dim3A_488 = arith.constant 2 : i32
        %broadcast_in_dim3A_489 = vector.broadcast %broadcast_in_dim3A_488 : i32 to vector<16xi32>
        %broadcast_in_dim3A_490 = arith.constant 0.000000e+00 : f32
        %broadcast_in_dim3A_491 = vector.broadcast %broadcast_in_dim3A_490 : f32 to vector<16xf32>
        %lt3A_492 = arith.constant 0 : i32
        %lt3A_493 = vector.broadcast %lt3A_492 : i32 to vector<16xi32>
        %lt3A_494 = arith.cmpi slt, %broadcast_in_dim3A_489, %lt3A_493 : vector<16xi32>
        %add3A_495 = arith.constant 16 : i32
        %add3A_496 = vector.broadcast %add3A_495 : i32 to vector<16xi32>
        %add3A_497 = arith.addi %broadcast_in_dim3A_489, %add3A_496 : vector<16xi32>
        %select_n3A_498 = arith.select %lt3A_494, %add3A_497, %broadcast_in_dim3A_489 : vector<16xi1>, vector<16xi32>
        %broadcast_in_dim3A_499 = vector.shape_cast %select_n3A_498 : vector<16xi32> to vector<16x1xi32>
        %gather3A_500 = vector.shape_cast %broadcast_in_dim3A_499 : vector<16x1xi32> to vector<16xi32>
        %gather3A_501 = tpu.dynamic_gather %get3A_272[%gather3A_500] in [0] : vector<16xf32>, vector<16xi32> -> vector<16xf32>
        %mul3A_502 = arith.mulf %gather3A_501, %select_n3A : vector<16xf32>
        %add3A_503 = arith.addf %broadcast_in_dim3A_491, %mul3A_502 : vector<16xf32>
        %get3A_504 = arith.index_cast %rem3A_162 : i32 to index
        %get3A_505 = arith.index_cast %add3A_487 : i32 to index
        %get3A_506 = arith.constant 0 : index
        %get3A_507 = tpu.vector_load %arg12[%get3A_504, %get3A_505, %get3A_506] {strides = array<i32>} : memref<2x400x64xf32, #tpu.memory_space<vmem>>, vector<16xf32>,
        %mul3A_508 = arith.mulf %get3A_507, %gather3A_501 : vector<16xf32>
        %swap3A_509 = arith.index_cast %rem3A_162 : i32 to index
        %swap3A_510 = arith.index_cast %add3A_487 : i32 to index
        %swap3A_511 = arith.constant 0 : index
        %swap3A_512 = tpu.vector_load %arg12[%swap3A_509, %swap3A_510, %swap3A_511] {strides = array<i32>} : memref<2x400x64xf32, #tpu.memory_space<vmem>>, vector<16xf32>,
        tpu.vector_store %arg12[%swap3A_509, %swap3A_510, %swap3A_511], %mul3A_508 {strides = array<i32>} : memref<2x400x64xf32, #tpu.memory_space<vmem>>, vector<16xf32>,
        %lt3A_513 = arith.constant 0 : i32
        %lt3A_514 = vector.broadcast %lt3A_513 : i32 to vector<16xi32>
        %lt3A_515 = arith.cmpi slt, %broadcast_in_dim3A_489, %lt3A_514 : vector<16xi32>
        %add3A_516 = arith.constant 16 : i32
        %add3A_517 = vector.broadcast %add3A_516 : i32 to vector<16xi32>
        %add3A_518 = arith.addi %broadcast_in_dim3A_489, %add3A_517 : vector<16xi32>
        %select_n3A_519 = arith.select %lt3A_515, %add3A_518, %broadcast_in_dim3A_489 : vector<16xi1>, vector<16xi32>
        %broadcast_in_dim3A_520 = vector.shape_cast %select_n3A_519 : vector<16xi32> to vector<16x1xi32>
        %gather3A_521 = vector.shape_cast %broadcast_in_dim3A_520 : vector<16x1xi32> to vector<16xi32>
        %gather3A_522 = tpu.dynamic_gather %get3A_279[%gather3A_521] in [0] : vector<16xf32>, vector<16xi32> -> vector<16xf32>
        %mul3A_523 = arith.mulf %gather3A_522, %select_n3A_20 : vector<16xf32>
        %add3A_524 = arith.addf %add3A_503, %mul3A_523 : vector<16xf32>
        %get3A_525 = arith.index_cast %rem3A_162 : i32 to index
        %get3A_526 = arith.index_cast %add3A_487 : i32 to index
        %get3A_527 = arith.constant 16 : index
        %get3A_528 = tpu.vector_load %arg12[%get3A_525, %get3A_526, %get3A_527] {strides = array<i32>} : memref<2x400x64xf32, #tpu.memory_space<vmem>>, vector<16xf32>,
        %mul3A_529 = arith.mulf %get3A_528, %gather3A_522 : vector<16xf32>
        %swap3A_530 = arith.index_cast %rem3A_162 : i32 to index
        %swap3A_531 = arith.index_cast %add3A_487 : i32 to index
        %swap3A_532 = arith.constant 16 : index
        %swap3A_533 = tpu.vector_load %arg12[%swap3A_530, %swap3A_531, %swap3A_532] {strides = array<i32>} : memref<2x400x64xf32, #tpu.memory_space<vmem>>, vector<16xf32>,
        tpu.vector_store %arg12[%swap3A_530, %swap3A_531, %swap3A_532], %mul3A_529 {strides = array<i32>} : memref<2x400x64xf32, #tpu.memory_space<vmem>>, vector<16xf32>,
        %lt3A_534 = arith.constant 0 : i32
        %lt3A_535 = vector.broadcast %lt3A_534 : i32 to vector<16xi32>
        %lt3A_536 = arith.cmpi slt, %broadcast_in_dim3A_489, %lt3A_535 : vector<16xi32>
        %add3A_537 = arith.constant 16 : i32
        %add3A_538 = vector.broadcast %add3A_537 : i32 to vector<16xi32>
        %add3A_539 = arith.addi %broadcast_in_dim3A_489, %add3A_538 : vector<16xi32>
        %select_n3A_540 = arith.select %lt3A_536, %add3A_539, %broadcast_in_dim3A_489 : vector<16xi1>, vector<16xi32>
        %broadcast_in_dim3A_541 = vector.shape_cast %select_n3A_540 : vector<16xi32> to vector<16x1xi32>
        %gather3A_542 = vector.shape_cast %broadcast_in_dim3A_541 : vector<16x1xi32> to vector<16xi32>
        %gather3A_543 = tpu.dynamic_gather %get3A_286[%gather3A_542] in [0] : vector<16xf32>, vector<16xi32> -> vector<16xf32>
        %mul3A_544 = arith.mulf %gather3A_543, %select_n3A_28 : vector<16xf32>
        %add3A_545 = arith.addf %add3A_524, %mul3A_544 : vector<16xf32>
        %get3A_546 = arith.index_cast %rem3A_162 : i32 to index
        %get3A_547 = arith.index_cast %add3A_487 : i32 to index
        %get3A_548 = arith.constant 32 : index
        %get3A_549 = tpu.vector_load %arg12[%get3A_546, %get3A_547, %get3A_548] {strides = array<i32>} : memref<2x400x64xf32, #tpu.memory_space<vmem>>, vector<16xf32>,
        %mul3A_550 = arith.mulf %get3A_549, %gather3A_543 : vector<16xf32>
        %swap3A_551 = arith.index_cast %rem3A_162 : i32 to index
        %swap3A_552 = arith.index_cast %add3A_487 : i32 to index
        %swap3A_553 = arith.constant 32 : index
        %swap3A_554 = tpu.vector_load %arg12[%swap3A_551, %swap3A_552, %swap3A_553] {strides = array<i32>} : memref<2x400x64xf32, #tpu.memory_space<vmem>>, vector<16xf32>,
        tpu.vector_store %arg12[%swap3A_551, %swap3A_552, %swap3A_553], %mul3A_550 {strides = array<i32>} : memref<2x400x64xf32, #tpu.memory_space<vmem>>, vector<16xf32>,
        %lt3A_555 = arith.constant 0 : i32
        %lt3A_556 = vector.broadcast %lt3A_555 : i32 to vector<16xi32>
        %lt3A_557 = arith.cmpi slt, %broadcast_in_dim3A_489, %lt3A_556 : vector<16xi32>
        %add3A_558 = arith.constant 16 : i32
        %add3A_559 = vector.broadcast %add3A_558 : i32 to vector<16xi32>
        %add3A_560 = arith.addi %broadcast_in_dim3A_489, %add3A_559 : vector<16xi32>
        %select_n3A_561 = arith.select %lt3A_557, %add3A_560, %broadcast_in_dim3A_489 : vector<16xi1>, vector<16xi32>
        %broadcast_in_dim3A_562 = vector.shape_cast %select_n3A_561 : vector<16xi32> to vector<16x1xi32>
        %gather3A_563 = vector.shape_cast %broadcast_in_dim3A_562 : vector<16x1xi32> to vector<16xi32>
        %gather3A_564 = tpu.dynamic_gather %get3A_293[%gather3A_563] in [0] : vector<16xf32>, vector<16xi32> -> vector<16xf32>
        %mul3A_565 = arith.mulf %gather3A_564, %select_n3A_36 : vector<16xf32>
        %add3A_566 = arith.addf %add3A_545, %mul3A_565 : vector<16xf32>
        %get3A_567 = arith.index_cast %rem3A_162 : i32 to index
        %get3A_568 = arith.index_cast %add3A_487 : i32 to index
        %get3A_569 = arith.constant 48 : index
        %get3A_570 = tpu.vector_load %arg12[%get3A_567, %get3A_568, %get3A_569] {strides = array<i32>} : memref<2x400x64xf32, #tpu.memory_space<vmem>>, vector<16xf32>,
        %mul3A_571 = arith.mulf %get3A_570, %gather3A_564 : vector<16xf32>
        %swap3A_572 = arith.index_cast %rem3A_162 : i32 to index
        %swap3A_573 = arith.index_cast %add3A_487 : i32 to index
        %swap3A_574 = arith.constant 48 : index
        %swap3A_575 = tpu.vector_load %arg12[%swap3A_572, %swap3A_573, %swap3A_574] {strides = array<i32>} : memref<2x400x64xf32, #tpu.memory_space<vmem>>, vector<16xf32>,
        tpu.vector_store %arg12[%swap3A_572, %swap3A_573, %swap3A_574], %mul3A_571 {strides = array<i32>} : memref<2x400x64xf32, #tpu.memory_space<vmem>>, vector<16xf32>,
        %swap3A_576 = arith.index_cast %rem3A_162 : i32 to index
        %swap3A_577 = arith.index_cast %add3A_487 : i32 to index
        %swap3A_578 = arith.constant 0 : index
        %swap3A_579 = tpu.vector_load %arg14[%swap3A_576, %swap3A_577, %swap3A_578] {strides = array<i32>} : memref<2x400x16xf32, #tpu.memory_space<vmem>>, vector<16xf32>,
        tpu.vector_store %arg14[%swap3A_576, %swap3A_577, %swap3A_578], %add3A_566 {strides = array<i32>} : memref<2x400x16xf32, #tpu.memory_space<vmem>>, vector<16xf32>,
        %mul3A_580 = arith.constant 16 : i32
        %mul3A_581 = arith.muli %scan3A_266, %mul3A_580 : i32
        %add3A_582 = arith.constant 3 : i32
        %add3A_583 = arith.addi %mul3A_581, %add3A_582 : i32
        %broadcast_in_dim3A_584 = arith.constant 3 : i32
        %broadcast_in_dim3A_585 = vector.broadcast %broadcast_in_dim3A_584 : i32 to vector<16xi32>
        %broadcast_in_dim3A_586 = arith.constant 0.000000e+00 : f32
        %broadcast_in_dim3A_587 = vector.broadcast %broadcast_in_dim3A_586 : f32 to vector<16xf32>
        %lt3A_588 = arith.constant 0 : i32
        %lt3A_589 = vector.broadcast %lt3A_588 : i32 to vector<16xi32>
        %lt3A_590 = arith.cmpi slt, %broadcast_in_dim3A_585, %lt3A_589 : vector<16xi32>
        %add3A_591 = arith.constant 16 : i32
        %add3A_592 = vector.broadcast %add3A_591 : i32 to vector<16xi32>
        %add3A_593 = arith.addi %broadcast_in_dim3A_585, %add3A_592 : vector<16xi32>
        %select_n3A_594 = arith.select %lt3A_590, %add3A_593, %broadcast_in_dim3A_585 : vector<16xi1>, vector<16xi32>
        %broadcast_in_dim3A_595 = vector.shape_cast %select_n3A_594 : vector<16xi32> to vector<16x1xi32>
        %gather3A_596 = vector.shape_cast %broadcast_in_dim3A_595 : vector<16x1xi32> to vector<16xi32>
        %gather3A_597 = tpu.dynamic_gather %get3A_272[%gather3A_596] in [0] : vector<16xf32>, vector<16xi32> -> vector<16xf32>
        %mul3A_598 = arith.mulf %gather3A_597, %select_n3A : vector<16xf32>
        %add3A_599 = arith.addf %broadcast_in_dim3A_587, %mul3A_598 : vector<16xf32>
        %get3A_600 = arith.index_cast %rem3A_162 : i32 to index
        %get3A_601 = arith.index_cast %add3A_583 : i32 to index
        %get3A_602 = arith.constant 0 : index
        %get3A_603 = tpu.vector_load %arg12[%get3A_600, %get3A_601, %get3A_602] {strides = array<i32>} : memref<2x400x64xf32, #tpu.memory_space<vmem>>, vector<16xf32>,
        %mul3A_604 = arith.mulf %get3A_603, %gather3A_597 : vector<16xf32>
        %swap3A_605 = arith.index_cast %rem3A_162 : i32 to index
        %swap3A_606 = arith.index_cast %add3A_583 : i32 to index
        %swap3A_607 = arith.constant 0 : index
        %swap3A_608 = tpu.vector_load %arg12[%swap3A_605, %swap3A_606, %swap3A_607] {strides = array<i32>} : memref<2x400x64xf32, #tpu.memory_space<vmem>>, vector<16xf32>,
        tpu.vector_store %arg12[%swap3A_605, %swap3A_606, %swap3A_607], %mul3A_604 {strides = array<i32>} : memref<2x400x64xf32, #tpu.memory_space<vmem>>, vector<16xf32>,
        %lt3A_609 = arith.constant 0 : i32
        %lt3A_610 = vector.broadcast %lt3A_609 : i32 to vector<16xi32>
        %lt3A_611 = arith.cmpi slt, %broadcast_in_dim3A_585, %lt3A_610 : vector<16xi32>
        %add3A_612 = arith.constant 16 : i32
        %add3A_613 = vector.broadcast %add3A_612 : i32 to vector<16xi32>
        %add3A_614 = arith.addi %broadcast_in_dim3A_585, %add3A_613 : vector<16xi32>
        %select_n3A_615 = arith.select %lt3A_611, %add3A_614, %broadcast_in_dim3A_585 : vector<16xi1>, vector<16xi32>
        %broadcast_in_dim3A_616 = vector.shape_cast %select_n3A_615 : vector<16xi32> to vector<16x1xi32>
        %gather3A_617 = vector.shape_cast %broadcast_in_dim3A_616 : vector<16x1xi32> to vector<16xi32>
        %gather3A_618 = tpu.dynamic_gather %get3A_279[%gather3A_617] in [0] : vector<16xf32>, vector<16xi32> -> vector<16xf32>
        %mul3A_619 = arith.mulf %gather3A_618, %select_n3A_20 : vector<16xf32>
        %add3A_620 = arith.addf %add3A_599, %mul3A_619 : vector<16xf32>
        %get3A_621 = arith.index_cast %rem3A_162 : i32 to index
        %get3A_622 = arith.index_cast %add3A_583 : i32 to index
        %get3A_623 = arith.constant 16 : index
        %get3A_624 = tpu.vector_load %arg12[%get3A_621, %get3A_622, %get3A_623] {strides = array<i32>} : memref<2x400x64xf32, #tpu.memory_space<vmem>>, vector<16xf32>,
        %mul3A_625 = arith.mulf %get3A_624, %gather3A_618 : vector<16xf32>
        %swap3A_626 = arith.index_cast %rem3A_162 : i32 to index
        %swap3A_627 = arith.index_cast %add3A_583 : i32 to index
        %swap3A_628 = arith.constant 16 : index
        %swap3A_629 = tpu.vector_load %arg12[%swap3A_626, %swap3A_627, %swap3A_628] {strides = array<i32>} : memref<2x400x64xf32, #tpu.memory_space<vmem>>, vector<16xf32>,
        tpu.vector_store %arg12[%swap3A_626, %swap3A_627, %swap3A_628], %mul3A_625 {strides = array<i32>} : memref<2x400x64xf32, #tpu.memory_space<vmem>>, vector<16xf32>,
        %lt3A_630 = arith.constant 0 : i32
        %lt3A_631 = vector.broadcast %lt3A_630 : i32 to vector<16xi32>
        %lt3A_632 = arith.cmpi slt, %broadcast_in_dim3A_585, %lt3A_631 : vector<16xi32>
        %add3A_633 = arith.constant 16 : i32
        %add3A_634 = vector.broadcast %add3A_633 : i32 to vector<16xi32>
        %add3A_635 = arith.addi %broadcast_in_dim3A_585, %add3A_634 : vector<16xi32>
        %select_n3A_636 = arith.select %lt3A_632, %add3A_635, %broadcast_in_dim3A_585 : vector<16xi1>, vector<16xi32>
        %broadcast_in_dim3A_637 = vector.shape_cast %select_n3A_636 : vector<16xi32> to vector<16x1xi32>
        %gather3A_638 = vector.shape_cast %broadcast_in_dim3A_637 : vector<16x1xi32> to vector<16xi32>
        %gather3A_639 = tpu.dynamic_gather %get3A_286[%gather3A_638] in [0] : vector<16xf32>, vector<16xi32> -> vector<16xf32>
        %mul3A_640 = arith.mulf %gather3A_639, %select_n3A_28 : vector<16xf32>
        %add3A_641 = arith.addf %add3A_620, %mul3A_640 : vector<16xf32>
        %get3A_642 = arith.index_cast %rem3A_162 : i32 to index
        %get3A_643 = arith.index_cast %add3A_583 : i32 to index
        %get3A_644 = arith.constant 32 : index
        %get3A_645 = tpu.vector_load %arg12[%get3A_642, %get3A_643, %get3A_644] {strides = array<i32>} : memref<2x400x64xf32, #tpu.memory_space<vmem>>, vector<16xf32>,
        %mul3A_646 = arith.mulf %get3A_645, %gather3A_639 : vector<16xf32>
        %swap3A_647 = arith.index_cast %rem3A_162 : i32 to index
        %swap3A_648 = arith.index_cast %add3A_583 : i32 to index
        %swap3A_649 = arith.constant 32 : index
        %swap3A_650 = tpu.vector_load %arg12[%swap3A_647, %swap3A_648, %swap3A_649] {strides = array<i32>} : memref<2x400x64xf32, #tpu.memory_space<vmem>>, vector<16xf32>,
        tpu.vector_store %arg12[%swap3A_647, %swap3A_648, %swap3A_649], %mul3A_646 {strides = array<i32>} : memref<2x400x64xf32, #tpu.memory_space<vmem>>, vector<16xf32>,
        %lt3A_651 = arith.constant 0 : i32
        %lt3A_652 = vector.broadcast %lt3A_651 : i32 to vector<16xi32>
        %lt3A_653 = arith.cmpi slt, %broadcast_in_dim3A_585, %lt3A_652 : vector<16xi32>
        %add3A_654 = arith.constant 16 : i32
        %add3A_655 = vector.broadcast %add3A_654 : i32 to vector<16xi32>
        %add3A_656 = arith.addi %broadcast_in_dim3A_585, %add3A_655 : vector<16xi32>
        %select_n3A_657 = arith.select %lt3A_653, %add3A_656, %broadcast_in_dim3A_585 : vector<16xi1>, vector<16xi32>
        %broadcast_in_dim3A_658 = vector.shape_cast %select_n3A_657 : vector<16xi32> to vector<16x1xi32>
        %gather3A_659 = vector.shape_cast %broadcast_in_dim3A_658 : vector<16x1xi32> to vector<16xi32>
        %gather3A_660 = tpu.dynamic_gather %get3A_293[%gather3A_659] in [0] : vector<16xf32>, vector<16xi32> -> vector<16xf32>
        %mul3A_661 = arith.mulf %gather3A_660, %select_n3A_36 : vector<16xf32>
        %add3A_662 = arith.addf %add3A_641, %mul3A_661 : vector<16xf32>
        %get3A_663 = arith.index_cast %rem3A_162 : i32 to index
        %get3A_664 = arith.index_cast %add3A_583 : i32 to index
        %get3A_665 = arith.constant 48 : index
        %get3A_666 = tpu.vector_load %arg12[%get3A_663, %get3A_664, %get3A_665] {strides = array<i32>} : memref<2x400x64xf32, #tpu.memory_space<vmem>>, vector<16xf32>,
        %mul3A_667 = arith.mulf %get3A_666, %gather3A_660 : vector<16xf32>
        %swap3A_668 = arith.index_cast %rem3A_162 : i32 to index
        %swap3A_669 = arith.index_cast %add3A_583 : i32 to index
        %swap3A_670 = arith.constant 48 : index
        %swap3A_671 = tpu.vector_load %arg12[%swap3A_668, %swap3A_669, %swap3A_670] {strides = array<i32>} : memref<2x400x64xf32, #tpu.memory_space<vmem>>, vector<16xf32>,
        tpu.vector_store %arg12[%swap3A_668, %swap3A_669, %swap3A_670], %mul3A_667 {strides = array<i32>} : memref<2x400x64xf32, #tpu.memory_space<vmem>>, vector<16xf32>,
        %swap3A_672 = arith.index_cast %rem3A_162 : i32 to index
        %swap3A_673 = arith.index_cast %add3A_583 : i32 to index
        %swap3A_674 = arith.constant 0 : index
        %swap3A_675 = tpu.vector_load %arg14[%swap3A_672, %swap3A_673, %swap3A_674] {strides = array<i32>} : memref<2x400x16xf32, #tpu.memory_space<vmem>>, vector<16xf32>,
        tpu.vector_store %arg14[%swap3A_672, %swap3A_673, %swap3A_674], %add3A_662 {strides = array<i32>} : memref<2x400x16xf32, #tpu.memory_space<vmem>>, vector<16xf32>,
        %mul3A_676 = arith.constant 16 : i32
        %mul3A_677 = arith.muli %scan3A_266, %mul3A_676 : i32
        %add3A_678 = arith.constant 4 : i32
        %add3A_679 = arith.addi %mul3A_677, %add3A_678 : i32
        %broadcast_in_dim3A_680 = arith.constant 4 : i32
        %broadcast_in_dim3A_681 = vector.broadcast %broadcast_in_dim3A_680 : i32 to vector<16xi32>
        %broadcast_in_dim3A_682 = arith.constant 0.000000e+00 : f32
        %broadcast_in_dim3A_683 = vector.broadcast %broadcast_in_dim3A_682 : f32 to vector<16xf32>
        %lt3A_684 = arith.constant 0 : i32
        %lt3A_685 = vector.broadcast %lt3A_684 : i32 to vector<16xi32>
        %lt3A_686 = arith.cmpi slt, %broadcast_in_dim3A_681, %lt3A_685 : vector<16xi32>
        %add3A_687 = arith.constant 16 : i32
        %add3A_688 = vector.broadcast %add3A_687 : i32 to vector<16xi32>
        %add3A_689 = arith.addi %broadcast_in_dim3A_681, %add3A_688 : vector<16xi32>
        %select_n3A_690 = arith.select %lt3A_686, %add3A_689, %broadcast_in_dim3A_681 : vector<16xi1>, vector<16xi32>
        %broadcast_in_dim3A_691 = vector.shape_cast %select_n3A_690 : vector<16xi32> to vector<16x1xi32>
        %gather3A_692 = vector.shape_cast %broadcast_in_dim3A_691 : vector<16x1xi32> to vector<16xi32>
        %gather3A_693 = tpu.dynamic_gather %get3A_272[%gather3A_692] in [0] : vector<16xf32>, vector<16xi32> -> vector<16xf32>
        %mul3A_694 = arith.mulf %gather3A_693, %select_n3A : vector<16xf32>
        %add3A_695 = arith.addf %broadcast_in_dim3A_683, %mul3A_694 : vector<16xf32>
        %get3A_696 = arith.index_cast %rem3A_162 : i32 to index
        %get3A_697 = arith.index_cast %add3A_679 : i32 to index
        %get3A_698 = arith.constant 0 : index
        %get3A_699 = tpu.vector_load %arg12[%get3A_696, %get3A_697, %get3A_698] {strides = array<i32>} : memref<2x400x64xf32, #tpu.memory_space<vmem>>, vector<16xf32>,
        %mul3A_700 = arith.mulf %get3A_699, %gather3A_693 : vector<16xf32>
        %swap3A_701 = arith.index_cast %rem3A_162 : i32 to index
        %swap3A_702 = arith.index_cast %add3A_679 : i32 to index
        %swap3A_703 = arith.constant 0 : index
        %swap3A_704 = tpu.vector_load %arg12[%swap3A_701, %swap3A_702, %swap3A_703] {strides = array<i32>} : memref<2x400x64xf32, #tpu.memory_space<vmem>>, vector<16xf32>,
        tpu.vector_store %arg12[%swap3A_701, %swap3A_702, %swap3A_703], %mul3A_700 {strides = array<i32>} : memref<2x400x64xf32, #tpu.memory_space<vmem>>, vector<16xf32>,
        %lt3A_705 = arith.constant 0 : i32
        %lt3A_706 = vector.broadcast %lt3A_705 : i32 to vector<16xi32>
        %lt3A_707 = arith.cmpi slt, %broadcast_in_dim3A_681, %lt3A_706 : vector<16xi32>
        %add3A_708 = arith.constant 16 : i32
        %add3A_709 = vector.broadcast %add3A_708 : i32 to vector<16xi32>
        %add3A_710 = arith.addi %broadcast_in_dim3A_681, %add3A_709 : vector<16xi32>
        %select_n3A_711 = arith.select %lt3A_707, %add3A_710, %broadcast_in_dim3A_681 : vector<16xi1>, vector<16xi32>
        %broadcast_in_dim3A_712 = vector.shape_cast %select_n3A_711 : vector<16xi32> to vector<16x1xi32>
        %gather3A_713 = vector.shape_cast %broadcast_in_dim3A_712 : vector<16x1xi32> to vector<16xi32>
        %gather3A_714 = tpu.dynamic_gather %get3A_279[%gather3A_713] in [0] : vector<16xf32>, vector<16xi32> -> vector<16xf32>
        %mul3A_715 = arith.mulf %gather3A_714, %select_n3A_20 : vector<16xf32>
        %add3A_716 = arith.addf %add3A_695, %mul3A_715 : vector<16xf32>
        %get3A_717 = arith.index_cast %rem3A_162 : i32 to index
        %get3A_718 = arith.index_cast %add3A_679 : i32 to index
        %get3A_719 = arith.constant 16 : index
        %get3A_720 = tpu.vector_load %arg12[%get3A_717, %get3A_718, %get3A_719] {strides = array<i32>} : memref<2x400x64xf32, #tpu.memory_space<vmem>>, vector<16xf32>,
        %mul3A_721 = arith.mulf %get3A_720, %gather3A_714 : vector<16xf32>
        %swap3A_722 = arith.index_cast %rem3A_162 : i32 to index
        %swap3A_723 = arith.index_cast %add3A_679 : i32 to index
        %swap3A_724 = arith.constant 16 : index
        %swap3A_725 = tpu.vector_load %arg12[%swap3A_722, %swap3A_723, %swap3A_724] {strides = array<i32>} : memref<2x400x64xf32, #tpu.memory_space<vmem>>, vector<16xf32>,
        tpu.vector_store %arg12[%swap3A_722, %swap3A_723, %swap3A_724], %mul3A_721 {strides = array<i32>} : memref<2x400x64xf32, #tpu.memory_space<vmem>>, vector<16xf32>,
        %lt3A_726 = arith.constant 0 : i32
        %lt3A_727 = vector.broadcast %lt3A_726 : i32 to vector<16xi32>
        %lt3A_728 = arith.cmpi slt, %broadcast_in_dim3A_681, %lt3A_727 : vector<16xi32>
        %add3A_729 = arith.constant 16 : i32
        %add3A_730 = vector.broadcast %add3A_729 : i32 to vector<16xi32>
        %add3A_731 = arith.addi %broadcast_in_dim3A_681, %add3A_730 : vector<16xi32>
        %select_n3A_732 = arith.select %lt3A_728, %add3A_731, %broadcast_in_dim3A_681 : vector<16xi1>, vector<16xi32>
        %broadcast_in_dim3A_733 = vector.shape_cast %select_n3A_732 : vector<16xi32> to vector<16x1xi32>
        %gather3A_734 = vector.shape_cast %broadcast_in_dim3A_733 : vector<16x1xi32> to vector<16xi32>
        %gather3A_735 = tpu.dynamic_gather %get3A_286[%gather3A_734] in [0] : vector<16xf32>, vector<16xi32> -> vector<16xf32>
        %mul3A_736 = arith.mulf %gather3A_735, %select_n3A_28 : vector<16xf32>
        %add3A_737 = arith.addf %add3A_716, %mul3A_736 : vector<16xf32>
        %get3A_738 = arith.index_cast %rem3A_162 : i32 to index
        %get3A_739 = arith.index_cast %add3A_679 : i32 to index
        %get3A_740 = arith.constant 32 : index
        %get3A_741 = tpu.vector_load %arg12[%get3A_738, %get3A_739, %get3A_740] {strides = array<i32>} : memref<2x400x64xf32, #tpu.memory_space<vmem>>, vector<16xf32>,
        %mul3A_742 = arith.mulf %get3A_741, %gather3A_735 : vector<16xf32>
        %swap3A_743 = arith.index_cast %rem3A_162 : i32 to index
        %swap3A_744 = arith.index_cast %add3A_679 : i32 to index
        %swap3A_745 = arith.constant 32 : index
        %swap3A_746 = tpu.vector_load %arg12[%swap3A_743, %swap3A_744, %swap3A_745] {strides = array<i32>} : memref<2x400x64xf32, #tpu.memory_space<vmem>>, vector<16xf32>,
        tpu.vector_store %arg12[%swap3A_743, %swap3A_744, %swap3A_745], %mul3A_742 {strides = array<i32>} : memref<2x400x64xf32, #tpu.memory_space<vmem>>, vector<16xf32>,
        %lt3A_747 = arith.constant 0 : i32
        %lt3A_748 = vector.broadcast %lt3A_747 : i32 to vector<16xi32>
        %lt3A_749 = arith.cmpi slt, %broadcast_in_dim3A_681, %lt3A_748 : vector<16xi32>
        %add3A_750 = arith.constant 16 : i32
        %add3A_751 = vector.broadcast %add3A_750 : i32 to vector<16xi32>
        %add3A_752 = arith.addi %broadcast_in_dim3A_681, %add3A_751 : vector<16xi32>
        %select_n3A_753 = arith.select %lt3A_749, %add3A_752, %broadcast_in_dim3A_681 : vector<16xi1>, vector<16xi32>
        %broadcast_in_dim3A_754 = vector.shape_cast %select_n3A_753 : vector<16xi32> to vector<16x1xi32>
        %gather3A_755 = vector.shape_cast %broadcast_in_dim3A_754 : vector<16x1xi32> to vector<16xi32>
        %gather3A_756 = tpu.dynamic_gather %get3A_293[%gather3A_755] in [0] : vector<16xf32>, vector<16xi32> -> vector<16xf32>
        %mul3A_757 = arith.mulf %gather3A_756, %select_n3A_36 : vector<16xf32>
        %add3A_758 = arith.addf %add3A_737, %mul3A_757 : vector<16xf32>
        %get3A_759 = arith.index_cast %rem3A_162 : i32 to index
        %get3A_760 = arith.index_cast %add3A_679 : i32 to index
        %get3A_761 = arith.constant 48 : index
        %get3A_762 = tpu.vector_load %arg12[%get3A_759, %get3A_760, %get3A_761] {strides = array<i32>} : memref<2x400x64xf32, #tpu.memory_space<vmem>>, vector<16xf32>,
        %mul3A_763 = arith.mulf %get3A_762, %gather3A_756 : vector<16xf32>
        %swap3A_764 = arith.index_cast %rem3A_162 : i32 to index
        %swap3A_765 = arith.index_cast %add3A_679 : i32 to index
        %swap3A_766 = arith.constant 48 : index
        %swap3A_767 = tpu.vector_load %arg12[%swap3A_764, %swap3A_765, %swap3A_766] {strides = array<i32>} : memref<2x400x64xf32, #tpu.memory_space<vmem>>, vector<16xf32>,
        tpu.vector_store %arg12[%swap3A_764, %swap3A_765, %swap3A_766], %mul3A_763 {strides = array<i32>} : memref<2x400x64xf32, #tpu.memory_space<vmem>>, vector<16xf32>,
        %swap3A_768 = arith.index_cast %rem3A_162 : i32 to index
        %swap3A_769 = arith.index_cast %add3A_679 : i32 to index
        %swap3A_770 = arith.constant 0 : index
        %swap3A_771 = tpu.vector_load %arg14[%swap3A_768, %swap3A_769, %swap3A_770] {strides = array<i32>} : memref<2x400x16xf32, #tpu.memory_space<vmem>>, vector<16xf32>,
        tpu.vector_store %arg14[%swap3A_768, %swap3A_769, %swap3A_770], %add3A_758 {strides = array<i32>} : memref<2x400x16xf32, #tpu.memory_space<vmem>>, vector<16xf32>,
        %mul3A_772 = arith.constant 16 : i32
        %mul3A_773 = arith.muli %scan3A_266, %mul3A_772 : i32
        %add3A_774 = arith.constant 5 : i32
        %add3A_775 = arith.addi %mul3A_773, %add3A_774 : i32
        %broadcast_in_dim3A_776 = arith.constant 5 : i32
        %broadcast_in_dim3A_777 = vector.broadcast %broadcast_in_dim3A_776 : i32 to vector<16xi32>
        %broadcast_in_dim3A_778 = arith.constant 0.000000e+00 : f32
        %broadcast_in_dim3A_779 = vector.broadcast %broadcast_in_dim3A_778 : f32 to vector<16xf32>
        %lt3A_780 = arith.constant 0 : i32
        %lt3A_781 = vector.broadcast %lt3A_780 : i32 to vector<16xi32>
        %lt3A_782 = arith.cmpi slt, %broadcast_in_dim3A_777, %lt3A_781 : vector<16xi32>
        %add3A_783 = arith.constant 16 : i32
        %add3A_784 = vector.broadcast %add3A_783 : i32 to vector<16xi32>
        %add3A_785 = arith.addi %broadcast_in_dim3A_777, %add3A_784 : vector<16xi32>
        %select_n3A_786 = arith.select %lt3A_782, %add3A_785, %broadcast_in_dim3A_777 : vector<16xi1>, vector<16xi32>
        %broadcast_in_dim3A_787 = vector.shape_cast %select_n3A_786 : vector<16xi32> to vector<16x1xi32>
        %gather3A_788 = vector.shape_cast %broadcast_in_dim3A_787 : vector<16x1xi32> to vector<16xi32>
        %gather3A_789 = tpu.dynamic_gather %get3A_272[%gather3A_788] in [0] : vector<16xf32>, vector<16xi32> -> vector<16xf32>
        %mul3A_790 = arith.mulf %gather3A_789, %select_n3A : vector<16xf32>
        %add3A_791 = arith.addf %broadcast_in_dim3A_779, %mul3A_790 : vector<16xf32>
        %get3A_792 = arith.index_cast %rem3A_162 : i32 to index
        %get3A_793 = arith.index_cast %add3A_775 : i32 to index
        %get3A_794 = arith.constant 0 : index
        %get3A_795 = tpu.vector_load %arg12[%get3A_792, %get3A_793, %get3A_794] {strides = array<i32>} : memref<2x400x64xf32, #tpu.memory_space<vmem>>, vector<16xf32>,
        %mul3A_796 = arith.mulf %get3A_795, %gather3A_789 : vector<16xf32>
        %swap3A_797 = arith.index_cast %rem3A_162 : i32 to index
        %swap3A_798 = arith.index_cast %add3A_775 : i32 to index
        %swap3A_799 = arith.constant 0 : index
        %swap3A_800 = tpu.vector_load %arg12[%swap3A_797, %swap3A_798, %swap3A_799] {strides = array<i32>} : memref<2x400x64xf32, #tpu.memory_space<vmem>>, vector<16xf32>,
        tpu.vector_store %arg12[%swap3A_797, %swap3A_798, %swap3A_799], %mul3A_796 {strides = array<i32>} : memref<2x400x64xf32, #tpu.memory_space<vmem>>, vector<16xf32>,
        %lt3A_801 = arith.constant 0 : i32
        %lt3A_802 = vector.broadcast %lt3A_801 : i32 to vector<16xi32>
        %lt3A_803 = arith.cmpi slt, %broadcast_in_dim3A_777, %lt3A_802 : vector<16xi32>
        %add3A_804 = arith.constant 16 : i32
        %add3A_805 = vector.broadcast %add3A_804 : i32 to vector<16xi32>
        %add3A_806 = arith.addi %broadcast_in_dim3A_777, %add3A_805 : vector<16xi32>
        %select_n3A_807 = arith.select %lt3A_803, %add3A_806, %broadcast_in_dim3A_777 : vector<16xi1>, vector<16xi32>
        %broadcast_in_dim3A_808 = vector.shape_cast %select_n3A_807 : vector<16xi32> to vector<16x1xi32>
        %gather3A_809 = vector.shape_cast %broadcast_in_dim3A_808 : vector<16x1xi32> to vector<16xi32>
        %gather3A_810 = tpu.dynamic_gather %get3A_279[%gather3A_809] in [0] : vector<16xf32>, vector<16xi32> -> vector<16xf32>
        %mul3A_811 = arith.mulf %gather3A_810, %select_n3A_20 : vector<16xf32>
        %add3A_812 = arith.addf %add3A_791, %mul3A_811 : vector<16xf32>
        %get3A_813 = arith.index_cast %rem3A_162 : i32 to index
        %get3A_814 = arith.index_cast %add3A_775 : i32 to index
        %get3A_815 = arith.constant 16 : index
        %get3A_816 = tpu.vector_load %arg12[%get3A_813, %get3A_814, %get3A_815] {strides = array<i32>} : memref<2x400x64xf32, #tpu.memory_space<vmem>>, vector<16xf32>,
        %mul3A_817 = arith.mulf %get3A_816, %gather3A_810 : vector<16xf32>
        %swap3A_818 = arith.index_cast %rem3A_162 : i32 to index
        %swap3A_819 = arith.index_cast %add3A_775 : i32 to index
        %swap3A_820 = arith.constant 16 : index
        %swap3A_821 = tpu.vector_load %arg12[%swap3A_818, %swap3A_819, %swap3A_820] {strides = array<i32>} : memref<2x400x64xf32, #tpu.memory_space<vmem>>, vector<16xf32>,
        tpu.vector_store %arg12[%swap3A_818, %swap3A_819, %swap3A_820], %mul3A_817 {strides = array<i32>} : memref<2x400x64xf32, #tpu.memory_space<vmem>>, vector<16xf32>,
        %lt3A_822 = arith.constant 0 : i32
        %lt3A_823 = vector.broadcast %lt3A_822 : i32 to vector<16xi32>
        %lt3A_824 = arith.cmpi slt, %broadcast_in_dim3A_777, %lt3A_823 : vector<16xi32>
        %add3A_825 = arith.constant 16 : i32
        %add3A_826 = vector.broadcast %add3A_825 : i32 to vector<16xi32>
        %add3A_827 = arith.addi %broadcast_in_dim3A_777, %add3A_826 : vector<16xi32>
        %select_n3A_828 = arith.select %lt3A_824, %add3A_827, %broadcast_in_dim3A_777 : vector<16xi1>, vector<16xi32>
        %broadcast_in_dim3A_829 = vector.shape_cast %select_n3A_828 : vector<16xi32> to vector<16x1xi32>
        %gather3A_830 = vector.shape_cast %broadcast_in_dim3A_829 : vector<16x1xi32> to vector<16xi32>
        %gather3A_831 = tpu.dynamic_gather %get3A_286[%gather3A_830] in [0] : vector<16xf32>, vector<16xi32> -> vector<16xf32>
        %mul3A_832 = arith.mulf %gather3A_831, %select_n3A_28 : vector<16xf32>
        %add3A_833 = arith.addf %add3A_812, %mul3A_832 : vector<16xf32>
        %get3A_834 = arith.index_cast %rem3A_162 : i32 to index
        %get3A_835 = arith.index_cast %add3A_775 : i32 to index
        %get3A_836 = arith.constant 32 : index
        %get3A_837 = tpu.vector_load %arg12[%get3A_834, %get3A_835, %get3A_836] {strides = array<i32>} : memref<2x400x64xf32, #tpu.memory_space<vmem>>, vector<16xf32>,
        %mul3A_838 = arith.mulf %get3A_837, %gather3A_831 : vector<16xf32>
        %swap3A_839 = arith.index_cast %rem3A_162 : i32 to index
        %swap3A_840 = arith.index_cast %add3A_775 : i32 to index
        %swap3A_841 = arith.constant 32 : index
        %swap3A_842 = tpu.vector_load %arg12[%swap3A_839, %swap3A_840, %swap3A_841] {strides = array<i32>} : memref<2x400x64xf32, #tpu.memory_space<vmem>>, vector<16xf32>,
        tpu.vector_store %arg12[%swap3A_839, %swap3A_840, %swap3A_841], %mul3A_838 {strides = array<i32>} : memref<2x400x64xf32, #tpu.memory_space<vmem>>, vector<16xf32>,
        %lt3A_843 = arith.constant 0 : i32
        %lt3A_844 = vector.broadcast %lt3A_843 : i32 to vector<16xi32>
        %lt3A_845 = arith.cmpi slt, %broadcast_in_dim3A_777, %lt3A_844 : vector<16xi32>
        %add3A_846 = arith.constant 16 : i32
        %add3A_847 = vector.broadcast %add3A_846 : i32 to vector<16xi32>
        %add3A_848 = arith.addi %broadcast_in_dim3A_777, %add3A_847 : vector<16xi32>
        %select_n3A_849 = arith.select %lt3A_845, %add3A_848, %broadcast_in_dim3A_777 : vector<16xi1>, vector<16xi32>
        %broadcast_in_dim3A_850 = vector.shape_cast %select_n3A_849 : vector<16xi32> to vector<16x1xi32>
        %gather3A_851 = vector.shape_cast %broadcast_in_dim3A_850 : vector<16x1xi32> to vector<16xi32>
        %gather3A_852 = tpu.dynamic_gather %get3A_293[%gather3A_851] in [0] : vector<16xf32>, vector<16xi32> -> vector<16xf32>
        %mul3A_853 = arith.mulf %gather3A_852, %select_n3A_36 : vector<16xf32>
        %add3A_854 = arith.addf %add3A_833, %mul3A_853 : vector<16xf32>
        %get3A_855 = arith.index_cast %rem3A_162 : i32 to index
        %get3A_856 = arith.index_cast %add3A_775 : i32 to index
        %get3A_857 = arith.constant 48 : index
        %get3A_858 = tpu.vector_load %arg12[%get3A_855, %get3A_856, %get3A_857] {strides = array<i32>} : memref<2x400x64xf32, #tpu.memory_space<vmem>>, vector<16xf32>,
        %mul3A_859 = arith.mulf %get3A_858, %gather3A_852 : vector<16xf32>
        %swap3A_860 = arith.index_cast %rem3A_162 : i32 to index
        %swap3A_861 = arith.index_cast %add3A_775 : i32 to index
        %swap3A_862 = arith.constant 48 : index
        %swap3A_863 = tpu.vector_load %arg12[%swap3A_860, %swap3A_861, %swap3A_862] {strides = array<i32>} : memref<2x400x64xf32, #tpu.memory_space<vmem>>, vector<16xf32>,
        tpu.vector_store %arg12[%swap3A_860, %swap3A_861, %swap3A_862], %mul3A_859 {strides = array<i32>} : memref<2x400x64xf32, #tpu.memory_space<vmem>>, vector<16xf32>,
        %swap3A_864 = arith.index_cast %rem3A_162 : i32 to index
        %swap3A_865 = arith.index_cast %add3A_775 : i32 to index
        %swap3A_866 = arith.constant 0 : index
        %swap3A_867 = tpu.vector_load %arg14[%swap3A_864, %swap3A_865, %swap3A_866] {strides = array<i32>} : memref<2x400x16xf32, #tpu.memory_space<vmem>>, vector<16xf32>,
        tpu.vector_store %arg14[%swap3A_864, %swap3A_865, %swap3A_866], %add3A_854 {strides = array<i32>} : memref<2x400x16xf32, #tpu.memory_space<vmem>>, vector<16xf32>,
        %mul3A_868 = arith.constant 16 : i32
        %mul3A_869 = arith.muli %scan3A_266, %mul3A_868 : i32
        %add3A_870 = arith.constant 6 : i32
        %add3A_871 = arith.addi %mul3A_869, %add3A_870 : i32
        %broadcast_in_dim3A_872 = arith.constant 6 : i32
        %broadcast_in_dim3A_873 = vector.broadcast %broadcast_in_dim3A_872 : i32 to vector<16xi32>
        %broadcast_in_dim3A_874 = arith.constant 0.000000e+00 : f32
        %broadcast_in_dim3A_875 = vector.broadcast %broadcast_in_dim3A_874 : f32 to vector<16xf32>
        %lt3A_876 = arith.constant 0 : i32
        %lt3A_877 = vector.broadcast %lt3A_876 : i32 to vector<16xi32>
        %lt3A_878 = arith.cmpi slt, %broadcast_in_dim3A_873, %lt3A_877 : vector<16xi32>
        %add3A_879 = arith.constant 16 : i32
        %add3A_880 = vector.broadcast %add3A_879 : i32 to vector<16xi32>
        %add3A_881 = arith.addi %broadcast_in_dim3A_873, %add3A_880 : vector<16xi32>
        %select_n3A_882 = arith.select %lt3A_878, %add3A_881, %broadcast_in_dim3A_873 : vector<16xi1>, vector<16xi32>
        %broadcast_in_dim3A_883 = vector.shape_cast %select_n3A_882 : vector<16xi32> to vector<16x1xi32>
        %gather3A_884 = vector.shape_cast %broadcast_in_dim3A_883 : vector<16x1xi32> to vector<16xi32>
        %gather3A_885 = tpu.dynamic_gather %get3A_272[%gather3A_884] in [0] : vector<16xf32>, vector<16xi32> -> vector<16xf32>
        %mul3A_886 = arith.mulf %gather3A_885, %select_n3A : vector<16xf32>
        %add3A_887 = arith.addf %broadcast_in_dim3A_875, %mul3A_886 : vector<16xf32>
        %get3A_888 = arith.index_cast %rem3A_162 : i32 to index
        %get3A_889 = arith.index_cast %add3A_871 : i32 to index
        %get3A_890 = arith.constant 0 : index
        %get3A_891 = tpu.vector_load %arg12[%get3A_888, %get3A_889, %get3A_890] {strides = array<i32>} : memref<2x400x64xf32, #tpu.memory_space<vmem>>, vector<16xf32>,
        %mul3A_892 = arith.mulf %get3A_891, %gather3A_885 : vector<16xf32>
        %swap3A_893 = arith.index_cast %rem3A_162 : i32 to index
        %swap3A_894 = arith.index_cast %add3A_871 : i32 to index
        %swap3A_895 = arith.constant 0 : index
        %swap3A_896 = tpu.vector_load %arg12[%swap3A_893, %swap3A_894, %swap3A_895] {strides = array<i32>} : memref<2x400x64xf32, #tpu.memory_space<vmem>>, vector<16xf32>,
        tpu.vector_store %arg12[%swap3A_893, %swap3A_894, %swap3A_895], %mul3A_892 {strides = array<i32>} : memref<2x400x64xf32, #tpu.memory_space<vmem>>, vector<16xf32>,
        %lt3A_897 = arith.constant 0 : i32
        %lt3A_898 = vector.broadcast %lt3A_897 : i32 to vector<16xi32>
        %lt3A_899 = arith.cmpi slt, %broadcast_in_dim3A_873, %lt3A_898 : vector<16xi32>
        %add3A_900 = arith.constant 16 : i32
        %add3A_901 = vector.broadcast %add3A_900 : i32 to vector<16xi32>
        %add3A_902 = arith.addi %broadcast_in_dim3A_873, %add3A_901 : vector<16xi32>
        %select_n3A_903 = arith.select %lt3A_899, %add3A_902, %broadcast_in_dim3A_873 : vector<16xi1>, vector<16xi32>
        %broadcast_in_dim3A_904 = vector.shape_cast %select_n3A_903 : vector<16xi32> to vector<16x1xi32>
        %gather3A_905 = vector.shape_cast %broadcast_in_dim3A_904 : vector<16x1xi32> to vector<16xi32>
        %gather3A_906 = tpu.dynamic_gather %get3A_279[%gather3A_905] in [0] : vector<16xf32>, vector<16xi32> -> vector<16xf32>
        %mul3A_907 = arith.mulf %gather3A_906, %select_n3A_20 : vector<16xf32>
        %add3A_908 = arith.addf %add3A_887, %mul3A_907 : vector<16xf32>
        %get3A_909 = arith.index_cast %rem3A_162 : i32 to index
        %get3A_910 = arith.index_cast %add3A_871 : i32 to index
        %get3A_911 = arith.constant 16 : index
        %get3A_912 = tpu.vector_load %arg12[%get3A_909, %get3A_910, %get3A_911] {strides = array<i32>} : memref<2x400x64xf32, #tpu.memory_space<vmem>>, vector<16xf32>,
        %mul3A_913 = arith.mulf %get3A_912, %gather3A_906 : vector<16xf32>
        %swap3A_914 = arith.index_cast %rem3A_162 : i32 to index
        %swap3A_915 = arith.index_cast %add3A_871 : i32 to index
        %swap3A_916 = arith.constant 16 : index
        %swap3A_917 = tpu.vector_load %arg12[%swap3A_914, %swap3A_915, %swap3A_916] {strides = array<i32>} : memref<2x400x64xf32, #tpu.memory_space<vmem>>, vector<16xf32>,
        tpu.vector_store %arg12[%swap3A_914, %swap3A_915, %swap3A_916], %mul3A_913 {strides = array<i32>} : memref<2x400x64xf32, #tpu.memory_space<vmem>>, vector<16xf32>,
        %lt3A_918 = arith.constant 0 : i32
        %lt3A_919 = vector.broadcast %lt3A_918 : i32 to vector<16xi32>
        %lt3A_920 = arith.cmpi slt, %broadcast_in_dim3A_873, %lt3A_919 : vector<16xi32>
        %add3A_921 = arith.constant 16 : i32
        %add3A_922 = vector.broadcast %add3A_921 : i32 to vector<16xi32>
        %add3A_923 = arith.addi %broadcast_in_dim3A_873, %add3A_922 : vector<16xi32>
        %select_n3A_924 = arith.select %lt3A_920, %add3A_923, %broadcast_in_dim3A_873 : vector<16xi1>, vector<16xi32>
        %broadcast_in_dim3A_925 = vector.shape_cast %select_n3A_924 : vector<16xi32> to vector<16x1xi32>
        %gather3A_926 = vector.shape_cast %broadcast_in_dim3A_925 : vector<16x1xi32> to vector<16xi32>
        %gather3A_927 = tpu.dynamic_gather %get3A_286[%gather3A_926] in [0] : vector<16xf32>, vector<16xi32> -> vector<16xf32>
        %mul3A_928 = arith.mulf %gather3A_927, %select_n3A_28 : vector<16xf32>
        %add3A_929 = arith.addf %add3A_908, %mul3A_928 : vector<16xf32>
        %get3A_930 = arith.index_cast %rem3A_162 : i32 to index
        %get3A_931 = arith.index_cast %add3A_871 : i32 to index
        %get3A_932 = arith.constant 32 : index
        %get3A_933 = tpu.vector_load %arg12[%get3A_930, %get3A_931, %get3A_932] {strides = array<i32>} : memref<2x400x64xf32, #tpu.memory_space<vmem>>, vector<16xf32>,
        %mul3A_934 = arith.mulf %get3A_933, %gather3A_927 : vector<16xf32>
        %swap3A_935 = arith.index_cast %rem3A_162 : i32 to index
        %swap3A_936 = arith.index_cast %add3A_871 : i32 to index
        %swap3A_937 = arith.constant 32 : index
        %swap3A_938 = tpu.vector_load %arg12[%swap3A_935, %swap3A_936, %swap3A_937] {strides = array<i32>} : memref<2x400x64xf32, #tpu.memory_space<vmem>>, vector<16xf32>,
        tpu.vector_store %arg12[%swap3A_935, %swap3A_936, %swap3A_937], %mul3A_934 {strides = array<i32>} : memref<2x400x64xf32, #tpu.memory_space<vmem>>, vector<16xf32>,
        %lt3A_939 = arith.constant 0 : i32
        %lt3A_940 = vector.broadcast %lt3A_939 : i32 to vector<16xi32>
        %lt3A_941 = arith.cmpi slt, %broadcast_in_dim3A_873, %lt3A_940 : vector<16xi32>
        %add3A_942 = arith.constant 16 : i32
        %add3A_943 = vector.broadcast %add3A_942 : i32 to vector<16xi32>
        %add3A_944 = arith.addi %broadcast_in_dim3A_873, %add3A_943 : vector<16xi32>
        %select_n3A_945 = arith.select %lt3A_941, %add3A_944, %broadcast_in_dim3A_873 : vector<16xi1>, vector<16xi32>
        %broadcast_in_dim3A_946 = vector.shape_cast %select_n3A_945 : vector<16xi32> to vector<16x1xi32>
        %gather3A_947 = vector.shape_cast %broadcast_in_dim3A_946 : vector<16x1xi32> to vector<16xi32>
        %gather3A_948 = tpu.dynamic_gather %get3A_293[%gather3A_947] in [0] : vector<16xf32>, vector<16xi32> -> vector<16xf32>
        %mul3A_949 = arith.mulf %gather3A_948, %select_n3A_36 : vector<16xf32>
        %add3A_950 = arith.addf %add3A_929, %mul3A_949 : vector<16xf32>
        %get3A_951 = arith.index_cast %rem3A_162 : i32 to index
        %get3A_952 = arith.index_cast %add3A_871 : i32 to index
        %get3A_953 = arith.constant 48 : index
        %get3A_954 = tpu.vector_load %arg12[%get3A_951, %get3A_952, %get3A_953] {strides = array<i32>} : memref<2x400x64xf32, #tpu.memory_space<vmem>>, vector<16xf32>,
        %mul3A_955 = arith.mulf %get3A_954, %gather3A_948 : vector<16xf32>
        %swap3A_956 = arith.index_cast %rem3A_162 : i32 to index
        %swap3A_957 = arith.index_cast %add3A_871 : i32 to index
        %swap3A_958 = arith.constant 48 : index
        %swap3A_959 = tpu.vector_load %arg12[%swap3A_956, %swap3A_957, %swap3A_958] {strides = array<i32>} : memref<2x400x64xf32, #tpu.memory_space<vmem>>, vector<16xf32>,
        tpu.vector_store %arg12[%swap3A_956, %swap3A_957, %swap3A_958], %mul3A_955 {strides = array<i32>} : memref<2x400x64xf32, #tpu.memory_space<vmem>>, vector<16xf32>,
        %swap3A_960 = arith.index_cast %rem3A_162 : i32 to index
        %swap3A_961 = arith.index_cast %add3A_871 : i32 to index
        %swap3A_962 = arith.constant 0 : index
        %swap3A_963 = tpu.vector_load %arg14[%swap3A_960, %swap3A_961, %swap3A_962] {strides = array<i32>} : memref<2x400x16xf32, #tpu.memory_space<vmem>>, vector<16xf32>,
        tpu.vector_store %arg14[%swap3A_960, %swap3A_961, %swap3A_962], %add3A_950 {strides = array<i32>} : memref<2x400x16xf32, #tpu.memory_space<vmem>>, vector<16xf32>,
        %mul3A_964 = arith.constant 16 : i32
        %mul3A_965 = arith.muli %scan3A_266, %mul3A_964 : i32
        %add3A_966 = arith.constant 7 : i32
        %add3A_967 = arith.addi %mul3A_965, %add3A_966 : i32
        %broadcast_in_dim3A_968 = arith.constant 7 : i32
        %broadcast_in_dim3A_969 = vector.broadcast %broadcast_in_dim3A_968 : i32 to vector<16xi32>
        %broadcast_in_dim3A_970 = arith.constant 0.000000e+00 : f32
        %broadcast_in_dim3A_971 = vector.broadcast %broadcast_in_dim3A_970 : f32 to vector<16xf32>
        %lt3A_972 = arith.constant 0 : i32
        %lt3A_973 = vector.broadcast %lt3A_972 : i32 to vector<16xi32>
        %lt3A_974 = arith.cmpi slt, %broadcast_in_dim3A_969, %lt3A_973 : vector<16xi32>
        %add3A_975 = arith.constant 16 : i32
        %add3A_976 = vector.broadcast %add3A_975 : i32 to vector<16xi32>
        %add3A_977 = arith.addi %broadcast_in_dim3A_969, %add3A_976 : vector<16xi32>
        %select_n3A_978 = arith.select %lt3A_974, %add3A_977, %broadcast_in_dim3A_969 : vector<16xi1>, vector<16xi32>
        %broadcast_in_dim3A_979 = vector.shape_cast %select_n3A_978 : vector<16xi32> to vector<16x1xi32>
        %gather3A_980 = vector.shape_cast %broadcast_in_dim3A_979 : vector<16x1xi32> to vector<16xi32>
        %gather3A_981 = tpu.dynamic_gather %get3A_272[%gather3A_980] in [0] : vector<16xf32>, vector<16xi32> -> vector<16xf32>
        %mul3A_982 = arith.mulf %gather3A_981, %select_n3A : vector<16xf32>
        %add3A_983 = arith.addf %broadcast_in_dim3A_971, %mul3A_982 : vector<16xf32>
        %get3A_984 = arith.index_cast %rem3A_162 : i32 to index
        %get3A_985 = arith.index_cast %add3A_967 : i32 to index
        %get3A_986 = arith.constant 0 : index
        %get3A_987 = tpu.vector_load %arg12[%get3A_984, %get3A_985, %get3A_986] {strides = array<i32>} : memref<2x400x64xf32, #tpu.memory_space<vmem>>, vector<16xf32>,
        %mul3A_988 = arith.mulf %get3A_987, %gather3A_981 : vector<16xf32>
        %swap3A_989 = arith.index_cast %rem3A_162 : i32 to index
        %swap3A_990 = arith.index_cast %add3A_967 : i32 to index
        %swap3A_991 = arith.constant 0 : index
        %swap3A_992 = tpu.vector_load %arg12[%swap3A_989, %swap3A_990, %swap3A_991] {strides = array<i32>} : memref<2x400x64xf32, #tpu.memory_space<vmem>>, vector<16xf32>,
        tpu.vector_store %arg12[%swap3A_989, %swap3A_990, %swap3A_991], %mul3A_988 {strides = array<i32>} : memref<2x400x64xf32, #tpu.memory_space<vmem>>, vector<16xf32>,
        %lt3A_993 = arith.constant 0 : i32
        %lt3A_994 = vector.broadcast %lt3A_993 : i32 to vector<16xi32>
        %lt3A_995 = arith.cmpi slt, %broadcast_in_dim3A_969, %lt3A_994 : vector<16xi32>
        %add3A_996 = arith.constant 16 : i32
        %add3A_997 = vector.broadcast %add3A_996 : i32 to vector<16xi32>
        %add3A_998 = arith.addi %broadcast_in_dim3A_969, %add3A_997 : vector<16xi32>
        %select_n3A_999 = arith.select %lt3A_995, %add3A_998, %broadcast_in_dim3A_969 : vector<16xi1>, vector<16xi32>
        %broadcast_in_dim3A_1000 = vector.shape_cast %select_n3A_999 : vector<16xi32> to vector<16x1xi32>
        %gather3A_1001 = vector.shape_cast %broadcast_in_dim3A_1000 : vector<16x1xi32> to vector<16xi32>
        %gather3A_1002 = tpu.dynamic_gather %get3A_279[%gather3A_1001] in [0] : vector<16xf32>, vector<16xi32> -> vector<16xf32>
        %mul3A_1003 = arith.mulf %gather3A_1002, %select_n3A_20 : vector<16xf32>
        %add3A_1004 = arith.addf %add3A_983, %mul3A_1003 : vector<16xf32>
        %get3A_1005 = arith.index_cast %rem3A_162 : i32 to index
        %get3A_1006 = arith.index_cast %add3A_967 : i32 to index
        %get3A_1007 = arith.constant 16 : index
        %get3A_1008 = tpu.vector_load %arg12[%get3A_1005, %get3A_1006, %get3A_1007] {strides = array<i32>} : memref<2x400x64xf32, #tpu.memory_space<vmem>>, vector<16xf32>,
        %mul3A_1009 = arith.mulf %get3A_1008, %gather3A_1002 : vector<16xf32>
        %swap3A_1010 = arith.index_cast %rem3A_162 : i32 to index
        %swap3A_1011 = arith.index_cast %add3A_967 : i32 to index
        %swap3A_1012 = arith.constant 16 : index
        %swap3A_1013 = tpu.vector_load %arg12[%swap3A_1010, %swap3A_1011, %swap3A_1012] {strides = array<i32>} : memref<2x400x64xf32, #tpu.memory_space<vmem>>, vector<16xf32>,
        tpu.vector_store %arg12[%swap3A_1010, %swap3A_1011, %swap3A_1012], %mul3A_1009 {strides = array<i32>} : memref<2x400x64xf32, #tpu.memory_space<vmem>>, vector<16xf32>,
        %lt3A_1014 = arith.constant 0 : i32
        %lt3A_1015 = vector.broadcast %lt3A_1014 : i32 to vector<16xi32>
        %lt3A_1016 = arith.cmpi slt, %broadcast_in_dim3A_969, %lt3A_1015 : vector<16xi32>
        %add3A_1017 = arith.constant 16 : i32
        %add3A_1018 = vector.broadcast %add3A_1017 : i32 to vector<16xi32>
        %add3A_1019 = arith.addi %broadcast_in_dim3A_969, %add3A_1018 : vector<16xi32>
        %select_n3A_1020 = arith.select %lt3A_1016, %add3A_1019, %broadcast_in_dim3A_969 : vector<16xi1>, vector<16xi32>
        %broadcast_in_dim3A_1021 = vector.shape_cast %select_n3A_1020 : vector<16xi32> to vector<16x1xi32>
        %gather3A_1022 = vector.shape_cast %broadcast_in_dim3A_1021 : vector<16x1xi32> to vector<16xi32>
        %gather3A_1023 = tpu.dynamic_gather %get3A_286[%gather3A_1022] in [0] : vector<16xf32>, vector<16xi32> -> vector<16xf32>
        %mul3A_1024 = arith.mulf %gather3A_1023, %select_n3A_28 : vector<16xf32>
        %add3A_1025 = arith.addf %add3A_1004, %mul3A_1024 : vector<16xf32>
        %get3A_1026 = arith.index_cast %rem3A_162 : i32 to index
        %get3A_1027 = arith.index_cast %add3A_967 : i32 to index
        %get3A_1028 = arith.constant 32 : index
        %get3A_1029 = tpu.vector_load %arg12[%get3A_1026, %get3A_1027, %get3A_1028] {strides = array<i32>} : memref<2x400x64xf32, #tpu.memory_space<vmem>>, vector<16xf32>,
        %mul3A_1030 = arith.mulf %get3A_1029, %gather3A_1023 : vector<16xf32>
        %swap3A_1031 = arith.index_cast %rem3A_162 : i32 to index
        %swap3A_1032 = arith.index_cast %add3A_967 : i32 to index
        %swap3A_1033 = arith.constant 32 : index
        %swap3A_1034 = tpu.vector_load %arg12[%swap3A_1031, %swap3A_1032, %swap3A_1033] {strides = array<i32>} : memref<2x400x64xf32, #tpu.memory_space<vmem>>, vector<16xf32>,
        tpu.vector_store %arg12[%swap3A_1031, %swap3A_1032, %swap3A_1033], %mul3A_1030 {strides = array<i32>} : memref<2x400x64xf32, #tpu.memory_space<vmem>>, vector<16xf32>,
        %lt3A_1035 = arith.constant 0 : i32
        %lt3A_1036 = vector.broadcast %lt3A_1035 : i32 to vector<16xi32>
        %lt3A_1037 = arith.cmpi slt, %broadcast_in_dim3A_969, %lt3A_1036 : vector<16xi32>
        %add3A_1038 = arith.constant 16 : i32
        %add3A_1039 = vector.broadcast %add3A_1038 : i32 to vector<16xi32>
        %add3A_1040 = arith.addi %broadcast_in_dim3A_969, %add3A_1039 : vector<16xi32>
        %select_n3A_1041 = arith.select %lt3A_1037, %add3A_1040, %broadcast_in_dim3A_969 : vector<16xi1>, vector<16xi32>
        %broadcast_in_dim3A_1042 = vector.shape_cast %select_n3A_1041 : vector<16xi32> to vector<16x1xi32>
        %gather3A_1043 = vector.shape_cast %broadcast_in_dim3A_1042 : vector<16x1xi32> to vector<16xi32>
        %gather3A_1044 = tpu.dynamic_gather %get3A_293[%gather3A_1043] in [0] : vector<16xf32>, vector<16xi32> -> vector<16xf32>
        %mul3A_1045 = arith.mulf %gather3A_1044, %select_n3A_36 : vector<16xf32>
        %add3A_1046 = arith.addf %add3A_1025, %mul3A_1045 : vector<16xf32>
        %get3A_1047 = arith.index_cast %rem3A_162 : i32 to index
        %get3A_1048 = arith.index_cast %add3A_967 : i32 to index
        %get3A_1049 = arith.constant 48 : index
        %get3A_1050 = tpu.vector_load %arg12[%get3A_1047, %get3A_1048, %get3A_1049] {strides = array<i32>} : memref<2x400x64xf32, #tpu.memory_space<vmem>>, vector<16xf32>,
        %mul3A_1051 = arith.mulf %get3A_1050, %gather3A_1044 : vector<16xf32>
        %swap3A_1052 = arith.index_cast %rem3A_162 : i32 to index
        %swap3A_1053 = arith.index_cast %add3A_967 : i32 to index
        %swap3A_1054 = arith.constant 48 : index
        %swap3A_1055 = tpu.vector_load %arg12[%swap3A_1052, %swap3A_1053, %swap3A_1054] {strides = array<i32>} : memref<2x400x64xf32, #tpu.memory_space<vmem>>, vector<16xf32>,
        tpu.vector_store %arg12[%swap3A_1052, %swap3A_1053, %swap3A_1054], %mul3A_1051 {strides = array<i32>} : memref<2x400x64xf32, #tpu.memory_space<vmem>>, vector<16xf32>,
        %swap3A_1056 = arith.index_cast %rem3A_162 : i32 to index
        %swap3A_1057 = arith.index_cast %add3A_967 : i32 to index
        %swap3A_1058 = arith.constant 0 : index
        %swap3A_1059 = tpu.vector_load %arg14[%swap3A_1056, %swap3A_1057, %swap3A_1058] {strides = array<i32>} : memref<2x400x16xf32, #tpu.memory_space<vmem>>, vector<16xf32>,
        tpu.vector_store %arg14[%swap3A_1056, %swap3A_1057, %swap3A_1058], %add3A_1046 {strides = array<i32>} : memref<2x400x16xf32, #tpu.memory_space<vmem>>, vector<16xf32>,
        %mul3A_1060 = arith.constant 16 : i32
        %mul3A_1061 = arith.muli %scan3A_266, %mul3A_1060 : i32
        %add3A_1062 = arith.constant 8 : i32
        %add3A_1063 = arith.addi %mul3A_1061, %add3A_1062 : i32
        %broadcast_in_dim3A_1064 = arith.constant 8 : i32
        %broadcast_in_dim3A_1065 = vector.broadcast %broadcast_in_dim3A_1064 : i32 to vector<16xi32>
        %broadcast_in_dim3A_1066 = arith.constant 0.000000e+00 : f32
        %broadcast_in_dim3A_1067 = vector.broadcast %broadcast_in_dim3A_1066 : f32 to vector<16xf32>
        %lt3A_1068 = arith.constant 0 : i32
        %lt3A_1069 = vector.broadcast %lt3A_1068 : i32 to vector<16xi32>
        %lt3A_1070 = arith.cmpi slt, %broadcast_in_dim3A_1065, %lt3A_1069 : vector<16xi32>
        %add3A_1071 = arith.constant 16 : i32
        %add3A_1072 = vector.broadcast %add3A_1071 : i32 to vector<16xi32>
        %add3A_1073 = arith.addi %broadcast_in_dim3A_1065, %add3A_1072 : vector<16xi32>
        %select_n3A_1074 = arith.select %lt3A_1070, %add3A_1073, %broadcast_in_dim3A_1065 : vector<16xi1>, vector<16xi32>
        %broadcast_in_dim3A_1075 = vector.shape_cast %select_n3A_1074 : vector<16xi32> to vector<16x1xi32>
        %gather3A_1076 = vector.shape_cast %broadcast_in_dim3A_1075 : vector<16x1xi32> to vector<16xi32>
        %gather3A_1077 = tpu.dynamic_gather %get3A_272[%gather3A_1076] in [0] : vector<16xf32>, vector<16xi32> -> vector<16xf32>
        %mul3A_1078 = arith.mulf %gather3A_1077, %select_n3A : vector<16xf32>
        %add3A_1079 = arith.addf %broadcast_in_dim3A_1067, %mul3A_1078 : vector<16xf32>
        %get3A_1080 = arith.index_cast %rem3A_162 : i32 to index
        %get3A_1081 = arith.index_cast %add3A_1063 : i32 to index
        %get3A_1082 = arith.constant 0 : index
        %get3A_1083 = tpu.vector_load %arg12[%get3A_1080, %get3A_1081, %get3A_1082] {strides = array<i32>} : memref<2x400x64xf32, #tpu.memory_space<vmem>>, vector<16xf32>,
        %mul3A_1084 = arith.mulf %get3A_1083, %gather3A_1077 : vector<16xf32>
        %swap3A_1085 = arith.index_cast %rem3A_162 : i32 to index
        %swap3A_1086 = arith.index_cast %add3A_1063 : i32 to index
        %swap3A_1087 = arith.constant 0 : index
        %swap3A_1088 = tpu.vector_load %arg12[%swap3A_1085, %swap3A_1086, %swap3A_1087] {strides = array<i32>} : memref<2x400x64xf32, #tpu.memory_space<vmem>>, vector<16xf32>,
        tpu.vector_store %arg12[%swap3A_1085, %swap3A_1086, %swap3A_1087], %mul3A_1084 {strides = array<i32>} : memref<2x400x64xf32, #tpu.memory_space<vmem>>, vector<16xf32>,
        %lt3A_1089 = arith.constant 0 : i32
        %lt3A_1090 = vector.broadcast %lt3A_1089 : i32 to vector<16xi32>
        %lt3A_1091 = arith.cmpi slt, %broadcast_in_dim3A_1065, %lt3A_1090 : vector<16xi32>
        %add3A_1092 = arith.constant 16 : i32
        %add3A_1093 = vector.broadcast %add3A_1092 : i32 to vector<16xi32>
        %add3A_1094 = arith.addi %broadcast_in_dim3A_1065, %add3A_1093 : vector<16xi32>
        %select_n3A_1095 = arith.select %lt3A_1091, %add3A_1094, %broadcast_in_dim3A_1065 : vector<16xi1>, vector<16xi32>
        %broadcast_in_dim3A_1096 = vector.shape_cast %select_n3A_1095 : vector<16xi32> to vector<16x1xi32>
        %gather3A_1097 = vector.shape_cast %broadcast_in_dim3A_1096 : vector<16x1xi32> to vector<16xi32>
        %gather3A_1098 = tpu.dynamic_gather %get3A_279[%gather3A_1097] in [0] : vector<16xf32>, vector<16xi32> -> vector<16xf32>
        %mul3A_1099 = arith.mulf %gather3A_1098, %select_n3A_20 : vector<16xf32>
        %add3A_1100 = arith.addf %add3A_1079, %mul3A_1099 : vector<16xf32>
        %get3A_1101 = arith.index_cast %rem3A_162 : i32 to index
        %get3A_1102 = arith.index_cast %add3A_1063 : i32 to index
        %get3A_1103 = arith.constant 16 : index
        %get3A_1104 = tpu.vector_load %arg12[%get3A_1101, %get3A_1102, %get3A_1103] {strides = array<i32>} : memref<2x400x64xf32, #tpu.memory_space<vmem>>, vector<16xf32>,
        %mul3A_1105 = arith.mulf %get3A_1104, %gather3A_1098 : vector<16xf32>
        %swap3A_1106 = arith.index_cast %rem3A_162 : i32 to index
        %swap3A_1107 = arith.index_cast %add3A_1063 : i32 to index
        %swap3A_1108 = arith.constant 16 : index
        %swap3A_1109 = tpu.vector_load %arg12[%swap3A_1106, %swap3A_1107, %swap3A_1108] {strides = array<i32>} : memref<2x400x64xf32, #tpu.memory_space<vmem>>, vector<16xf32>,
        tpu.vector_store %arg12[%swap3A_1106, %swap3A_1107, %swap3A_1108], %mul3A_1105 {strides = array<i32>} : memref<2x400x64xf32, #tpu.memory_space<vmem>>, vector<16xf32>,
        %lt3A_1110 = arith.constant 0 : i32
        %lt3A_1111 = vector.broadcast %lt3A_1110 : i32 to vector<16xi32>
        %lt3A_1112 = arith.cmpi slt, %broadcast_in_dim3A_1065, %lt3A_1111 : vector<16xi32>
        %add3A_1113 = arith.constant 16 : i32
        %add3A_1114 = vector.broadcast %add3A_1113 : i32 to vector<16xi32>
        %add3A_1115 = arith.addi %broadcast_in_dim3A_1065, %add3A_1114 : vector<16xi32>
        %select_n3A_1116 = arith.select %lt3A_1112, %add3A_1115, %broadcast_in_dim3A_1065 : vector<16xi1>, vector<16xi32>
        %broadcast_in_dim3A_1117 = vector.shape_cast %select_n3A_1116 : vector<16xi32> to vector<16x1xi32>
        %gather3A_1118 = vector.shape_cast %broadcast_in_dim3A_1117 : vector<16x1xi32> to vector<16xi32>
        %gather3A_1119 = tpu.dynamic_gather %get3A_286[%gather3A_1118] in [0] : vector<16xf32>, vector<16xi32> -> vector<16xf32>
        %mul3A_1120 = arith.mulf %gather3A_1119, %select_n3A_28 : vector<16xf32>
        %add3A_1121 = arith.addf %add3A_1100, %mul3A_1120 : vector<16xf32>
        %get3A_1122 = arith.index_cast %rem3A_162 : i32 to index
        %get3A_1123 = arith.index_cast %add3A_1063 : i32 to index
        %get3A_1124 = arith.constant 32 : index
        %get3A_1125 = tpu.vector_load %arg12[%get3A_1122, %get3A_1123, %get3A_1124] {strides = array<i32>} : memref<2x400x64xf32, #tpu.memory_space<vmem>>, vector<16xf32>,
        %mul3A_1126 = arith.mulf %get3A_1125, %gather3A_1119 : vector<16xf32>
        %swap3A_1127 = arith.index_cast %rem3A_162 : i32 to index
        %swap3A_1128 = arith.index_cast %add3A_1063 : i32 to index
        %swap3A_1129 = arith.constant 32 : index
        %swap3A_1130 = tpu.vector_load %arg12[%swap3A_1127, %swap3A_1128, %swap3A_1129] {strides = array<i32>} : memref<2x400x64xf32, #tpu.memory_space<vmem>>, vector<16xf32>,
        tpu.vector_store %arg12[%swap3A_1127, %swap3A_1128, %swap3A_1129], %mul3A_1126 {strides = array<i32>} : memref<2x400x64xf32, #tpu.memory_space<vmem>>, vector<16xf32>,
        %lt3A_1131 = arith.constant 0 : i32
        %lt3A_1132 = vector.broadcast %lt3A_1131 : i32 to vector<16xi32>
        %lt3A_1133 = arith.cmpi slt, %broadcast_in_dim3A_1065, %lt3A_1132 : vector<16xi32>
        %add3A_1134 = arith.constant 16 : i32
        %add3A_1135 = vector.broadcast %add3A_1134 : i32 to vector<16xi32>
        %add3A_1136 = arith.addi %broadcast_in_dim3A_1065, %add3A_1135 : vector<16xi32>
        %select_n3A_1137 = arith.select %lt3A_1133, %add3A_1136, %broadcast_in_dim3A_1065 : vector<16xi1>, vector<16xi32>
        %broadcast_in_dim3A_1138 = vector.shape_cast %select_n3A_1137 : vector<16xi32> to vector<16x1xi32>
        %gather3A_1139 = vector.shape_cast %broadcast_in_dim3A_1138 : vector<16x1xi32> to vector<16xi32>
        %gather3A_1140 = tpu.dynamic_gather %get3A_293[%gather3A_1139] in [0] : vector<16xf32>, vector<16xi32> -> vector<16xf32>
        %mul3A_1141 = arith.mulf %gather3A_1140, %select_n3A_36 : vector<16xf32>
        %add3A_1142 = arith.addf %add3A_1121, %mul3A_1141 : vector<16xf32>
        %get3A_1143 = arith.index_cast %rem3A_162 : i32 to index
        %get3A_1144 = arith.index_cast %add3A_1063 : i32 to index
        %get3A_1145 = arith.constant 48 : index
        %get3A_1146 = tpu.vector_load %arg12[%get3A_1143, %get3A_1144, %get3A_1145] {strides = array<i32>} : memref<2x400x64xf32, #tpu.memory_space<vmem>>, vector<16xf32>,
        %mul3A_1147 = arith.mulf %get3A_1146, %gather3A_1140 : vector<16xf32>
        %swap3A_1148 = arith.index_cast %rem3A_162 : i32 to index
        %swap3A_1149 = arith.index_cast %add3A_1063 : i32 to index
        %swap3A_1150 = arith.constant 48 : index
        %swap3A_1151 = tpu.vector_load %arg12[%swap3A_1148, %swap3A_1149, %swap3A_1150] {strides = array<i32>} : memref<2x400x64xf32, #tpu.memory_space<vmem>>, vector<16xf32>,
        tpu.vector_store %arg12[%swap3A_1148, %swap3A_1149, %swap3A_1150], %mul3A_1147 {strides = array<i32>} : memref<2x400x64xf32, #tpu.memory_space<vmem>>, vector<16xf32>,
        %swap3A_1152 = arith.index_cast %rem3A_162 : i32 to index
        %swap3A_1153 = arith.index_cast %add3A_1063 : i32 to index
        %swap3A_1154 = arith.constant 0 : index
        %swap3A_1155 = tpu.vector_load %arg14[%swap3A_1152, %swap3A_1153, %swap3A_1154] {strides = array<i32>} : memref<2x400x16xf32, #tpu.memory_space<vmem>>, vector<16xf32>,
        tpu.vector_store %arg14[%swap3A_1152, %swap3A_1153, %swap3A_1154], %add3A_1142 {strides = array<i32>} : memref<2x400x16xf32, #tpu.memory_space<vmem>>, vector<16xf32>,
        %mul3A_1156 = arith.constant 16 : i32
        %mul3A_1157 = arith.muli %scan3A_266, %mul3A_1156 : i32
        %add3A_1158 = arith.constant 9 : i32
        %add3A_1159 = arith.addi %mul3A_1157, %add3A_1158 : i32
        %broadcast_in_dim3A_1160 = arith.constant 9 : i32
        %broadcast_in_dim3A_1161 = vector.broadcast %broadcast_in_dim3A_1160 : i32 to vector<16xi32>
        %broadcast_in_dim3A_1162 = arith.constant 0.000000e+00 : f32
        %broadcast_in_dim3A_1163 = vector.broadcast %broadcast_in_dim3A_1162 : f32 to vector<16xf32>
        %lt3A_1164 = arith.constant 0 : i32
        %lt3A_1165 = vector.broadcast %lt3A_1164 : i32 to vector<16xi32>
        %lt3A_1166 = arith.cmpi slt, %broadcast_in_dim3A_1161, %lt3A_1165 : vector<16xi32>
        %add3A_1167 = arith.constant 16 : i32
        %add3A_1168 = vector.broadcast %add3A_1167 : i32 to vector<16xi32>
        %add3A_1169 = arith.addi %broadcast_in_dim3A_1161, %add3A_1168 : vector<16xi32>
        %select_n3A_1170 = arith.select %lt3A_1166, %add3A_1169, %broadcast_in_dim3A_1161 : vector<16xi1>, vector<16xi32>
        %broadcast_in_dim3A_1171 = vector.shape_cast %select_n3A_1170 : vector<16xi32> to vector<16x1xi32>
        %gather3A_1172 = vector.shape_cast %broadcast_in_dim3A_1171 : vector<16x1xi32> to vector<16xi32>
        %gather3A_1173 = tpu.dynamic_gather %get3A_272[%gather3A_1172] in [0] : vector<16xf32>, vector<16xi32> -> vector<16xf32>
        %mul3A_1174 = arith.mulf %gather3A_1173, %select_n3A : vector<16xf32>
        %add3A_1175 = arith.addf %broadcast_in_dim3A_1163, %mul3A_1174 : vector<16xf32>
        %get3A_1176 = arith.index_cast %rem3A_162 : i32 to index
        %get3A_1177 = arith.index_cast %add3A_1159 : i32 to index
        %get3A_1178 = arith.constant 0 : index
        %get3A_1179 = tpu.vector_load %arg12[%get3A_1176, %get3A_1177, %get3A_1178] {strides = array<i32>} : memref<2x400x64xf32, #tpu.memory_space<vmem>>, vector<16xf32>,
        %mul3A_1180 = arith.mulf %get3A_1179, %gather3A_1173 : vector<16xf32>
        %swap3A_1181 = arith.index_cast %rem3A_162 : i32 to index
        %swap3A_1182 = arith.index_cast %add3A_1159 : i32 to index
        %swap3A_1183 = arith.constant 0 : index
        %swap3A_1184 = tpu.vector_load %arg12[%swap3A_1181, %swap3A_1182, %swap3A_1183] {strides = array<i32>} : memref<2x400x64xf32, #tpu.memory_space<vmem>>, vector<16xf32>,
        tpu.vector_store %arg12[%swap3A_1181, %swap3A_1182, %swap3A_1183], %mul3A_1180 {strides = array<i32>} : memref<2x400x64xf32, #tpu.memory_space<vmem>>, vector<16xf32>,
        %lt3A_1185 = arith.constant 0 : i32
        %lt3A_1186 = vector.broadcast %lt3A_1185 : i32 to vector<16xi32>
        %lt3A_1187 = arith.cmpi slt, %broadcast_in_dim3A_1161, %lt3A_1186 : vector<16xi32>
        %add3A_1188 = arith.constant 16 : i32
        %add3A_1189 = vector.broadcast %add3A_1188 : i32 to vector<16xi32>
        %add3A_1190 = arith.addi %broadcast_in_dim3A_1161, %add3A_1189 : vector<16xi32>
        %select_n3A_1191 = arith.select %lt3A_1187, %add3A_1190, %broadcast_in_dim3A_1161 : vector<16xi1>, vector<16xi32>
        %broadcast_in_dim3A_1192 = vector.shape_cast %select_n3A_1191 : vector<16xi32> to vector<16x1xi32>
        %gather3A_1193 = vector.shape_cast %broadcast_in_dim3A_1192 : vector<16x1xi32> to vector<16xi32>
        %gather3A_1194 = tpu.dynamic_gather %get3A_279[%gather3A_1193] in [0] : vector<16xf32>, vector<16xi32> -> vector<16xf32>
        %mul3A_1195 = arith.mulf %gather3A_1194, %select_n3A_20 : vector<16xf32>
        %add3A_1196 = arith.addf %add3A_1175, %mul3A_1195 : vector<16xf32>
        %get3A_1197 = arith.index_cast %rem3A_162 : i32 to index
        %get3A_1198 = arith.index_cast %add3A_1159 : i32 to index
        %get3A_1199 = arith.constant 16 : index
        %get3A_1200 = tpu.vector_load %arg12[%get3A_1197, %get3A_1198, %get3A_1199] {strides = array<i32>} : memref<2x400x64xf32, #tpu.memory_space<vmem>>, vector<16xf32>,
        %mul3A_1201 = arith.mulf %get3A_1200, %gather3A_1194 : vector<16xf32>
        %swap3A_1202 = arith.index_cast %rem3A_162 : i32 to index
        %swap3A_1203 = arith.index_cast %add3A_1159 : i32 to index
        %swap3A_1204 = arith.constant 16 : index
        %swap3A_1205 = tpu.vector_load %arg12[%swap3A_1202, %swap3A_1203, %swap3A_1204] {strides = array<i32>} : memref<2x400x64xf32, #tpu.memory_space<vmem>>, vector<16xf32>,
        tpu.vector_store %arg12[%swap3A_1202, %swap3A_1203, %swap3A_1204], %mul3A_1201 {strides = array<i32>} : memref<2x400x64xf32, #tpu.memory_space<vmem>>, vector<16xf32>,
        %lt3A_1206 = arith.constant 0 : i32
        %lt3A_1207 = vector.broadcast %lt3A_1206 : i32 to vector<16xi32>
        %lt3A_1208 = arith.cmpi slt, %broadcast_in_dim3A_1161, %lt3A_1207 : vector<16xi32>
        %add3A_1209 = arith.constant 16 : i32
        %add3A_1210 = vector.broadcast %add3A_1209 : i32 to vector<16xi32>
        %add3A_1211 = arith.addi %broadcast_in_dim3A_1161, %add3A_1210 : vector<16xi32>
        %select_n3A_1212 = arith.select %lt3A_1208, %add3A_1211, %broadcast_in_dim3A_1161 : vector<16xi1>, vector<16xi32>
        %broadcast_in_dim3A_1213 = vector.shape_cast %select_n3A_1212 : vector<16xi32> to vector<16x1xi32>
        %gather3A_1214 = vector.shape_cast %broadcast_in_dim3A_1213 : vector<16x1xi32> to vector<16xi32>
        %gather3A_1215 = tpu.dynamic_gather %get3A_286[%gather3A_1214] in [0] : vector<16xf32>, vector<16xi32> -> vector<16xf32>
        %mul3A_1216 = arith.mulf %gather3A_1215, %select_n3A_28 : vector<16xf32>
        %add3A_1217 = arith.addf %add3A_1196, %mul3A_1216 : vector<16xf32>
        %get3A_1218 = arith.index_cast %rem3A_162 : i32 to index
        %get3A_1219 = arith.index_cast %add3A_1159 : i32 to index
        %get3A_1220 = arith.constant 32 : index
        %get3A_1221 = tpu.vector_load %arg12[%get3A_1218, %get3A_1219, %get3A_1220] {strides = array<i32>} : memref<2x400x64xf32, #tpu.memory_space<vmem>>, vector<16xf32>,
        %mul3A_1222 = arith.mulf %get3A_1221, %gather3A_1215 : vector<16xf32>
        %swap3A_1223 = arith.index_cast %rem3A_162 : i32 to index
        %swap3A_1224 = arith.index_cast %add3A_1159 : i32 to index
        %swap3A_1225 = arith.constant 32 : index
        %swap3A_1226 = tpu.vector_load %arg12[%swap3A_1223, %swap3A_1224, %swap3A_1225] {strides = array<i32>} : memref<2x400x64xf32, #tpu.memory_space<vmem>>, vector<16xf32>,
        tpu.vector_store %arg12[%swap3A_1223, %swap3A_1224, %swap3A_1225], %mul3A_1222 {strides = array<i32>} : memref<2x400x64xf32, #tpu.memory_space<vmem>>, vector<16xf32>,
        %lt3A_1227 = arith.constant 0 : i32
        %lt3A_1228 = vector.broadcast %lt3A_1227 : i32 to vector<16xi32>
        %lt3A_1229 = arith.cmpi slt, %broadcast_in_dim3A_1161, %lt3A_1228 : vector<16xi32>
        %add3A_1230 = arith.constant 16 : i32
        %add3A_1231 = vector.broadcast %add3A_1230 : i32 to vector<16xi32>
        %add3A_1232 = arith.addi %broadcast_in_dim3A_1161, %add3A_1231 : vector<16xi32>
        %select_n3A_1233 = arith.select %lt3A_1229, %add3A_1232, %broadcast_in_dim3A_1161 : vector<16xi1>, vector<16xi32>
        %broadcast_in_dim3A_1234 = vector.shape_cast %select_n3A_1233 : vector<16xi32> to vector<16x1xi32>
        %gather3A_1235 = vector.shape_cast %broadcast_in_dim3A_1234 : vector<16x1xi32> to vector<16xi32>
        %gather3A_1236 = tpu.dynamic_gather %get3A_293[%gather3A_1235] in [0] : vector<16xf32>, vector<16xi32> -> vector<16xf32>
        %mul3A_1237 = arith.mulf %gather3A_1236, %select_n3A_36 : vector<16xf32>
        %add3A_1238 = arith.addf %add3A_1217, %mul3A_1237 : vector<16xf32>
        %get3A_1239 = arith.index_cast %rem3A_162 : i32 to index
        %get3A_1240 = arith.index_cast %add3A_1159 : i32 to index
        %get3A_1241 = arith.constant 48 : index
        %get3A_1242 = tpu.vector_load %arg12[%get3A_1239, %get3A_1240, %get3A_1241] {strides = array<i32>} : memref<2x400x64xf32, #tpu.memory_space<vmem>>, vector<16xf32>,
        %mul3A_1243 = arith.mulf %get3A_1242, %gather3A_1236 : vector<16xf32>
        %swap3A_1244 = arith.index_cast %rem3A_162 : i32 to index
        %swap3A_1245 = arith.index_cast %add3A_1159 : i32 to index
        %swap3A_1246 = arith.constant 48 : index
        %swap3A_1247 = tpu.vector_load %arg12[%swap3A_1244, %swap3A_1245, %swap3A_1246] {strides = array<i32>} : memref<2x400x64xf32, #tpu.memory_space<vmem>>, vector<16xf32>,
        tpu.vector_store %arg12[%swap3A_1244, %swap3A_1245, %swap3A_1246], %mul3A_1243 {strides = array<i32>} : memref<2x400x64xf32, #tpu.memory_space<vmem>>, vector<16xf32>,
        %swap3A_1248 = arith.index_cast %rem3A_162 : i32 to index
        %swap3A_1249 = arith.index_cast %add3A_1159 : i32 to index
        %swap3A_1250 = arith.constant 0 : index
        %swap3A_1251 = tpu.vector_load %arg14[%swap3A_1248, %swap3A_1249, %swap3A_1250] {strides = array<i32>} : memref<2x400x16xf32, #tpu.memory_space<vmem>>, vector<16xf32>,
        tpu.vector_store %arg14[%swap3A_1248, %swap3A_1249, %swap3A_1250], %add3A_1238 {strides = array<i32>} : memref<2x400x16xf32, #tpu.memory_space<vmem>>, vector<16xf32>,
        %mul3A_1252 = arith.constant 16 : i32
        %mul3A_1253 = arith.muli %scan3A_266, %mul3A_1252 : i32
        %add3A_1254 = arith.constant 10 : i32
        %add3A_1255 = arith.addi %mul3A_1253, %add3A_1254 : i32
        %broadcast_in_dim3A_1256 = arith.constant 10 : i32
        %broadcast_in_dim3A_1257 = vector.broadcast %broadcast_in_dim3A_1256 : i32 to vector<16xi32>
        %broadcast_in_dim3A_1258 = arith.constant 0.000000e+00 : f32
        %broadcast_in_dim3A_1259 = vector.broadcast %broadcast_in_dim3A_1258 : f32 to vector<16xf32>
        %lt3A_1260 = arith.constant 0 : i32
        %lt3A_1261 = vector.broadcast %lt3A_1260 : i32 to vector<16xi32>
        %lt3A_1262 = arith.cmpi slt, %broadcast_in_dim3A_1257, %lt3A_1261 : vector<16xi32>
        %add3A_1263 = arith.constant 16 : i32
        %add3A_1264 = vector.broadcast %add3A_1263 : i32 to vector<16xi32>
        %add3A_1265 = arith.addi %broadcast_in_dim3A_1257, %add3A_1264 : vector<16xi32>
        %select_n3A_1266 = arith.select %lt3A_1262, %add3A_1265, %broadcast_in_dim3A_1257 : vector<16xi1>, vector<16xi32>
        %broadcast_in_dim3A_1267 = vector.shape_cast %select_n3A_1266 : vector<16xi32> to vector<16x1xi32>
        %gather3A_1268 = vector.shape_cast %broadcast_in_dim3A_1267 : vector<16x1xi32> to vector<16xi32>
        %gather3A_1269 = tpu.dynamic_gather %get3A_272[%gather3A_1268] in [0] : vector<16xf32>, vector<16xi32> -> vector<16xf32>
        %mul3A_1270 = arith.mulf %gather3A_1269, %select_n3A : vector<16xf32>
        %add3A_1271 = arith.addf %broadcast_in_dim3A_1259, %mul3A_1270 : vector<16xf32>
        %get3A_1272 = arith.index_cast %rem3A_162 : i32 to index
        %get3A_1273 = arith.index_cast %add3A_1255 : i32 to index
        %get3A_1274 = arith.constant 0 : index
        %get3A_1275 = tpu.vector_load %arg12[%get3A_1272, %get3A_1273, %get3A_1274] {strides = array<i32>} : memref<2x400x64xf32, #tpu.memory_space<vmem>>, vector<16xf32>,
        %mul3A_1276 = arith.mulf %get3A_1275, %gather3A_1269 : vector<16xf32>
        %swap3A_1277 = arith.index_cast %rem3A_162 : i32 to index
        %swap3A_1278 = arith.index_cast %add3A_1255 : i32 to index
        %swap3A_1279 = arith.constant 0 : index
        %swap3A_1280 = tpu.vector_load %arg12[%swap3A_1277, %swap3A_1278, %swap3A_1279] {strides = array<i32>} : memref<2x400x64xf32, #tpu.memory_space<vmem>>, vector<16xf32>,
        tpu.vector_store %arg12[%swap3A_1277, %swap3A_1278, %swap3A_1279], %mul3A_1276 {strides = array<i32>} : memref<2x400x64xf32, #tpu.memory_space<vmem>>, vector<16xf32>,
        %lt3A_1281 = arith.constant 0 : i32
        %lt3A_1282 = vector.broadcast %lt3A_1281 : i32 to vector<16xi32>
        %lt3A_1283 = arith.cmpi slt, %broadcast_in_dim3A_1257, %lt3A_1282 : vector<16xi32>
        %add3A_1284 = arith.constant 16 : i32
        %add3A_1285 = vector.broadcast %add3A_1284 : i32 to vector<16xi32>
        %add3A_1286 = arith.addi %broadcast_in_dim3A_1257, %add3A_1285 : vector<16xi32>
        %select_n3A_1287 = arith.select %lt3A_1283, %add3A_1286, %broadcast_in_dim3A_1257 : vector<16xi1>, vector<16xi32>
        %broadcast_in_dim3A_1288 = vector.shape_cast %select_n3A_1287 : vector<16xi32> to vector<16x1xi32>
        %gather3A_1289 = vector.shape_cast %broadcast_in_dim3A_1288 : vector<16x1xi32> to vector<16xi32>
        %gather3A_1290 = tpu.dynamic_gather %get3A_279[%gather3A_1289] in [0] : vector<16xf32>, vector<16xi32> -> vector<16xf32>
        %mul3A_1291 = arith.mulf %gather3A_1290, %select_n3A_20 : vector<16xf32>
        %add3A_1292 = arith.addf %add3A_1271, %mul3A_1291 : vector<16xf32>
        %get3A_1293 = arith.index_cast %rem3A_162 : i32 to index
        %get3A_1294 = arith.index_cast %add3A_1255 : i32 to index
        %get3A_1295 = arith.constant 16 : index
        %get3A_1296 = tpu.vector_load %arg12[%get3A_1293, %get3A_1294, %get3A_1295] {strides = array<i32>} : memref<2x400x64xf32, #tpu.memory_space<vmem>>, vector<16xf32>,
        %mul3A_1297 = arith.mulf %get3A_1296, %gather3A_1290 : vector<16xf32>
        %swap3A_1298 = arith.index_cast %rem3A_162 : i32 to index
        %swap3A_1299 = arith.index_cast %add3A_1255 : i32 to index
        %swap3A_1300 = arith.constant 16 : index
        %swap3A_1301 = tpu.vector_load %arg12[%swap3A_1298, %swap3A_1299, %swap3A_1300] {strides = array<i32>} : memref<2x400x64xf32, #tpu.memory_space<vmem>>, vector<16xf32>,
        tpu.vector_store %arg12[%swap3A_1298, %swap3A_1299, %swap3A_1300], %mul3A_1297 {strides = array<i32>} : memref<2x400x64xf32, #tpu.memory_space<vmem>>, vector<16xf32>,
        %lt3A_1302 = arith.constant 0 : i32
        %lt3A_1303 = vector.broadcast %lt3A_1302 : i32 to vector<16xi32>
        %lt3A_1304 = arith.cmpi slt, %broadcast_in_dim3A_1257, %lt3A_1303 : vector<16xi32>
        %add3A_1305 = arith.constant 16 : i32
        %add3A_1306 = vector.broadcast %add3A_1305 : i32 to vector<16xi32>
        %add3A_1307 = arith.addi %broadcast_in_dim3A_1257, %add3A_1306 : vector<16xi32>
        %select_n3A_1308 = arith.select %lt3A_1304, %add3A_1307, %broadcast_in_dim3A_1257 : vector<16xi1>, vector<16xi32>
        %broadcast_in_dim3A_1309 = vector.shape_cast %select_n3A_1308 : vector<16xi32> to vector<16x1xi32>
        %gather3A_1310 = vector.shape_cast %broadcast_in_dim3A_1309 : vector<16x1xi32> to vector<16xi32>
        %gather3A_1311 = tpu.dynamic_gather %get3A_286[%gather3A_1310] in [0] : vector<16xf32>, vector<16xi32> -> vector<16xf32>
        %mul3A_1312 = arith.mulf %gather3A_1311, %select_n3A_28 : vector<16xf32>
        %add3A_1313 = arith.addf %add3A_1292, %mul3A_1312 : vector<16xf32>
        %get3A_1314 = arith.index_cast %rem3A_162 : i32 to index
        %get3A_1315 = arith.index_cast %add3A_1255 : i32 to index
        %get3A_1316 = arith.constant 32 : index
        %get3A_1317 = tpu.vector_load %arg12[%get3A_1314, %get3A_1315, %get3A_1316] {strides = array<i32>} : memref<2x400x64xf32, #tpu.memory_space<vmem>>, vector<16xf32>,
        %mul3A_1318 = arith.mulf %get3A_1317, %gather3A_1311 : vector<16xf32>
        %swap3A_1319 = arith.index_cast %rem3A_162 : i32 to index
        %swap3A_1320 = arith.index_cast %add3A_1255 : i32 to index
        %swap3A_1321 = arith.constant 32 : index
        %swap3A_1322 = tpu.vector_load %arg12[%swap3A_1319, %swap3A_1320, %swap3A_1321] {strides = array<i32>} : memref<2x400x64xf32, #tpu.memory_space<vmem>>, vector<16xf32>,
        tpu.vector_store %arg12[%swap3A_1319, %swap3A_1320, %swap3A_1321], %mul3A_1318 {strides = array<i32>} : memref<2x400x64xf32, #tpu.memory_space<vmem>>, vector<16xf32>,
        %lt3A_1323 = arith.constant 0 : i32
        %lt3A_1324 = vector.broadcast %lt3A_1323 : i32 to vector<16xi32>
        %lt3A_1325 = arith.cmpi slt, %broadcast_in_dim3A_1257, %lt3A_1324 : vector<16xi32>
        %add3A_1326 = arith.constant 16 : i32
        %add3A_1327 = vector.broadcast %add3A_1326 : i32 to vector<16xi32>
        %add3A_1328 = arith.addi %broadcast_in_dim3A_1257, %add3A_1327 : vector<16xi32>
        %select_n3A_1329 = arith.select %lt3A_1325, %add3A_1328, %broadcast_in_dim3A_1257 : vector<16xi1>, vector<16xi32>
        %broadcast_in_dim3A_1330 = vector.shape_cast %select_n3A_1329 : vector<16xi32> to vector<16x1xi32>
        %gather3A_1331 = vector.shape_cast %broadcast_in_dim3A_1330 : vector<16x1xi32> to vector<16xi32>
        %gather3A_1332 = tpu.dynamic_gather %get3A_293[%gather3A_1331] in [0] : vector<16xf32>, vector<16xi32> -> vector<16xf32>
        %mul3A_1333 = arith.mulf %gather3A_1332, %select_n3A_36 : vector<16xf32>
        %add3A_1334 = arith.addf %add3A_1313, %mul3A_1333 : vector<16xf32>
        %get3A_1335 = arith.index_cast %rem3A_162 : i32 to index
        %get3A_1336 = arith.index_cast %add3A_1255 : i32 to index
        %get3A_1337 = arith.constant 48 : index
        %get3A_1338 = tpu.vector_load %arg12[%get3A_1335, %get3A_1336, %get3A_1337] {strides = array<i32>} : memref<2x400x64xf32, #tpu.memory_space<vmem>>, vector<16xf32>,
        %mul3A_1339 = arith.mulf %get3A_1338, %gather3A_1332 : vector<16xf32>
        %swap3A_1340 = arith.index_cast %rem3A_162 : i32 to index
        %swap3A_1341 = arith.index_cast %add3A_1255 : i32 to index
        %swap3A_1342 = arith.constant 48 : index
        %swap3A_1343 = tpu.vector_load %arg12[%swap3A_1340, %swap3A_1341, %swap3A_1342] {strides = array<i32>} : memref<2x400x64xf32, #tpu.memory_space<vmem>>, vector<16xf32>,
        tpu.vector_store %arg12[%swap3A_1340, %swap3A_1341, %swap3A_1342], %mul3A_1339 {strides = array<i32>} : memref<2x400x64xf32, #tpu.memory_space<vmem>>, vector<16xf32>,
        %swap3A_1344 = arith.index_cast %rem3A_162 : i32 to index
        %swap3A_1345 = arith.index_cast %add3A_1255 : i32 to index
        %swap3A_1346 = arith.constant 0 : index
        %swap3A_1347 = tpu.vector_load %arg14[%swap3A_1344, %swap3A_1345, %swap3A_1346] {strides = array<i32>} : memref<2x400x16xf32, #tpu.memory_space<vmem>>, vector<16xf32>,
        tpu.vector_store %arg14[%swap3A_1344, %swap3A_1345, %swap3A_1346], %add3A_1334 {strides = array<i32>} : memref<2x400x16xf32, #tpu.memory_space<vmem>>, vector<16xf32>,
        %mul3A_1348 = arith.constant 16 : i32
        %mul3A_1349 = arith.muli %scan3A_266, %mul3A_1348 : i32
        %add3A_1350 = arith.constant 11 : i32
        %add3A_1351 = arith.addi %mul3A_1349, %add3A_1350 : i32
        %broadcast_in_dim3A_1352 = arith.constant 11 : i32
        %broadcast_in_dim3A_1353 = vector.broadcast %broadcast_in_dim3A_1352 : i32 to vector<16xi32>
        %broadcast_in_dim3A_1354 = arith.constant 0.000000e+00 : f32
        %broadcast_in_dim3A_1355 = vector.broadcast %broadcast_in_dim3A_1354 : f32 to vector<16xf32>
        %lt3A_1356 = arith.constant 0 : i32
        %lt3A_1357 = vector.broadcast %lt3A_1356 : i32 to vector<16xi32>
        %lt3A_1358 = arith.cmpi slt, %broadcast_in_dim3A_1353, %lt3A_1357 : vector<16xi32>
        %add3A_1359 = arith.constant 16 : i32
        %add3A_1360 = vector.broadcast %add3A_1359 : i32 to vector<16xi32>
        %add3A_1361 = arith.addi %broadcast_in_dim3A_1353, %add3A_1360 : vector<16xi32>
        %select_n3A_1362 = arith.select %lt3A_1358, %add3A_1361, %broadcast_in_dim3A_1353 : vector<16xi1>, vector<16xi32>
        %broadcast_in_dim3A_1363 = vector.shape_cast %select_n3A_1362 : vector<16xi32> to vector<16x1xi32>
        %gather3A_1364 = vector.shape_cast %broadcast_in_dim3A_1363 : vector<16x1xi32> to vector<16xi32>
        %gather3A_1365 = tpu.dynamic_gather %get3A_272[%gather3A_1364] in [0] : vector<16xf32>, vector<16xi32> -> vector<16xf32>
        %mul3A_1366 = arith.mulf %gather3A_1365, %select_n3A : vector<16xf32>
        %add3A_1367 = arith.addf %broadcast_in_dim3A_1355, %mul3A_1366 : vector<16xf32>
        %get3A_1368 = arith.index_cast %rem3A_162 : i32 to index
        %get3A_1369 = arith.index_cast %add3A_1351 : i32 to index
        %get3A_1370 = arith.constant 0 : index
        %get3A_1371 = tpu.vector_load %arg12[%get3A_1368, %get3A_1369, %get3A_1370] {strides = array<i32>} : memref<2x400x64xf32, #tpu.memory_space<vmem>>, vector<16xf32>,
        %mul3A_1372 = arith.mulf %get3A_1371, %gather3A_1365 : vector<16xf32>
        %swap3A_1373 = arith.index_cast %rem3A_162 : i32 to index
        %swap3A_1374 = arith.index_cast %add3A_1351 : i32 to index
        %swap3A_1375 = arith.constant 0 : index
        %swap3A_1376 = tpu.vector_load %arg12[%swap3A_1373, %swap3A_1374, %swap3A_1375] {strides = array<i32>} : memref<2x400x64xf32, #tpu.memory_space<vmem>>, vector<16xf32>,
        tpu.vector_store %arg12[%swap3A_1373, %swap3A_1374, %swap3A_1375], %mul3A_1372 {strides = array<i32>} : memref<2x400x64xf32, #tpu.memory_space<vmem>>, vector<16xf32>,
        %lt3A_1377 = arith.constant 0 : i32
        %lt3A_1378 = vector.broadcast %lt3A_1377 : i32 to vector<16xi32>
        %lt3A_1379 = arith.cmpi slt, %broadcast_in_dim3A_1353, %lt3A_1378 : vector<16xi32>
        %add3A_1380 = arith.constant 16 : i32
        %add3A_1381 = vector.broadcast %add3A_1380 : i32 to vector<16xi32>
        %add3A_1382 = arith.addi %broadcast_in_dim3A_1353, %add3A_1381 : vector<16xi32>
        %select_n3A_1383 = arith.select %lt3A_1379, %add3A_1382, %broadcast_in_dim3A_1353 : vector<16xi1>, vector<16xi32>
        %broadcast_in_dim3A_1384 = vector.shape_cast %select_n3A_1383 : vector<16xi32> to vector<16x1xi32>
        %gather3A_1385 = vector.shape_cast %broadcast_in_dim3A_1384 : vector<16x1xi32> to vector<16xi32>
        %gather3A_1386 = tpu.dynamic_gather %get3A_279[%gather3A_1385] in [0] : vector<16xf32>, vector<16xi32> -> vector<16xf32>
        %mul3A_1387 = arith.mulf %gather3A_1386, %select_n3A_20 : vector<16xf32>
        %add3A_1388 = arith.addf %add3A_1367, %mul3A_1387 : vector<16xf32>
        %get3A_1389 = arith.index_cast %rem3A_162 : i32 to index
        %get3A_1390 = arith.index_cast %add3A_1351 : i32 to index
        %get3A_1391 = arith.constant 16 : index
        %get3A_1392 = tpu.vector_load %arg12[%get3A_1389, %get3A_1390, %get3A_1391] {strides = array<i32>} : memref<2x400x64xf32, #tpu.memory_space<vmem>>, vector<16xf32>,
        %mul3A_1393 = arith.mulf %get3A_1392, %gather3A_1386 : vector<16xf32>
        %swap3A_1394 = arith.index_cast %rem3A_162 : i32 to index
        %swap3A_1395 = arith.index_cast %add3A_1351 : i32 to index
        %swap3A_1396 = arith.constant 16 : index
        %swap3A_1397 = tpu.vector_load %arg12[%swap3A_1394, %swap3A_1395, %swap3A_1396] {strides = array<i32>} : memref<2x400x64xf32, #tpu.memory_space<vmem>>, vector<16xf32>,
        tpu.vector_store %arg12[%swap3A_1394, %swap3A_1395, %swap3A_1396], %mul3A_1393 {strides = array<i32>} : memref<2x400x64xf32, #tpu.memory_space<vmem>>, vector<16xf32>,
        %lt3A_1398 = arith.constant 0 : i32
        %lt3A_1399 = vector.broadcast %lt3A_1398 : i32 to vector<16xi32>
        %lt3A_1400 = arith.cmpi slt, %broadcast_in_dim3A_1353, %lt3A_1399 : vector<16xi32>
        %add3A_1401 = arith.constant 16 : i32
        %add3A_1402 = vector.broadcast %add3A_1401 : i32 to vector<16xi32>
        %add3A_1403 = arith.addi %broadcast_in_dim3A_1353, %add3A_1402 : vector<16xi32>
        %select_n3A_1404 = arith.select %lt3A_1400, %add3A_1403, %broadcast_in_dim3A_1353 : vector<16xi1>, vector<16xi32>
        %broadcast_in_dim3A_1405 = vector.shape_cast %select_n3A_1404 : vector<16xi32> to vector<16x1xi32>
        %gather3A_1406 = vector.shape_cast %broadcast_in_dim3A_1405 : vector<16x1xi32> to vector<16xi32>
        %gather3A_1407 = tpu.dynamic_gather %get3A_286[%gather3A_1406] in [0] : vector<16xf32>, vector<16xi32> -> vector<16xf32>
        %mul3A_1408 = arith.mulf %gather3A_1407, %select_n3A_28 : vector<16xf32>
        %add3A_1409 = arith.addf %add3A_1388, %mul3A_1408 : vector<16xf32>
        %get3A_1410 = arith.index_cast %rem3A_162 : i32 to index
        %get3A_1411 = arith.index_cast %add3A_1351 : i32 to index
        %get3A_1412 = arith.constant 32 : index
        %get3A_1413 = tpu.vector_load %arg12[%get3A_1410, %get3A_1411, %get3A_1412] {strides = array<i32>} : memref<2x400x64xf32, #tpu.memory_space<vmem>>, vector<16xf32>,
        %mul3A_1414 = arith.mulf %get3A_1413, %gather3A_1407 : vector<16xf32>
        %swap3A_1415 = arith.index_cast %rem3A_162 : i32 to index
        %swap3A_1416 = arith.index_cast %add3A_1351 : i32 to index
        %swap3A_1417 = arith.constant 32 : index
        %swap3A_1418 = tpu.vector_load %arg12[%swap3A_1415, %swap3A_1416, %swap3A_1417] {strides = array<i32>} : memref<2x400x64xf32, #tpu.memory_space<vmem>>, vector<16xf32>,
        tpu.vector_store %arg12[%swap3A_1415, %swap3A_1416, %swap3A_1417], %mul3A_1414 {strides = array<i32>} : memref<2x400x64xf32, #tpu.memory_space<vmem>>, vector<16xf32>,
        %lt3A_1419 = arith.constant 0 : i32
        %lt3A_1420 = vector.broadcast %lt3A_1419 : i32 to vector<16xi32>
        %lt3A_1421 = arith.cmpi slt, %broadcast_in_dim3A_1353, %lt3A_1420 : vector<16xi32>
        %add3A_1422 = arith.constant 16 : i32
        %add3A_1423 = vector.broadcast %add3A_1422 : i32 to vector<16xi32>
        %add3A_1424 = arith.addi %broadcast_in_dim3A_1353, %add3A_1423 : vector<16xi32>
        %select_n3A_1425 = arith.select %lt3A_1421, %add3A_1424, %broadcast_in_dim3A_1353 : vector<16xi1>, vector<16xi32>
        %broadcast_in_dim3A_1426 = vector.shape_cast %select_n3A_1425 : vector<16xi32> to vector<16x1xi32>
        %gather3A_1427 = vector.shape_cast %broadcast_in_dim3A_1426 : vector<16x1xi32> to vector<16xi32>
        %gather3A_1428 = tpu.dynamic_gather %get3A_293[%gather3A_1427] in [0] : vector<16xf32>, vector<16xi32> -> vector<16xf32>
        %mul3A_1429 = arith.mulf %gather3A_1428, %select_n3A_36 : vector<16xf32>
        %add3A_1430 = arith.addf %add3A_1409, %mul3A_1429 : vector<16xf32>
        %get3A_1431 = arith.index_cast %rem3A_162 : i32 to index
        %get3A_1432 = arith.index_cast %add3A_1351 : i32 to index
        %get3A_1433 = arith.constant 48 : index
        %get3A_1434 = tpu.vector_load %arg12[%get3A_1431, %get3A_1432, %get3A_1433] {strides = array<i32>} : memref<2x400x64xf32, #tpu.memory_space<vmem>>, vector<16xf32>,
        %mul3A_1435 = arith.mulf %get3A_1434, %gather3A_1428 : vector<16xf32>
        %swap3A_1436 = arith.index_cast %rem3A_162 : i32 to index
        %swap3A_1437 = arith.index_cast %add3A_1351 : i32 to index
        %swap3A_1438 = arith.constant 48 : index
        %swap3A_1439 = tpu.vector_load %arg12[%swap3A_1436, %swap3A_1437, %swap3A_1438] {strides = array<i32>} : memref<2x400x64xf32, #tpu.memory_space<vmem>>, vector<16xf32>,
        tpu.vector_store %arg12[%swap3A_1436, %swap3A_1437, %swap3A_1438], %mul3A_1435 {strides = array<i32>} : memref<2x400x64xf32, #tpu.memory_space<vmem>>, vector<16xf32>,
        %swap3A_1440 = arith.index_cast %rem3A_162 : i32 to index
        %swap3A_1441 = arith.index_cast %add3A_1351 : i32 to index
        %swap3A_1442 = arith.constant 0 : index
        %swap3A_1443 = tpu.vector_load %arg14[%swap3A_1440, %swap3A_1441, %swap3A_1442] {strides = array<i32>} : memref<2x400x16xf32, #tpu.memory_space<vmem>>, vector<16xf32>,
        tpu.vector_store %arg14[%swap3A_1440, %swap3A_1441, %swap3A_1442], %add3A_1430 {strides = array<i32>} : memref<2x400x16xf32, #tpu.memory_space<vmem>>, vector<16xf32>,
        %mul3A_1444 = arith.constant 16 : i32
        %mul3A_1445 = arith.muli %scan3A_266, %mul3A_1444 : i32
        %add3A_1446 = arith.constant 12 : i32
        %add3A_1447 = arith.addi %mul3A_1445, %add3A_1446 : i32
        %broadcast_in_dim3A_1448 = arith.constant 12 : i32
        %broadcast_in_dim3A_1449 = vector.broadcast %broadcast_in_dim3A_1448 : i32 to vector<16xi32>
        %broadcast_in_dim3A_1450 = arith.constant 0.000000e+00 : f32
        %broadcast_in_dim3A_1451 = vector.broadcast %broadcast_in_dim3A_1450 : f32 to vector<16xf32>
        %lt3A_1452 = arith.constant 0 : i32
        %lt3A_1453 = vector.broadcast %lt3A_1452 : i32 to vector<16xi32>
        %lt3A_1454 = arith.cmpi slt, %broadcast_in_dim3A_1449, %lt3A_1453 : vector<16xi32>
        %add3A_1455 = arith.constant 16 : i32
        %add3A_1456 = vector.broadcast %add3A_1455 : i32 to vector<16xi32>
        %add3A_1457 = arith.addi %broadcast_in_dim3A_1449, %add3A_1456 : vector<16xi32>
        %select_n3A_1458 = arith.select %lt3A_1454, %add3A_1457, %broadcast_in_dim3A_1449 : vector<16xi1>, vector<16xi32>
        %broadcast_in_dim3A_1459 = vector.shape_cast %select_n3A_1458 : vector<16xi32> to vector<16x1xi32>
        %gather3A_1460 = vector.shape_cast %broadcast_in_dim3A_1459 : vector<16x1xi32> to vector<16xi32>
        %gather3A_1461 = tpu.dynamic_gather %get3A_272[%gather3A_1460] in [0] : vector<16xf32>, vector<16xi32> -> vector<16xf32>
        %mul3A_1462 = arith.mulf %gather3A_1461, %select_n3A : vector<16xf32>
        %add3A_1463 = arith.addf %broadcast_in_dim3A_1451, %mul3A_1462 : vector<16xf32>
        %get3A_1464 = arith.index_cast %rem3A_162 : i32 to index
        %get3A_1465 = arith.index_cast %add3A_1447 : i32 to index
        %get3A_1466 = arith.constant 0 : index
        %get3A_1467 = tpu.vector_load %arg12[%get3A_1464, %get3A_1465, %get3A_1466] {strides = array<i32>} : memref<2x400x64xf32, #tpu.memory_space<vmem>>, vector<16xf32>,
        %mul3A_1468 = arith.mulf %get3A_1467, %gather3A_1461 : vector<16xf32>
        %swap3A_1469 = arith.index_cast %rem3A_162 : i32 to index
        %swap3A_1470 = arith.index_cast %add3A_1447 : i32 to index
        %swap3A_1471 = arith.constant 0 : index
        %swap3A_1472 = tpu.vector_load %arg12[%swap3A_1469, %swap3A_1470, %swap3A_1471] {strides = array<i32>} : memref<2x400x64xf32, #tpu.memory_space<vmem>>, vector<16xf32>,
        tpu.vector_store %arg12[%swap3A_1469, %swap3A_1470, %swap3A_1471], %mul3A_1468 {strides = array<i32>} : memref<2x400x64xf32, #tpu.memory_space<vmem>>, vector<16xf32>,
        %lt3A_1473 = arith.constant 0 : i32
        %lt3A_1474 = vector.broadcast %lt3A_1473 : i32 to vector<16xi32>
        %lt3A_1475 = arith.cmpi slt, %broadcast_in_dim3A_1449, %lt3A_1474 : vector<16xi32>
        %add3A_1476 = arith.constant 16 : i32
        %add3A_1477 = vector.broadcast %add3A_1476 : i32 to vector<16xi32>
        %add3A_1478 = arith.addi %broadcast_in_dim3A_1449, %add3A_1477 : vector<16xi32>
        %select_n3A_1479 = arith.select %lt3A_1475, %add3A_1478, %broadcast_in_dim3A_1449 : vector<16xi1>, vector<16xi32>
        %broadcast_in_dim3A_1480 = vector.shape_cast %select_n3A_1479 : vector<16xi32> to vector<16x1xi32>
        %gather3A_1481 = vector.shape_cast %broadcast_in_dim3A_1480 : vector<16x1xi32> to vector<16xi32>
        %gather3A_1482 = tpu.dynamic_gather %get3A_279[%gather3A_1481] in [0] : vector<16xf32>, vector<16xi32> -> vector<16xf32>
        %mul3A_1483 = arith.mulf %gather3A_1482, %select_n3A_20 : vector<16xf32>
        %add3A_1484 = arith.addf %add3A_1463, %mul3A_1483 : vector<16xf32>
        %get3A_1485 = arith.index_cast %rem3A_162 : i32 to index
        %get3A_1486 = arith.index_cast %add3A_1447 : i32 to index
        %get3A_1487 = arith.constant 16 : index
        %get3A_1488 = tpu.vector_load %arg12[%get3A_1485, %get3A_1486, %get3A_1487] {strides = array<i32>} : memref<2x400x64xf32, #tpu.memory_space<vmem>>, vector<16xf32>,
        %mul3A_1489 = arith.mulf %get3A_1488, %gather3A_1482 : vector<16xf32>
        %swap3A_1490 = arith.index_cast %rem3A_162 : i32 to index
        %swap3A_1491 = arith.index_cast %add3A_1447 : i32 to index
        %swap3A_1492 = arith.constant 16 : index
        %swap3A_1493 = tpu.vector_load %arg12[%swap3A_1490, %swap3A_1491, %swap3A_1492] {strides = array<i32>} : memref<2x400x64xf32, #tpu.memory_space<vmem>>, vector<16xf32>,
        tpu.vector_store %arg12[%swap3A_1490, %swap3A_1491, %swap3A_1492], %mul3A_1489 {strides = array<i32>} : memref<2x400x64xf32, #tpu.memory_space<vmem>>, vector<16xf32>,
        %lt3A_1494 = arith.constant 0 : i32
        %lt3A_1495 = vector.broadcast %lt3A_1494 : i32 to vector<16xi32>
        %lt3A_1496 = arith.cmpi slt, %broadcast_in_dim3A_1449, %lt3A_1495 : vector<16xi32>
        %add3A_1497 = arith.constant 16 : i32
        %add3A_1498 = vector.broadcast %add3A_1497 : i32 to vector<16xi32>
        %add3A_1499 = arith.addi %broadcast_in_dim3A_1449, %add3A_1498 : vector<16xi32>
        %select_n3A_1500 = arith.select %lt3A_1496, %add3A_1499, %broadcast_in_dim3A_1449 : vector<16xi1>, vector<16xi32>
        %broadcast_in_dim3A_1501 = vector.shape_cast %select_n3A_1500 : vector<16xi32> to vector<16x1xi32>
        %gather3A_1502 = vector.shape_cast %broadcast_in_dim3A_1501 : vector<16x1xi32> to vector<16xi32>
        %gather3A_1503 = tpu.dynamic_gather %get3A_286[%gather3A_1502] in [0] : vector<16xf32>, vector<16xi32> -> vector<16xf32>
        %mul3A_1504 = arith.mulf %gather3A_1503, %select_n3A_28 : vector<16xf32>
        %add3A_1505 = arith.addf %add3A_1484, %mul3A_1504 : vector<16xf32>
        %get3A_1506 = arith.index_cast %rem3A_162 : i32 to index
        %get3A_1507 = arith.index_cast %add3A_1447 : i32 to index
        %get3A_1508 = arith.constant 32 : index
        %get3A_1509 = tpu.vector_load %arg12[%get3A_1506, %get3A_1507, %get3A_1508] {strides = array<i32>} : memref<2x400x64xf32, #tpu.memory_space<vmem>>, vector<16xf32>,
        %mul3A_1510 = arith.mulf %get3A_1509, %gather3A_1503 : vector<16xf32>
        %swap3A_1511 = arith.index_cast %rem3A_162 : i32 to index
        %swap3A_1512 = arith.index_cast %add3A_1447 : i32 to index
        %swap3A_1513 = arith.constant 32 : index
        %swap3A_1514 = tpu.vector_load %arg12[%swap3A_1511, %swap3A_1512, %swap3A_1513] {strides = array<i32>} : memref<2x400x64xf32, #tpu.memory_space<vmem>>, vector<16xf32>,
        tpu.vector_store %arg12[%swap3A_1511, %swap3A_1512, %swap3A_1513], %mul3A_1510 {strides = array<i32>} : memref<2x400x64xf32, #tpu.memory_space<vmem>>, vector<16xf32>,
        %lt3A_1515 = arith.constant 0 : i32
        %lt3A_1516 = vector.broadcast %lt3A_1515 : i32 to vector<16xi32>
        %lt3A_1517 = arith.cmpi slt, %broadcast_in_dim3A_1449, %lt3A_1516 : vector<16xi32>
        %add3A_1518 = arith.constant 16 : i32
        %add3A_1519 = vector.broadcast %add3A_1518 : i32 to vector<16xi32>
        %add3A_1520 = arith.addi %broadcast_in_dim3A_1449, %add3A_1519 : vector<16xi32>
        %select_n3A_1521 = arith.select %lt3A_1517, %add3A_1520, %broadcast_in_dim3A_1449 : vector<16xi1>, vector<16xi32>
        %broadcast_in_dim3A_1522 = vector.shape_cast %select_n3A_1521 : vector<16xi32> to vector<16x1xi32>
        %gather3A_1523 = vector.shape_cast %broadcast_in_dim3A_1522 : vector<16x1xi32> to vector<16xi32>
        %gather3A_1524 = tpu.dynamic_gather %get3A_293[%gather3A_1523] in [0] : vector<16xf32>, vector<16xi32> -> vector<16xf32>
        %mul3A_1525 = arith.mulf %gather3A_1524, %select_n3A_36 : vector<16xf32>
        %add3A_1526 = arith.addf %add3A_1505, %mul3A_1525 : vector<16xf32>
        %get3A_1527 = arith.index_cast %rem3A_162 : i32 to index
        %get3A_1528 = arith.index_cast %add3A_1447 : i32 to index
        %get3A_1529 = arith.constant 48 : index
        %get3A_1530 = tpu.vector_load %arg12[%get3A_1527, %get3A_1528, %get3A_1529] {strides = array<i32>} : memref<2x400x64xf32, #tpu.memory_space<vmem>>, vector<16xf32>,
        %mul3A_1531 = arith.mulf %get3A_1530, %gather3A_1524 : vector<16xf32>
        %swap3A_1532 = arith.index_cast %rem3A_162 : i32 to index
        %swap3A_1533 = arith.index_cast %add3A_1447 : i32 to index
        %swap3A_1534 = arith.constant 48 : index
        %swap3A_1535 = tpu.vector_load %arg12[%swap3A_1532, %swap3A_1533, %swap3A_1534] {strides = array<i32>} : memref<2x400x64xf32, #tpu.memory_space<vmem>>, vector<16xf32>,
        tpu.vector_store %arg12[%swap3A_1532, %swap3A_1533, %swap3A_1534], %mul3A_1531 {strides = array<i32>} : memref<2x400x64xf32, #tpu.memory_space<vmem>>, vector<16xf32>,
        %swap3A_1536 = arith.index_cast %rem3A_162 : i32 to index
        %swap3A_1537 = arith.index_cast %add3A_1447 : i32 to index
        %swap3A_1538 = arith.constant 0 : index
        %swap3A_1539 = tpu.vector_load %arg14[%swap3A_1536, %swap3A_1537, %swap3A_1538] {strides = array<i32>} : memref<2x400x16xf32, #tpu.memory_space<vmem>>, vector<16xf32>,
        tpu.vector_store %arg14[%swap3A_1536, %swap3A_1537, %swap3A_1538], %add3A_1526 {strides = array<i32>} : memref<2x400x16xf32, #tpu.memory_space<vmem>>, vector<16xf32>,
        %mul3A_1540 = arith.constant 16 : i32
        %mul3A_1541 = arith.muli %scan3A_266, %mul3A_1540 : i32
        %add3A_1542 = arith.constant 13 : i32
        %add3A_1543 = arith.addi %mul3A_1541, %add3A_1542 : i32
        %broadcast_in_dim3A_1544 = arith.constant 13 : i32
        %broadcast_in_dim3A_1545 = vector.broadcast %broadcast_in_dim3A_1544 : i32 to vector<16xi32>
        %broadcast_in_dim3A_1546 = arith.constant 0.000000e+00 : f32
        %broadcast_in_dim3A_1547 = vector.broadcast %broadcast_in_dim3A_1546 : f32 to vector<16xf32>
        %lt3A_1548 = arith.constant 0 : i32
        %lt3A_1549 = vector.broadcast %lt3A_1548 : i32 to vector<16xi32>
        %lt3A_1550 = arith.cmpi slt, %broadcast_in_dim3A_1545, %lt3A_1549 : vector<16xi32>
        %add3A_1551 = arith.constant 16 : i32
        %add3A_1552 = vector.broadcast %add3A_1551 : i32 to vector<16xi32>
        %add3A_1553 = arith.addi %broadcast_in_dim3A_1545, %add3A_1552 : vector<16xi32>
        %select_n3A_1554 = arith.select %lt3A_1550, %add3A_1553, %broadcast_in_dim3A_1545 : vector<16xi1>, vector<16xi32>
        %broadcast_in_dim3A_1555 = vector.shape_cast %select_n3A_1554 : vector<16xi32> to vector<16x1xi32>
        %gather3A_1556 = vector.shape_cast %broadcast_in_dim3A_1555 : vector<16x1xi32> to vector<16xi32>
        %gather3A_1557 = tpu.dynamic_gather %get3A_272[%gather3A_1556] in [0] : vector<16xf32>, vector<16xi32> -> vector<16xf32>
        %mul3A_1558 = arith.mulf %gather3A_1557, %select_n3A : vector<16xf32>
        %add3A_1559 = arith.addf %broadcast_in_dim3A_1547, %mul3A_1558 : vector<16xf32>
        %get3A_1560 = arith.index_cast %rem3A_162 : i32 to index
        %get3A_1561 = arith.index_cast %add3A_1543 : i32 to index
        %get3A_1562 = arith.constant 0 : index
        %get3A_1563 = tpu.vector_load %arg12[%get3A_1560, %get3A_1561, %get3A_1562] {strides = array<i32>} : memref<2x400x64xf32, #tpu.memory_space<vmem>>, vector<16xf32>,
        %mul3A_1564 = arith.mulf %get3A_1563, %gather3A_1557 : vector<16xf32>
        %swap3A_1565 = arith.index_cast %rem3A_162 : i32 to index
        %swap3A_1566 = arith.index_cast %add3A_1543 : i32 to index
        %swap3A_1567 = arith.constant 0 : index
        %swap3A_1568 = tpu.vector_load %arg12[%swap3A_1565, %swap3A_1566, %swap3A_1567] {strides = array<i32>} : memref<2x400x64xf32, #tpu.memory_space<vmem>>, vector<16xf32>,
        tpu.vector_store %arg12[%swap3A_1565, %swap3A_1566, %swap3A_1567], %mul3A_1564 {strides = array<i32>} : memref<2x400x64xf32, #tpu.memory_space<vmem>>, vector<16xf32>,
        %lt3A_1569 = arith.constant 0 : i32
        %lt3A_1570 = vector.broadcast %lt3A_1569 : i32 to vector<16xi32>
        %lt3A_1571 = arith.cmpi slt, %broadcast_in_dim3A_1545, %lt3A_1570 : vector<16xi32>
        %add3A_1572 = arith.constant 16 : i32
        %add3A_1573 = vector.broadcast %add3A_1572 : i32 to vector<16xi32>
        %add3A_1574 = arith.addi %broadcast_in_dim3A_1545, %add3A_1573 : vector<16xi32>
        %select_n3A_1575 = arith.select %lt3A_1571, %add3A_1574, %broadcast_in_dim3A_1545 : vector<16xi1>, vector<16xi32>
        %broadcast_in_dim3A_1576 = vector.shape_cast %select_n3A_1575 : vector<16xi32> to vector<16x1xi32>
        %gather3A_1577 = vector.shape_cast %broadcast_in_dim3A_1576 : vector<16x1xi32> to vector<16xi32>
        %gather3A_1578 = tpu.dynamic_gather %get3A_279[%gather3A_1577] in [0] : vector<16xf32>, vector<16xi32> -> vector<16xf32>
        %mul3A_1579 = arith.mulf %gather3A_1578, %select_n3A_20 : vector<16xf32>
        %add3A_1580 = arith.addf %add3A_1559, %mul3A_1579 : vector<16xf32>
        %get3A_1581 = arith.index_cast %rem3A_162 : i32 to index
        %get3A_1582 = arith.index_cast %add3A_1543 : i32 to index
        %get3A_1583 = arith.constant 16 : index
        %get3A_1584 = tpu.vector_load %arg12[%get3A_1581, %get3A_1582, %get3A_1583] {strides = array<i32>} : memref<2x400x64xf32, #tpu.memory_space<vmem>>, vector<16xf32>,
        %mul3A_1585 = arith.mulf %get3A_1584, %gather3A_1578 : vector<16xf32>
        %swap3A_1586 = arith.index_cast %rem3A_162 : i32 to index
        %swap3A_1587 = arith.index_cast %add3A_1543 : i32 to index
        %swap3A_1588 = arith.constant 16 : index
        %swap3A_1589 = tpu.vector_load %arg12[%swap3A_1586, %swap3A_1587, %swap3A_1588] {strides = array<i32>} : memref<2x400x64xf32, #tpu.memory_space<vmem>>, vector<16xf32>,
        tpu.vector_store %arg12[%swap3A_1586, %swap3A_1587, %swap3A_1588], %mul3A_1585 {strides = array<i32>} : memref<2x400x64xf32, #tpu.memory_space<vmem>>, vector<16xf32>,
        %lt3A_1590 = arith.constant 0 : i32
        %lt3A_1591 = vector.broadcast %lt3A_1590 : i32 to vector<16xi32>
        %lt3A_1592 = arith.cmpi slt, %broadcast_in_dim3A_1545, %lt3A_1591 : vector<16xi32>
        %add3A_1593 = arith.constant 16 : i32
        %add3A_1594 = vector.broadcast %add3A_1593 : i32 to vector<16xi32>
        %add3A_1595 = arith.addi %broadcast_in_dim3A_1545, %add3A_1594 : vector<16xi32>
        %select_n3A_1596 = arith.select %lt3A_1592, %add3A_1595, %broadcast_in_dim3A_1545 : vector<16xi1>, vector<16xi32>
        %broadcast_in_dim3A_1597 = vector.shape_cast %select_n3A_1596 : vector<16xi32> to vector<16x1xi32>
        %gather3A_1598 = vector.shape_cast %broadcast_in_dim3A_1597 : vector<16x1xi32> to vector<16xi32>
        %gather3A_1599 = tpu.dynamic_gather %get3A_286[%gather3A_1598] in [0] : vector<16xf32>, vector<16xi32> -> vector<16xf32>
        %mul3A_1600 = arith.mulf %gather3A_1599, %select_n3A_28 : vector<16xf32>
        %add3A_1601 = arith.addf %add3A_1580, %mul3A_1600 : vector<16xf32>
        %get3A_1602 = arith.index_cast %rem3A_162 : i32 to index
        %get3A_1603 = arith.index_cast %add3A_1543 : i32 to index
        %get3A_1604 = arith.constant 32 : index
        %get3A_1605 = tpu.vector_load %arg12[%get3A_1602, %get3A_1603, %get3A_1604] {strides = array<i32>} : memref<2x400x64xf32, #tpu.memory_space<vmem>>, vector<16xf32>,
        %mul3A_1606 = arith.mulf %get3A_1605, %gather3A_1599 : vector<16xf32>
        %swap3A_1607 = arith.index_cast %rem3A_162 : i32 to index
        %swap3A_1608 = arith.index_cast %add3A_1543 : i32 to index
        %swap3A_1609 = arith.constant 32 : index
        %swap3A_1610 = tpu.vector_load %arg12[%swap3A_1607, %swap3A_1608, %swap3A_1609] {strides = array<i32>} : memref<2x400x64xf32, #tpu.memory_space<vmem>>, vector<16xf32>,
        tpu.vector_store %arg12[%swap3A_1607, %swap3A_1608, %swap3A_1609], %mul3A_1606 {strides = array<i32>} : memref<2x400x64xf32, #tpu.memory_space<vmem>>, vector<16xf32>,
        %lt3A_1611 = arith.constant 0 : i32
        %lt3A_1612 = vector.broadcast %lt3A_1611 : i32 to vector<16xi32>
        %lt3A_1613 = arith.cmpi slt, %broadcast_in_dim3A_1545, %lt3A_1612 : vector<16xi32>
        %add3A_1614 = arith.constant 16 : i32
        %add3A_1615 = vector.broadcast %add3A_1614 : i32 to vector<16xi32>
        %add3A_1616 = arith.addi %broadcast_in_dim3A_1545, %add3A_1615 : vector<16xi32>
        %select_n3A_1617 = arith.select %lt3A_1613, %add3A_1616, %broadcast_in_dim3A_1545 : vector<16xi1>, vector<16xi32>
        %broadcast_in_dim3A_1618 = vector.shape_cast %select_n3A_1617 : vector<16xi32> to vector<16x1xi32>
        %gather3A_1619 = vector.shape_cast %broadcast_in_dim3A_1618 : vector<16x1xi32> to vector<16xi32>
        %gather3A_1620 = tpu.dynamic_gather %get3A_293[%gather3A_1619] in [0] : vector<16xf32>, vector<16xi32> -> vector<16xf32>
        %mul3A_1621 = arith.mulf %gather3A_1620, %select_n3A_36 : vector<16xf32>
        %add3A_1622 = arith.addf %add3A_1601, %mul3A_1621 : vector<16xf32>
        %get3A_1623 = arith.index_cast %rem3A_162 : i32 to index
        %get3A_1624 = arith.index_cast %add3A_1543 : i32 to index
        %get3A_1625 = arith.constant 48 : index
        %get3A_1626 = tpu.vector_load %arg12[%get3A_1623, %get3A_1624, %get3A_1625] {strides = array<i32>} : memref<2x400x64xf32, #tpu.memory_space<vmem>>, vector<16xf32>,
        %mul3A_1627 = arith.mulf %get3A_1626, %gather3A_1620 : vector<16xf32>
        %swap3A_1628 = arith.index_cast %rem3A_162 : i32 to index
        %swap3A_1629 = arith.index_cast %add3A_1543 : i32 to index
        %swap3A_1630 = arith.constant 48 : index
        %swap3A_1631 = tpu.vector_load %arg12[%swap3A_1628, %swap3A_1629, %swap3A_1630] {strides = array<i32>} : memref<2x400x64xf32, #tpu.memory_space<vmem>>, vector<16xf32>,
        tpu.vector_store %arg12[%swap3A_1628, %swap3A_1629, %swap3A_1630], %mul3A_1627 {strides = array<i32>} : memref<2x400x64xf32, #tpu.memory_space<vmem>>, vector<16xf32>,
        %swap3A_1632 = arith.index_cast %rem3A_162 : i32 to index
        %swap3A_1633 = arith.index_cast %add3A_1543 : i32 to index
        %swap3A_1634 = arith.constant 0 : index
        %swap3A_1635 = tpu.vector_load %arg14[%swap3A_1632, %swap3A_1633, %swap3A_1634] {strides = array<i32>} : memref<2x400x16xf32, #tpu.memory_space<vmem>>, vector<16xf32>,
        tpu.vector_store %arg14[%swap3A_1632, %swap3A_1633, %swap3A_1634], %add3A_1622 {strides = array<i32>} : memref<2x400x16xf32, #tpu.memory_space<vmem>>, vector<16xf32>,
        %mul3A_1636 = arith.constant 16 : i32
        %mul3A_1637 = arith.muli %scan3A_266, %mul3A_1636 : i32
        %add3A_1638 = arith.constant 14 : i32
        %add3A_1639 = arith.addi %mul3A_1637, %add3A_1638 : i32
        %broadcast_in_dim3A_1640 = arith.constant 14 : i32
        %broadcast_in_dim3A_1641 = vector.broadcast %broadcast_in_dim3A_1640 : i32 to vector<16xi32>
        %broadcast_in_dim3A_1642 = arith.constant 0.000000e+00 : f32
        %broadcast_in_dim3A_1643 = vector.broadcast %broadcast_in_dim3A_1642 : f32 to vector<16xf32>
        %lt3A_1644 = arith.constant 0 : i32
        %lt3A_1645 = vector.broadcast %lt3A_1644 : i32 to vector<16xi32>
        %lt3A_1646 = arith.cmpi slt, %broadcast_in_dim3A_1641, %lt3A_1645 : vector<16xi32>
        %add3A_1647 = arith.constant 16 : i32
        %add3A_1648 = vector.broadcast %add3A_1647 : i32 to vector<16xi32>
        %add3A_1649 = arith.addi %broadcast_in_dim3A_1641, %add3A_1648 : vector<16xi32>
        %select_n3A_1650 = arith.select %lt3A_1646, %add3A_1649, %broadcast_in_dim3A_1641 : vector<16xi1>, vector<16xi32>
        %broadcast_in_dim3A_1651 = vector.shape_cast %select_n3A_1650 : vector<16xi32> to vector<16x1xi32>
        %gather3A_1652 = vector.shape_cast %broadcast_in_dim3A_1651 : vector<16x1xi32> to vector<16xi32>
        %gather3A_1653 = tpu.dynamic_gather %get3A_272[%gather3A_1652] in [0] : vector<16xf32>, vector<16xi32> -> vector<16xf32>
        %mul3A_1654 = arith.mulf %gather3A_1653, %select_n3A : vector<16xf32>
        %add3A_1655 = arith.addf %broadcast_in_dim3A_1643, %mul3A_1654 : vector<16xf32>
        %get3A_1656 = arith.index_cast %rem3A_162 : i32 to index
        %get3A_1657 = arith.index_cast %add3A_1639 : i32 to index
        %get3A_1658 = arith.constant 0 : index
        %get3A_1659 = tpu.vector_load %arg12[%get3A_1656, %get3A_1657, %get3A_1658] {strides = array<i32>} : memref<2x400x64xf32, #tpu.memory_space<vmem>>, vector<16xf32>,
        %mul3A_1660 = arith.mulf %get3A_1659, %gather3A_1653 : vector<16xf32>
        %swap3A_1661 = arith.index_cast %rem3A_162 : i32 to index
        %swap3A_1662 = arith.index_cast %add3A_1639 : i32 to index
        %swap3A_1663 = arith.constant 0 : index
        %swap3A_1664 = tpu.vector_load %arg12[%swap3A_1661, %swap3A_1662, %swap3A_1663] {strides = array<i32>} : memref<2x400x64xf32, #tpu.memory_space<vmem>>, vector<16xf32>,
        tpu.vector_store %arg12[%swap3A_1661, %swap3A_1662, %swap3A_1663], %mul3A_1660 {strides = array<i32>} : memref<2x400x64xf32, #tpu.memory_space<vmem>>, vector<16xf32>,
        %lt3A_1665 = arith.constant 0 : i32
        %lt3A_1666 = vector.broadcast %lt3A_1665 : i32 to vector<16xi32>
        %lt3A_1667 = arith.cmpi slt, %broadcast_in_dim3A_1641, %lt3A_1666 : vector<16xi32>
        %add3A_1668 = arith.constant 16 : i32
        %add3A_1669 = vector.broadcast %add3A_1668 : i32 to vector<16xi32>
        %add3A_1670 = arith.addi %broadcast_in_dim3A_1641, %add3A_1669 : vector<16xi32>
        %select_n3A_1671 = arith.select %lt3A_1667, %add3A_1670, %broadcast_in_dim3A_1641 : vector<16xi1>, vector<16xi32>
        %broadcast_in_dim3A_1672 = vector.shape_cast %select_n3A_1671 : vector<16xi32> to vector<16x1xi32>
        %gather3A_1673 = vector.shape_cast %broadcast_in_dim3A_1672 : vector<16x1xi32> to vector<16xi32>
        %gather3A_1674 = tpu.dynamic_gather %get3A_279[%gather3A_1673] in [0] : vector<16xf32>, vector<16xi32> -> vector<16xf32>
        %mul3A_1675 = arith.mulf %gather3A_1674, %select_n3A_20 : vector<16xf32>
        %add3A_1676 = arith.addf %add3A_1655, %mul3A_1675 : vector<16xf32>
        %get3A_1677 = arith.index_cast %rem3A_162 : i32 to index
        %get3A_1678 = arith.index_cast %add3A_1639 : i32 to index
        %get3A_1679 = arith.constant 16 : index
        %get3A_1680 = tpu.vector_load %arg12[%get3A_1677, %get3A_1678, %get3A_1679] {strides = array<i32>} : memref<2x400x64xf32, #tpu.memory_space<vmem>>, vector<16xf32>,
        %mul3A_1681 = arith.mulf %get3A_1680, %gather3A_1674 : vector<16xf32>
        %swap3A_1682 = arith.index_cast %rem3A_162 : i32 to index
        %swap3A_1683 = arith.index_cast %add3A_1639 : i32 to index
        %swap3A_1684 = arith.constant 16 : index
        %swap3A_1685 = tpu.vector_load %arg12[%swap3A_1682, %swap3A_1683, %swap3A_1684] {strides = array<i32>} : memref<2x400x64xf32, #tpu.memory_space<vmem>>, vector<16xf32>,
        tpu.vector_store %arg12[%swap3A_1682, %swap3A_1683, %swap3A_1684], %mul3A_1681 {strides = array<i32>} : memref<2x400x64xf32, #tpu.memory_space<vmem>>, vector<16xf32>,
        %lt3A_1686 = arith.constant 0 : i32
        %lt3A_1687 = vector.broadcast %lt3A_1686 : i32 to vector<16xi32>
        %lt3A_1688 = arith.cmpi slt, %broadcast_in_dim3A_1641, %lt3A_1687 : vector<16xi32>
        %add3A_1689 = arith.constant 16 : i32
        %add3A_1690 = vector.broadcast %add3A_1689 : i32 to vector<16xi32>
        %add3A_1691 = arith.addi %broadcast_in_dim3A_1641, %add3A_1690 : vector<16xi32>
        %select_n3A_1692 = arith.select %lt3A_1688, %add3A_1691, %broadcast_in_dim3A_1641 : vector<16xi1>, vector<16xi32>
        %broadcast_in_dim3A_1693 = vector.shape_cast %select_n3A_1692 : vector<16xi32> to vector<16x1xi32>
        %gather3A_1694 = vector.shape_cast %broadcast_in_dim3A_1693 : vector<16x1xi32> to vector<16xi32>
        %gather3A_1695 = tpu.dynamic_gather %get3A_286[%gather3A_1694] in [0] : vector<16xf32>, vector<16xi32> -> vector<16xf32>
        %mul3A_1696 = arith.mulf %gather3A_1695, %select_n3A_28 : vector<16xf32>
        %add3A_1697 = arith.addf %add3A_1676, %mul3A_1696 : vector<16xf32>
        %get3A_1698 = arith.index_cast %rem3A_162 : i32 to index
        %get3A_1699 = arith.index_cast %add3A_1639 : i32 to index
        %get3A_1700 = arith.constant 32 : index
        %get3A_1701 = tpu.vector_load %arg12[%get3A_1698, %get3A_1699, %get3A_1700] {strides = array<i32>} : memref<2x400x64xf32, #tpu.memory_space<vmem>>, vector<16xf32>,
        %mul3A_1702 = arith.mulf %get3A_1701, %gather3A_1695 : vector<16xf32>
        %swap3A_1703 = arith.index_cast %rem3A_162 : i32 to index
        %swap3A_1704 = arith.index_cast %add3A_1639 : i32 to index
        %swap3A_1705 = arith.constant 32 : index
        %swap3A_1706 = tpu.vector_load %arg12[%swap3A_1703, %swap3A_1704, %swap3A_1705] {strides = array<i32>} : memref<2x400x64xf32, #tpu.memory_space<vmem>>, vector<16xf32>,
        tpu.vector_store %arg12[%swap3A_1703, %swap3A_1704, %swap3A_1705], %mul3A_1702 {strides = array<i32>} : memref<2x400x64xf32, #tpu.memory_space<vmem>>, vector<16xf32>,
        %lt3A_1707 = arith.constant 0 : i32
        %lt3A_1708 = vector.broadcast %lt3A_1707 : i32 to vector<16xi32>
        %lt3A_1709 = arith.cmpi slt, %broadcast_in_dim3A_1641, %lt3A_1708 : vector<16xi32>
        %add3A_1710 = arith.constant 16 : i32
        %add3A_1711 = vector.broadcast %add3A_1710 : i32 to vector<16xi32>
        %add3A_1712 = arith.addi %broadcast_in_dim3A_1641, %add3A_1711 : vector<16xi32>
        %select_n3A_1713 = arith.select %lt3A_1709, %add3A_1712, %broadcast_in_dim3A_1641 : vector<16xi1>, vector<16xi32>
        %broadcast_in_dim3A_1714 = vector.shape_cast %select_n3A_1713 : vector<16xi32> to vector<16x1xi32>
        %gather3A_1715 = vector.shape_cast %broadcast_in_dim3A_1714 : vector<16x1xi32> to vector<16xi32>
        %gather3A_1716 = tpu.dynamic_gather %get3A_293[%gather3A_1715] in [0] : vector<16xf32>, vector<16xi32> -> vector<16xf32>
        %mul3A_1717 = arith.mulf %gather3A_1716, %select_n3A_36 : vector<16xf32>
        %add3A_1718 = arith.addf %add3A_1697, %mul3A_1717 : vector<16xf32>
        %get3A_1719 = arith.index_cast %rem3A_162 : i32 to index
        %get3A_1720 = arith.index_cast %add3A_1639 : i32 to index
        %get3A_1721 = arith.constant 48 : index
        %get3A_1722 = tpu.vector_load %arg12[%get3A_1719, %get3A_1720, %get3A_1721] {strides = array<i32>} : memref<2x400x64xf32, #tpu.memory_space<vmem>>, vector<16xf32>,
        %mul3A_1723 = arith.mulf %get3A_1722, %gather3A_1716 : vector<16xf32>
        %swap3A_1724 = arith.index_cast %rem3A_162 : i32 to index
        %swap3A_1725 = arith.index_cast %add3A_1639 : i32 to index
        %swap3A_1726 = arith.constant 48 : index
        %swap3A_1727 = tpu.vector_load %arg12[%swap3A_1724, %swap3A_1725, %swap3A_1726] {strides = array<i32>} : memref<2x400x64xf32, #tpu.memory_space<vmem>>, vector<16xf32>,
        tpu.vector_store %arg12[%swap3A_1724, %swap3A_1725, %swap3A_1726], %mul3A_1723 {strides = array<i32>} : memref<2x400x64xf32, #tpu.memory_space<vmem>>, vector<16xf32>,
        %swap3A_1728 = arith.index_cast %rem3A_162 : i32 to index
        %swap3A_1729 = arith.index_cast %add3A_1639 : i32 to index
        %swap3A_1730 = arith.constant 0 : index
        %swap3A_1731 = tpu.vector_load %arg14[%swap3A_1728, %swap3A_1729, %swap3A_1730] {strides = array<i32>} : memref<2x400x16xf32, #tpu.memory_space<vmem>>, vector<16xf32>,
        tpu.vector_store %arg14[%swap3A_1728, %swap3A_1729, %swap3A_1730], %add3A_1718 {strides = array<i32>} : memref<2x400x16xf32, #tpu.memory_space<vmem>>, vector<16xf32>,
        %mul3A_1732 = arith.constant 16 : i32
        %mul3A_1733 = arith.muli %scan3A_266, %mul3A_1732 : i32
        %add3A_1734 = arith.constant 15 : i32
        %add3A_1735 = arith.addi %mul3A_1733, %add3A_1734 : i32
        %broadcast_in_dim3A_1736 = arith.constant 15 : i32
        %broadcast_in_dim3A_1737 = vector.broadcast %broadcast_in_dim3A_1736 : i32 to vector<16xi32>
        %broadcast_in_dim3A_1738 = arith.constant 0.000000e+00 : f32
        %broadcast_in_dim3A_1739 = vector.broadcast %broadcast_in_dim3A_1738 : f32 to vector<16xf32>
        %lt3A_1740 = arith.constant 0 : i32
        %lt3A_1741 = vector.broadcast %lt3A_1740 : i32 to vector<16xi32>
        %lt3A_1742 = arith.cmpi slt, %broadcast_in_dim3A_1737, %lt3A_1741 : vector<16xi32>
        %add3A_1743 = arith.constant 16 : i32
        %add3A_1744 = vector.broadcast %add3A_1743 : i32 to vector<16xi32>
        %add3A_1745 = arith.addi %broadcast_in_dim3A_1737, %add3A_1744 : vector<16xi32>
        %select_n3A_1746 = arith.select %lt3A_1742, %add3A_1745, %broadcast_in_dim3A_1737 : vector<16xi1>, vector<16xi32>
        %broadcast_in_dim3A_1747 = vector.shape_cast %select_n3A_1746 : vector<16xi32> to vector<16x1xi32>
        %gather3A_1748 = vector.shape_cast %broadcast_in_dim3A_1747 : vector<16x1xi32> to vector<16xi32>
        %gather3A_1749 = tpu.dynamic_gather %get3A_272[%gather3A_1748] in [0] : vector<16xf32>, vector<16xi32> -> vector<16xf32>
        %mul3A_1750 = arith.mulf %gather3A_1749, %select_n3A : vector<16xf32>
        %add3A_1751 = arith.addf %broadcast_in_dim3A_1739, %mul3A_1750 : vector<16xf32>
        %get3A_1752 = arith.index_cast %rem3A_162 : i32 to index
        %get3A_1753 = arith.index_cast %add3A_1735 : i32 to index
        %get3A_1754 = arith.constant 0 : index
        %get3A_1755 = tpu.vector_load %arg12[%get3A_1752, %get3A_1753, %get3A_1754] {strides = array<i32>} : memref<2x400x64xf32, #tpu.memory_space<vmem>>, vector<16xf32>,
        %mul3A_1756 = arith.mulf %get3A_1755, %gather3A_1749 : vector<16xf32>
        %swap3A_1757 = arith.index_cast %rem3A_162 : i32 to index
        %swap3A_1758 = arith.index_cast %add3A_1735 : i32 to index
        %swap3A_1759 = arith.constant 0 : index
        %swap3A_1760 = tpu.vector_load %arg12[%swap3A_1757, %swap3A_1758, %swap3A_1759] {strides = array<i32>} : memref<2x400x64xf32, #tpu.memory_space<vmem>>, vector<16xf32>,
        tpu.vector_store %arg12[%swap3A_1757, %swap3A_1758, %swap3A_1759], %mul3A_1756 {strides = array<i32>} : memref<2x400x64xf32, #tpu.memory_space<vmem>>, vector<16xf32>,
        %lt3A_1761 = arith.constant 0 : i32
        %lt3A_1762 = vector.broadcast %lt3A_1761 : i32 to vector<16xi32>
        %lt3A_1763 = arith.cmpi slt, %broadcast_in_dim3A_1737, %lt3A_1762 : vector<16xi32>
        %add3A_1764 = arith.constant 16 : i32
        %add3A_1765 = vector.broadcast %add3A_1764 : i32 to vector<16xi32>
        %add3A_1766 = arith.addi %broadcast_in_dim3A_1737, %add3A_1765 : vector<16xi32>
        %select_n3A_1767 = arith.select %lt3A_1763, %add3A_1766, %broadcast_in_dim3A_1737 : vector<16xi1>, vector<16xi32>
        %broadcast_in_dim3A_1768 = vector.shape_cast %select_n3A_1767 : vector<16xi32> to vector<16x1xi32>
        %gather3A_1769 = vector.shape_cast %broadcast_in_dim3A_1768 : vector<16x1xi32> to vector<16xi32>
        %gather3A_1770 = tpu.dynamic_gather %get3A_279[%gather3A_1769] in [0] : vector<16xf32>, vector<16xi32> -> vector<16xf32>
        %mul3A_1771 = arith.mulf %gather3A_1770, %select_n3A_20 : vector<16xf32>
        %add3A_1772 = arith.addf %add3A_1751, %mul3A_1771 : vector<16xf32>
        %get3A_1773 = arith.index_cast %rem3A_162 : i32 to index
        %get3A_1774 = arith.index_cast %add3A_1735 : i32 to index
        %get3A_1775 = arith.constant 16 : index
        %get3A_1776 = tpu.vector_load %arg12[%get3A_1773, %get3A_1774, %get3A_1775] {strides = array<i32>} : memref<2x400x64xf32, #tpu.memory_space<vmem>>, vector<16xf32>,
        %mul3A_1777 = arith.mulf %get3A_1776, %gather3A_1770 : vector<16xf32>
        %swap3A_1778 = arith.index_cast %rem3A_162 : i32 to index
        %swap3A_1779 = arith.index_cast %add3A_1735 : i32 to index
        %swap3A_1780 = arith.constant 16 : index
        %swap3A_1781 = tpu.vector_load %arg12[%swap3A_1778, %swap3A_1779, %swap3A_1780] {strides = array<i32>} : memref<2x400x64xf32, #tpu.memory_space<vmem>>, vector<16xf32>,
        tpu.vector_store %arg12[%swap3A_1778, %swap3A_1779, %swap3A_1780], %mul3A_1777 {strides = array<i32>} : memref<2x400x64xf32, #tpu.memory_space<vmem>>, vector<16xf32>,
        %lt3A_1782 = arith.constant 0 : i32
        %lt3A_1783 = vector.broadcast %lt3A_1782 : i32 to vector<16xi32>
        %lt3A_1784 = arith.cmpi slt, %broadcast_in_dim3A_1737, %lt3A_1783 : vector<16xi32>
        %add3A_1785 = arith.constant 16 : i32
        %add3A_1786 = vector.broadcast %add3A_1785 : i32 to vector<16xi32>
        %add3A_1787 = arith.addi %broadcast_in_dim3A_1737, %add3A_1786 : vector<16xi32>
        %select_n3A_1788 = arith.select %lt3A_1784, %add3A_1787, %broadcast_in_dim3A_1737 : vector<16xi1>, vector<16xi32>
        %broadcast_in_dim3A_1789 = vector.shape_cast %select_n3A_1788 : vector<16xi32> to vector<16x1xi32>
        %gather3A_1790 = vector.shape_cast %broadcast_in_dim3A_1789 : vector<16x1xi32> to vector<16xi32>
        %gather3A_1791 = tpu.dynamic_gather %get3A_286[%gather3A_1790] in [0] : vector<16xf32>, vector<16xi32> -> vector<16xf32>
        %mul3A_1792 = arith.mulf %gather3A_1791, %select_n3A_28 : vector<16xf32>
        %add3A_1793 = arith.addf %add3A_1772, %mul3A_1792 : vector<16xf32>
        %get3A_1794 = arith.index_cast %rem3A_162 : i32 to index
        %get3A_1795 = arith.index_cast %add3A_1735 : i32 to index
        %get3A_1796 = arith.constant 32 : index
        %get3A_1797 = tpu.vector_load %arg12[%get3A_1794, %get3A_1795, %get3A_1796] {strides = array<i32>} : memref<2x400x64xf32, #tpu.memory_space<vmem>>, vector<16xf32>,
        %mul3A_1798 = arith.mulf %get3A_1797, %gather3A_1791 : vector<16xf32>
        %swap3A_1799 = arith.index_cast %rem3A_162 : i32 to index
        %swap3A_1800 = arith.index_cast %add3A_1735 : i32 to index
        %swap3A_1801 = arith.constant 32 : index
        %swap3A_1802 = tpu.vector_load %arg12[%swap3A_1799, %swap3A_1800, %swap3A_1801] {strides = array<i32>} : memref<2x400x64xf32, #tpu.memory_space<vmem>>, vector<16xf32>,
        tpu.vector_store %arg12[%swap3A_1799, %swap3A_1800, %swap3A_1801], %mul3A_1798 {strides = array<i32>} : memref<2x400x64xf32, #tpu.memory_space<vmem>>, vector<16xf32>,
        %lt3A_1803 = arith.constant 0 : i32
        %lt3A_1804 = vector.broadcast %lt3A_1803 : i32 to vector<16xi32>
        %lt3A_1805 = arith.cmpi slt, %broadcast_in_dim3A_1737, %lt3A_1804 : vector<16xi32>
        %add3A_1806 = arith.constant 16 : i32
        %add3A_1807 = vector.broadcast %add3A_1806 : i32 to vector<16xi32>
        %add3A_1808 = arith.addi %broadcast_in_dim3A_1737, %add3A_1807 : vector<16xi32>
        %select_n3A_1809 = arith.select %lt3A_1805, %add3A_1808, %broadcast_in_dim3A_1737 : vector<16xi1>, vector<16xi32>
        %broadcast_in_dim3A_1810 = vector.shape_cast %select_n3A_1809 : vector<16xi32> to vector<16x1xi32>
        %gather3A_1811 = vector.shape_cast %broadcast_in_dim3A_1810 : vector<16x1xi32> to vector<16xi32>
        %gather3A_1812 = tpu.dynamic_gather %get3A_293[%gather3A_1811] in [0] : vector<16xf32>, vector<16xi32> -> vector<16xf32>
        %mul3A_1813 = arith.mulf %gather3A_1812, %select_n3A_36 : vector<16xf32>
        %add3A_1814 = arith.addf %add3A_1793, %mul3A_1813 : vector<16xf32>
        %get3A_1815 = arith.index_cast %rem3A_162 : i32 to index
        %get3A_1816 = arith.index_cast %add3A_1735 : i32 to index
        %get3A_1817 = arith.constant 48 : index
        %get3A_1818 = tpu.vector_load %arg12[%get3A_1815, %get3A_1816, %get3A_1817] {strides = array<i32>} : memref<2x400x64xf32, #tpu.memory_space<vmem>>, vector<16xf32>,
        %mul3A_1819 = arith.mulf %get3A_1818, %gather3A_1812 : vector<16xf32>
        %swap3A_1820 = arith.index_cast %rem3A_162 : i32 to index
        %swap3A_1821 = arith.index_cast %add3A_1735 : i32 to index
        %swap3A_1822 = arith.constant 48 : index
        %swap3A_1823 = tpu.vector_load %arg12[%swap3A_1820, %swap3A_1821, %swap3A_1822] {strides = array<i32>} : memref<2x400x64xf32, #tpu.memory_space<vmem>>, vector<16xf32>,
        tpu.vector_store %arg12[%swap3A_1820, %swap3A_1821, %swap3A_1822], %mul3A_1819 {strides = array<i32>} : memref<2x400x64xf32, #tpu.memory_space<vmem>>, vector<16xf32>,
        %swap3A_1824 = arith.index_cast %rem3A_162 : i32 to index
        %swap3A_1825 = arith.index_cast %add3A_1735 : i32 to index
        %swap3A_1826 = arith.constant 0 : index
        %swap3A_1827 = tpu.vector_load %arg14[%swap3A_1824, %swap3A_1825, %swap3A_1826] {strides = array<i32>} : memref<2x400x16xf32, #tpu.memory_space<vmem>>, vector<16xf32>,
        tpu.vector_store %arg14[%swap3A_1824, %swap3A_1825, %swap3A_1826], %add3A_1814 {strides = array<i32>} : memref<2x400x16xf32, #tpu.memory_space<vmem>>, vector<16xf32>,
      }
      %scan3A_241 = arith.constant 25 : i32
      %dma_start3A_242 = arith.constant 0 : i32
      %dma_start3A_243 = arith.constant 0 : i32
      %dma_start3A_244 = tpu.memref_slice %arg12[%rem3A_162, %dma_start3A_242, %dma_start3A_243] : memref<2x400x64xf32, #tpu.memory_space<vmem>> -> memref<1x400x64xf32, #tpu.memory_space<vmem>>
      %dma_start3A_245 = tpu.memref_squeeze %dma_start3A_244 : memref<1x400x64xf32, #tpu.memory_space<vmem>> -> memref<400x64xf32, #tpu.memory_space<vmem>>
      %dma_start3A_246 = arith.constant 0 : i32
      %dma_start3A_247 = tpu.memref_slice %arg11[%rem3A_162, %dma_start3A_246] : memref<2x400xi32, #tpu.memory_space<vmem>> -> memref<1x400xi32, #tpu.memory_space<vmem>>
      %dma_start3A_248 = tpu.memref_squeeze %dma_start3A_247 : memref<1x400xi32, #tpu.memory_space<vmem>> -> memref<400xi32, #tpu.memory_space<vmem>>
      %dma_start3A_249 = arith.constant 0 : i32
      %dma_start3A_250 = arith.constant 0 : i32
      %dma_start3A_251 = tpu.memref_slice %arg15[%dma_start3A_249, %dma_start3A_250] : memref<10240x64xf32, #tpu.memory_space<vmem_shared>> -> memref<10240x64xf32, #tpu.memory_space<vmem_shared>>
      %dma_start3A_252 = tpu.memref_slice %arg18[%rem3A_162] : memref<2x!tpu.dma_semaphore, #tpu.memory_space<semaphore_mem>> -> memref<1x!tpu.dma_semaphore, #tpu.memory_space<semaphore_mem>>
      %dma_start3A_253 = tpu.memref_squeeze %dma_start3A_252 : memref<1x!tpu.dma_semaphore, #tpu.memory_space<semaphore_mem>> -> memref<!tpu.dma_semaphore, #tpu.memory_space<semaphore_mem>>
      tpu.enqueue_indirect_dma source(%dma_start3A_245 : memref<400x64xf32, #tpu.memory_space<vmem>>) target(%dma_start3A_251 : memref<10240x64xf32, #tpu.memory_space<vmem_shared>>) offsets(%dma_start3A_248 : memref<400xi32, #tpu.memory_space<vmem>>) semaphore(%dma_start3A_253 : memref<!tpu.dma_semaphore, #tpu.memory_space<semaphore_mem>>) {add = true}
      %dma_start3A_254 = arith.constant 0 : i32
      %dma_start3A_255 = arith.constant 0 : i32
      %dma_start3A_256 = tpu.memref_slice %arg14[%rem3A_162, %dma_start3A_254, %dma_start3A_255] : memref<2x400x16xf32, #tpu.memory_space<vmem>> -> memref<1x400x16xf32, #tpu.memory_space<vmem>>
      %dma_start3A_257 = tpu.memref_squeeze %dma_start3A_256 : memref<1x400x16xf32, #tpu.memory_space<vmem>> -> memref<400x16xf32, #tpu.memory_space<vmem>>
      %dma_start3A_258 = arith.constant 0 : i32
      %dma_start3A_259 = tpu.memref_slice %arg11[%rem3A_162, %dma_start3A_258] : memref<2x400xi32, #tpu.memory_space<vmem>> -> memref<1x400xi32, #tpu.memory_space<vmem>>
      %dma_start3A_260 = tpu.memref_squeeze %dma_start3A_259 : memref<1x400xi32, #tpu.memory_space<vmem>> -> memref<400xi32, #tpu.memory_space<vmem>>
      %dma_start3A_261 = arith.constant 0 : i32
      %dma_start3A_262 = arith.constant 0 : i32
      %dma_start3A_263 = tpu.memref_slice %arg16[%dma_start3A_261, %dma_start3A_262] : memref<10240x16xf32, #tpu.memory_space<vmem_shared>> -> memref<10240x16xf32, #tpu.memory_space<vmem_shared>>
      %dma_start3A_264 = tpu.memref_slice %arg18[%rem3A_162] : memref<2x!tpu.dma_semaphore, #tpu.memory_space<semaphore_mem>> -> memref<1x!tpu.dma_semaphore, #tpu.memory_space<semaphore_mem>>
      %dma_start3A_265 = tpu.memref_squeeze %dma_start3A_264 : memref<1x!tpu.dma_semaphore, #tpu.memory_space<semaphore_mem>> -> memref<!tpu.dma_semaphore, #tpu.memory_space<semaphore_mem>>
      tpu.enqueue_indirect_dma source(%dma_start3A_257 : memref<400x16xf32, #tpu.memory_space<vmem>>) target(%dma_start3A_263 : memref<10240x16xf32, #tpu.memory_space<vmem_shared>>) offsets(%dma_start3A_260 : memref<400xi32, #tpu.memory_space<vmem>>) semaphore(%dma_start3A_265 : memref<!tpu.dma_semaphore, #tpu.memory_space<semaphore_mem>>) {add = true}
    }
    %scan3A_116 = arith.constant 25 : i32
    %dma_wait3A = arith.constant 0 : i32
    %dma_wait3A_117 = arith.constant 0 : i32
    %dma_wait3A_118 = arith.constant 0 : i32
    %dma_wait3A_119 = arith.constant 0 : i32
    %dma_wait3A_120 = tpu.memref_slice %arg12[%dma_wait3A, %dma_wait3A_118, %dma_wait3A_119] : memref<2x400x64xf32, #tpu.memory_space<vmem>> -> memref<1x400x64xf32, #tpu.memory_space<vmem>>
    %dma_wait3A_121 = tpu.memref_squeeze %dma_wait3A_120 : memref<1x400x64xf32, #tpu.memory_space<vmem>> -> memref<400x64xf32, #tpu.memory_space<vmem>>
    %dma_wait3A_122 = arith.constant 0 : i32
    %dma_wait3A_123 = arith.constant 0 : i32
    %dma_wait3A_124 = tpu.memref_slice %arg5[%dma_wait3A_122, %dma_wait3A_123] : memref<10000x64xf32, #tpu.memory_space<hbm>> -> memref<400x64xf32, #tpu.memory_space<hbm>>
    %dma_wait3A_125 = tpu.memref_slice %arg18[%dma_wait3A_117] : memref<2x!tpu.dma_semaphore, #tpu.memory_space<semaphore_mem>> -> memref<1x!tpu.dma_semaphore, #tpu.memory_space<semaphore_mem>>
    %dma_wait3A_126 = tpu.memref_squeeze %dma_wait3A_125 : memref<1x!tpu.dma_semaphore, #tpu.memory_space<semaphore_mem>> -> memref<!tpu.dma_semaphore, #tpu.memory_space<semaphore_mem>>
    %dma_wait3A_127 = arith.constant 0 : i32
    %dma_wait3A_128 = arith.constant 0 : i32
    %dma_wait3A_129 = tpu.memref_slice %arg12[%dma_wait3A, %dma_wait3A_127, %dma_wait3A_128] : memref<2x400x64xf32, #tpu.memory_space<vmem>> -> memref<1x400x64xf32, #tpu.memory_space<vmem>>
    %dma_wait3A_130 = tpu.memref_squeeze %dma_wait3A_129 : memref<1x400x64xf32, #tpu.memory_space<vmem>> -> memref<400x64xf32, #tpu.memory_space<vmem>>
    %dma_wait3A_131 = arith.constant 0 : i32
    %dma_wait3A_132 = arith.constant 0 : i32
    %dma_wait3A_133 = tpu.memref_slice %arg5[%dma_wait3A_131, %dma_wait3A_132] : memref<10000x64xf32, #tpu.memory_space<hbm>> -> memref<400x64xf32, #tpu.memory_space<hbm>>
    tpu.wait_dma2 semaphore(%dma_wait3A_126 : memref<!tpu.dma_semaphore, #tpu.memory_space<semaphore_mem>>) src(%dma_wait3A_133 : memref<400x64xf32, #tpu.memory_space<hbm>>) dst(%dma_wait3A_130 : memref<400x64xf32, #tpu.memory_space<vmem>>)
    %dma_wait3A_134 = arith.constant 0 : i32
    %dma_wait3A_135 = arith.constant 0 : i32
    %dma_wait3A_136 = arith.constant 0 : i32
    %dma_wait3A_137 = arith.constant 0 : i32
    %dma_wait3A_138 = tpu.memref_slice %arg14[%dma_wait3A_134, %dma_wait3A_136, %dma_wait3A_137] : memref<2x400x16xf32, #tpu.memory_space<vmem>> -> memref<1x400x16xf32, #tpu.memory_space<vmem>>
    %dma_wait3A_139 = tpu.memref_squeeze %dma_wait3A_138 : memref<1x400x16xf32, #tpu.memory_space<vmem>> -> memref<400x16xf32, #tpu.memory_space<vmem>>
    %dma_wait3A_140 = arith.constant 0 : i32
    %dma_wait3A_141 = arith.constant 0 : i32
    %dma_wait3A_142 = tpu.memref_slice %arg5[%dma_wait3A_140, %dma_wait3A_141] : memref<10000x64xf32, #tpu.memory_space<hbm>> -> memref<400x64xf32, #tpu.memory_space<hbm>>
    %dma_wait3A_143 = tpu.memref_slice %arg18[%dma_wait3A_135] : memref<2x!tpu.dma_semaphore, #tpu.memory_space<semaphore_mem>> -> memref<1x!tpu.dma_semaphore, #tpu.memory_space<semaphore_mem>>
    %dma_wait3A_144 = tpu.memref_squeeze %dma_wait3A_143 : memref<1x!tpu.dma_semaphore, #tpu.memory_space<semaphore_mem>> -> memref<!tpu.dma_semaphore, #tpu.memory_space<semaphore_mem>>
    %dma_wait3A_145 = arith.constant 0 : i32
    %dma_wait3A_146 = arith.constant 0 : i32
    %dma_wait3A_147 = tpu.memref_slice %arg14[%dma_wait3A_134, %dma_wait3A_145, %dma_wait3A_146] : memref<2x400x16xf32, #tpu.memory_space<vmem>> -> memref<1x400x16xf32, #tpu.memory_space<vmem>>
    %dma_wait3A_148 = tpu.memref_squeeze %dma_wait3A_147 : memref<1x400x16xf32, #tpu.memory_space<vmem>> -> memref<400x16xf32, #tpu.memory_space<vmem>>
    %dma_wait3A_149 = arith.constant 0 : i32
    %dma_wait3A_150 = arith.constant 0 : i32
    %dma_wait3A_151 = tpu.memref_slice %arg5[%dma_wait3A_149, %dma_wait3A_150] : memref<10000x64xf32, #tpu.memory_space<hbm>> -> memref<400x64xf32, #tpu.memory_space<hbm>>
    tpu.wait_dma2 semaphore(%dma_wait3A_144 : memref<!tpu.dma_semaphore, #tpu.memory_space<semaphore_mem>>) src(%dma_wait3A_151 : memref<400x64xf32, #tpu.memory_space<hbm>>) dst(%dma_wait3A_148 : memref<400x16xf32, #tpu.memory_space<vmem>>)
    %barrier3A_152 = arith.constant 0 : index
    tpu.barrier barrier_id(%barrier3A_152)
    %mul3A_153 = arith.constant 640 : i32
    %mul3A_154 = arith.muli %arg1, %mul3A_153 : i32
    %mul3A_155 = arith.constant 640 : i32
    %mul3A_156 = arith.muli %arg1, %mul3A_155 : i32
    "tpu.region"() ({
      %run_scoped3A_161 = tpu.sem_alloc : memref<!tpu.dma_semaphore, #tpu.memory_space<semaphore_mem>>
      %dma_start3A_162 = arith.constant 0 : i32
      %dma_start3A_163 = tpu.memref_slice %arg8[%arg0, %mul3A_156, %dma_start3A_162] : memref<2x10240x64xf32, #tpu.memory_space<hbm>> -> memref<1x640x64xf32, #tpu.memory_space<hbm>>
      %dma_start3A_164 = tpu.memref_squeeze %dma_start3A_163 : memref<1x640x64xf32, #tpu.memory_space<hbm>> -> memref<640x64xf32, #tpu.memory_space<hbm>>
      %dma_start3A_165 = arith.constant 0 : i32
      %dma_start3A_166 = tpu.memref_slice %arg15[%mul3A_154, %dma_start3A_165] : memref<10240x64xf32, #tpu.memory_space<vmem_shared>> -> memref<640x64xf32, #tpu.memory_space<vmem_shared>>
      tpu.enqueue_dma source(%dma_start3A_166 : memref<640x64xf32, #tpu.memory_space<vmem_shared>>) target(%dma_start3A_164 : memref<640x64xf32, #tpu.memory_space<hbm>>) target_semaphore(%run_scoped3A_161 : memref<!tpu.dma_semaphore, #tpu.memory_space<semaphore_mem>>)
      %dma_wait3A_167 = arith.constant 0 : i32
      %dma_wait3A_168 = tpu.memref_slice %arg8[%arg0, %mul3A_156, %dma_wait3A_167] : memref<2x10240x64xf32, #tpu.memory_space<hbm>> -> memref<1x640x64xf32, #tpu.memory_space<hbm>>
      %dma_wait3A_169 = tpu.memref_squeeze %dma_wait3A_168 : memref<1x640x64xf32, #tpu.memory_space<hbm>> -> memref<640x64xf32, #tpu.memory_space<hbm>>
      %dma_wait3A_170 = arith.constant 0 : i32
      %dma_wait3A_171 = tpu.memref_slice %arg15[%mul3A_154, %dma_wait3A_170] : memref<10240x64xf32, #tpu.memory_space<vmem_shared>> -> memref<640x64xf32, #tpu.memory_space<vmem_shared>>
      tpu.wait_dma2 semaphore(%run_scoped3A_161 : memref<!tpu.dma_semaphore, #tpu.memory_space<semaphore_mem>>) src(%dma_wait3A_171 : memref<640x64xf32, #tpu.memory_space<vmem_shared>>) dst(%dma_wait3A_169 : memref<640x64xf32, #tpu.memory_space<hbm>>)
      tpu.yield
    }) : () -> ()
    %mul3A_157 = arith.constant 640 : i32
    %mul3A_158 = arith.muli %arg1, %mul3A_157 : i32
    %mul3A_159 = arith.constant 640 : i32
    %mul3A_160 = arith.muli %arg1, %mul3A_159 : i32
    "tpu.region"() ({
      %run_scoped3A_161 = tpu.sem_alloc : memref<!tpu.dma_semaphore, #tpu.memory_space<semaphore_mem>>
      %dma_start3A_162 = arith.constant 0 : i32
      %dma_start3A_163 = tpu.memref_slice %arg9[%arg0, %mul3A_160, %dma_start3A_162] : memref<2x10240x16xf32, #tpu.memory_space<hbm>> -> memref<1x640x16xf32, #tpu.memory_space<hbm>>
      %dma_start3A_164 = tpu.memref_squeeze %dma_start3A_163 : memref<1x640x16xf32, #tpu.memory_space<hbm>> -> memref<640x16xf32, #tpu.memory_space<hbm>>
      %dma_start3A_165 = arith.constant 0 : i32
      %dma_start3A_166 = tpu.memref_slice %arg16[%mul3A_158, %dma_start3A_165] : memref<10240x16xf32, #tpu.memory_space<vmem_shared>> -> memref<640x16xf32, #tpu.memory_space<vmem_shared>>
      tpu.enqueue_dma source(%dma_start3A_166 : memref<640x16xf32, #tpu.memory_space<vmem_shared>>) target(%dma_start3A_164 : memref<640x16xf32, #tpu.memory_space<hbm>>) target_semaphore(%run_scoped3A_161 : memref<!tpu.dma_semaphore, #tpu.memory_space<semaphore_mem>>)
      %dma_wait3A_167 = arith.constant 0 : i32
      %dma_wait3A_168 = tpu.memref_slice %arg9[%arg0, %mul3A_160, %dma_wait3A_167] : memref<2x10240x16xf32, #tpu.memory_space<hbm>> -> memref<1x640x16xf32, #tpu.memory_space<hbm>>
      %dma_wait3A_169 = tpu.memref_squeeze %dma_wait3A_168 : memref<1x640x16xf32, #tpu.memory_space<hbm>> -> memref<640x16xf32, #tpu.memory_space<hbm>>
      %dma_wait3A_170 = arith.constant 0 : i32
      %dma_wait3A_171 = tpu.memref_slice %arg16[%mul3A_158, %dma_wait3A_170] : memref<10240x16xf32, #tpu.memory_space<vmem_shared>> -> memref<640x16xf32, #tpu.memory_space<vmem_shared>>
      tpu.wait_dma2 semaphore(%run_scoped3A_161 : memref<!tpu.dma_semaphore, #tpu.memory_space<semaphore_mem>>) src(%dma_wait3A_171 : memref<640x16xf32, #tpu.memory_space<vmem_shared>>) dst(%dma_wait3A_169 : memref<640x16xf32, #tpu.memory_space<hbm>>)
      tpu.yield
    }) : () -> ()
    return
  }
}

#map = affine_map<(d0, d1) -> (0)>
module attributes {stable_mosaic.version = 14 : i64} {
  func.func @k(%arg0: i32, %arg1: i32, %arg2: memref<320000xi32, #tpu.memory_space<hbm>>, %arg3: memref<320000xi32, #tpu.memory_space<hbm>>, %arg4: memref<20000xf32, #tpu.memory_space<hbm>>, %arg5: memref<320000xf32, #tpu.memory_space<hbm>>, %arg6: memref<20000xf32, #tpu.memory_space<vmem>>, %arg7: memref<2000xi32, #tpu.memory_space<vmem>>, %arg8: memref<2000xi32, #tpu.memory_space<vmem>>, %arg9: memref<1x2000xf32, #tpu.memory_space<vmem>>) attributes {dimension_semantics = [#tpu.dimension_semantics<core_parallel>, #tpu.dimension_semantics<subcore_parallel>], iteration_bounds = array<i64: 2, 16>, scalar_prefetch = 0 : i64, scratch_operands = 4 : i64, tpu.core_type = #tpu.core_type<sc_vector_subcore>, window_params = [{transform_indices = #map}, {transform_indices = #map}, {transform_indices = #map}, {transform_indices = #map}]} {
    %mul3A = arith.constant 16 : i32
    %mul3A_0 = arith.muli %arg0, %mul3A : i32
    %add3A = arith.addi %mul3A_0, %arg1 : i32
    "tpu.region"() ({
      %run_scoped3A = tpu.sem_alloc : memref<!tpu.dma_semaphore, #tpu.memory_space<semaphore_mem>>
      tpu.enqueue_dma source(%arg4 : memref<20000xf32, #tpu.memory_space<hbm>>) target(%arg6 : memref<20000xf32, #tpu.memory_space<vmem>>) target_semaphore(%run_scoped3A : memref<!tpu.dma_semaphore, #tpu.memory_space<semaphore_mem>>)
      tpu.wait_dma2 semaphore(%run_scoped3A : memref<!tpu.dma_semaphore, #tpu.memory_space<semaphore_mem>>) src(%arg4 : memref<20000xf32, #tpu.memory_space<hbm>>) dst(%arg6 : memref<20000xf32, #tpu.memory_space<vmem>>)
      tpu.yield
    }) : () -> ()
    %scan3A = arith.constant 0 : i32
    %scan3A_1 = arith.constant 0 : i32
    %scan3A_2 = arith.constant 5 : i32
    %scan3A_3 = arith.addi %scan3A_1, %scan3A_2 : i32
    %scan3A_4 = arith.constant 1 : i32
    scf.for %scan3A_6 = %scan3A_1 to %scan3A_3 step %scan3A_4  : i32 {
      %mul3A_7 = arith.constant 10000 : i32
      %mul3A_8 = arith.muli %add3A, %mul3A_7 : i32
      %mul3A_9 = arith.constant 2000 : i32
      %mul3A_10 = arith.muli %scan3A_6, %mul3A_9 : i32
      %add3A_11 = arith.addi %mul3A_8, %mul3A_10 : i32
      "tpu.region"() ({
        %run_scoped3A_20 = tpu.sem_alloc : memref<!tpu.dma_semaphore, #tpu.memory_space<semaphore_mem>>
        %dma_start3A = tpu.memref_slice %arg2[%add3A_11] : memref<320000xi32, #tpu.memory_space<hbm>> -> memref<2000xi32, #tpu.memory_space<hbm>>
        %dma_start3A_21 = tpu.memref_slice %arg2[%add3A_11] : memref<320000xi32, #tpu.memory_space<hbm>> -> memref<2000xi32, #tpu.memory_space<hbm>>
        tpu.enqueue_dma source(%dma_start3A_21 : memref<2000xi32, #tpu.memory_space<hbm>>) target(%arg7 : memref<2000xi32, #tpu.memory_space<vmem>>) target_semaphore(%run_scoped3A_20 : memref<!tpu.dma_semaphore, #tpu.memory_space<semaphore_mem>>)
        %dma_wait3A = tpu.memref_slice %arg2[%add3A_11] : memref<320000xi32, #tpu.memory_space<hbm>> -> memref<2000xi32, #tpu.memory_space<hbm>>
        %dma_wait3A_22 = tpu.memref_slice %arg2[%add3A_11] : memref<320000xi32, #tpu.memory_space<hbm>> -> memref<2000xi32, #tpu.memory_space<hbm>>
        tpu.wait_dma2 semaphore(%run_scoped3A_20 : memref<!tpu.dma_semaphore, #tpu.memory_space<semaphore_mem>>) src(%dma_wait3A_22 : memref<2000xi32, #tpu.memory_space<hbm>>) dst(%arg7 : memref<2000xi32, #tpu.memory_space<vmem>>)
        tpu.yield
      }) : () -> ()
      "tpu.region"() ({
        %run_scoped3A_20 = tpu.sem_alloc : memref<!tpu.dma_semaphore, #tpu.memory_space<semaphore_mem>>
        %dma_start3A = tpu.memref_slice %arg3[%add3A_11] : memref<320000xi32, #tpu.memory_space<hbm>> -> memref<2000xi32, #tpu.memory_space<hbm>>
        %dma_start3A_21 = tpu.memref_slice %arg3[%add3A_11] : memref<320000xi32, #tpu.memory_space<hbm>> -> memref<2000xi32, #tpu.memory_space<hbm>>
        tpu.enqueue_dma source(%dma_start3A_21 : memref<2000xi32, #tpu.memory_space<hbm>>) target(%arg8 : memref<2000xi32, #tpu.memory_space<vmem>>) target_semaphore(%run_scoped3A_20 : memref<!tpu.dma_semaphore, #tpu.memory_space<semaphore_mem>>)
        %dma_wait3A = tpu.memref_slice %arg3[%add3A_11] : memref<320000xi32, #tpu.memory_space<hbm>> -> memref<2000xi32, #tpu.memory_space<hbm>>
        %dma_wait3A_22 = tpu.memref_slice %arg3[%add3A_11] : memref<320000xi32, #tpu.memory_space<hbm>> -> memref<2000xi32, #tpu.memory_space<hbm>>
        tpu.wait_dma2 semaphore(%run_scoped3A_20 : memref<!tpu.dma_semaphore, #tpu.memory_space<semaphore_mem>>) src(%dma_wait3A_22 : memref<2000xi32, #tpu.memory_space<hbm>>) dst(%arg8 : memref<2000xi32, #tpu.memory_space<vmem>>)
        tpu.yield
      }) : () -> ()
      %scan3A_12 = arith.constant 0 : i32
      %scan3A_13 = arith.constant 0 : i32
      %scan3A_14 = arith.constant 125 : i32
      %scan3A_15 = arith.addi %scan3A_13, %scan3A_14 : i32
      %scan3A_16 = arith.constant 1 : i32
      scf.for %scan3A_20 = %scan3A_13 to %scan3A_15 step %scan3A_16  : i32 {
        %mul3A_21 = arith.constant 16 : i32
        %mul3A_22 = arith.muli %scan3A_20, %mul3A_21 : i32
        %get3A = arith.index_cast %mul3A_22 : i32 to index
        %get3A_23 = tpu.vector_load %arg7[%get3A] {strides = array<i32>} : memref<2000xi32, #tpu.memory_space<vmem>>, vector<16xi32>,
        %mul3A_24 = arith.constant 16 : i32
        %mul3A_25 = arith.muli %scan3A_20, %mul3A_24 : i32
        %get3A_26 = arith.index_cast %mul3A_25 : i32 to index
        %get3A_27 = tpu.vector_load %arg8[%get3A_26] {strides = array<i32>} : memref<2000xi32, #tpu.memory_space<vmem>>, vector<16xi32>,
        %mul3A_28 = arith.constant 2 : i32
        %mul3A_29 = vector.broadcast %mul3A_28 : i32 to vector<16xi32>
        %mul3A_30 = arith.muli %get3A_23, %mul3A_29 : vector<16xi32>
        %add3A_31 = arith.constant 0 : i32
        %add3A_32 = vector.broadcast %add3A_31 : i32 to vector<16xi32>
        %add3A_33 = arith.addi %mul3A_30, %add3A_32 : vector<16xi32>
        %gather3A = tpu.vector_load_idx %arg6[%add3A_33] : memref<20000xf32, #tpu.memory_space<vmem>>[vector<16xi32>], vector<16xf32>,
        %mul3A_34 = arith.constant 2 : i32
        %mul3A_35 = vector.broadcast %mul3A_34 : i32 to vector<16xi32>
        %mul3A_36 = arith.muli %get3A_27, %mul3A_35 : vector<16xi32>
        %add3A_37 = arith.constant 1 : i32
        %add3A_38 = vector.broadcast %add3A_37 : i32 to vector<16xi32>
        %add3A_39 = arith.addi %mul3A_36, %add3A_38 : vector<16xi32>
        %gather3A_40 = tpu.vector_load_idx %arg6[%add3A_39] : memref<20000xf32, #tpu.memory_space<vmem>>[vector<16xi32>], vector<16xf32>,
        %add3A_41 = arith.addf %gather3A, %gather3A_40 : vector<16xf32>
        %gt3A = arith.constant 0.000000e+00 : f32
        %gt3A_42 = vector.broadcast %gt3A : f32 to vector<16xf32>
        %gt3A_43 = arith.cmpf ogt, %add3A_41, %gt3A_42 : vector<16xf32>
        %mul3A_44 = arith.constant 2.000000e-01 : f32
        %mul3A_45 = vector.broadcast %mul3A_44 : f32 to vector<16xf32>
        %mul3A_46 = arith.mulf %add3A_41, %mul3A_45 : vector<16xf32>
        %select_n3A = arith.select %gt3A_43, %add3A_41, %mul3A_46 : vector<16xi1>, vector<16xf32>
        %exp3A = math.exp %select_n3A : vector<16xf32>
        %mul3A_47 = arith.constant 16 : i32
        %mul3A_48 = arith.muli %scan3A_20, %mul3A_47 : i32
        %swap3A = arith.constant 0 : i32
        %swap3A_49 = arith.index_cast %swap3A : i32 to index
        %swap3A_50 = arith.index_cast %mul3A_48 : i32 to index
        %swap3A_51 = tpu.vector_load %arg9[%swap3A_49, %swap3A_50] {strides = array<i32>} : memref<1x2000xf32, #tpu.memory_space<vmem>>, vector<16xf32>,
        tpu.vector_store %arg9[%swap3A_49, %swap3A_50], %exp3A {strides = array<i32>} : memref<1x2000xf32, #tpu.memory_space<vmem>>, vector<16xf32>,
      }
      %scan3A_17 = arith.constant 125 : i32
      %add3A_18 = arith.constant 0 : i32
      %add3A_19 = arith.addi %add3A_18, %add3A_11 : i32
      %run_scoped3A = arith.constant 0 : i32
      "tpu.region"() ({
        %run_scoped3A_20 = tpu.sem_alloc : memref<!tpu.dma_semaphore, #tpu.memory_space<semaphore_mem>>
        %dma_start3A = arith.constant 0 : i32
        %dma_start3A_21 = tpu.memref_slice %arg9[%run_scoped3A, %dma_start3A] : memref<1x2000xf32, #tpu.memory_space<vmem>> -> memref<1x2000xf32, #tpu.memory_space<vmem>>
        %dma_start3A_22 = tpu.memref_squeeze %dma_start3A_21 : memref<1x2000xf32, #tpu.memory_space<vmem>> -> memref<2000xf32, #tpu.memory_space<vmem>>
        %dma_start3A_23 = tpu.memref_slice %arg5[%add3A_19] : memref<320000xf32, #tpu.memory_space<hbm>> -> memref<2000xf32, #tpu.memory_space<hbm>>
        %dma_start3A_24 = tpu.memref_slice %arg5[%add3A_19] : memref<320000xf32, #tpu.memory_space<hbm>> -> memref<2000xf32, #tpu.memory_space<hbm>>
        %dma_start3A_25 = arith.constant 0 : i32
        %dma_start3A_26 = tpu.memref_slice %arg9[%run_scoped3A, %dma_start3A_25] : memref<1x2000xf32, #tpu.memory_space<vmem>> -> memref<1x2000xf32, #tpu.memory_space<vmem>>
        %dma_start3A_27 = tpu.memref_squeeze %dma_start3A_26 : memref<1x2000xf32, #tpu.memory_space<vmem>> -> memref<2000xf32, #tpu.memory_space<vmem>>
        tpu.enqueue_dma source(%dma_start3A_27 : memref<2000xf32, #tpu.memory_space<vmem>>) target(%dma_start3A_24 : memref<2000xf32, #tpu.memory_space<hbm>>) target_semaphore(%run_scoped3A_20 : memref<!tpu.dma_semaphore, #tpu.memory_space<semaphore_mem>>)
        %dma_wait3A = arith.constant 0 : i32
        %dma_wait3A_28 = tpu.memref_slice %arg9[%run_scoped3A, %dma_wait3A] : memref<1x2000xf32, #tpu.memory_space<vmem>> -> memref<1x2000xf32, #tpu.memory_space<vmem>>
        %dma_wait3A_29 = tpu.memref_squeeze %dma_wait3A_28 : memref<1x2000xf32, #tpu.memory_space<vmem>> -> memref<2000xf32, #tpu.memory_space<vmem>>
        %dma_wait3A_30 = tpu.memref_slice %arg5[%add3A_19] : memref<320000xf32, #tpu.memory_space<hbm>> -> memref<2000xf32, #tpu.memory_space<hbm>>
        %dma_wait3A_31 = tpu.memref_slice %arg5[%add3A_19] : memref<320000xf32, #tpu.memory_space<hbm>> -> memref<2000xf32, #tpu.memory_space<hbm>>
        %dma_wait3A_32 = arith.constant 0 : i32
        %dma_wait3A_33 = tpu.memref_slice %arg9[%run_scoped3A, %dma_wait3A_32] : memref<1x2000xf32, #tpu.memory_space<vmem>> -> memref<1x2000xf32, #tpu.memory_space<vmem>>
        %dma_wait3A_34 = tpu.memref_squeeze %dma_wait3A_33 : memref<1x2000xf32, #tpu.memory_space<vmem>> -> memref<2000xf32, #tpu.memory_space<vmem>>
        tpu.wait_dma2 semaphore(%run_scoped3A_20 : memref<!tpu.dma_semaphore, #tpu.memory_space<semaphore_mem>>) src(%dma_wait3A_34 : memref<2000xf32, #tpu.memory_space<vmem>>) dst(%dma_wait3A_31 : memref<2000xf32, #tpu.memory_space<hbm>>)
        tpu.yield
      }) : () -> ()
    }
    %scan3A_5 = arith.constant 5 : i32
    return
  }
}

#map = affine_map<(d0, d1) -> (0)>
module attributes {stable_mosaic.version = 14 : i64} {
  func.func @k(%arg0: i32, %arg1: i32, %arg2: memref<320000xi32, #tpu.memory_space<hbm>>, %arg3: memref<320000xi32, #tpu.memory_space<hbm>>, %arg4: memref<80000xf32, #tpu.memory_space<hbm>>, %arg5: memref<1280000xf32, #tpu.memory_space<hbm>>, %arg6: memref<80000xf32, #tpu.memory_space<vmem>>, %arg7: memref<2000xi32, #tpu.memory_space<vmem>>, %arg8: memref<2000xi32, #tpu.memory_space<vmem>>, %arg9: memref<4x2000xf32, #tpu.memory_space<vmem>>) attributes {dimension_semantics = [#tpu.dimension_semantics<core_parallel>, #tpu.dimension_semantics<subcore_parallel>], iteration_bounds = array<i64: 2, 16>, scalar_prefetch = 0 : i64, scratch_operands = 4 : i64, tpu.core_type = #tpu.core_type<sc_vector_subcore>, window_params = [{transform_indices = #map}, {transform_indices = #map}, {transform_indices = #map}, {transform_indices = #map}]} {
    %mul3A = arith.constant 16 : i32
    %mul3A_0 = arith.muli %arg0, %mul3A : i32
    %add3A = arith.addi %mul3A_0, %arg1 : i32
    "tpu.region"() ({
      %run_scoped3A = tpu.sem_alloc : memref<!tpu.dma_semaphore, #tpu.memory_space<semaphore_mem>>
      tpu.enqueue_dma source(%arg4 : memref<80000xf32, #tpu.memory_space<hbm>>) target(%arg6 : memref<80000xf32, #tpu.memory_space<vmem>>) target_semaphore(%run_scoped3A : memref<!tpu.dma_semaphore, #tpu.memory_space<semaphore_mem>>)
      tpu.wait_dma2 semaphore(%run_scoped3A : memref<!tpu.dma_semaphore, #tpu.memory_space<semaphore_mem>>) src(%arg4 : memref<80000xf32, #tpu.memory_space<hbm>>) dst(%arg6 : memref<80000xf32, #tpu.memory_space<vmem>>)
      tpu.yield
    }) : () -> ()
    %scan3A = arith.constant 0 : i32
    %scan3A_1 = arith.constant 0 : i32
    %scan3A_2 = arith.constant 5 : i32
    %scan3A_3 = arith.addi %scan3A_1, %scan3A_2 : i32
    %scan3A_4 = arith.constant 1 : i32
    scf.for %scan3A_6 = %scan3A_1 to %scan3A_3 step %scan3A_4  : i32 {
      %mul3A_7 = arith.constant 10000 : i32
      %mul3A_8 = arith.muli %add3A, %mul3A_7 : i32
      %mul3A_9 = arith.constant 2000 : i32
      %mul3A_10 = arith.muli %scan3A_6, %mul3A_9 : i32
      %add3A_11 = arith.addi %mul3A_8, %mul3A_10 : i32
      "tpu.region"() ({
        %run_scoped3A_29 = tpu.sem_alloc : memref<!tpu.dma_semaphore, #tpu.memory_space<semaphore_mem>>
        %dma_start3A = tpu.memref_slice %arg2[%add3A_11] : memref<320000xi32, #tpu.memory_space<hbm>> -> memref<2000xi32, #tpu.memory_space<hbm>>
        %dma_start3A_30 = tpu.memref_slice %arg2[%add3A_11] : memref<320000xi32, #tpu.memory_space<hbm>> -> memref<2000xi32, #tpu.memory_space<hbm>>
        tpu.enqueue_dma source(%dma_start3A_30 : memref<2000xi32, #tpu.memory_space<hbm>>) target(%arg7 : memref<2000xi32, #tpu.memory_space<vmem>>) target_semaphore(%run_scoped3A_29 : memref<!tpu.dma_semaphore, #tpu.memory_space<semaphore_mem>>)
        %dma_wait3A = tpu.memref_slice %arg2[%add3A_11] : memref<320000xi32, #tpu.memory_space<hbm>> -> memref<2000xi32, #tpu.memory_space<hbm>>
        %dma_wait3A_31 = tpu.memref_slice %arg2[%add3A_11] : memref<320000xi32, #tpu.memory_space<hbm>> -> memref<2000xi32, #tpu.memory_space<hbm>>
        tpu.wait_dma2 semaphore(%run_scoped3A_29 : memref<!tpu.dma_semaphore, #tpu.memory_space<semaphore_mem>>) src(%dma_wait3A_31 : memref<2000xi32, #tpu.memory_space<hbm>>) dst(%arg7 : memref<2000xi32, #tpu.memory_space<vmem>>)
        tpu.yield
      }) : () -> ()
      "tpu.region"() ({
        %run_scoped3A_29 = tpu.sem_alloc : memref<!tpu.dma_semaphore, #tpu.memory_space<semaphore_mem>>
        %dma_start3A = tpu.memref_slice %arg3[%add3A_11] : memref<320000xi32, #tpu.memory_space<hbm>> -> memref<2000xi32, #tpu.memory_space<hbm>>
        %dma_start3A_30 = tpu.memref_slice %arg3[%add3A_11] : memref<320000xi32, #tpu.memory_space<hbm>> -> memref<2000xi32, #tpu.memory_space<hbm>>
        tpu.enqueue_dma source(%dma_start3A_30 : memref<2000xi32, #tpu.memory_space<hbm>>) target(%arg8 : memref<2000xi32, #tpu.memory_space<vmem>>) target_semaphore(%run_scoped3A_29 : memref<!tpu.dma_semaphore, #tpu.memory_space<semaphore_mem>>)
        %dma_wait3A = tpu.memref_slice %arg3[%add3A_11] : memref<320000xi32, #tpu.memory_space<hbm>> -> memref<2000xi32, #tpu.memory_space<hbm>>
        %dma_wait3A_31 = tpu.memref_slice %arg3[%add3A_11] : memref<320000xi32, #tpu.memory_space<hbm>> -> memref<2000xi32, #tpu.memory_space<hbm>>
        tpu.wait_dma2 semaphore(%run_scoped3A_29 : memref<!tpu.dma_semaphore, #tpu.memory_space<semaphore_mem>>) src(%dma_wait3A_31 : memref<2000xi32, #tpu.memory_space<hbm>>) dst(%arg8 : memref<2000xi32, #tpu.memory_space<vmem>>)
        tpu.yield
      }) : () -> ()
      %scan3A_12 = arith.constant 0 : i32
      %scan3A_13 = arith.constant 0 : i32
      %scan3A_14 = arith.constant 125 : i32
      %scan3A_15 = arith.addi %scan3A_13, %scan3A_14 : i32
      %scan3A_16 = arith.constant 1 : i32
      scf.for %scan3A_29 = %scan3A_13 to %scan3A_15 step %scan3A_16  : i32 {
        %mul3A_30 = arith.constant 16 : i32
        %mul3A_31 = arith.muli %scan3A_29, %mul3A_30 : i32
        %get3A = arith.index_cast %mul3A_31 : i32 to index
        %get3A_32 = tpu.vector_load %arg7[%get3A] {strides = array<i32>} : memref<2000xi32, #tpu.memory_space<vmem>>, vector<16xi32>,
        %mul3A_33 = arith.constant 16 : i32
        %mul3A_34 = arith.muli %scan3A_29, %mul3A_33 : i32
        %get3A_35 = arith.index_cast %mul3A_34 : i32 to index
        %get3A_36 = tpu.vector_load %arg8[%get3A_35] {strides = array<i32>} : memref<2000xi32, #tpu.memory_space<vmem>>, vector<16xi32>,
        %mul3A_37 = arith.constant 8 : i32
        %mul3A_38 = vector.broadcast %mul3A_37 : i32 to vector<16xi32>
        %mul3A_39 = arith.muli %get3A_32, %mul3A_38 : vector<16xi32>
        %add3A_40 = arith.constant 0 : i32
        %add3A_41 = vector.broadcast %add3A_40 : i32 to vector<16xi32>
        %add3A_42 = arith.addi %mul3A_39, %add3A_41 : vector<16xi32>
        %gather3A = tpu.vector_load_idx %arg6[%add3A_42] : memref<80000xf32, #tpu.memory_space<vmem>>[vector<16xi32>], vector<16xf32>,
        %mul3A_43 = arith.constant 8 : i32
        %mul3A_44 = vector.broadcast %mul3A_43 : i32 to vector<16xi32>
        %mul3A_45 = arith.muli %get3A_36, %mul3A_44 : vector<16xi32>
        %add3A_46 = arith.constant 4 : i32
        %add3A_47 = vector.broadcast %add3A_46 : i32 to vector<16xi32>
        %add3A_48 = arith.addi %mul3A_45, %add3A_47 : vector<16xi32>
        %gather3A_49 = tpu.vector_load_idx %arg6[%add3A_48] : memref<80000xf32, #tpu.memory_space<vmem>>[vector<16xi32>], vector<16xf32>,
        %add3A_50 = arith.addf %gather3A, %gather3A_49 : vector<16xf32>
        %gt3A = arith.constant 0.000000e+00 : f32
        %gt3A_51 = vector.broadcast %gt3A : f32 to vector<16xf32>
        %gt3A_52 = arith.cmpf ogt, %add3A_50, %gt3A_51 : vector<16xf32>
        %mul3A_53 = arith.constant 2.000000e-01 : f32
        %mul3A_54 = vector.broadcast %mul3A_53 : f32 to vector<16xf32>
        %mul3A_55 = arith.mulf %add3A_50, %mul3A_54 : vector<16xf32>
        %select_n3A = arith.select %gt3A_52, %add3A_50, %mul3A_55 : vector<16xi1>, vector<16xf32>
        %exp3A = math.exp %select_n3A : vector<16xf32>
        %mul3A_56 = arith.constant 16 : i32
        %mul3A_57 = arith.muli %scan3A_29, %mul3A_56 : i32
        %swap3A = arith.constant 0 : i32
        %swap3A_58 = arith.index_cast %swap3A : i32 to index
        %swap3A_59 = arith.index_cast %mul3A_57 : i32 to index
        %swap3A_60 = tpu.vector_load %arg9[%swap3A_58, %swap3A_59] {strides = array<i32>} : memref<4x2000xf32, #tpu.memory_space<vmem>>, vector<16xf32>,
        tpu.vector_store %arg9[%swap3A_58, %swap3A_59], %exp3A {strides = array<i32>} : memref<4x2000xf32, #tpu.memory_space<vmem>>, vector<16xf32>,
        %mul3A_61 = arith.constant 8 : i32
        %mul3A_62 = vector.broadcast %mul3A_61 : i32 to vector<16xi32>
        %mul3A_63 = arith.muli %get3A_32, %mul3A_62 : vector<16xi32>
        %add3A_64 = arith.constant 1 : i32
        %add3A_65 = vector.broadcast %add3A_64 : i32 to vector<16xi32>
        %add3A_66 = arith.addi %mul3A_63, %add3A_65 : vector<16xi32>
        %gather3A_67 = tpu.vector_load_idx %arg6[%add3A_66] : memref<80000xf32, #tpu.memory_space<vmem>>[vector<16xi32>], vector<16xf32>,
        %mul3A_68 = arith.constant 8 : i32
        %mul3A_69 = vector.broadcast %mul3A_68 : i32 to vector<16xi32>
        %mul3A_70 = arith.muli %get3A_36, %mul3A_69 : vector<16xi32>
        %add3A_71 = arith.constant 5 : i32
        %add3A_72 = vector.broadcast %add3A_71 : i32 to vector<16xi32>
        %add3A_73 = arith.addi %mul3A_70, %add3A_72 : vector<16xi32>
        %gather3A_74 = tpu.vector_load_idx %arg6[%add3A_73] : memref<80000xf32, #tpu.memory_space<vmem>>[vector<16xi32>], vector<16xf32>,
        %add3A_75 = arith.addf %gather3A_67, %gather3A_74 : vector<16xf32>
        %gt3A_76 = arith.constant 0.000000e+00 : f32
        %gt3A_77 = vector.broadcast %gt3A_76 : f32 to vector<16xf32>
        %gt3A_78 = arith.cmpf ogt, %add3A_75, %gt3A_77 : vector<16xf32>
        %mul3A_79 = arith.constant 2.000000e-01 : f32
        %mul3A_80 = vector.broadcast %mul3A_79 : f32 to vector<16xf32>
        %mul3A_81 = arith.mulf %add3A_75, %mul3A_80 : vector<16xf32>
        %select_n3A_82 = arith.select %gt3A_78, %add3A_75, %mul3A_81 : vector<16xi1>, vector<16xf32>
        %exp3A_83 = math.exp %select_n3A_82 : vector<16xf32>
        %mul3A_84 = arith.constant 16 : i32
        %mul3A_85 = arith.muli %scan3A_29, %mul3A_84 : i32
        %swap3A_86 = arith.constant 1 : i32
        %swap3A_87 = arith.index_cast %swap3A_86 : i32 to index
        %swap3A_88 = arith.index_cast %mul3A_85 : i32 to index
        %swap3A_89 = tpu.vector_load %arg9[%swap3A_87, %swap3A_88] {strides = array<i32>} : memref<4x2000xf32, #tpu.memory_space<vmem>>, vector<16xf32>,
        tpu.vector_store %arg9[%swap3A_87, %swap3A_88], %exp3A_83 {strides = array<i32>} : memref<4x2000xf32, #tpu.memory_space<vmem>>, vector<16xf32>,
        %mul3A_90 = arith.constant 8 : i32
        %mul3A_91 = vector.broadcast %mul3A_90 : i32 to vector<16xi32>
        %mul3A_92 = arith.muli %get3A_32, %mul3A_91 : vector<16xi32>
        %add3A_93 = arith.constant 2 : i32
        %add3A_94 = vector.broadcast %add3A_93 : i32 to vector<16xi32>
        %add3A_95 = arith.addi %mul3A_92, %add3A_94 : vector<16xi32>
        %gather3A_96 = tpu.vector_load_idx %arg6[%add3A_95] : memref<80000xf32, #tpu.memory_space<vmem>>[vector<16xi32>], vector<16xf32>,
        %mul3A_97 = arith.constant 8 : i32
        %mul3A_98 = vector.broadcast %mul3A_97 : i32 to vector<16xi32>
        %mul3A_99 = arith.muli %get3A_36, %mul3A_98 : vector<16xi32>
        %add3A_100 = arith.constant 6 : i32
        %add3A_101 = vector.broadcast %add3A_100 : i32 to vector<16xi32>
        %add3A_102 = arith.addi %mul3A_99, %add3A_101 : vector<16xi32>
        %gather3A_103 = tpu.vector_load_idx %arg6[%add3A_102] : memref<80000xf32, #tpu.memory_space<vmem>>[vector<16xi32>], vector<16xf32>,
        %add3A_104 = arith.addf %gather3A_96, %gather3A_103 : vector<16xf32>
        %gt3A_105 = arith.constant 0.000000e+00 : f32
        %gt3A_106 = vector.broadcast %gt3A_105 : f32 to vector<16xf32>
        %gt3A_107 = arith.cmpf ogt, %add3A_104, %gt3A_106 : vector<16xf32>
        %mul3A_108 = arith.constant 2.000000e-01 : f32
        %mul3A_109 = vector.broadcast %mul3A_108 : f32 to vector<16xf32>
        %mul3A_110 = arith.mulf %add3A_104, %mul3A_109 : vector<16xf32>
        %select_n3A_111 = arith.select %gt3A_107, %add3A_104, %mul3A_110 : vector<16xi1>, vector<16xf32>
        %exp3A_112 = math.exp %select_n3A_111 : vector<16xf32>
        %mul3A_113 = arith.constant 16 : i32
        %mul3A_114 = arith.muli %scan3A_29, %mul3A_113 : i32
        %swap3A_115 = arith.constant 2 : i32
        %swap3A_116 = arith.index_cast %swap3A_115 : i32 to index
        %swap3A_117 = arith.index_cast %mul3A_114 : i32 to index
        %swap3A_118 = tpu.vector_load %arg9[%swap3A_116, %swap3A_117] {strides = array<i32>} : memref<4x2000xf32, #tpu.memory_space<vmem>>, vector<16xf32>,
        tpu.vector_store %arg9[%swap3A_116, %swap3A_117], %exp3A_112 {strides = array<i32>} : memref<4x2000xf32, #tpu.memory_space<vmem>>, vector<16xf32>,
        %mul3A_119 = arith.constant 8 : i32
        %mul3A_120 = vector.broadcast %mul3A_119 : i32 to vector<16xi32>
        %mul3A_121 = arith.muli %get3A_32, %mul3A_120 : vector<16xi32>
        %add3A_122 = arith.constant 3 : i32
        %add3A_123 = vector.broadcast %add3A_122 : i32 to vector<16xi32>
        %add3A_124 = arith.addi %mul3A_121, %add3A_123 : vector<16xi32>
        %gather3A_125 = tpu.vector_load_idx %arg6[%add3A_124] : memref<80000xf32, #tpu.memory_space<vmem>>[vector<16xi32>], vector<16xf32>,
        %mul3A_126 = arith.constant 8 : i32
        %mul3A_127 = vector.broadcast %mul3A_126 : i32 to vector<16xi32>
        %mul3A_128 = arith.muli %get3A_36, %mul3A_127 : vector<16xi32>
        %add3A_129 = arith.constant 7 : i32
        %add3A_130 = vector.broadcast %add3A_129 : i32 to vector<16xi32>
        %add3A_131 = arith.addi %mul3A_128, %add3A_130 : vector<16xi32>
        %gather3A_132 = tpu.vector_load_idx %arg6[%add3A_131] : memref<80000xf32, #tpu.memory_space<vmem>>[vector<16xi32>], vector<16xf32>,
        %add3A_133 = arith.addf %gather3A_125, %gather3A_132 : vector<16xf32>
        %gt3A_134 = arith.constant 0.000000e+00 : f32
        %gt3A_135 = vector.broadcast %gt3A_134 : f32 to vector<16xf32>
        %gt3A_136 = arith.cmpf ogt, %add3A_133, %gt3A_135 : vector<16xf32>
        %mul3A_137 = arith.constant 2.000000e-01 : f32
        %mul3A_138 = vector.broadcast %mul3A_137 : f32 to vector<16xf32>
        %mul3A_139 = arith.mulf %add3A_133, %mul3A_138 : vector<16xf32>
        %select_n3A_140 = arith.select %gt3A_136, %add3A_133, %mul3A_139 : vector<16xi1>, vector<16xf32>
        %exp3A_141 = math.exp %select_n3A_140 : vector<16xf32>
        %mul3A_142 = arith.constant 16 : i32
        %mul3A_143 = arith.muli %scan3A_29, %mul3A_142 : i32
        %swap3A_144 = arith.constant 3 : i32
        %swap3A_145 = arith.index_cast %swap3A_144 : i32 to index
        %swap3A_146 = arith.index_cast %mul3A_143 : i32 to index
        %swap3A_147 = tpu.vector_load %arg9[%swap3A_145, %swap3A_146] {strides = array<i32>} : memref<4x2000xf32, #tpu.memory_space<vmem>>, vector<16xf32>,
        tpu.vector_store %arg9[%swap3A_145, %swap3A_146], %exp3A_141 {strides = array<i32>} : memref<4x2000xf32, #tpu.memory_space<vmem>>, vector<16xf32>,
      }
      %scan3A_17 = arith.constant 125 : i32
      %add3A_18 = arith.constant 0 : i32
      %add3A_19 = arith.addi %add3A_18, %add3A_11 : i32
      %run_scoped3A = arith.constant 0 : i32
      "tpu.region"() ({
        %run_scoped3A_29 = tpu.sem_alloc : memref<!tpu.dma_semaphore, #tpu.memory_space<semaphore_mem>>
        %dma_start3A = arith.constant 0 : i32
        %dma_start3A_30 = tpu.memref_slice %arg9[%run_scoped3A, %dma_start3A] : memref<4x2000xf32, #tpu.memory_space<vmem>> -> memref<1x2000xf32, #tpu.memory_space<vmem>>
        %dma_start3A_31 = tpu.memref_squeeze %dma_start3A_30 : memref<1x2000xf32, #tpu.memory_space<vmem>> -> memref<2000xf32, #tpu.memory_space<vmem>>
        %dma_start3A_32 = tpu.memref_slice %arg5[%add3A_19] : memref<1280000xf32, #tpu.memory_space<hbm>> -> memref<2000xf32, #tpu.memory_space<hbm>>
        %dma_start3A_33 = tpu.memref_slice %arg5[%add3A_19] : memref<1280000xf32, #tpu.memory_space<hbm>> -> memref<2000xf32, #tpu.memory_space<hbm>>
        %dma_start3A_34 = arith.constant 0 : i32
        %dma_start3A_35 = tpu.memref_slice %arg9[%run_scoped3A, %dma_start3A_34] : memref<4x2000xf32, #tpu.memory_space<vmem>> -> memref<1x2000xf32, #tpu.memory_space<vmem>>
        %dma_start3A_36 = tpu.memref_squeeze %dma_start3A_35 : memref<1x2000xf32, #tpu.memory_space<vmem>> -> memref<2000xf32, #tpu.memory_space<vmem>>
        tpu.enqueue_dma source(%dma_start3A_36 : memref<2000xf32, #tpu.memory_space<vmem>>) target(%dma_start3A_33 : memref<2000xf32, #tpu.memory_space<hbm>>) target_semaphore(%run_scoped3A_29 : memref<!tpu.dma_semaphore, #tpu.memory_space<semaphore_mem>>)
        %dma_wait3A = arith.constant 0 : i32
        %dma_wait3A_37 = tpu.memref_slice %arg9[%run_scoped3A, %dma_wait3A] : memref<4x2000xf32, #tpu.memory_space<vmem>> -> memref<1x2000xf32, #tpu.memory_space<vmem>>
        %dma_wait3A_38 = tpu.memref_squeeze %dma_wait3A_37 : memref<1x2000xf32, #tpu.memory_space<vmem>> -> memref<2000xf32, #tpu.memory_space<vmem>>
        %dma_wait3A_39 = tpu.memref_slice %arg5[%add3A_19] : memref<1280000xf32, #tpu.memory_space<hbm>> -> memref<2000xf32, #tpu.memory_space<hbm>>
        %dma_wait3A_40 = tpu.memref_slice %arg5[%add3A_19] : memref<1280000xf32, #tpu.memory_space<hbm>> -> memref<2000xf32, #tpu.memory_space<hbm>>
        %dma_wait3A_41 = arith.constant 0 : i32
        %dma_wait3A_42 = tpu.memref_slice %arg9[%run_scoped3A, %dma_wait3A_41] : memref<4x2000xf32, #tpu.memory_space<vmem>> -> memref<1x2000xf32, #tpu.memory_space<vmem>>
        %dma_wait3A_43 = tpu.memref_squeeze %dma_wait3A_42 : memref<1x2000xf32, #tpu.memory_space<vmem>> -> memref<2000xf32, #tpu.memory_space<vmem>>
        tpu.wait_dma2 semaphore(%run_scoped3A_29 : memref<!tpu.dma_semaphore, #tpu.memory_space<semaphore_mem>>) src(%dma_wait3A_43 : memref<2000xf32, #tpu.memory_space<vmem>>) dst(%dma_wait3A_40 : memref<2000xf32, #tpu.memory_space<hbm>>)
        tpu.yield
      }) : () -> ()
      %add3A_20 = arith.constant 320000 : i32
      %add3A_21 = arith.addi %add3A_20, %add3A_11 : i32
      %run_scoped3A_22 = arith.constant 1 : i32
      "tpu.region"() ({
        %run_scoped3A_29 = tpu.sem_alloc : memref<!tpu.dma_semaphore, #tpu.memory_space<semaphore_mem>>
        %dma_start3A = arith.constant 0 : i32
        %dma_start3A_30 = tpu.memref_slice %arg9[%run_scoped3A_22, %dma_start3A] : memref<4x2000xf32, #tpu.memory_space<vmem>> -> memref<1x2000xf32, #tpu.memory_space<vmem>>
        %dma_start3A_31 = tpu.memref_squeeze %dma_start3A_30 : memref<1x2000xf32, #tpu.memory_space<vmem>> -> memref<2000xf32, #tpu.memory_space<vmem>>
        %dma_start3A_32 = tpu.memref_slice %arg5[%add3A_21] : memref<1280000xf32, #tpu.memory_space<hbm>> -> memref<2000xf32, #tpu.memory_space<hbm>>
        %dma_start3A_33 = tpu.memref_slice %arg5[%add3A_21] : memref<1280000xf32, #tpu.memory_space<hbm>> -> memref<2000xf32, #tpu.memory_space<hbm>>
        %dma_start3A_34 = arith.constant 0 : i32
        %dma_start3A_35 = tpu.memref_slice %arg9[%run_scoped3A_22, %dma_start3A_34] : memref<4x2000xf32, #tpu.memory_space<vmem>> -> memref<1x2000xf32, #tpu.memory_space<vmem>>
        %dma_start3A_36 = tpu.memref_squeeze %dma_start3A_35 : memref<1x2000xf32, #tpu.memory_space<vmem>> -> memref<2000xf32, #tpu.memory_space<vmem>>
        tpu.enqueue_dma source(%dma_start3A_36 : memref<2000xf32, #tpu.memory_space<vmem>>) target(%dma_start3A_33 : memref<2000xf32, #tpu.memory_space<hbm>>) target_semaphore(%run_scoped3A_29 : memref<!tpu.dma_semaphore, #tpu.memory_space<semaphore_mem>>)
        %dma_wait3A = arith.constant 0 : i32
        %dma_wait3A_37 = tpu.memref_slice %arg9[%run_scoped3A_22, %dma_wait3A] : memref<4x2000xf32, #tpu.memory_space<vmem>> -> memref<1x2000xf32, #tpu.memory_space<vmem>>
        %dma_wait3A_38 = tpu.memref_squeeze %dma_wait3A_37 : memref<1x2000xf32, #tpu.memory_space<vmem>> -> memref<2000xf32, #tpu.memory_space<vmem>>
        %dma_wait3A_39 = tpu.memref_slice %arg5[%add3A_21] : memref<1280000xf32, #tpu.memory_space<hbm>> -> memref<2000xf32, #tpu.memory_space<hbm>>
        %dma_wait3A_40 = tpu.memref_slice %arg5[%add3A_21] : memref<1280000xf32, #tpu.memory_space<hbm>> -> memref<2000xf32, #tpu.memory_space<hbm>>
        %dma_wait3A_41 = arith.constant 0 : i32
        %dma_wait3A_42 = tpu.memref_slice %arg9[%run_scoped3A_22, %dma_wait3A_41] : memref<4x2000xf32, #tpu.memory_space<vmem>> -> memref<1x2000xf32, #tpu.memory_space<vmem>>
        %dma_wait3A_43 = tpu.memref_squeeze %dma_wait3A_42 : memref<1x2000xf32, #tpu.memory_space<vmem>> -> memref<2000xf32, #tpu.memory_space<vmem>>
        tpu.wait_dma2 semaphore(%run_scoped3A_29 : memref<!tpu.dma_semaphore, #tpu.memory_space<semaphore_mem>>) src(%dma_wait3A_43 : memref<2000xf32, #tpu.memory_space<vmem>>) dst(%dma_wait3A_40 : memref<2000xf32, #tpu.memory_space<hbm>>)
        tpu.yield
      }) : () -> ()
      %add3A_23 = arith.constant 640000 : i32
      %add3A_24 = arith.addi %add3A_23, %add3A_11 : i32
      %run_scoped3A_25 = arith.constant 2 : i32
      "tpu.region"() ({
        %run_scoped3A_29 = tpu.sem_alloc : memref<!tpu.dma_semaphore, #tpu.memory_space<semaphore_mem>>
        %dma_start3A = arith.constant 0 : i32
        %dma_start3A_30 = tpu.memref_slice %arg9[%run_scoped3A_25, %dma_start3A] : memref<4x2000xf32, #tpu.memory_space<vmem>> -> memref<1x2000xf32, #tpu.memory_space<vmem>>
        %dma_start3A_31 = tpu.memref_squeeze %dma_start3A_30 : memref<1x2000xf32, #tpu.memory_space<vmem>> -> memref<2000xf32, #tpu.memory_space<vmem>>
        %dma_start3A_32 = tpu.memref_slice %arg5[%add3A_24] : memref<1280000xf32, #tpu.memory_space<hbm>> -> memref<2000xf32, #tpu.memory_space<hbm>>
        %dma_start3A_33 = tpu.memref_slice %arg5[%add3A_24] : memref<1280000xf32, #tpu.memory_space<hbm>> -> memref<2000xf32, #tpu.memory_space<hbm>>
        %dma_start3A_34 = arith.constant 0 : i32
        %dma_start3A_35 = tpu.memref_slice %arg9[%run_scoped3A_25, %dma_start3A_34] : memref<4x2000xf32, #tpu.memory_space<vmem>> -> memref<1x2000xf32, #tpu.memory_space<vmem>>
        %dma_start3A_36 = tpu.memref_squeeze %dma_start3A_35 : memref<1x2000xf32, #tpu.memory_space<vmem>> -> memref<2000xf32, #tpu.memory_space<vmem>>
        tpu.enqueue_dma source(%dma_start3A_36 : memref<2000xf32, #tpu.memory_space<vmem>>) target(%dma_start3A_33 : memref<2000xf32, #tpu.memory_space<hbm>>) target_semaphore(%run_scoped3A_29 : memref<!tpu.dma_semaphore, #tpu.memory_space<semaphore_mem>>)
        %dma_wait3A = arith.constant 0 : i32
        %dma_wait3A_37 = tpu.memref_slice %arg9[%run_scoped3A_25, %dma_wait3A] : memref<4x2000xf32, #tpu.memory_space<vmem>> -> memref<1x2000xf32, #tpu.memory_space<vmem>>
        %dma_wait3A_38 = tpu.memref_squeeze %dma_wait3A_37 : memref<1x2000xf32, #tpu.memory_space<vmem>> -> memref<2000xf32, #tpu.memory_space<vmem>>
        %dma_wait3A_39 = tpu.memref_slice %arg5[%add3A_24] : memref<1280000xf32, #tpu.memory_space<hbm>> -> memref<2000xf32, #tpu.memory_space<hbm>>
        %dma_wait3A_40 = tpu.memref_slice %arg5[%add3A_24] : memref<1280000xf32, #tpu.memory_space<hbm>> -> memref<2000xf32, #tpu.memory_space<hbm>>
        %dma_wait3A_41 = arith.constant 0 : i32
        %dma_wait3A_42 = tpu.memref_slice %arg9[%run_scoped3A_25, %dma_wait3A_41] : memref<4x2000xf32, #tpu.memory_space<vmem>> -> memref<1x2000xf32, #tpu.memory_space<vmem>>
        %dma_wait3A_43 = tpu.memref_squeeze %dma_wait3A_42 : memref<1x2000xf32, #tpu.memory_space<vmem>> -> memref<2000xf32, #tpu.memory_space<vmem>>
        tpu.wait_dma2 semaphore(%run_scoped3A_29 : memref<!tpu.dma_semaphore, #tpu.memory_space<semaphore_mem>>) src(%dma_wait3A_43 : memref<2000xf32, #tpu.memory_space<vmem>>) dst(%dma_wait3A_40 : memref<2000xf32, #tpu.memory_space<hbm>>)
        tpu.yield
      }) : () -> ()
      %add3A_26 = arith.constant 960000 : i32
      %add3A_27 = arith.addi %add3A_26, %add3A_11 : i32
      %run_scoped3A_28 = arith.constant 3 : i32
      "tpu.region"() ({
        %run_scoped3A_29 = tpu.sem_alloc : memref<!tpu.dma_semaphore, #tpu.memory_space<semaphore_mem>>
        %dma_start3A = arith.constant 0 : i32
        %dma_start3A_30 = tpu.memref_slice %arg9[%run_scoped3A_28, %dma_start3A] : memref<4x2000xf32, #tpu.memory_space<vmem>> -> memref<1x2000xf32, #tpu.memory_space<vmem>>
        %dma_start3A_31 = tpu.memref_squeeze %dma_start3A_30 : memref<1x2000xf32, #tpu.memory_space<vmem>> -> memref<2000xf32, #tpu.memory_space<vmem>>
        %dma_start3A_32 = tpu.memref_slice %arg5[%add3A_27] : memref<1280000xf32, #tpu.memory_space<hbm>> -> memref<2000xf32, #tpu.memory_space<hbm>>
        %dma_start3A_33 = tpu.memref_slice %arg5[%add3A_27] : memref<1280000xf32, #tpu.memory_space<hbm>> -> memref<2000xf32, #tpu.memory_space<hbm>>
        %dma_start3A_34 = arith.constant 0 : i32
        %dma_start3A_35 = tpu.memref_slice %arg9[%run_scoped3A_28, %dma_start3A_34] : memref<4x2000xf32, #tpu.memory_space<vmem>> -> memref<1x2000xf32, #tpu.memory_space<vmem>>
        %dma_start3A_36 = tpu.memref_squeeze %dma_start3A_35 : memref<1x2000xf32, #tpu.memory_space<vmem>> -> memref<2000xf32, #tpu.memory_space<vmem>>
        tpu.enqueue_dma source(%dma_start3A_36 : memref<2000xf32, #tpu.memory_space<vmem>>) target(%dma_start3A_33 : memref<2000xf32, #tpu.memory_space<hbm>>) target_semaphore(%run_scoped3A_29 : memref<!tpu.dma_semaphore, #tpu.memory_space<semaphore_mem>>)
        %dma_wait3A = arith.constant 0 : i32
        %dma_wait3A_37 = tpu.memref_slice %arg9[%run_scoped3A_28, %dma_wait3A] : memref<4x2000xf32, #tpu.memory_space<vmem>> -> memref<1x2000xf32, #tpu.memory_space<vmem>>
        %dma_wait3A_38 = tpu.memref_squeeze %dma_wait3A_37 : memref<1x2000xf32, #tpu.memory_space<vmem>> -> memref<2000xf32, #tpu.memory_space<vmem>>
        %dma_wait3A_39 = tpu.memref_slice %arg5[%add3A_27] : memref<1280000xf32, #tpu.memory_space<hbm>> -> memref<2000xf32, #tpu.memory_space<hbm>>
        %dma_wait3A_40 = tpu.memref_slice %arg5[%add3A_27] : memref<1280000xf32, #tpu.memory_space<hbm>> -> memref<2000xf32, #tpu.memory_space<hbm>>
        %dma_wait3A_41 = arith.constant 0 : i32
        %dma_wait3A_42 = tpu.memref_slice %arg9[%run_scoped3A_28, %dma_wait3A_41] : memref<4x2000xf32, #tpu.memory_space<vmem>> -> memref<1x2000xf32, #tpu.memory_space<vmem>>
        %dma_wait3A_43 = tpu.memref_squeeze %dma_wait3A_42 : memref<1x2000xf32, #tpu.memory_space<vmem>> -> memref<2000xf32, #tpu.memory_space<vmem>>
        tpu.wait_dma2 semaphore(%run_scoped3A_29 : memref<!tpu.dma_semaphore, #tpu.memory_space<semaphore_mem>>) src(%dma_wait3A_43 : memref<2000xf32, #tpu.memory_space<vmem>>) dst(%dma_wait3A_40 : memref<2000xf32, #tpu.memory_space<hbm>>)
        tpu.yield
      }) : () -> ()
    }
    %scan3A_5 = arith.constant 5 : i32
    return
  }
}

#map = affine_map<(d0, d1) -> (0)>
#map1 = affine_map<(d0, d1) -> (0, 0)>
#map2 = affine_map<(d0, d1) -> (0, 0, 0)>
module attributes {stable_mosaic.version = 14 : i64} {
  func.func @k(%arg0: i32, %arg1: i32, %arg2: memref<320000xi32, #tpu.memory_space<hbm>>, %arg3: memref<320000xi32, #tpu.memory_space<hbm>>, %arg4: memref<320000xf32, #tpu.memory_space<hbm>>, %arg5: memref<10000x16xf32, #tpu.memory_space<hbm>>, %arg6: memref<10240x16xf32, #tpu.memory_space<hbm>>, %arg7: memref<10240x16xf32, #tpu.memory_space<hbm>>, %arg8: memref<2x10240x16xf32, #tpu.memory_space<hbm>>, %arg9: memref<2x10240x16xf32, #tpu.memory_space<hbm>>, %arg10: memref<2x400xi32, #tpu.memory_space<vmem>>, %arg11: memref<2x400xi32, #tpu.memory_space<vmem>>, %arg12: memref<2x400x16xf32, #tpu.memory_space<vmem>>, %arg13: memref<2x400xf32, #tpu.memory_space<vmem>>, %arg14: memref<2x400x16xf32, #tpu.memory_space<vmem>>, %arg15: memref<10240x16xf32, #tpu.memory_space<vmem_shared>>, %arg16: memref<10240x16xf32, #tpu.memory_space<vmem_shared>>, %arg17: memref<2x!tpu.dma_semaphore, #tpu.memory_space<semaphore_mem>>, %arg18: memref<2x!tpu.dma_semaphore, #tpu.memory_space<semaphore_mem>>) attributes {dimension_semantics = [#tpu.dimension_semantics<core_parallel>, #tpu.dimension_semantics<subcore_parallel>], iteration_bounds = array<i64: 2, 16>, scalar_prefetch = 0 : i64, scratch_operands = 9 : i64, tpu.core_type = #tpu.core_type<sc_vector_subcore>, window_params = [{transform_indices = #map}, {transform_indices = #map}, {transform_indices = #map}, {transform_indices = #map1}, {transform_indices = #map1}, {transform_indices = #map1}, {transform_indices = #map2}, {transform_indices = #map2}]} {
    %mul3A = arith.constant 16 : i32
    %mul3A_0 = arith.muli %arg0, %mul3A : i32
    %add3A = arith.addi %mul3A_0, %arg1 : i32
    %mul3A_1 = arith.constant 640 : i32
    %mul3A_2 = arith.muli %arg1, %mul3A_1 : i32
    %mul3A_3 = arith.constant 640 : i32
    %mul3A_4 = arith.muli %arg1, %mul3A_3 : i32
    "tpu.region"() ({
      %run_scoped3A_95 = tpu.sem_alloc : memref<!tpu.dma_semaphore, #tpu.memory_space<semaphore_mem>>
      %dma_start3A_96 = arith.constant 0 : i32
      %dma_start3A_97 = tpu.memref_slice %arg15[%mul3A_4, %dma_start3A_96] : memref<10240x16xf32, #tpu.memory_space<vmem_shared>> -> memref<640x16xf32, #tpu.memory_space<vmem_shared>>
      %dma_start3A_98 = arith.constant 0 : i32
      %dma_start3A_99 = tpu.memref_slice %arg6[%mul3A_2, %dma_start3A_98] : memref<10240x16xf32, #tpu.memory_space<hbm>> -> memref<640x16xf32, #tpu.memory_space<hbm>>
      tpu.enqueue_dma source(%dma_start3A_99 : memref<640x16xf32, #tpu.memory_space<hbm>>) target(%dma_start3A_97 : memref<640x16xf32, #tpu.memory_space<vmem_shared>>) target_semaphore(%run_scoped3A_95 : memref<!tpu.dma_semaphore, #tpu.memory_space<semaphore_mem>>)
      %dma_wait3A_100 = arith.constant 0 : i32
      %dma_wait3A_101 = tpu.memref_slice %arg15[%mul3A_4, %dma_wait3A_100] : memref<10240x16xf32, #tpu.memory_space<vmem_shared>> -> memref<640x16xf32, #tpu.memory_space<vmem_shared>>
      %dma_wait3A_102 = arith.constant 0 : i32
      %dma_wait3A_103 = tpu.memref_slice %arg6[%mul3A_2, %dma_wait3A_102] : memref<10240x16xf32, #tpu.memory_space<hbm>> -> memref<640x16xf32, #tpu.memory_space<hbm>>
      tpu.wait_dma2 semaphore(%run_scoped3A_95 : memref<!tpu.dma_semaphore, #tpu.memory_space<semaphore_mem>>) src(%dma_wait3A_103 : memref<640x16xf32, #tpu.memory_space<hbm>>) dst(%dma_wait3A_101 : memref<640x16xf32, #tpu.memory_space<vmem_shared>>)
      tpu.yield
    }) : () -> ()
    %mul3A_5 = arith.constant 640 : i32
    %mul3A_6 = arith.muli %arg1, %mul3A_5 : i32
    %mul3A_7 = arith.constant 640 : i32
    %mul3A_8 = arith.muli %arg1, %mul3A_7 : i32
    "tpu.region"() ({
      %run_scoped3A_95 = tpu.sem_alloc : memref<!tpu.dma_semaphore, #tpu.memory_space<semaphore_mem>>
      %dma_start3A_96 = arith.constant 0 : i32
      %dma_start3A_97 = tpu.memref_slice %arg16[%mul3A_8, %dma_start3A_96] : memref<10240x16xf32, #tpu.memory_space<vmem_shared>> -> memref<640x16xf32, #tpu.memory_space<vmem_shared>>
      %dma_start3A_98 = arith.constant 0 : i32
      %dma_start3A_99 = tpu.memref_slice %arg7[%mul3A_6, %dma_start3A_98] : memref<10240x16xf32, #tpu.memory_space<hbm>> -> memref<640x16xf32, #tpu.memory_space<hbm>>
      tpu.enqueue_dma source(%dma_start3A_99 : memref<640x16xf32, #tpu.memory_space<hbm>>) target(%dma_start3A_97 : memref<640x16xf32, #tpu.memory_space<vmem_shared>>) target_semaphore(%run_scoped3A_95 : memref<!tpu.dma_semaphore, #tpu.memory_space<semaphore_mem>>)
      %dma_wait3A_100 = arith.constant 0 : i32
      %dma_wait3A_101 = tpu.memref_slice %arg16[%mul3A_8, %dma_wait3A_100] : memref<10240x16xf32, #tpu.memory_space<vmem_shared>> -> memref<640x16xf32, #tpu.memory_space<vmem_shared>>
      %dma_wait3A_102 = arith.constant 0 : i32
      %dma_wait3A_103 = tpu.memref_slice %arg7[%mul3A_6, %dma_wait3A_102] : memref<10240x16xf32, #tpu.memory_space<hbm>> -> memref<640x16xf32, #tpu.memory_space<hbm>>
      tpu.wait_dma2 semaphore(%run_scoped3A_95 : memref<!tpu.dma_semaphore, #tpu.memory_space<semaphore_mem>>) src(%dma_wait3A_103 : memref<640x16xf32, #tpu.memory_space<hbm>>) dst(%dma_wait3A_101 : memref<640x16xf32, #tpu.memory_space<vmem_shared>>)
      tpu.yield
    }) : () -> ()
    %barrier3A = arith.constant 0 : index
    tpu.barrier barrier_id(%barrier3A)
    %iota3A = tpu.iota {dimensions = array<i32: 0>} : vector<16xi32>
    %eq3A = arith.constant 0 : i32
    %eq3A_9 = vector.broadcast %eq3A : i32 to vector<16xi32>
    %eq3A_10 = arith.cmpi eq, %iota3A, %eq3A_9 : vector<16xi32>
    %jit3A = arith.constant 1.000000e+00 : f32
    %jit3A_11 = arith.constant 0.000000e+00 : f32
    %broadcast_in_dim3A = vector.broadcast %jit3A : f32 to vector<16xf32>
    %broadcast_in_dim3A_12 = vector.broadcast %jit3A_11 : f32 to vector<16xf32>
    %select_n3A = arith.select %eq3A_10, %broadcast_in_dim3A, %broadcast_in_dim3A_12 : vector<16xi1>, vector<16xf32>
    %mul3A_13 = arith.constant 10000 : i32
    %mul3A_14 = arith.muli %add3A, %mul3A_13 : i32
    %add3A_15 = arith.constant 0 : i32
    %add3A_16 = arith.addi %mul3A_14, %add3A_15 : i32
    %run_scoped3A = arith.constant 0 : i32
    "tpu.region"() ({
      %run_scoped3A_95 = tpu.sem_alloc : memref<!tpu.dma_semaphore, #tpu.memory_space<semaphore_mem>>
      %dma_start3A_96 = arith.constant 0 : i32
      %dma_start3A_97 = tpu.memref_slice %arg10[%run_scoped3A, %dma_start3A_96] : memref<2x400xi32, #tpu.memory_space<vmem>> -> memref<1x400xi32, #tpu.memory_space<vmem>>
      %dma_start3A_98 = tpu.memref_squeeze %dma_start3A_97 : memref<1x400xi32, #tpu.memory_space<vmem>> -> memref<400xi32, #tpu.memory_space<vmem>>
      %dma_start3A_99 = tpu.memref_slice %arg2[%add3A_16] : memref<320000xi32, #tpu.memory_space<hbm>> -> memref<400xi32, #tpu.memory_space<hbm>>
      %dma_start3A_100 = arith.constant 0 : i32
      %dma_start3A_101 = tpu.memref_slice %arg10[%run_scoped3A, %dma_start3A_100] : memref<2x400xi32, #tpu.memory_space<vmem>> -> memref<1x400xi32, #tpu.memory_space<vmem>>
      %dma_start3A_102 = tpu.memref_squeeze %dma_start3A_101 : memref<1x400xi32, #tpu.memory_space<vmem>> -> memref<400xi32, #tpu.memory_space<vmem>>
      %dma_start3A_103 = tpu.memref_slice %arg2[%add3A_16] : memref<320000xi32, #tpu.memory_space<hbm>> -> memref<400xi32, #tpu.memory_space<hbm>>
      tpu.enqueue_dma source(%dma_start3A_103 : memref<400xi32, #tpu.memory_space<hbm>>) target(%dma_start3A_102 : memref<400xi32, #tpu.memory_space<vmem>>) target_semaphore(%run_scoped3A_95 : memref<!tpu.dma_semaphore, #tpu.memory_space<semaphore_mem>>)
      %dma_wait3A_104 = arith.constant 0 : i32
      %dma_wait3A_105 = tpu.memref_slice %arg10[%run_scoped3A, %dma_wait3A_104] : memref<2x400xi32, #tpu.memory_space<vmem>> -> memref<1x400xi32, #tpu.memory_space<vmem>>
      %dma_wait3A_106 = tpu.memref_squeeze %dma_wait3A_105 : memref<1x400xi32, #tpu.memory_space<vmem>> -> memref<400xi32, #tpu.memory_space<vmem>>
      %dma_wait3A_107 = tpu.memref_slice %arg2[%add3A_16] : memref<320000xi32, #tpu.memory_space<hbm>> -> memref<400xi32, #tpu.memory_space<hbm>>
      %dma_wait3A_108 = arith.constant 0 : i32
      %dma_wait3A_109 = tpu.memref_slice %arg10[%run_scoped3A, %dma_wait3A_108] : memref<2x400xi32, #tpu.memory_space<vmem>> -> memref<1x400xi32, #tpu.memory_space<vmem>>
      %dma_wait3A_110 = tpu.memref_squeeze %dma_wait3A_109 : memref<1x400xi32, #tpu.memory_space<vmem>> -> memref<400xi32, #tpu.memory_space<vmem>>
      %dma_wait3A_111 = tpu.memref_slice %arg2[%add3A_16] : memref<320000xi32, #tpu.memory_space<hbm>> -> memref<400xi32, #tpu.memory_space<hbm>>
      tpu.wait_dma2 semaphore(%run_scoped3A_95 : memref<!tpu.dma_semaphore, #tpu.memory_space<semaphore_mem>>) src(%dma_wait3A_111 : memref<400xi32, #tpu.memory_space<hbm>>) dst(%dma_wait3A_110 : memref<400xi32, #tpu.memory_space<vmem>>)
      tpu.yield
    }) : () -> ()
    %run_scoped3A_17 = arith.constant 0 : i32
    "tpu.region"() ({
      %run_scoped3A_95 = tpu.sem_alloc : memref<!tpu.dma_semaphore, #tpu.memory_space<semaphore_mem>>
      %dma_start3A_96 = arith.constant 0 : i32
      %dma_start3A_97 = tpu.memref_slice %arg11[%run_scoped3A_17, %dma_start3A_96] : memref<2x400xi32, #tpu.memory_space<vmem>> -> memref<1x400xi32, #tpu.memory_space<vmem>>
      %dma_start3A_98 = tpu.memref_squeeze %dma_start3A_97 : memref<1x400xi32, #tpu.memory_space<vmem>> -> memref<400xi32, #tpu.memory_space<vmem>>
      %dma_start3A_99 = tpu.memref_slice %arg3[%add3A_16] : memref<320000xi32, #tpu.memory_space<hbm>> -> memref<400xi32, #tpu.memory_space<hbm>>
      %dma_start3A_100 = arith.constant 0 : i32
      %dma_start3A_101 = tpu.memref_slice %arg11[%run_scoped3A_17, %dma_start3A_100] : memref<2x400xi32, #tpu.memory_space<vmem>> -> memref<1x400xi32, #tpu.memory_space<vmem>>
      %dma_start3A_102 = tpu.memref_squeeze %dma_start3A_101 : memref<1x400xi32, #tpu.memory_space<vmem>> -> memref<400xi32, #tpu.memory_space<vmem>>
      %dma_start3A_103 = tpu.memref_slice %arg3[%add3A_16] : memref<320000xi32, #tpu.memory_space<hbm>> -> memref<400xi32, #tpu.memory_space<hbm>>
      tpu.enqueue_dma source(%dma_start3A_103 : memref<400xi32, #tpu.memory_space<hbm>>) target(%dma_start3A_102 : memref<400xi32, #tpu.memory_space<vmem>>) target_semaphore(%run_scoped3A_95 : memref<!tpu.dma_semaphore, #tpu.memory_space<semaphore_mem>>)
      %dma_wait3A_104 = arith.constant 0 : i32
      %dma_wait3A_105 = tpu.memref_slice %arg11[%run_scoped3A_17, %dma_wait3A_104] : memref<2x400xi32, #tpu.memory_space<vmem>> -> memref<1x400xi32, #tpu.memory_space<vmem>>
      %dma_wait3A_106 = tpu.memref_squeeze %dma_wait3A_105 : memref<1x400xi32, #tpu.memory_space<vmem>> -> memref<400xi32, #tpu.memory_space<vmem>>
      %dma_wait3A_107 = tpu.memref_slice %arg3[%add3A_16] : memref<320000xi32, #tpu.memory_space<hbm>> -> memref<400xi32, #tpu.memory_space<hbm>>
      %dma_wait3A_108 = arith.constant 0 : i32
      %dma_wait3A_109 = tpu.memref_slice %arg11[%run_scoped3A_17, %dma_wait3A_108] : memref<2x400xi32, #tpu.memory_space<vmem>> -> memref<1x400xi32, #tpu.memory_space<vmem>>
      %dma_wait3A_110 = tpu.memref_squeeze %dma_wait3A_109 : memref<1x400xi32, #tpu.memory_space<vmem>> -> memref<400xi32, #tpu.memory_space<vmem>>
      %dma_wait3A_111 = tpu.memref_slice %arg3[%add3A_16] : memref<320000xi32, #tpu.memory_space<hbm>> -> memref<400xi32, #tpu.memory_space<hbm>>
      tpu.wait_dma2 semaphore(%run_scoped3A_95 : memref<!tpu.dma_semaphore, #tpu.memory_space<semaphore_mem>>) src(%dma_wait3A_111 : memref<400xi32, #tpu.memory_space<hbm>>) dst(%dma_wait3A_110 : memref<400xi32, #tpu.memory_space<vmem>>)
      tpu.yield
    }) : () -> ()
    %add3A_18 = arith.constant 0 : i32
    %add3A_19 = arith.addi %add3A_18, %add3A_16 : i32
    %dma_start3A = arith.constant 0 : i32
    %dma_start3A_20 = arith.constant 0 : i32
    %dma_start3A_21 = arith.constant 0 : i32
    %dma_start3A_22 = tpu.memref_slice %arg13[%dma_start3A, %dma_start3A_21] : memref<2x400xf32, #tpu.memory_space<vmem>> -> memref<1x400xf32, #tpu.memory_space<vmem>>
    %dma_start3A_23 = tpu.memref_squeeze %dma_start3A_22 : memref<1x400xf32, #tpu.memory_space<vmem>> -> memref<400xf32, #tpu.memory_space<vmem>>
    %dma_start3A_24 = tpu.memref_slice %arg4[%add3A_19] : memref<320000xf32, #tpu.memory_space<hbm>> -> memref<400xf32, #tpu.memory_space<hbm>>
    %dma_start3A_25 = tpu.memref_slice %arg17[%dma_start3A_20] : memref<2x!tpu.dma_semaphore, #tpu.memory_space<semaphore_mem>> -> memref<1x!tpu.dma_semaphore, #tpu.memory_space<semaphore_mem>>
    %dma_start3A_26 = tpu.memref_squeeze %dma_start3A_25 : memref<1x!tpu.dma_semaphore, #tpu.memory_space<semaphore_mem>> -> memref<!tpu.dma_semaphore, #tpu.memory_space<semaphore_mem>>
    %dma_start3A_27 = arith.constant 0 : i32
    %dma_start3A_28 = tpu.memref_slice %arg13[%dma_start3A, %dma_start3A_27] : memref<2x400xf32, #tpu.memory_space<vmem>> -> memref<1x400xf32, #tpu.memory_space<vmem>>
    %dma_start3A_29 = tpu.memref_squeeze %dma_start3A_28 : memref<1x400xf32, #tpu.memory_space<vmem>> -> memref<400xf32, #tpu.memory_space<vmem>>
    %dma_start3A_30 = tpu.memref_slice %arg4[%add3A_19] : memref<320000xf32, #tpu.memory_space<hbm>> -> memref<400xf32, #tpu.memory_space<hbm>>
    tpu.enqueue_dma source(%dma_start3A_30 : memref<400xf32, #tpu.memory_space<hbm>>) target(%dma_start3A_29 : memref<400xf32, #tpu.memory_space<vmem>>) target_semaphore(%dma_start3A_26 : memref<!tpu.dma_semaphore, #tpu.memory_space<semaphore_mem>>)
    %dma_start3A_31 = arith.constant 0 : i32
    %dma_start3A_32 = arith.constant 0 : i32
    %dma_start3A_33 = arith.constant 0 : i32
    %dma_start3A_34 = arith.constant 0 : i32
    %dma_start3A_35 = arith.constant 0 : i32
    %dma_start3A_36 = tpu.memref_slice %arg12[%dma_start3A_32, %dma_start3A_34, %dma_start3A_35] : memref<2x400x16xf32, #tpu.memory_space<vmem>> -> memref<1x400x16xf32, #tpu.memory_space<vmem>>
    %dma_start3A_37 = tpu.memref_squeeze %dma_start3A_36 : memref<1x400x16xf32, #tpu.memory_space<vmem>> -> memref<400x16xf32, #tpu.memory_space<vmem>>
    %dma_start3A_38 = arith.constant 0 : i32
    %dma_start3A_39 = tpu.memref_slice %arg10[%dma_start3A_31, %dma_start3A_38] : memref<2x400xi32, #tpu.memory_space<vmem>> -> memref<1x400xi32, #tpu.memory_space<vmem>>
    %dma_start3A_40 = tpu.memref_squeeze %dma_start3A_39 : memref<1x400xi32, #tpu.memory_space<vmem>> -> memref<400xi32, #tpu.memory_space<vmem>>
    %dma_start3A_41 = arith.constant 0 : i32
    %dma_start3A_42 = arith.constant 0 : i32
    %dma_start3A_43 = tpu.memref_slice %arg5[%dma_start3A_41, %dma_start3A_42] : memref<10000x16xf32, #tpu.memory_space<hbm>> -> memref<10000x16xf32, #tpu.memory_space<hbm>>
    %dma_start3A_44 = tpu.memref_slice %arg17[%dma_start3A_33] : memref<2x!tpu.dma_semaphore, #tpu.memory_space<semaphore_mem>> -> memref<1x!tpu.dma_semaphore, #tpu.memory_space<semaphore_mem>>
    %dma_start3A_45 = tpu.memref_squeeze %dma_start3A_44 : memref<1x!tpu.dma_semaphore, #tpu.memory_space<semaphore_mem>> -> memref<!tpu.dma_semaphore, #tpu.memory_space<semaphore_mem>>
    tpu.enqueue_indirect_dma source(%dma_start3A_43 : memref<10000x16xf32, #tpu.memory_space<hbm>>) target(%dma_start3A_37 : memref<400x16xf32, #tpu.memory_space<vmem>>) offsets(%dma_start3A_40 : memref<400xi32, #tpu.memory_space<vmem>>) semaphore(%dma_start3A_45 : memref<!tpu.dma_semaphore, #tpu.memory_space<semaphore_mem>>)
    %scan3A = arith.constant 0 : i32
    %scan3A_46 = arith.constant 0 : i32
    %scan3A_47 = arith.constant 25 : i32
    %scan3A_48 = arith.addi %scan3A_46, %scan3A_47 : i32
    %scan3A_49 = arith.constant 1 : i32
    scf.for %scan3A_95 = %scan3A_46 to %scan3A_48 step %scan3A_49  : i32 {
      %rem3A = arith.constant 2 : i32
      %rem3A_96 = arith.remsi %scan3A_95, %rem3A : i32
      %sub3A = arith.constant 1 : i32
      %sub3A_97 = arith.subi %sub3A, %rem3A_96 : i32
      %gt3A = arith.constant 0 : i32
      %gt3A_98 = arith.cmpi sgt, %scan3A_95, %gt3A : i32
      %convert_element_type3A = arith.extui %gt3A_98 : i1 to i32
      %cond3A = arith.constant 0 : i32
      %cond3A_99 = arith.cmpi ne, %convert_element_type3A, %cond3A : i32
      scf.if %cond3A_99 {
        %dma_wait3A_164 = arith.constant 0 : i32
        %dma_wait3A_165 = arith.constant 0 : i32
        %dma_wait3A_166 = tpu.memref_slice %arg12[%sub3A_97, %dma_wait3A_164, %dma_wait3A_165] : memref<2x400x16xf32, #tpu.memory_space<vmem>> -> memref<1x400x16xf32, #tpu.memory_space<vmem>>
        %dma_wait3A_167 = tpu.memref_squeeze %dma_wait3A_166 : memref<1x400x16xf32, #tpu.memory_space<vmem>> -> memref<400x16xf32, #tpu.memory_space<vmem>>
        %dma_wait3A_168 = arith.constant 0 : i32
        %dma_wait3A_169 = arith.constant 0 : i32
        %dma_wait3A_170 = tpu.memref_slice %arg5[%dma_wait3A_168, %dma_wait3A_169] : memref<10000x16xf32, #tpu.memory_space<hbm>> -> memref<400x16xf32, #tpu.memory_space<hbm>>
        %dma_wait3A_171 = tpu.memref_slice %arg18[%sub3A_97] : memref<2x!tpu.dma_semaphore, #tpu.memory_space<semaphore_mem>> -> memref<1x!tpu.dma_semaphore, #tpu.memory_space<semaphore_mem>>
        %dma_wait3A_172 = tpu.memref_squeeze %dma_wait3A_171 : memref<1x!tpu.dma_semaphore, #tpu.memory_space<semaphore_mem>> -> memref<!tpu.dma_semaphore, #tpu.memory_space<semaphore_mem>>
        %dma_wait3A_173 = arith.constant 0 : i32
        %dma_wait3A_174 = arith.constant 0 : i32
        %dma_wait3A_175 = tpu.memref_slice %arg12[%sub3A_97, %dma_wait3A_173, %dma_wait3A_174] : memref<2x400x16xf32, #tpu.memory_space<vmem>> -> memref<1x400x16xf32, #tpu.memory_space<vmem>>
        %dma_wait3A_176 = tpu.memref_squeeze %dma_wait3A_175 : memref<1x400x16xf32, #tpu.memory_space<vmem>> -> memref<400x16xf32, #tpu.memory_space<vmem>>
        %dma_wait3A_177 = arith.constant 0 : i32
        %dma_wait3A_178 = arith.constant 0 : i32
        %dma_wait3A_179 = tpu.memref_slice %arg5[%dma_wait3A_177, %dma_wait3A_178] : memref<10000x16xf32, #tpu.memory_space<hbm>> -> memref<400x16xf32, #tpu.memory_space<hbm>>
        tpu.wait_dma2 semaphore(%dma_wait3A_172 : memref<!tpu.dma_semaphore, #tpu.memory_space<semaphore_mem>>) src(%dma_wait3A_179 : memref<400x16xf32, #tpu.memory_space<hbm>>) dst(%dma_wait3A_176 : memref<400x16xf32, #tpu.memory_space<vmem>>)
        %dma_wait3A_180 = arith.constant 0 : i32
        %dma_wait3A_181 = arith.constant 0 : i32
        %dma_wait3A_182 = tpu.memref_slice %arg14[%sub3A_97, %dma_wait3A_180, %dma_wait3A_181] : memref<2x400x16xf32, #tpu.memory_space<vmem>> -> memref<1x400x16xf32, #tpu.memory_space<vmem>>
        %dma_wait3A_183 = tpu.memref_squeeze %dma_wait3A_182 : memref<1x400x16xf32, #tpu.memory_space<vmem>> -> memref<400x16xf32, #tpu.memory_space<vmem>>
        %dma_wait3A_184 = arith.constant 0 : i32
        %dma_wait3A_185 = arith.constant 0 : i32
        %dma_wait3A_186 = tpu.memref_slice %arg5[%dma_wait3A_184, %dma_wait3A_185] : memref<10000x16xf32, #tpu.memory_space<hbm>> -> memref<400x16xf32, #tpu.memory_space<hbm>>
        %dma_wait3A_187 = tpu.memref_slice %arg18[%sub3A_97] : memref<2x!tpu.dma_semaphore, #tpu.memory_space<semaphore_mem>> -> memref<1x!tpu.dma_semaphore, #tpu.memory_space<semaphore_mem>>
        %dma_wait3A_188 = tpu.memref_squeeze %dma_wait3A_187 : memref<1x!tpu.dma_semaphore, #tpu.memory_space<semaphore_mem>> -> memref<!tpu.dma_semaphore, #tpu.memory_space<semaphore_mem>>
        %dma_wait3A_189 = arith.constant 0 : i32
        %dma_wait3A_190 = arith.constant 0 : i32
        %dma_wait3A_191 = tpu.memref_slice %arg14[%sub3A_97, %dma_wait3A_189, %dma_wait3A_190] : memref<2x400x16xf32, #tpu.memory_space<vmem>> -> memref<1x400x16xf32, #tpu.memory_space<vmem>>
        %dma_wait3A_192 = tpu.memref_squeeze %dma_wait3A_191 : memref<1x400x16xf32, #tpu.memory_space<vmem>> -> memref<400x16xf32, #tpu.memory_space<vmem>>
        %dma_wait3A_193 = arith.constant 0 : i32
        %dma_wait3A_194 = arith.constant 0 : i32
        %dma_wait3A_195 = tpu.memref_slice %arg5[%dma_wait3A_193, %dma_wait3A_194] : memref<10000x16xf32, #tpu.memory_space<hbm>> -> memref<400x16xf32, #tpu.memory_space<hbm>>
        tpu.wait_dma2 semaphore(%dma_wait3A_188 : memref<!tpu.dma_semaphore, #tpu.memory_space<semaphore_mem>>) src(%dma_wait3A_195 : memref<400x16xf32, #tpu.memory_space<hbm>>) dst(%dma_wait3A_192 : memref<400x16xf32, #tpu.memory_space<vmem>>)
      } else {
      }
      %add3A_100 = arith.constant 1 : i32
      %add3A_101 = arith.addi %scan3A_95, %add3A_100 : i32
      %lt3A = arith.constant 25 : i32
      %lt3A_102 = arith.cmpi slt, %add3A_101, %lt3A : i32
      %convert_element_type3A_103 = arith.extui %lt3A_102 : i1 to i32
      %cond3A_104 = arith.constant 0 : i32
      %cond3A_105 = arith.cmpi ne, %convert_element_type3A_103, %cond3A_104 : i32
      scf.if %cond3A_105 {
        %add3A_164 = arith.constant 1 : i32
        %add3A_165 = arith.addi %scan3A_95, %add3A_164 : i32
        %mul3A_166 = arith.constant 10000 : i32
        %mul3A_167 = arith.muli %add3A, %mul3A_166 : i32
        %mul3A_168 = arith.constant 400 : i32
        %mul3A_169 = arith.muli %add3A_165, %mul3A_168 : i32
        %add3A_170 = arith.addi %mul3A_167, %mul3A_169 : i32
        "tpu.region"() ({
          %run_scoped3A_195 = tpu.sem_alloc : memref<!tpu.dma_semaphore, #tpu.memory_space<semaphore_mem>>
          %dma_start3A_196 = arith.constant 0 : i32
          %dma_start3A_197 = tpu.memref_slice %arg10[%sub3A_97, %dma_start3A_196] : memref<2x400xi32, #tpu.memory_space<vmem>> -> memref<1x400xi32, #tpu.memory_space<vmem>>
          %dma_start3A_198 = tpu.memref_squeeze %dma_start3A_197 : memref<1x400xi32, #tpu.memory_space<vmem>> -> memref<400xi32, #tpu.memory_space<vmem>>
          %dma_start3A_199 = tpu.memref_slice %arg2[%add3A_170] : memref<320000xi32, #tpu.memory_space<hbm>> -> memref<400xi32, #tpu.memory_space<hbm>>
          %dma_start3A_200 = arith.constant 0 : i32
          %dma_start3A_201 = tpu.memref_slice %arg10[%sub3A_97, %dma_start3A_200] : memref<2x400xi32, #tpu.memory_space<vmem>> -> memref<1x400xi32, #tpu.memory_space<vmem>>
          %dma_start3A_202 = tpu.memref_squeeze %dma_start3A_201 : memref<1x400xi32, #tpu.memory_space<vmem>> -> memref<400xi32, #tpu.memory_space<vmem>>
          %dma_start3A_203 = tpu.memref_slice %arg2[%add3A_170] : memref<320000xi32, #tpu.memory_space<hbm>> -> memref<400xi32, #tpu.memory_space<hbm>>
          tpu.enqueue_dma source(%dma_start3A_203 : memref<400xi32, #tpu.memory_space<hbm>>) target(%dma_start3A_202 : memref<400xi32, #tpu.memory_space<vmem>>) target_semaphore(%run_scoped3A_195 : memref<!tpu.dma_semaphore, #tpu.memory_space<semaphore_mem>>)
          %dma_wait3A_204 = arith.constant 0 : i32
          %dma_wait3A_205 = tpu.memref_slice %arg10[%sub3A_97, %dma_wait3A_204] : memref<2x400xi32, #tpu.memory_space<vmem>> -> memref<1x400xi32, #tpu.memory_space<vmem>>
          %dma_wait3A_206 = tpu.memref_squeeze %dma_wait3A_205 : memref<1x400xi32, #tpu.memory_space<vmem>> -> memref<400xi32, #tpu.memory_space<vmem>>
          %dma_wait3A_207 = tpu.memref_slice %arg2[%add3A_170] : memref<320000xi32, #tpu.memory_space<hbm>> -> memref<400xi32, #tpu.memory_space<hbm>>
          %dma_wait3A_208 = arith.constant 0 : i32
          %dma_wait3A_209 = tpu.memref_slice %arg10[%sub3A_97, %dma_wait3A_208] : memref<2x400xi32, #tpu.memory_space<vmem>> -> memref<1x400xi32, #tpu.memory_space<vmem>>
          %dma_wait3A_210 = tpu.memref_squeeze %dma_wait3A_209 : memref<1x400xi32, #tpu.memory_space<vmem>> -> memref<400xi32, #tpu.memory_space<vmem>>
          %dma_wait3A_211 = tpu.memref_slice %arg2[%add3A_170] : memref<320000xi32, #tpu.memory_space<hbm>> -> memref<400xi32, #tpu.memory_space<hbm>>
          tpu.wait_dma2 semaphore(%run_scoped3A_195 : memref<!tpu.dma_semaphore, #tpu.memory_space<semaphore_mem>>) src(%dma_wait3A_211 : memref<400xi32, #tpu.memory_space<hbm>>) dst(%dma_wait3A_210 : memref<400xi32, #tpu.memory_space<vmem>>)
          tpu.yield
        }) : () -> ()
        "tpu.region"() ({
          %run_scoped3A_195 = tpu.sem_alloc : memref<!tpu.dma_semaphore, #tpu.memory_space<semaphore_mem>>
          %dma_start3A_196 = arith.constant 0 : i32
          %dma_start3A_197 = tpu.memref_slice %arg11[%sub3A_97, %dma_start3A_196] : memref<2x400xi32, #tpu.memory_space<vmem>> -> memref<1x400xi32, #tpu.memory_space<vmem>>
          %dma_start3A_198 = tpu.memref_squeeze %dma_start3A_197 : memref<1x400xi32, #tpu.memory_space<vmem>> -> memref<400xi32, #tpu.memory_space<vmem>>
          %dma_start3A_199 = tpu.memref_slice %arg3[%add3A_170] : memref<320000xi32, #tpu.memory_space<hbm>> -> memref<400xi32, #tpu.memory_space<hbm>>
          %dma_start3A_200 = arith.constant 0 : i32
          %dma_start3A_201 = tpu.memref_slice %arg11[%sub3A_97, %dma_start3A_200] : memref<2x400xi32, #tpu.memory_space<vmem>> -> memref<1x400xi32, #tpu.memory_space<vmem>>
          %dma_start3A_202 = tpu.memref_squeeze %dma_start3A_201 : memref<1x400xi32, #tpu.memory_space<vmem>> -> memref<400xi32, #tpu.memory_space<vmem>>
          %dma_start3A_203 = tpu.memref_slice %arg3[%add3A_170] : memref<320000xi32, #tpu.memory_space<hbm>> -> memref<400xi32, #tpu.memory_space<hbm>>
          tpu.enqueue_dma source(%dma_start3A_203 : memref<400xi32, #tpu.memory_space<hbm>>) target(%dma_start3A_202 : memref<400xi32, #tpu.memory_space<vmem>>) target_semaphore(%run_scoped3A_195 : memref<!tpu.dma_semaphore, #tpu.memory_space<semaphore_mem>>)
          %dma_wait3A_204 = arith.constant 0 : i32
          %dma_wait3A_205 = tpu.memref_slice %arg11[%sub3A_97, %dma_wait3A_204] : memref<2x400xi32, #tpu.memory_space<vmem>> -> memref<1x400xi32, #tpu.memory_space<vmem>>
          %dma_wait3A_206 = tpu.memref_squeeze %dma_wait3A_205 : memref<1x400xi32, #tpu.memory_space<vmem>> -> memref<400xi32, #tpu.memory_space<vmem>>
          %dma_wait3A_207 = tpu.memref_slice %arg3[%add3A_170] : memref<320000xi32, #tpu.memory_space<hbm>> -> memref<400xi32, #tpu.memory_space<hbm>>
          %dma_wait3A_208 = arith.constant 0 : i32
          %dma_wait3A_209 = tpu.memref_slice %arg11[%sub3A_97, %dma_wait3A_208] : memref<2x400xi32, #tpu.memory_space<vmem>> -> memref<1x400xi32, #tpu.memory_space<vmem>>
          %dma_wait3A_210 = tpu.memref_squeeze %dma_wait3A_209 : memref<1x400xi32, #tpu.memory_space<vmem>> -> memref<400xi32, #tpu.memory_space<vmem>>
          %dma_wait3A_211 = tpu.memref_slice %arg3[%add3A_170] : memref<320000xi32, #tpu.memory_space<hbm>> -> memref<400xi32, #tpu.memory_space<hbm>>
          tpu.wait_dma2 semaphore(%run_scoped3A_195 : memref<!tpu.dma_semaphore, #tpu.memory_space<semaphore_mem>>) src(%dma_wait3A_211 : memref<400xi32, #tpu.memory_space<hbm>>) dst(%dma_wait3A_210 : memref<400xi32, #tpu.memory_space<vmem>>)
          tpu.yield
        }) : () -> ()
        %add3A_171 = arith.constant 0 : i32
        %add3A_172 = arith.addi %add3A_171, %add3A_170 : i32
        %dma_start3A_173 = arith.constant 0 : i32
        %dma_start3A_174 = tpu.memref_slice %arg13[%sub3A_97, %dma_start3A_173] : memref<2x400xf32, #tpu.memory_space<vmem>> -> memref<1x400xf32, #tpu.memory_space<vmem>>
        %dma_start3A_175 = tpu.memref_squeeze %dma_start3A_174 : memref<1x400xf32, #tpu.memory_space<vmem>> -> memref<400xf32, #tpu.memory_space<vmem>>
        %dma_start3A_176 = tpu.memref_slice %arg4[%add3A_172] : memref<320000xf32, #tpu.memory_space<hbm>> -> memref<400xf32, #tpu.memory_space<hbm>>
        %dma_start3A_177 = tpu.memref_slice %arg17[%sub3A_97] : memref<2x!tpu.dma_semaphore, #tpu.memory_space<semaphore_mem>> -> memref<1x!tpu.dma_semaphore, #tpu.memory_space<semaphore_mem>>
        %dma_start3A_178 = tpu.memref_squeeze %dma_start3A_177 : memref<1x!tpu.dma_semaphore, #tpu.memory_space<semaphore_mem>> -> memref<!tpu.dma_semaphore, #tpu.memory_space<semaphore_mem>>
        %dma_start3A_179 = arith.constant 0 : i32
        %dma_start3A_180 = tpu.memref_slice %arg13[%sub3A_97, %dma_start3A_179] : memref<2x400xf32, #tpu.memory_space<vmem>> -> memref<1x400xf32, #tpu.memory_space<vmem>>
        %dma_start3A_181 = tpu.memref_squeeze %dma_start3A_180 : memref<1x400xf32, #tpu.memory_space<vmem>> -> memref<400xf32, #tpu.memory_space<vmem>>
        %dma_start3A_182 = tpu.memref_slice %arg4[%add3A_172] : memref<320000xf32, #tpu.memory_space<hbm>> -> memref<400xf32, #tpu.memory_space<hbm>>
        tpu.enqueue_dma source(%dma_start3A_182 : memref<400xf32, #tpu.memory_space<hbm>>) target(%dma_start3A_181 : memref<400xf32, #tpu.memory_space<vmem>>) target_semaphore(%dma_start3A_178 : memref<!tpu.dma_semaphore, #tpu.memory_space<semaphore_mem>>)
        %dma_start3A_183 = arith.constant 0 : i32
        %dma_start3A_184 = arith.constant 0 : i32
        %dma_start3A_185 = tpu.memref_slice %arg12[%sub3A_97, %dma_start3A_183, %dma_start3A_184] : memref<2x400x16xf32, #tpu.memory_space<vmem>> -> memref<1x400x16xf32, #tpu.memory_space<vmem>>
        %dma_start3A_186 = tpu.memref_squeeze %dma_start3A_185 : memref<1x400x16xf32, #tpu.memory_space<vmem>> -> memref<400x16xf32, #tpu.memory_space<vmem>>
        %dma_start3A_187 = arith.constant 0 : i32
        %dma_start3A_188 = tpu.memref_slice %arg10[%sub3A_97, %dma_start3A_187] : memref<2x400xi32, #tpu.memory_space<vmem>> -> memref<1x400xi32, #tpu.memory_space<vmem>>
        %dma_start3A_189 = tpu.memref_squeeze %dma_start3A_188 : memref<1x400xi32, #tpu.memory_space<vmem>> -> memref<400xi32, #tpu.memory_space<vmem>>
        %dma_start3A_190 = arith.constant 0 : i32
        %dma_start3A_191 = arith.constant 0 : i32
        %dma_start3A_192 = tpu.memref_slice %arg5[%dma_start3A_190, %dma_start3A_191] : memref<10000x16xf32, #tpu.memory_space<hbm>> -> memref<10000x16xf32, #tpu.memory_space<hbm>>
        %dma_start3A_193 = tpu.memref_slice %arg17[%sub3A_97] : memref<2x!tpu.dma_semaphore, #tpu.memory_space<semaphore_mem>> -> memref<1x!tpu.dma_semaphore, #tpu.memory_space<semaphore_mem>>
        %dma_start3A_194 = tpu.memref_squeeze %dma_start3A_193 : memref<1x!tpu.dma_semaphore, #tpu.memory_space<semaphore_mem>> -> memref<!tpu.dma_semaphore, #tpu.memory_space<semaphore_mem>>
        tpu.enqueue_indirect_dma source(%dma_start3A_192 : memref<10000x16xf32, #tpu.memory_space<hbm>>) target(%dma_start3A_186 : memref<400x16xf32, #tpu.memory_space<vmem>>) offsets(%dma_start3A_189 : memref<400xi32, #tpu.memory_space<vmem>>) semaphore(%dma_start3A_194 : memref<!tpu.dma_semaphore, #tpu.memory_space<semaphore_mem>>)
      } else {
      }
      %dma_wait3A_106 = arith.constant 0 : i32
      %dma_wait3A_107 = tpu.memref_slice %arg13[%rem3A_96, %dma_wait3A_106] : memref<2x400xf32, #tpu.memory_space<vmem>> -> memref<1x400xf32, #tpu.memory_space<vmem>>
      %dma_wait3A_108 = tpu.memref_squeeze %dma_wait3A_107 : memref<1x400xf32, #tpu.memory_space<vmem>> -> memref<400xf32, #tpu.memory_space<vmem>>
      %dma_wait3A_109 = arith.constant 0 : i32
      %dma_wait3A_110 = tpu.memref_slice %arg4[%dma_wait3A_109] : memref<320000xf32, #tpu.memory_space<hbm>> -> memref<400xf32, #tpu.memory_space<hbm>>
      %dma_wait3A_111 = tpu.memref_slice %arg17[%rem3A_96] : memref<2x!tpu.dma_semaphore, #tpu.memory_space<semaphore_mem>> -> memref<1x!tpu.dma_semaphore, #tpu.memory_space<semaphore_mem>>
      %dma_wait3A_112 = tpu.memref_squeeze %dma_wait3A_111 : memref<1x!tpu.dma_semaphore, #tpu.memory_space<semaphore_mem>> -> memref<!tpu.dma_semaphore, #tpu.memory_space<semaphore_mem>>
      %dma_wait3A_113 = arith.constant 0 : i32
      %dma_wait3A_114 = tpu.memref_slice %arg13[%rem3A_96, %dma_wait3A_113] : memref<2x400xf32, #tpu.memory_space<vmem>> -> memref<1x400xf32, #tpu.memory_space<vmem>>
      %dma_wait3A_115 = tpu.memref_squeeze %dma_wait3A_114 : memref<1x400xf32, #tpu.memory_space<vmem>> -> memref<400xf32, #tpu.memory_space<vmem>>
      %dma_wait3A_116 = arith.constant 0 : i32
      %dma_wait3A_117 = tpu.memref_slice %arg4[%dma_wait3A_116] : memref<320000xf32, #tpu.memory_space<hbm>> -> memref<400xf32, #tpu.memory_space<hbm>>
      tpu.wait_dma2 semaphore(%dma_wait3A_112 : memref<!tpu.dma_semaphore, #tpu.memory_space<semaphore_mem>>) src(%dma_wait3A_117 : memref<400xf32, #tpu.memory_space<hbm>>) dst(%dma_wait3A_115 : memref<400xf32, #tpu.memory_space<vmem>>)
      %dma_wait3A_118 = arith.constant 0 : i32
      %dma_wait3A_119 = arith.constant 0 : i32
      %dma_wait3A_120 = tpu.memref_slice %arg12[%rem3A_96, %dma_wait3A_118, %dma_wait3A_119] : memref<2x400x16xf32, #tpu.memory_space<vmem>> -> memref<1x400x16xf32, #tpu.memory_space<vmem>>
      %dma_wait3A_121 = tpu.memref_squeeze %dma_wait3A_120 : memref<1x400x16xf32, #tpu.memory_space<vmem>> -> memref<400x16xf32, #tpu.memory_space<vmem>>
      %dma_wait3A_122 = arith.constant 0 : i32
      %dma_wait3A_123 = arith.constant 0 : i32
      %dma_wait3A_124 = tpu.memref_slice %arg5[%dma_wait3A_122, %dma_wait3A_123] : memref<10000x16xf32, #tpu.memory_space<hbm>> -> memref<400x16xf32, #tpu.memory_space<hbm>>
      %dma_wait3A_125 = tpu.memref_slice %arg17[%rem3A_96] : memref<2x!tpu.dma_semaphore, #tpu.memory_space<semaphore_mem>> -> memref<1x!tpu.dma_semaphore, #tpu.memory_space<semaphore_mem>>
      %dma_wait3A_126 = tpu.memref_squeeze %dma_wait3A_125 : memref<1x!tpu.dma_semaphore, #tpu.memory_space<semaphore_mem>> -> memref<!tpu.dma_semaphore, #tpu.memory_space<semaphore_mem>>
      %dma_wait3A_127 = arith.constant 0 : i32
      %dma_wait3A_128 = arith.constant 0 : i32
      %dma_wait3A_129 = tpu.memref_slice %arg12[%rem3A_96, %dma_wait3A_127, %dma_wait3A_128] : memref<2x400x16xf32, #tpu.memory_space<vmem>> -> memref<1x400x16xf32, #tpu.memory_space<vmem>>
      %dma_wait3A_130 = tpu.memref_squeeze %dma_wait3A_129 : memref<1x400x16xf32, #tpu.memory_space<vmem>> -> memref<400x16xf32, #tpu.memory_space<vmem>>
      %dma_wait3A_131 = arith.constant 0 : i32
      %dma_wait3A_132 = arith.constant 0 : i32
      %dma_wait3A_133 = tpu.memref_slice %arg5[%dma_wait3A_131, %dma_wait3A_132] : memref<10000x16xf32, #tpu.memory_space<hbm>> -> memref<400x16xf32, #tpu.memory_space<hbm>>
      tpu.wait_dma2 semaphore(%dma_wait3A_126 : memref<!tpu.dma_semaphore, #tpu.memory_space<semaphore_mem>>) src(%dma_wait3A_133 : memref<400x16xf32, #tpu.memory_space<hbm>>) dst(%dma_wait3A_130 : memref<400x16xf32, #tpu.memory_space<vmem>>)
      %scan3A_134 = arith.constant 0 : i32
      %scan3A_135 = arith.constant 0 : i32
      %scan3A_136 = arith.constant 25 : i32
      %scan3A_137 = arith.addi %scan3A_135, %scan3A_136 : i32
      %scan3A_138 = arith.constant 1 : i32
      scf.for %scan3A_164 = %scan3A_135 to %scan3A_137 step %scan3A_138  : i32 {
        %mul3A_165 = arith.constant 16 : i32
        %mul3A_166 = arith.muli %scan3A_164, %mul3A_165 : i32
        %add3A_167 = arith.constant 0 : i32
        %add3A_168 = arith.addi %add3A_167, %mul3A_166 : i32
        %get3A = arith.index_cast %rem3A_96 : i32 to index
        %get3A_169 = arith.index_cast %add3A_168 : i32 to index
        %get3A_170 = tpu.vector_load %arg13[%get3A, %get3A_169] {strides = array<i32>} : memref<2x400xf32, #tpu.memory_space<vmem>>, vector<16xf32>,
        %mul3A_171 = arith.constant 16 : i32
        %mul3A_172 = arith.muli %scan3A_164, %mul3A_171 : i32
        %add3A_173 = arith.constant 0 : i32
        %add3A_174 = arith.addi %mul3A_172, %add3A_173 : i32
        %broadcast_in_dim3A_175 = arith.constant 0 : i32
        %broadcast_in_dim3A_176 = vector.broadcast %broadcast_in_dim3A_175 : i32 to vector<16xi32>
        %broadcast_in_dim3A_177 = arith.constant 0.000000e+00 : f32
        %broadcast_in_dim3A_178 = vector.broadcast %broadcast_in_dim3A_177 : f32 to vector<16xf32>
        %lt3A_179 = arith.constant 0 : i32
        %lt3A_180 = vector.broadcast %lt3A_179 : i32 to vector<16xi32>
        %lt3A_181 = arith.cmpi slt, %broadcast_in_dim3A_176, %lt3A_180 : vector<16xi32>
        %add3A_182 = arith.constant 16 : i32
        %add3A_183 = vector.broadcast %add3A_182 : i32 to vector<16xi32>
        %add3A_184 = arith.addi %broadcast_in_dim3A_176, %add3A_183 : vector<16xi32>
        %select_n3A_185 = arith.select %lt3A_181, %add3A_184, %broadcast_in_dim3A_176 : vector<16xi1>, vector<16xi32>
        %broadcast_in_dim3A_186 = vector.shape_cast %select_n3A_185 : vector<16xi32> to vector<16x1xi32>
        %gather3A = vector.shape_cast %broadcast_in_dim3A_186 : vector<16x1xi32> to vector<16xi32>
        %gather3A_187 = tpu.dynamic_gather %get3A_170[%gather3A] in [0] : vector<16xf32>, vector<16xi32> -> vector<16xf32>
        %mul3A_188 = arith.mulf %gather3A_187, %select_n3A : vector<16xf32>
        %add3A_189 = arith.addf %broadcast_in_dim3A_178, %mul3A_188 : vector<16xf32>
        %get3A_190 = arith.index_cast %rem3A_96 : i32 to index
        %get3A_191 = arith.index_cast %add3A_174 : i32 to index
        %get3A_192 = arith.constant 0 : index
        %get3A_193 = tpu.vector_load %arg12[%get3A_190, %get3A_191, %get3A_192] {strides = array<i32>} : memref<2x400x16xf32, #tpu.memory_space<vmem>>, vector<16xf32>,
        %mul3A_194 = arith.mulf %get3A_193, %gather3A_187 : vector<16xf32>
        %swap3A = arith.index_cast %rem3A_96 : i32 to index
        %swap3A_195 = arith.index_cast %add3A_174 : i32 to index
        %swap3A_196 = arith.constant 0 : index
        %swap3A_197 = tpu.vector_load %arg12[%swap3A, %swap3A_195, %swap3A_196] {strides = array<i32>} : memref<2x400x16xf32, #tpu.memory_space<vmem>>, vector<16xf32>,
        tpu.vector_store %arg12[%swap3A, %swap3A_195, %swap3A_196], %mul3A_194 {strides = array<i32>} : memref<2x400x16xf32, #tpu.memory_space<vmem>>, vector<16xf32>,
        %swap3A_198 = arith.index_cast %rem3A_96 : i32 to index
        %swap3A_199 = arith.index_cast %add3A_174 : i32 to index
        %swap3A_200 = arith.constant 0 : index
        %swap3A_201 = tpu.vector_load %arg14[%swap3A_198, %swap3A_199, %swap3A_200] {strides = array<i32>} : memref<2x400x16xf32, #tpu.memory_space<vmem>>, vector<16xf32>,
        tpu.vector_store %arg14[%swap3A_198, %swap3A_199, %swap3A_200], %add3A_189 {strides = array<i32>} : memref<2x400x16xf32, #tpu.memory_space<vmem>>, vector<16xf32>,
        %mul3A_202 = arith.constant 16 : i32
        %mul3A_203 = arith.muli %scan3A_164, %mul3A_202 : i32
        %add3A_204 = arith.constant 1 : i32
        %add3A_205 = arith.addi %mul3A_203, %add3A_204 : i32
        %broadcast_in_dim3A_206 = arith.constant 1 : i32
        %broadcast_in_dim3A_207 = vector.broadcast %broadcast_in_dim3A_206 : i32 to vector<16xi32>
        %broadcast_in_dim3A_208 = arith.constant 0.000000e+00 : f32
        %broadcast_in_dim3A_209 = vector.broadcast %broadcast_in_dim3A_208 : f32 to vector<16xf32>
        %lt3A_210 = arith.constant 0 : i32
        %lt3A_211 = vector.broadcast %lt3A_210 : i32 to vector<16xi32>
        %lt3A_212 = arith.cmpi slt, %broadcast_in_dim3A_207, %lt3A_211 : vector<16xi32>
        %add3A_213 = arith.constant 16 : i32
        %add3A_214 = vector.broadcast %add3A_213 : i32 to vector<16xi32>
        %add3A_215 = arith.addi %broadcast_in_dim3A_207, %add3A_214 : vector<16xi32>
        %select_n3A_216 = arith.select %lt3A_212, %add3A_215, %broadcast_in_dim3A_207 : vector<16xi1>, vector<16xi32>
        %broadcast_in_dim3A_217 = vector.shape_cast %select_n3A_216 : vector<16xi32> to vector<16x1xi32>
        %gather3A_218 = vector.shape_cast %broadcast_in_dim3A_217 : vector<16x1xi32> to vector<16xi32>
        %gather3A_219 = tpu.dynamic_gather %get3A_170[%gather3A_218] in [0] : vector<16xf32>, vector<16xi32> -> vector<16xf32>
        %mul3A_220 = arith.mulf %gather3A_219, %select_n3A : vector<16xf32>
        %add3A_221 = arith.addf %broadcast_in_dim3A_209, %mul3A_220 : vector<16xf32>
        %get3A_222 = arith.index_cast %rem3A_96 : i32 to index
        %get3A_223 = arith.index_cast %add3A_205 : i32 to index
        %get3A_224 = arith.constant 0 : index
        %get3A_225 = tpu.vector_load %arg12[%get3A_222, %get3A_223, %get3A_224] {strides = array<i32>} : memref<2x400x16xf32, #tpu.memory_space<vmem>>, vector<16xf32>,
        %mul3A_226 = arith.mulf %get3A_225, %gather3A_219 : vector<16xf32>
        %swap3A_227 = arith.index_cast %rem3A_96 : i32 to index
        %swap3A_228 = arith.index_cast %add3A_205 : i32 to index
        %swap3A_229 = arith.constant 0 : index
        %swap3A_230 = tpu.vector_load %arg12[%swap3A_227, %swap3A_228, %swap3A_229] {strides = array<i32>} : memref<2x400x16xf32, #tpu.memory_space<vmem>>, vector<16xf32>,
        tpu.vector_store %arg12[%swap3A_227, %swap3A_228, %swap3A_229], %mul3A_226 {strides = array<i32>} : memref<2x400x16xf32, #tpu.memory_space<vmem>>, vector<16xf32>,
        %swap3A_231 = arith.index_cast %rem3A_96 : i32 to index
        %swap3A_232 = arith.index_cast %add3A_205 : i32 to index
        %swap3A_233 = arith.constant 0 : index
        %swap3A_234 = tpu.vector_load %arg14[%swap3A_231, %swap3A_232, %swap3A_233] {strides = array<i32>} : memref<2x400x16xf32, #tpu.memory_space<vmem>>, vector<16xf32>,
        tpu.vector_store %arg14[%swap3A_231, %swap3A_232, %swap3A_233], %add3A_221 {strides = array<i32>} : memref<2x400x16xf32, #tpu.memory_space<vmem>>, vector<16xf32>,
        %mul3A_235 = arith.constant 16 : i32
        %mul3A_236 = arith.muli %scan3A_164, %mul3A_235 : i32
        %add3A_237 = arith.constant 2 : i32
        %add3A_238 = arith.addi %mul3A_236, %add3A_237 : i32
        %broadcast_in_dim3A_239 = arith.constant 2 : i32
        %broadcast_in_dim3A_240 = vector.broadcast %broadcast_in_dim3A_239 : i32 to vector<16xi32>
        %broadcast_in_dim3A_241 = arith.constant 0.000000e+00 : f32
        %broadcast_in_dim3A_242 = vector.broadcast %broadcast_in_dim3A_241 : f32 to vector<16xf32>
        %lt3A_243 = arith.constant 0 : i32
        %lt3A_244 = vector.broadcast %lt3A_243 : i32 to vector<16xi32>
        %lt3A_245 = arith.cmpi slt, %broadcast_in_dim3A_240, %lt3A_244 : vector<16xi32>
        %add3A_246 = arith.constant 16 : i32
        %add3A_247 = vector.broadcast %add3A_246 : i32 to vector<16xi32>
        %add3A_248 = arith.addi %broadcast_in_dim3A_240, %add3A_247 : vector<16xi32>
        %select_n3A_249 = arith.select %lt3A_245, %add3A_248, %broadcast_in_dim3A_240 : vector<16xi1>, vector<16xi32>
        %broadcast_in_dim3A_250 = vector.shape_cast %select_n3A_249 : vector<16xi32> to vector<16x1xi32>
        %gather3A_251 = vector.shape_cast %broadcast_in_dim3A_250 : vector<16x1xi32> to vector<16xi32>
        %gather3A_252 = tpu.dynamic_gather %get3A_170[%gather3A_251] in [0] : vector<16xf32>, vector<16xi32> -> vector<16xf32>
        %mul3A_253 = arith.mulf %gather3A_252, %select_n3A : vector<16xf32>
        %add3A_254 = arith.addf %broadcast_in_dim3A_242, %mul3A_253 : vector<16xf32>
        %get3A_255 = arith.index_cast %rem3A_96 : i32 to index
        %get3A_256 = arith.index_cast %add3A_238 : i32 to index
        %get3A_257 = arith.constant 0 : index
        %get3A_258 = tpu.vector_load %arg12[%get3A_255, %get3A_256, %get3A_257] {strides = array<i32>} : memref<2x400x16xf32, #tpu.memory_space<vmem>>, vector<16xf32>,
        %mul3A_259 = arith.mulf %get3A_258, %gather3A_252 : vector<16xf32>
        %swap3A_260 = arith.index_cast %rem3A_96 : i32 to index
        %swap3A_261 = arith.index_cast %add3A_238 : i32 to index
        %swap3A_262 = arith.constant 0 : index
        %swap3A_263 = tpu.vector_load %arg12[%swap3A_260, %swap3A_261, %swap3A_262] {strides = array<i32>} : memref<2x400x16xf32, #tpu.memory_space<vmem>>, vector<16xf32>,
        tpu.vector_store %arg12[%swap3A_260, %swap3A_261, %swap3A_262], %mul3A_259 {strides = array<i32>} : memref<2x400x16xf32, #tpu.memory_space<vmem>>, vector<16xf32>,
        %swap3A_264 = arith.index_cast %rem3A_96 : i32 to index
        %swap3A_265 = arith.index_cast %add3A_238 : i32 to index
        %swap3A_266 = arith.constant 0 : index
        %swap3A_267 = tpu.vector_load %arg14[%swap3A_264, %swap3A_265, %swap3A_266] {strides = array<i32>} : memref<2x400x16xf32, #tpu.memory_space<vmem>>, vector<16xf32>,
        tpu.vector_store %arg14[%swap3A_264, %swap3A_265, %swap3A_266], %add3A_254 {strides = array<i32>} : memref<2x400x16xf32, #tpu.memory_space<vmem>>, vector<16xf32>,
        %mul3A_268 = arith.constant 16 : i32
        %mul3A_269 = arith.muli %scan3A_164, %mul3A_268 : i32
        %add3A_270 = arith.constant 3 : i32
        %add3A_271 = arith.addi %mul3A_269, %add3A_270 : i32
        %broadcast_in_dim3A_272 = arith.constant 3 : i32
        %broadcast_in_dim3A_273 = vector.broadcast %broadcast_in_dim3A_272 : i32 to vector<16xi32>
        %broadcast_in_dim3A_274 = arith.constant 0.000000e+00 : f32
        %broadcast_in_dim3A_275 = vector.broadcast %broadcast_in_dim3A_274 : f32 to vector<16xf32>
        %lt3A_276 = arith.constant 0 : i32
        %lt3A_277 = vector.broadcast %lt3A_276 : i32 to vector<16xi32>
        %lt3A_278 = arith.cmpi slt, %broadcast_in_dim3A_273, %lt3A_277 : vector<16xi32>
        %add3A_279 = arith.constant 16 : i32
        %add3A_280 = vector.broadcast %add3A_279 : i32 to vector<16xi32>
        %add3A_281 = arith.addi %broadcast_in_dim3A_273, %add3A_280 : vector<16xi32>
        %select_n3A_282 = arith.select %lt3A_278, %add3A_281, %broadcast_in_dim3A_273 : vector<16xi1>, vector<16xi32>
        %broadcast_in_dim3A_283 = vector.shape_cast %select_n3A_282 : vector<16xi32> to vector<16x1xi32>
        %gather3A_284 = vector.shape_cast %broadcast_in_dim3A_283 : vector<16x1xi32> to vector<16xi32>
        %gather3A_285 = tpu.dynamic_gather %get3A_170[%gather3A_284] in [0] : vector<16xf32>, vector<16xi32> -> vector<16xf32>
        %mul3A_286 = arith.mulf %gather3A_285, %select_n3A : vector<16xf32>
        %add3A_287 = arith.addf %broadcast_in_dim3A_275, %mul3A_286 : vector<16xf32>
        %get3A_288 = arith.index_cast %rem3A_96 : i32 to index
        %get3A_289 = arith.index_cast %add3A_271 : i32 to index
        %get3A_290 = arith.constant 0 : index
        %get3A_291 = tpu.vector_load %arg12[%get3A_288, %get3A_289, %get3A_290] {strides = array<i32>} : memref<2x400x16xf32, #tpu.memory_space<vmem>>, vector<16xf32>,
        %mul3A_292 = arith.mulf %get3A_291, %gather3A_285 : vector<16xf32>
        %swap3A_293 = arith.index_cast %rem3A_96 : i32 to index
        %swap3A_294 = arith.index_cast %add3A_271 : i32 to index
        %swap3A_295 = arith.constant 0 : index
        %swap3A_296 = tpu.vector_load %arg12[%swap3A_293, %swap3A_294, %swap3A_295] {strides = array<i32>} : memref<2x400x16xf32, #tpu.memory_space<vmem>>, vector<16xf32>,
        tpu.vector_store %arg12[%swap3A_293, %swap3A_294, %swap3A_295], %mul3A_292 {strides = array<i32>} : memref<2x400x16xf32, #tpu.memory_space<vmem>>, vector<16xf32>,
        %swap3A_297 = arith.index_cast %rem3A_96 : i32 to index
        %swap3A_298 = arith.index_cast %add3A_271 : i32 to index
        %swap3A_299 = arith.constant 0 : index
        %swap3A_300 = tpu.vector_load %arg14[%swap3A_297, %swap3A_298, %swap3A_299] {strides = array<i32>} : memref<2x400x16xf32, #tpu.memory_space<vmem>>, vector<16xf32>,
        tpu.vector_store %arg14[%swap3A_297, %swap3A_298, %swap3A_299], %add3A_287 {strides = array<i32>} : memref<2x400x16xf32, #tpu.memory_space<vmem>>, vector<16xf32>,
        %mul3A_301 = arith.constant 16 : i32
        %mul3A_302 = arith.muli %scan3A_164, %mul3A_301 : i32
        %add3A_303 = arith.constant 4 : i32
        %add3A_304 = arith.addi %mul3A_302, %add3A_303 : i32
        %broadcast_in_dim3A_305 = arith.constant 4 : i32
        %broadcast_in_dim3A_306 = vector.broadcast %broadcast_in_dim3A_305 : i32 to vector<16xi32>
        %broadcast_in_dim3A_307 = arith.constant 0.000000e+00 : f32
        %broadcast_in_dim3A_308 = vector.broadcast %broadcast_in_dim3A_307 : f32 to vector<16xf32>
        %lt3A_309 = arith.constant 0 : i32
        %lt3A_310 = vector.broadcast %lt3A_309 : i32 to vector<16xi32>
        %lt3A_311 = arith.cmpi slt, %broadcast_in_dim3A_306, %lt3A_310 : vector<16xi32>
        %add3A_312 = arith.constant 16 : i32
        %add3A_313 = vector.broadcast %add3A_312 : i32 to vector<16xi32>
        %add3A_314 = arith.addi %broadcast_in_dim3A_306, %add3A_313 : vector<16xi32>
        %select_n3A_315 = arith.select %lt3A_311, %add3A_314, %broadcast_in_dim3A_306 : vector<16xi1>, vector<16xi32>
        %broadcast_in_dim3A_316 = vector.shape_cast %select_n3A_315 : vector<16xi32> to vector<16x1xi32>
        %gather3A_317 = vector.shape_cast %broadcast_in_dim3A_316 : vector<16x1xi32> to vector<16xi32>
        %gather3A_318 = tpu.dynamic_gather %get3A_170[%gather3A_317] in [0] : vector<16xf32>, vector<16xi32> -> vector<16xf32>
        %mul3A_319 = arith.mulf %gather3A_318, %select_n3A : vector<16xf32>
        %add3A_320 = arith.addf %broadcast_in_dim3A_308, %mul3A_319 : vector<16xf32>
        %get3A_321 = arith.index_cast %rem3A_96 : i32 to index
        %get3A_322 = arith.index_cast %add3A_304 : i32 to index
        %get3A_323 = arith.constant 0 : index
        %get3A_324 = tpu.vector_load %arg12[%get3A_321, %get3A_322, %get3A_323] {strides = array<i32>} : memref<2x400x16xf32, #tpu.memory_space<vmem>>, vector<16xf32>,
        %mul3A_325 = arith.mulf %get3A_324, %gather3A_318 : vector<16xf32>
        %swap3A_326 = arith.index_cast %rem3A_96 : i32 to index
        %swap3A_327 = arith.index_cast %add3A_304 : i32 to index
        %swap3A_328 = arith.constant 0 : index
        %swap3A_329 = tpu.vector_load %arg12[%swap3A_326, %swap3A_327, %swap3A_328] {strides = array<i32>} : memref<2x400x16xf32, #tpu.memory_space<vmem>>, vector<16xf32>,
        tpu.vector_store %arg12[%swap3A_326, %swap3A_327, %swap3A_328], %mul3A_325 {strides = array<i32>} : memref<2x400x16xf32, #tpu.memory_space<vmem>>, vector<16xf32>,
        %swap3A_330 = arith.index_cast %rem3A_96 : i32 to index
        %swap3A_331 = arith.index_cast %add3A_304 : i32 to index
        %swap3A_332 = arith.constant 0 : index
        %swap3A_333 = tpu.vector_load %arg14[%swap3A_330, %swap3A_331, %swap3A_332] {strides = array<i32>} : memref<2x400x16xf32, #tpu.memory_space<vmem>>, vector<16xf32>,
        tpu.vector_store %arg14[%swap3A_330, %swap3A_331, %swap3A_332], %add3A_320 {strides = array<i32>} : memref<2x400x16xf32, #tpu.memory_space<vmem>>, vector<16xf32>,
        %mul3A_334 = arith.constant 16 : i32
        %mul3A_335 = arith.muli %scan3A_164, %mul3A_334 : i32
        %add3A_336 = arith.constant 5 : i32
        %add3A_337 = arith.addi %mul3A_335, %add3A_336 : i32
        %broadcast_in_dim3A_338 = arith.constant 5 : i32
        %broadcast_in_dim3A_339 = vector.broadcast %broadcast_in_dim3A_338 : i32 to vector<16xi32>
        %broadcast_in_dim3A_340 = arith.constant 0.000000e+00 : f32
        %broadcast_in_dim3A_341 = vector.broadcast %broadcast_in_dim3A_340 : f32 to vector<16xf32>
        %lt3A_342 = arith.constant 0 : i32
        %lt3A_343 = vector.broadcast %lt3A_342 : i32 to vector<16xi32>
        %lt3A_344 = arith.cmpi slt, %broadcast_in_dim3A_339, %lt3A_343 : vector<16xi32>
        %add3A_345 = arith.constant 16 : i32
        %add3A_346 = vector.broadcast %add3A_345 : i32 to vector<16xi32>
        %add3A_347 = arith.addi %broadcast_in_dim3A_339, %add3A_346 : vector<16xi32>
        %select_n3A_348 = arith.select %lt3A_344, %add3A_347, %broadcast_in_dim3A_339 : vector<16xi1>, vector<16xi32>
        %broadcast_in_dim3A_349 = vector.shape_cast %select_n3A_348 : vector<16xi32> to vector<16x1xi32>
        %gather3A_350 = vector.shape_cast %broadcast_in_dim3A_349 : vector<16x1xi32> to vector<16xi32>
        %gather3A_351 = tpu.dynamic_gather %get3A_170[%gather3A_350] in [0] : vector<16xf32>, vector<16xi32> -> vector<16xf32>
        %mul3A_352 = arith.mulf %gather3A_351, %select_n3A : vector<16xf32>
        %add3A_353 = arith.addf %broadcast_in_dim3A_341, %mul3A_352 : vector<16xf32>
        %get3A_354 = arith.index_cast %rem3A_96 : i32 to index
        %get3A_355 = arith.index_cast %add3A_337 : i32 to index
        %get3A_356 = arith.constant 0 : index
        %get3A_357 = tpu.vector_load %arg12[%get3A_354, %get3A_355, %get3A_356] {strides = array<i32>} : memref<2x400x16xf32, #tpu.memory_space<vmem>>, vector<16xf32>,
        %mul3A_358 = arith.mulf %get3A_357, %gather3A_351 : vector<16xf32>
        %swap3A_359 = arith.index_cast %rem3A_96 : i32 to index
        %swap3A_360 = arith.index_cast %add3A_337 : i32 to index
        %swap3A_361 = arith.constant 0 : index
        %swap3A_362 = tpu.vector_load %arg12[%swap3A_359, %swap3A_360, %swap3A_361] {strides = array<i32>} : memref<2x400x16xf32, #tpu.memory_space<vmem>>, vector<16xf32>,
        tpu.vector_store %arg12[%swap3A_359, %swap3A_360, %swap3A_361], %mul3A_358 {strides = array<i32>} : memref<2x400x16xf32, #tpu.memory_space<vmem>>, vector<16xf32>,
        %swap3A_363 = arith.index_cast %rem3A_96 : i32 to index
        %swap3A_364 = arith.index_cast %add3A_337 : i32 to index
        %swap3A_365 = arith.constant 0 : index
        %swap3A_366 = tpu.vector_load %arg14[%swap3A_363, %swap3A_364, %swap3A_365] {strides = array<i32>} : memref<2x400x16xf32, #tpu.memory_space<vmem>>, vector<16xf32>,
        tpu.vector_store %arg14[%swap3A_363, %swap3A_364, %swap3A_365], %add3A_353 {strides = array<i32>} : memref<2x400x16xf32, #tpu.memory_space<vmem>>, vector<16xf32>,
        %mul3A_367 = arith.constant 16 : i32
        %mul3A_368 = arith.muli %scan3A_164, %mul3A_367 : i32
        %add3A_369 = arith.constant 6 : i32
        %add3A_370 = arith.addi %mul3A_368, %add3A_369 : i32
        %broadcast_in_dim3A_371 = arith.constant 6 : i32
        %broadcast_in_dim3A_372 = vector.broadcast %broadcast_in_dim3A_371 : i32 to vector<16xi32>
        %broadcast_in_dim3A_373 = arith.constant 0.000000e+00 : f32
        %broadcast_in_dim3A_374 = vector.broadcast %broadcast_in_dim3A_373 : f32 to vector<16xf32>
        %lt3A_375 = arith.constant 0 : i32
        %lt3A_376 = vector.broadcast %lt3A_375 : i32 to vector<16xi32>
        %lt3A_377 = arith.cmpi slt, %broadcast_in_dim3A_372, %lt3A_376 : vector<16xi32>
        %add3A_378 = arith.constant 16 : i32
        %add3A_379 = vector.broadcast %add3A_378 : i32 to vector<16xi32>
        %add3A_380 = arith.addi %broadcast_in_dim3A_372, %add3A_379 : vector<16xi32>
        %select_n3A_381 = arith.select %lt3A_377, %add3A_380, %broadcast_in_dim3A_372 : vector<16xi1>, vector<16xi32>
        %broadcast_in_dim3A_382 = vector.shape_cast %select_n3A_381 : vector<16xi32> to vector<16x1xi32>
        %gather3A_383 = vector.shape_cast %broadcast_in_dim3A_382 : vector<16x1xi32> to vector<16xi32>
        %gather3A_384 = tpu.dynamic_gather %get3A_170[%gather3A_383] in [0] : vector<16xf32>, vector<16xi32> -> vector<16xf32>
        %mul3A_385 = arith.mulf %gather3A_384, %select_n3A : vector<16xf32>
        %add3A_386 = arith.addf %broadcast_in_dim3A_374, %mul3A_385 : vector<16xf32>
        %get3A_387 = arith.index_cast %rem3A_96 : i32 to index
        %get3A_388 = arith.index_cast %add3A_370 : i32 to index
        %get3A_389 = arith.constant 0 : index
        %get3A_390 = tpu.vector_load %arg12[%get3A_387, %get3A_388, %get3A_389] {strides = array<i32>} : memref<2x400x16xf32, #tpu.memory_space<vmem>>, vector<16xf32>,
        %mul3A_391 = arith.mulf %get3A_390, %gather3A_384 : vector<16xf32>
        %swap3A_392 = arith.index_cast %rem3A_96 : i32 to index
        %swap3A_393 = arith.index_cast %add3A_370 : i32 to index
        %swap3A_394 = arith.constant 0 : index
        %swap3A_395 = tpu.vector_load %arg12[%swap3A_392, %swap3A_393, %swap3A_394] {strides = array<i32>} : memref<2x400x16xf32, #tpu.memory_space<vmem>>, vector<16xf32>,
        tpu.vector_store %arg12[%swap3A_392, %swap3A_393, %swap3A_394], %mul3A_391 {strides = array<i32>} : memref<2x400x16xf32, #tpu.memory_space<vmem>>, vector<16xf32>,
        %swap3A_396 = arith.index_cast %rem3A_96 : i32 to index
        %swap3A_397 = arith.index_cast %add3A_370 : i32 to index
        %swap3A_398 = arith.constant 0 : index
        %swap3A_399 = tpu.vector_load %arg14[%swap3A_396, %swap3A_397, %swap3A_398] {strides = array<i32>} : memref<2x400x16xf32, #tpu.memory_space<vmem>>, vector<16xf32>,
        tpu.vector_store %arg14[%swap3A_396, %swap3A_397, %swap3A_398], %add3A_386 {strides = array<i32>} : memref<2x400x16xf32, #tpu.memory_space<vmem>>, vector<16xf32>,
        %mul3A_400 = arith.constant 16 : i32
        %mul3A_401 = arith.muli %scan3A_164, %mul3A_400 : i32
        %add3A_402 = arith.constant 7 : i32
        %add3A_403 = arith.addi %mul3A_401, %add3A_402 : i32
        %broadcast_in_dim3A_404 = arith.constant 7 : i32
        %broadcast_in_dim3A_405 = vector.broadcast %broadcast_in_dim3A_404 : i32 to vector<16xi32>
        %broadcast_in_dim3A_406 = arith.constant 0.000000e+00 : f32
        %broadcast_in_dim3A_407 = vector.broadcast %broadcast_in_dim3A_406 : f32 to vector<16xf32>
        %lt3A_408 = arith.constant 0 : i32
        %lt3A_409 = vector.broadcast %lt3A_408 : i32 to vector<16xi32>
        %lt3A_410 = arith.cmpi slt, %broadcast_in_dim3A_405, %lt3A_409 : vector<16xi32>
        %add3A_411 = arith.constant 16 : i32
        %add3A_412 = vector.broadcast %add3A_411 : i32 to vector<16xi32>
        %add3A_413 = arith.addi %broadcast_in_dim3A_405, %add3A_412 : vector<16xi32>
        %select_n3A_414 = arith.select %lt3A_410, %add3A_413, %broadcast_in_dim3A_405 : vector<16xi1>, vector<16xi32>
        %broadcast_in_dim3A_415 = vector.shape_cast %select_n3A_414 : vector<16xi32> to vector<16x1xi32>
        %gather3A_416 = vector.shape_cast %broadcast_in_dim3A_415 : vector<16x1xi32> to vector<16xi32>
        %gather3A_417 = tpu.dynamic_gather %get3A_170[%gather3A_416] in [0] : vector<16xf32>, vector<16xi32> -> vector<16xf32>
        %mul3A_418 = arith.mulf %gather3A_417, %select_n3A : vector<16xf32>
        %add3A_419 = arith.addf %broadcast_in_dim3A_407, %mul3A_418 : vector<16xf32>
        %get3A_420 = arith.index_cast %rem3A_96 : i32 to index
        %get3A_421 = arith.index_cast %add3A_403 : i32 to index
        %get3A_422 = arith.constant 0 : index
        %get3A_423 = tpu.vector_load %arg12[%get3A_420, %get3A_421, %get3A_422] {strides = array<i32>} : memref<2x400x16xf32, #tpu.memory_space<vmem>>, vector<16xf32>,
        %mul3A_424 = arith.mulf %get3A_423, %gather3A_417 : vector<16xf32>
        %swap3A_425 = arith.index_cast %rem3A_96 : i32 to index
        %swap3A_426 = arith.index_cast %add3A_403 : i32 to index
        %swap3A_427 = arith.constant 0 : index
        %swap3A_428 = tpu.vector_load %arg12[%swap3A_425, %swap3A_426, %swap3A_427] {strides = array<i32>} : memref<2x400x16xf32, #tpu.memory_space<vmem>>, vector<16xf32>,
        tpu.vector_store %arg12[%swap3A_425, %swap3A_426, %swap3A_427], %mul3A_424 {strides = array<i32>} : memref<2x400x16xf32, #tpu.memory_space<vmem>>, vector<16xf32>,
        %swap3A_429 = arith.index_cast %rem3A_96 : i32 to index
        %swap3A_430 = arith.index_cast %add3A_403 : i32 to index
        %swap3A_431 = arith.constant 0 : index
        %swap3A_432 = tpu.vector_load %arg14[%swap3A_429, %swap3A_430, %swap3A_431] {strides = array<i32>} : memref<2x400x16xf32, #tpu.memory_space<vmem>>, vector<16xf32>,
        tpu.vector_store %arg14[%swap3A_429, %swap3A_430, %swap3A_431], %add3A_419 {strides = array<i32>} : memref<2x400x16xf32, #tpu.memory_space<vmem>>, vector<16xf32>,
        %mul3A_433 = arith.constant 16 : i32
        %mul3A_434 = arith.muli %scan3A_164, %mul3A_433 : i32
        %add3A_435 = arith.constant 8 : i32
        %add3A_436 = arith.addi %mul3A_434, %add3A_435 : i32
        %broadcast_in_dim3A_437 = arith.constant 8 : i32
        %broadcast_in_dim3A_438 = vector.broadcast %broadcast_in_dim3A_437 : i32 to vector<16xi32>
        %broadcast_in_dim3A_439 = arith.constant 0.000000e+00 : f32
        %broadcast_in_dim3A_440 = vector.broadcast %broadcast_in_dim3A_439 : f32 to vector<16xf32>
        %lt3A_441 = arith.constant 0 : i32
        %lt3A_442 = vector.broadcast %lt3A_441 : i32 to vector<16xi32>
        %lt3A_443 = arith.cmpi slt, %broadcast_in_dim3A_438, %lt3A_442 : vector<16xi32>
        %add3A_444 = arith.constant 16 : i32
        %add3A_445 = vector.broadcast %add3A_444 : i32 to vector<16xi32>
        %add3A_446 = arith.addi %broadcast_in_dim3A_438, %add3A_445 : vector<16xi32>
        %select_n3A_447 = arith.select %lt3A_443, %add3A_446, %broadcast_in_dim3A_438 : vector<16xi1>, vector<16xi32>
        %broadcast_in_dim3A_448 = vector.shape_cast %select_n3A_447 : vector<16xi32> to vector<16x1xi32>
        %gather3A_449 = vector.shape_cast %broadcast_in_dim3A_448 : vector<16x1xi32> to vector<16xi32>
        %gather3A_450 = tpu.dynamic_gather %get3A_170[%gather3A_449] in [0] : vector<16xf32>, vector<16xi32> -> vector<16xf32>
        %mul3A_451 = arith.mulf %gather3A_450, %select_n3A : vector<16xf32>
        %add3A_452 = arith.addf %broadcast_in_dim3A_440, %mul3A_451 : vector<16xf32>
        %get3A_453 = arith.index_cast %rem3A_96 : i32 to index
        %get3A_454 = arith.index_cast %add3A_436 : i32 to index
        %get3A_455 = arith.constant 0 : index
        %get3A_456 = tpu.vector_load %arg12[%get3A_453, %get3A_454, %get3A_455] {strides = array<i32>} : memref<2x400x16xf32, #tpu.memory_space<vmem>>, vector<16xf32>,
        %mul3A_457 = arith.mulf %get3A_456, %gather3A_450 : vector<16xf32>
        %swap3A_458 = arith.index_cast %rem3A_96 : i32 to index
        %swap3A_459 = arith.index_cast %add3A_436 : i32 to index
        %swap3A_460 = arith.constant 0 : index
        %swap3A_461 = tpu.vector_load %arg12[%swap3A_458, %swap3A_459, %swap3A_460] {strides = array<i32>} : memref<2x400x16xf32, #tpu.memory_space<vmem>>, vector<16xf32>,
        tpu.vector_store %arg12[%swap3A_458, %swap3A_459, %swap3A_460], %mul3A_457 {strides = array<i32>} : memref<2x400x16xf32, #tpu.memory_space<vmem>>, vector<16xf32>,
        %swap3A_462 = arith.index_cast %rem3A_96 : i32 to index
        %swap3A_463 = arith.index_cast %add3A_436 : i32 to index
        %swap3A_464 = arith.constant 0 : index
        %swap3A_465 = tpu.vector_load %arg14[%swap3A_462, %swap3A_463, %swap3A_464] {strides = array<i32>} : memref<2x400x16xf32, #tpu.memory_space<vmem>>, vector<16xf32>,
        tpu.vector_store %arg14[%swap3A_462, %swap3A_463, %swap3A_464], %add3A_452 {strides = array<i32>} : memref<2x400x16xf32, #tpu.memory_space<vmem>>, vector<16xf32>,
        %mul3A_466 = arith.constant 16 : i32
        %mul3A_467 = arith.muli %scan3A_164, %mul3A_466 : i32
        %add3A_468 = arith.constant 9 : i32
        %add3A_469 = arith.addi %mul3A_467, %add3A_468 : i32
        %broadcast_in_dim3A_470 = arith.constant 9 : i32
        %broadcast_in_dim3A_471 = vector.broadcast %broadcast_in_dim3A_470 : i32 to vector<16xi32>
        %broadcast_in_dim3A_472 = arith.constant 0.000000e+00 : f32
        %broadcast_in_dim3A_473 = vector.broadcast %broadcast_in_dim3A_472 : f32 to vector<16xf32>
        %lt3A_474 = arith.constant 0 : i32
        %lt3A_475 = vector.broadcast %lt3A_474 : i32 to vector<16xi32>
        %lt3A_476 = arith.cmpi slt, %broadcast_in_dim3A_471, %lt3A_475 : vector<16xi32>
        %add3A_477 = arith.constant 16 : i32
        %add3A_478 = vector.broadcast %add3A_477 : i32 to vector<16xi32>
        %add3A_479 = arith.addi %broadcast_in_dim3A_471, %add3A_478 : vector<16xi32>
        %select_n3A_480 = arith.select %lt3A_476, %add3A_479, %broadcast_in_dim3A_471 : vector<16xi1>, vector<16xi32>
        %broadcast_in_dim3A_481 = vector.shape_cast %select_n3A_480 : vector<16xi32> to vector<16x1xi32>
        %gather3A_482 = vector.shape_cast %broadcast_in_dim3A_481 : vector<16x1xi32> to vector<16xi32>
        %gather3A_483 = tpu.dynamic_gather %get3A_170[%gather3A_482] in [0] : vector<16xf32>, vector<16xi32> -> vector<16xf32>
        %mul3A_484 = arith.mulf %gather3A_483, %select_n3A : vector<16xf32>
        %add3A_485 = arith.addf %broadcast_in_dim3A_473, %mul3A_484 : vector<16xf32>
        %get3A_486 = arith.index_cast %rem3A_96 : i32 to index
        %get3A_487 = arith.index_cast %add3A_469 : i32 to index
        %get3A_488 = arith.constant 0 : index
        %get3A_489 = tpu.vector_load %arg12[%get3A_486, %get3A_487, %get3A_488] {strides = array<i32>} : memref<2x400x16xf32, #tpu.memory_space<vmem>>, vector<16xf32>,
        %mul3A_490 = arith.mulf %get3A_489, %gather3A_483 : vector<16xf32>
        %swap3A_491 = arith.index_cast %rem3A_96 : i32 to index
        %swap3A_492 = arith.index_cast %add3A_469 : i32 to index
        %swap3A_493 = arith.constant 0 : index
        %swap3A_494 = tpu.vector_load %arg12[%swap3A_491, %swap3A_492, %swap3A_493] {strides = array<i32>} : memref<2x400x16xf32, #tpu.memory_space<vmem>>, vector<16xf32>,
        tpu.vector_store %arg12[%swap3A_491, %swap3A_492, %swap3A_493], %mul3A_490 {strides = array<i32>} : memref<2x400x16xf32, #tpu.memory_space<vmem>>, vector<16xf32>,
        %swap3A_495 = arith.index_cast %rem3A_96 : i32 to index
        %swap3A_496 = arith.index_cast %add3A_469 : i32 to index
        %swap3A_497 = arith.constant 0 : index
        %swap3A_498 = tpu.vector_load %arg14[%swap3A_495, %swap3A_496, %swap3A_497] {strides = array<i32>} : memref<2x400x16xf32, #tpu.memory_space<vmem>>, vector<16xf32>,
        tpu.vector_store %arg14[%swap3A_495, %swap3A_496, %swap3A_497], %add3A_485 {strides = array<i32>} : memref<2x400x16xf32, #tpu.memory_space<vmem>>, vector<16xf32>,
        %mul3A_499 = arith.constant 16 : i32
        %mul3A_500 = arith.muli %scan3A_164, %mul3A_499 : i32
        %add3A_501 = arith.constant 10 : i32
        %add3A_502 = arith.addi %mul3A_500, %add3A_501 : i32
        %broadcast_in_dim3A_503 = arith.constant 10 : i32
        %broadcast_in_dim3A_504 = vector.broadcast %broadcast_in_dim3A_503 : i32 to vector<16xi32>
        %broadcast_in_dim3A_505 = arith.constant 0.000000e+00 : f32
        %broadcast_in_dim3A_506 = vector.broadcast %broadcast_in_dim3A_505 : f32 to vector<16xf32>
        %lt3A_507 = arith.constant 0 : i32
        %lt3A_508 = vector.broadcast %lt3A_507 : i32 to vector<16xi32>
        %lt3A_509 = arith.cmpi slt, %broadcast_in_dim3A_504, %lt3A_508 : vector<16xi32>
        %add3A_510 = arith.constant 16 : i32
        %add3A_511 = vector.broadcast %add3A_510 : i32 to vector<16xi32>
        %add3A_512 = arith.addi %broadcast_in_dim3A_504, %add3A_511 : vector<16xi32>
        %select_n3A_513 = arith.select %lt3A_509, %add3A_512, %broadcast_in_dim3A_504 : vector<16xi1>, vector<16xi32>
        %broadcast_in_dim3A_514 = vector.shape_cast %select_n3A_513 : vector<16xi32> to vector<16x1xi32>
        %gather3A_515 = vector.shape_cast %broadcast_in_dim3A_514 : vector<16x1xi32> to vector<16xi32>
        %gather3A_516 = tpu.dynamic_gather %get3A_170[%gather3A_515] in [0] : vector<16xf32>, vector<16xi32> -> vector<16xf32>
        %mul3A_517 = arith.mulf %gather3A_516, %select_n3A : vector<16xf32>
        %add3A_518 = arith.addf %broadcast_in_dim3A_506, %mul3A_517 : vector<16xf32>
        %get3A_519 = arith.index_cast %rem3A_96 : i32 to index
        %get3A_520 = arith.index_cast %add3A_502 : i32 to index
        %get3A_521 = arith.constant 0 : index
        %get3A_522 = tpu.vector_load %arg12[%get3A_519, %get3A_520, %get3A_521] {strides = array<i32>} : memref<2x400x16xf32, #tpu.memory_space<vmem>>, vector<16xf32>,
        %mul3A_523 = arith.mulf %get3A_522, %gather3A_516 : vector<16xf32>
        %swap3A_524 = arith.index_cast %rem3A_96 : i32 to index
        %swap3A_525 = arith.index_cast %add3A_502 : i32 to index
        %swap3A_526 = arith.constant 0 : index
        %swap3A_527 = tpu.vector_load %arg12[%swap3A_524, %swap3A_525, %swap3A_526] {strides = array<i32>} : memref<2x400x16xf32, #tpu.memory_space<vmem>>, vector<16xf32>,
        tpu.vector_store %arg12[%swap3A_524, %swap3A_525, %swap3A_526], %mul3A_523 {strides = array<i32>} : memref<2x400x16xf32, #tpu.memory_space<vmem>>, vector<16xf32>,
        %swap3A_528 = arith.index_cast %rem3A_96 : i32 to index
        %swap3A_529 = arith.index_cast %add3A_502 : i32 to index
        %swap3A_530 = arith.constant 0 : index
        %swap3A_531 = tpu.vector_load %arg14[%swap3A_528, %swap3A_529, %swap3A_530] {strides = array<i32>} : memref<2x400x16xf32, #tpu.memory_space<vmem>>, vector<16xf32>,
        tpu.vector_store %arg14[%swap3A_528, %swap3A_529, %swap3A_530], %add3A_518 {strides = array<i32>} : memref<2x400x16xf32, #tpu.memory_space<vmem>>, vector<16xf32>,
        %mul3A_532 = arith.constant 16 : i32
        %mul3A_533 = arith.muli %scan3A_164, %mul3A_532 : i32
        %add3A_534 = arith.constant 11 : i32
        %add3A_535 = arith.addi %mul3A_533, %add3A_534 : i32
        %broadcast_in_dim3A_536 = arith.constant 11 : i32
        %broadcast_in_dim3A_537 = vector.broadcast %broadcast_in_dim3A_536 : i32 to vector<16xi32>
        %broadcast_in_dim3A_538 = arith.constant 0.000000e+00 : f32
        %broadcast_in_dim3A_539 = vector.broadcast %broadcast_in_dim3A_538 : f32 to vector<16xf32>
        %lt3A_540 = arith.constant 0 : i32
        %lt3A_541 = vector.broadcast %lt3A_540 : i32 to vector<16xi32>
        %lt3A_542 = arith.cmpi slt, %broadcast_in_dim3A_537, %lt3A_541 : vector<16xi32>
        %add3A_543 = arith.constant 16 : i32
        %add3A_544 = vector.broadcast %add3A_543 : i32 to vector<16xi32>
        %add3A_545 = arith.addi %broadcast_in_dim3A_537, %add3A_544 : vector<16xi32>
        %select_n3A_546 = arith.select %lt3A_542, %add3A_545, %broadcast_in_dim3A_537 : vector<16xi1>, vector<16xi32>
        %broadcast_in_dim3A_547 = vector.shape_cast %select_n3A_546 : vector<16xi32> to vector<16x1xi32>
        %gather3A_548 = vector.shape_cast %broadcast_in_dim3A_547 : vector<16x1xi32> to vector<16xi32>
        %gather3A_549 = tpu.dynamic_gather %get3A_170[%gather3A_548] in [0] : vector<16xf32>, vector<16xi32> -> vector<16xf32>
        %mul3A_550 = arith.mulf %gather3A_549, %select_n3A : vector<16xf32>
        %add3A_551 = arith.addf %broadcast_in_dim3A_539, %mul3A_550 : vector<16xf32>
        %get3A_552 = arith.index_cast %rem3A_96 : i32 to index
        %get3A_553 = arith.index_cast %add3A_535 : i32 to index
        %get3A_554 = arith.constant 0 : index
        %get3A_555 = tpu.vector_load %arg12[%get3A_552, %get3A_553, %get3A_554] {strides = array<i32>} : memref<2x400x16xf32, #tpu.memory_space<vmem>>, vector<16xf32>,
        %mul3A_556 = arith.mulf %get3A_555, %gather3A_549 : vector<16xf32>
        %swap3A_557 = arith.index_cast %rem3A_96 : i32 to index
        %swap3A_558 = arith.index_cast %add3A_535 : i32 to index
        %swap3A_559 = arith.constant 0 : index
        %swap3A_560 = tpu.vector_load %arg12[%swap3A_557, %swap3A_558, %swap3A_559] {strides = array<i32>} : memref<2x400x16xf32, #tpu.memory_space<vmem>>, vector<16xf32>,
        tpu.vector_store %arg12[%swap3A_557, %swap3A_558, %swap3A_559], %mul3A_556 {strides = array<i32>} : memref<2x400x16xf32, #tpu.memory_space<vmem>>, vector<16xf32>,
        %swap3A_561 = arith.index_cast %rem3A_96 : i32 to index
        %swap3A_562 = arith.index_cast %add3A_535 : i32 to index
        %swap3A_563 = arith.constant 0 : index
        %swap3A_564 = tpu.vector_load %arg14[%swap3A_561, %swap3A_562, %swap3A_563] {strides = array<i32>} : memref<2x400x16xf32, #tpu.memory_space<vmem>>, vector<16xf32>,
        tpu.vector_store %arg14[%swap3A_561, %swap3A_562, %swap3A_563], %add3A_551 {strides = array<i32>} : memref<2x400x16xf32, #tpu.memory_space<vmem>>, vector<16xf32>,
        %mul3A_565 = arith.constant 16 : i32
        %mul3A_566 = arith.muli %scan3A_164, %mul3A_565 : i32
        %add3A_567 = arith.constant 12 : i32
        %add3A_568 = arith.addi %mul3A_566, %add3A_567 : i32
        %broadcast_in_dim3A_569 = arith.constant 12 : i32
        %broadcast_in_dim3A_570 = vector.broadcast %broadcast_in_dim3A_569 : i32 to vector<16xi32>
        %broadcast_in_dim3A_571 = arith.constant 0.000000e+00 : f32
        %broadcast_in_dim3A_572 = vector.broadcast %broadcast_in_dim3A_571 : f32 to vector<16xf32>
        %lt3A_573 = arith.constant 0 : i32
        %lt3A_574 = vector.broadcast %lt3A_573 : i32 to vector<16xi32>
        %lt3A_575 = arith.cmpi slt, %broadcast_in_dim3A_570, %lt3A_574 : vector<16xi32>
        %add3A_576 = arith.constant 16 : i32
        %add3A_577 = vector.broadcast %add3A_576 : i32 to vector<16xi32>
        %add3A_578 = arith.addi %broadcast_in_dim3A_570, %add3A_577 : vector<16xi32>
        %select_n3A_579 = arith.select %lt3A_575, %add3A_578, %broadcast_in_dim3A_570 : vector<16xi1>, vector<16xi32>
        %broadcast_in_dim3A_580 = vector.shape_cast %select_n3A_579 : vector<16xi32> to vector<16x1xi32>
        %gather3A_581 = vector.shape_cast %broadcast_in_dim3A_580 : vector<16x1xi32> to vector<16xi32>
        %gather3A_582 = tpu.dynamic_gather %get3A_170[%gather3A_581] in [0] : vector<16xf32>, vector<16xi32> -> vector<16xf32>
        %mul3A_583 = arith.mulf %gather3A_582, %select_n3A : vector<16xf32>
        %add3A_584 = arith.addf %broadcast_in_dim3A_572, %mul3A_583 : vector<16xf32>
        %get3A_585 = arith.index_cast %rem3A_96 : i32 to index
        %get3A_586 = arith.index_cast %add3A_568 : i32 to index
        %get3A_587 = arith.constant 0 : index
        %get3A_588 = tpu.vector_load %arg12[%get3A_585, %get3A_586, %get3A_587] {strides = array<i32>} : memref<2x400x16xf32, #tpu.memory_space<vmem>>, vector<16xf32>,
        %mul3A_589 = arith.mulf %get3A_588, %gather3A_582 : vector<16xf32>
        %swap3A_590 = arith.index_cast %rem3A_96 : i32 to index
        %swap3A_591 = arith.index_cast %add3A_568 : i32 to index
        %swap3A_592 = arith.constant 0 : index
        %swap3A_593 = tpu.vector_load %arg12[%swap3A_590, %swap3A_591, %swap3A_592] {strides = array<i32>} : memref<2x400x16xf32, #tpu.memory_space<vmem>>, vector<16xf32>,
        tpu.vector_store %arg12[%swap3A_590, %swap3A_591, %swap3A_592], %mul3A_589 {strides = array<i32>} : memref<2x400x16xf32, #tpu.memory_space<vmem>>, vector<16xf32>,
        %swap3A_594 = arith.index_cast %rem3A_96 : i32 to index
        %swap3A_595 = arith.index_cast %add3A_568 : i32 to index
        %swap3A_596 = arith.constant 0 : index
        %swap3A_597 = tpu.vector_load %arg14[%swap3A_594, %swap3A_595, %swap3A_596] {strides = array<i32>} : memref<2x400x16xf32, #tpu.memory_space<vmem>>, vector<16xf32>,
        tpu.vector_store %arg14[%swap3A_594, %swap3A_595, %swap3A_596], %add3A_584 {strides = array<i32>} : memref<2x400x16xf32, #tpu.memory_space<vmem>>, vector<16xf32>,
        %mul3A_598 = arith.constant 16 : i32
        %mul3A_599 = arith.muli %scan3A_164, %mul3A_598 : i32
        %add3A_600 = arith.constant 13 : i32
        %add3A_601 = arith.addi %mul3A_599, %add3A_600 : i32
        %broadcast_in_dim3A_602 = arith.constant 13 : i32
        %broadcast_in_dim3A_603 = vector.broadcast %broadcast_in_dim3A_602 : i32 to vector<16xi32>
        %broadcast_in_dim3A_604 = arith.constant 0.000000e+00 : f32
        %broadcast_in_dim3A_605 = vector.broadcast %broadcast_in_dim3A_604 : f32 to vector<16xf32>
        %lt3A_606 = arith.constant 0 : i32
        %lt3A_607 = vector.broadcast %lt3A_606 : i32 to vector<16xi32>
        %lt3A_608 = arith.cmpi slt, %broadcast_in_dim3A_603, %lt3A_607 : vector<16xi32>
        %add3A_609 = arith.constant 16 : i32
        %add3A_610 = vector.broadcast %add3A_609 : i32 to vector<16xi32>
        %add3A_611 = arith.addi %broadcast_in_dim3A_603, %add3A_610 : vector<16xi32>
        %select_n3A_612 = arith.select %lt3A_608, %add3A_611, %broadcast_in_dim3A_603 : vector<16xi1>, vector<16xi32>
        %broadcast_in_dim3A_613 = vector.shape_cast %select_n3A_612 : vector<16xi32> to vector<16x1xi32>
        %gather3A_614 = vector.shape_cast %broadcast_in_dim3A_613 : vector<16x1xi32> to vector<16xi32>
        %gather3A_615 = tpu.dynamic_gather %get3A_170[%gather3A_614] in [0] : vector<16xf32>, vector<16xi32> -> vector<16xf32>
        %mul3A_616 = arith.mulf %gather3A_615, %select_n3A : vector<16xf32>
        %add3A_617 = arith.addf %broadcast_in_dim3A_605, %mul3A_616 : vector<16xf32>
        %get3A_618 = arith.index_cast %rem3A_96 : i32 to index
        %get3A_619 = arith.index_cast %add3A_601 : i32 to index
        %get3A_620 = arith.constant 0 : index
        %get3A_621 = tpu.vector_load %arg12[%get3A_618, %get3A_619, %get3A_620] {strides = array<i32>} : memref<2x400x16xf32, #tpu.memory_space<vmem>>, vector<16xf32>,
        %mul3A_622 = arith.mulf %get3A_621, %gather3A_615 : vector<16xf32>
        %swap3A_623 = arith.index_cast %rem3A_96 : i32 to index
        %swap3A_624 = arith.index_cast %add3A_601 : i32 to index
        %swap3A_625 = arith.constant 0 : index
        %swap3A_626 = tpu.vector_load %arg12[%swap3A_623, %swap3A_624, %swap3A_625] {strides = array<i32>} : memref<2x400x16xf32, #tpu.memory_space<vmem>>, vector<16xf32>,
        tpu.vector_store %arg12[%swap3A_623, %swap3A_624, %swap3A_625], %mul3A_622 {strides = array<i32>} : memref<2x400x16xf32, #tpu.memory_space<vmem>>, vector<16xf32>,
        %swap3A_627 = arith.index_cast %rem3A_96 : i32 to index
        %swap3A_628 = arith.index_cast %add3A_601 : i32 to index
        %swap3A_629 = arith.constant 0 : index
        %swap3A_630 = tpu.vector_load %arg14[%swap3A_627, %swap3A_628, %swap3A_629] {strides = array<i32>} : memref<2x400x16xf32, #tpu.memory_space<vmem>>, vector<16xf32>,
        tpu.vector_store %arg14[%swap3A_627, %swap3A_628, %swap3A_629], %add3A_617 {strides = array<i32>} : memref<2x400x16xf32, #tpu.memory_space<vmem>>, vector<16xf32>,
        %mul3A_631 = arith.constant 16 : i32
        %mul3A_632 = arith.muli %scan3A_164, %mul3A_631 : i32
        %add3A_633 = arith.constant 14 : i32
        %add3A_634 = arith.addi %mul3A_632, %add3A_633 : i32
        %broadcast_in_dim3A_635 = arith.constant 14 : i32
        %broadcast_in_dim3A_636 = vector.broadcast %broadcast_in_dim3A_635 : i32 to vector<16xi32>
        %broadcast_in_dim3A_637 = arith.constant 0.000000e+00 : f32
        %broadcast_in_dim3A_638 = vector.broadcast %broadcast_in_dim3A_637 : f32 to vector<16xf32>
        %lt3A_639 = arith.constant 0 : i32
        %lt3A_640 = vector.broadcast %lt3A_639 : i32 to vector<16xi32>
        %lt3A_641 = arith.cmpi slt, %broadcast_in_dim3A_636, %lt3A_640 : vector<16xi32>
        %add3A_642 = arith.constant 16 : i32
        %add3A_643 = vector.broadcast %add3A_642 : i32 to vector<16xi32>
        %add3A_644 = arith.addi %broadcast_in_dim3A_636, %add3A_643 : vector<16xi32>
        %select_n3A_645 = arith.select %lt3A_641, %add3A_644, %broadcast_in_dim3A_636 : vector<16xi1>, vector<16xi32>
        %broadcast_in_dim3A_646 = vector.shape_cast %select_n3A_645 : vector<16xi32> to vector<16x1xi32>
        %gather3A_647 = vector.shape_cast %broadcast_in_dim3A_646 : vector<16x1xi32> to vector<16xi32>
        %gather3A_648 = tpu.dynamic_gather %get3A_170[%gather3A_647] in [0] : vector<16xf32>, vector<16xi32> -> vector<16xf32>
        %mul3A_649 = arith.mulf %gather3A_648, %select_n3A : vector<16xf32>
        %add3A_650 = arith.addf %broadcast_in_dim3A_638, %mul3A_649 : vector<16xf32>
        %get3A_651 = arith.index_cast %rem3A_96 : i32 to index
        %get3A_652 = arith.index_cast %add3A_634 : i32 to index
        %get3A_653 = arith.constant 0 : index
        %get3A_654 = tpu.vector_load %arg12[%get3A_651, %get3A_652, %get3A_653] {strides = array<i32>} : memref<2x400x16xf32, #tpu.memory_space<vmem>>, vector<16xf32>,
        %mul3A_655 = arith.mulf %get3A_654, %gather3A_648 : vector<16xf32>
        %swap3A_656 = arith.index_cast %rem3A_96 : i32 to index
        %swap3A_657 = arith.index_cast %add3A_634 : i32 to index
        %swap3A_658 = arith.constant 0 : index
        %swap3A_659 = tpu.vector_load %arg12[%swap3A_656, %swap3A_657, %swap3A_658] {strides = array<i32>} : memref<2x400x16xf32, #tpu.memory_space<vmem>>, vector<16xf32>,
        tpu.vector_store %arg12[%swap3A_656, %swap3A_657, %swap3A_658], %mul3A_655 {strides = array<i32>} : memref<2x400x16xf32, #tpu.memory_space<vmem>>, vector<16xf32>,
        %swap3A_660 = arith.index_cast %rem3A_96 : i32 to index
        %swap3A_661 = arith.index_cast %add3A_634 : i32 to index
        %swap3A_662 = arith.constant 0 : index
        %swap3A_663 = tpu.vector_load %arg14[%swap3A_660, %swap3A_661, %swap3A_662] {strides = array<i32>} : memref<2x400x16xf32, #tpu.memory_space<vmem>>, vector<16xf32>,
        tpu.vector_store %arg14[%swap3A_660, %swap3A_661, %swap3A_662], %add3A_650 {strides = array<i32>} : memref<2x400x16xf32, #tpu.memory_space<vmem>>, vector<16xf32>,
        %mul3A_664 = arith.constant 16 : i32
        %mul3A_665 = arith.muli %scan3A_164, %mul3A_664 : i32
        %add3A_666 = arith.constant 15 : i32
        %add3A_667 = arith.addi %mul3A_665, %add3A_666 : i32
        %broadcast_in_dim3A_668 = arith.constant 15 : i32
        %broadcast_in_dim3A_669 = vector.broadcast %broadcast_in_dim3A_668 : i32 to vector<16xi32>
        %broadcast_in_dim3A_670 = arith.constant 0.000000e+00 : f32
        %broadcast_in_dim3A_671 = vector.broadcast %broadcast_in_dim3A_670 : f32 to vector<16xf32>
        %lt3A_672 = arith.constant 0 : i32
        %lt3A_673 = vector.broadcast %lt3A_672 : i32 to vector<16xi32>
        %lt3A_674 = arith.cmpi slt, %broadcast_in_dim3A_669, %lt3A_673 : vector<16xi32>
        %add3A_675 = arith.constant 16 : i32
        %add3A_676 = vector.broadcast %add3A_675 : i32 to vector<16xi32>
        %add3A_677 = arith.addi %broadcast_in_dim3A_669, %add3A_676 : vector<16xi32>
        %select_n3A_678 = arith.select %lt3A_674, %add3A_677, %broadcast_in_dim3A_669 : vector<16xi1>, vector<16xi32>
        %broadcast_in_dim3A_679 = vector.shape_cast %select_n3A_678 : vector<16xi32> to vector<16x1xi32>
        %gather3A_680 = vector.shape_cast %broadcast_in_dim3A_679 : vector<16x1xi32> to vector<16xi32>
        %gather3A_681 = tpu.dynamic_gather %get3A_170[%gather3A_680] in [0] : vector<16xf32>, vector<16xi32> -> vector<16xf32>
        %mul3A_682 = arith.mulf %gather3A_681, %select_n3A : vector<16xf32>
        %add3A_683 = arith.addf %broadcast_in_dim3A_671, %mul3A_682 : vector<16xf32>
        %get3A_684 = arith.index_cast %rem3A_96 : i32 to index
        %get3A_685 = arith.index_cast %add3A_667 : i32 to index
        %get3A_686 = arith.constant 0 : index
        %get3A_687 = tpu.vector_load %arg12[%get3A_684, %get3A_685, %get3A_686] {strides = array<i32>} : memref<2x400x16xf32, #tpu.memory_space<vmem>>, vector<16xf32>,
        %mul3A_688 = arith.mulf %get3A_687, %gather3A_681 : vector<16xf32>
        %swap3A_689 = arith.index_cast %rem3A_96 : i32 to index
        %swap3A_690 = arith.index_cast %add3A_667 : i32 to index
        %swap3A_691 = arith.constant 0 : index
        %swap3A_692 = tpu.vector_load %arg12[%swap3A_689, %swap3A_690, %swap3A_691] {strides = array<i32>} : memref<2x400x16xf32, #tpu.memory_space<vmem>>, vector<16xf32>,
        tpu.vector_store %arg12[%swap3A_689, %swap3A_690, %swap3A_691], %mul3A_688 {strides = array<i32>} : memref<2x400x16xf32, #tpu.memory_space<vmem>>, vector<16xf32>,
        %swap3A_693 = arith.index_cast %rem3A_96 : i32 to index
        %swap3A_694 = arith.index_cast %add3A_667 : i32 to index
        %swap3A_695 = arith.constant 0 : index
        %swap3A_696 = tpu.vector_load %arg14[%swap3A_693, %swap3A_694, %swap3A_695] {strides = array<i32>} : memref<2x400x16xf32, #tpu.memory_space<vmem>>, vector<16xf32>,
        tpu.vector_store %arg14[%swap3A_693, %swap3A_694, %swap3A_695], %add3A_683 {strides = array<i32>} : memref<2x400x16xf32, #tpu.memory_space<vmem>>, vector<16xf32>,
      }
      %scan3A_139 = arith.constant 25 : i32
      %dma_start3A_140 = arith.constant 0 : i32
      %dma_start3A_141 = arith.constant 0 : i32
      %dma_start3A_142 = tpu.memref_slice %arg12[%rem3A_96, %dma_start3A_140, %dma_start3A_141] : memref<2x400x16xf32, #tpu.memory_space<vmem>> -> memref<1x400x16xf32, #tpu.memory_space<vmem>>
      %dma_start3A_143 = tpu.memref_squeeze %dma_start3A_142 : memref<1x400x16xf32, #tpu.memory_space<vmem>> -> memref<400x16xf32, #tpu.memory_space<vmem>>
      %dma_start3A_144 = arith.constant 0 : i32
      %dma_start3A_145 = tpu.memref_slice %arg11[%rem3A_96, %dma_start3A_144] : memref<2x400xi32, #tpu.memory_space<vmem>> -> memref<1x400xi32, #tpu.memory_space<vmem>>
      %dma_start3A_146 = tpu.memref_squeeze %dma_start3A_145 : memref<1x400xi32, #tpu.memory_space<vmem>> -> memref<400xi32, #tpu.memory_space<vmem>>
      %dma_start3A_147 = arith.constant 0 : i32
      %dma_start3A_148 = arith.constant 0 : i32
      %dma_start3A_149 = tpu.memref_slice %arg15[%dma_start3A_147, %dma_start3A_148] : memref<10240x16xf32, #tpu.memory_space<vmem_shared>> -> memref<10240x16xf32, #tpu.memory_space<vmem_shared>>
      %dma_start3A_150 = tpu.memref_slice %arg18[%rem3A_96] : memref<2x!tpu.dma_semaphore, #tpu.memory_space<semaphore_mem>> -> memref<1x!tpu.dma_semaphore, #tpu.memory_space<semaphore_mem>>
      %dma_start3A_151 = tpu.memref_squeeze %dma_start3A_150 : memref<1x!tpu.dma_semaphore, #tpu.memory_space<semaphore_mem>> -> memref<!tpu.dma_semaphore, #tpu.memory_space<semaphore_mem>>
      tpu.enqueue_indirect_dma source(%dma_start3A_143 : memref<400x16xf32, #tpu.memory_space<vmem>>) target(%dma_start3A_149 : memref<10240x16xf32, #tpu.memory_space<vmem_shared>>) offsets(%dma_start3A_146 : memref<400xi32, #tpu.memory_space<vmem>>) semaphore(%dma_start3A_151 : memref<!tpu.dma_semaphore, #tpu.memory_space<semaphore_mem>>) {add = true}
      %dma_start3A_152 = arith.constant 0 : i32
      %dma_start3A_153 = arith.constant 0 : i32
      %dma_start3A_154 = tpu.memref_slice %arg14[%rem3A_96, %dma_start3A_152, %dma_start3A_153] : memref<2x400x16xf32, #tpu.memory_space<vmem>> -> memref<1x400x16xf32, #tpu.memory_space<vmem>>
      %dma_start3A_155 = tpu.memref_squeeze %dma_start3A_154 : memref<1x400x16xf32, #tpu.memory_space<vmem>> -> memref<400x16xf32, #tpu.memory_space<vmem>>
      %dma_start3A_156 = arith.constant 0 : i32
      %dma_start3A_157 = tpu.memref_slice %arg11[%rem3A_96, %dma_start3A_156] : memref<2x400xi32, #tpu.memory_space<vmem>> -> memref<1x400xi32, #tpu.memory_space<vmem>>
      %dma_start3A_158 = tpu.memref_squeeze %dma_start3A_157 : memref<1x400xi32, #tpu.memory_space<vmem>> -> memref<400xi32, #tpu.memory_space<vmem>>
      %dma_start3A_159 = arith.constant 0 : i32
      %dma_start3A_160 = arith.constant 0 : i32
      %dma_start3A_161 = tpu.memref_slice %arg16[%dma_start3A_159, %dma_start3A_160] : memref<10240x16xf32, #tpu.memory_space<vmem_shared>> -> memref<10240x16xf32, #tpu.memory_space<vmem_shared>>
      %dma_start3A_162 = tpu.memref_slice %arg18[%rem3A_96] : memref<2x!tpu.dma_semaphore, #tpu.memory_space<semaphore_mem>> -> memref<1x!tpu.dma_semaphore, #tpu.memory_space<semaphore_mem>>
      %dma_start3A_163 = tpu.memref_squeeze %dma_start3A_162 : memref<1x!tpu.dma_semaphore, #tpu.memory_space<semaphore_mem>> -> memref<!tpu.dma_semaphore, #tpu.memory_space<semaphore_mem>>
      tpu.enqueue_indirect_dma source(%dma_start3A_155 : memref<400x16xf32, #tpu.memory_space<vmem>>) target(%dma_start3A_161 : memref<10240x16xf32, #tpu.memory_space<vmem_shared>>) offsets(%dma_start3A_158 : memref<400xi32, #tpu.memory_space<vmem>>) semaphore(%dma_start3A_163 : memref<!tpu.dma_semaphore, #tpu.memory_space<semaphore_mem>>) {add = true}
    }
    %scan3A_50 = arith.constant 25 : i32
    %dma_wait3A = arith.constant 0 : i32
    %dma_wait3A_51 = arith.constant 0 : i32
    %dma_wait3A_52 = arith.constant 0 : i32
    %dma_wait3A_53 = arith.constant 0 : i32
    %dma_wait3A_54 = tpu.memref_slice %arg12[%dma_wait3A, %dma_wait3A_52, %dma_wait3A_53] : memref<2x400x16xf32, #tpu.memory_space<vmem>> -> memref<1x400x16xf32, #tpu.memory_space<vmem>>
    %dma_wait3A_55 = tpu.memref_squeeze %dma_wait3A_54 : memref<1x400x16xf32, #tpu.memory_space<vmem>> -> memref<400x16xf32, #tpu.memory_space<vmem>>
    %dma_wait3A_56 = arith.constant 0 : i32
    %dma_wait3A_57 = arith.constant 0 : i32
    %dma_wait3A_58 = tpu.memref_slice %arg5[%dma_wait3A_56, %dma_wait3A_57] : memref<10000x16xf32, #tpu.memory_space<hbm>> -> memref<400x16xf32, #tpu.memory_space<hbm>>
    %dma_wait3A_59 = tpu.memref_slice %arg18[%dma_wait3A_51] : memref<2x!tpu.dma_semaphore, #tpu.memory_space<semaphore_mem>> -> memref<1x!tpu.dma_semaphore, #tpu.memory_space<semaphore_mem>>
    %dma_wait3A_60 = tpu.memref_squeeze %dma_wait3A_59 : memref<1x!tpu.dma_semaphore, #tpu.memory_space<semaphore_mem>> -> memref<!tpu.dma_semaphore, #tpu.memory_space<semaphore_mem>>
    %dma_wait3A_61 = arith.constant 0 : i32
    %dma_wait3A_62 = arith.constant 0 : i32
    %dma_wait3A_63 = tpu.memref_slice %arg12[%dma_wait3A, %dma_wait3A_61, %dma_wait3A_62] : memref<2x400x16xf32, #tpu.memory_space<vmem>> -> memref<1x400x16xf32, #tpu.memory_space<vmem>>
    %dma_wait3A_64 = tpu.memref_squeeze %dma_wait3A_63 : memref<1x400x16xf32, #tpu.memory_space<vmem>> -> memref<400x16xf32, #tpu.memory_space<vmem>>
    %dma_wait3A_65 = arith.constant 0 : i32
    %dma_wait3A_66 = arith.constant 0 : i32
    %dma_wait3A_67 = tpu.memref_slice %arg5[%dma_wait3A_65, %dma_wait3A_66] : memref<10000x16xf32, #tpu.memory_space<hbm>> -> memref<400x16xf32, #tpu.memory_space<hbm>>
    tpu.wait_dma2 semaphore(%dma_wait3A_60 : memref<!tpu.dma_semaphore, #tpu.memory_space<semaphore_mem>>) src(%dma_wait3A_67 : memref<400x16xf32, #tpu.memory_space<hbm>>) dst(%dma_wait3A_64 : memref<400x16xf32, #tpu.memory_space<vmem>>)
    %dma_wait3A_68 = arith.constant 0 : i32
    %dma_wait3A_69 = arith.constant 0 : i32
    %dma_wait3A_70 = arith.constant 0 : i32
    %dma_wait3A_71 = arith.constant 0 : i32
    %dma_wait3A_72 = tpu.memref_slice %arg14[%dma_wait3A_68, %dma_wait3A_70, %dma_wait3A_71] : memref<2x400x16xf32, #tpu.memory_space<vmem>> -> memref<1x400x16xf32, #tpu.memory_space<vmem>>
    %dma_wait3A_73 = tpu.memref_squeeze %dma_wait3A_72 : memref<1x400x16xf32, #tpu.memory_space<vmem>> -> memref<400x16xf32, #tpu.memory_space<vmem>>
    %dma_wait3A_74 = arith.constant 0 : i32
    %dma_wait3A_75 = arith.constant 0 : i32
    %dma_wait3A_76 = tpu.memref_slice %arg5[%dma_wait3A_74, %dma_wait3A_75] : memref<10000x16xf32, #tpu.memory_space<hbm>> -> memref<400x16xf32, #tpu.memory_space<hbm>>
    %dma_wait3A_77 = tpu.memref_slice %arg18[%dma_wait3A_69] : memref<2x!tpu.dma_semaphore, #tpu.memory_space<semaphore_mem>> -> memref<1x!tpu.dma_semaphore, #tpu.memory_space<semaphore_mem>>
    %dma_wait3A_78 = tpu.memref_squeeze %dma_wait3A_77 : memref<1x!tpu.dma_semaphore, #tpu.memory_space<semaphore_mem>> -> memref<!tpu.dma_semaphore, #tpu.memory_space<semaphore_mem>>
    %dma_wait3A_79 = arith.constant 0 : i32
    %dma_wait3A_80 = arith.constant 0 : i32
    %dma_wait3A_81 = tpu.memref_slice %arg14[%dma_wait3A_68, %dma_wait3A_79, %dma_wait3A_80] : memref<2x400x16xf32, #tpu.memory_space<vmem>> -> memref<1x400x16xf32, #tpu.memory_space<vmem>>
    %dma_wait3A_82 = tpu.memref_squeeze %dma_wait3A_81 : memref<1x400x16xf32, #tpu.memory_space<vmem>> -> memref<400x16xf32, #tpu.memory_space<vmem>>
    %dma_wait3A_83 = arith.constant 0 : i32
    %dma_wait3A_84 = arith.constant 0 : i32
    %dma_wait3A_85 = tpu.memref_slice %arg5[%dma_wait3A_83, %dma_wait3A_84] : memref<10000x16xf32, #tpu.memory_space<hbm>> -> memref<400x16xf32, #tpu.memory_space<hbm>>
    tpu.wait_dma2 semaphore(%dma_wait3A_78 : memref<!tpu.dma_semaphore, #tpu.memory_space<semaphore_mem>>) src(%dma_wait3A_85 : memref<400x16xf32, #tpu.memory_space<hbm>>) dst(%dma_wait3A_82 : memref<400x16xf32, #tpu.memory_space<vmem>>)
    %barrier3A_86 = arith.constant 0 : index
    tpu.barrier barrier_id(%barrier3A_86)
    %mul3A_87 = arith.constant 640 : i32
    %mul3A_88 = arith.muli %arg1, %mul3A_87 : i32
    %mul3A_89 = arith.constant 640 : i32
    %mul3A_90 = arith.muli %arg1, %mul3A_89 : i32
    "tpu.region"() ({
      %run_scoped3A_95 = tpu.sem_alloc : memref<!tpu.dma_semaphore, #tpu.memory_space<semaphore_mem>>
      %dma_start3A_96 = arith.constant 0 : i32
      %dma_start3A_97 = tpu.memref_slice %arg8[%arg0, %mul3A_90, %dma_start3A_96] : memref<2x10240x16xf32, #tpu.memory_space<hbm>> -> memref<1x640x16xf32, #tpu.memory_space<hbm>>
      %dma_start3A_98 = tpu.memref_squeeze %dma_start3A_97 : memref<1x640x16xf32, #tpu.memory_space<hbm>> -> memref<640x16xf32, #tpu.memory_space<hbm>>
      %dma_start3A_99 = arith.constant 0 : i32
      %dma_start3A_100 = tpu.memref_slice %arg15[%mul3A_88, %dma_start3A_99] : memref<10240x16xf32, #tpu.memory_space<vmem_shared>> -> memref<640x16xf32, #tpu.memory_space<vmem_shared>>
      tpu.enqueue_dma source(%dma_start3A_100 : memref<640x16xf32, #tpu.memory_space<vmem_shared>>) target(%dma_start3A_98 : memref<640x16xf32, #tpu.memory_space<hbm>>) target_semaphore(%run_scoped3A_95 : memref<!tpu.dma_semaphore, #tpu.memory_space<semaphore_mem>>)
      %dma_wait3A_101 = arith.constant 0 : i32
      %dma_wait3A_102 = tpu.memref_slice %arg8[%arg0, %mul3A_90, %dma_wait3A_101] : memref<2x10240x16xf32, #tpu.memory_space<hbm>> -> memref<1x640x16xf32, #tpu.memory_space<hbm>>
      %dma_wait3A_103 = tpu.memref_squeeze %dma_wait3A_102 : memref<1x640x16xf32, #tpu.memory_space<hbm>> -> memref<640x16xf32, #tpu.memory_space<hbm>>
      %dma_wait3A_104 = arith.constant 0 : i32
      %dma_wait3A_105 = tpu.memref_slice %arg15[%mul3A_88, %dma_wait3A_104] : memref<10240x16xf32, #tpu.memory_space<vmem_shared>> -> memref<640x16xf32, #tpu.memory_space<vmem_shared>>
      tpu.wait_dma2 semaphore(%run_scoped3A_95 : memref<!tpu.dma_semaphore, #tpu.memory_space<semaphore_mem>>) src(%dma_wait3A_105 : memref<640x16xf32, #tpu.memory_space<vmem_shared>>) dst(%dma_wait3A_103 : memref<640x16xf32, #tpu.memory_space<hbm>>)
      tpu.yield
    }) : () -> ()
    %mul3A_91 = arith.constant 640 : i32
    %mul3A_92 = arith.muli %arg1, %mul3A_91 : i32
    %mul3A_93 = arith.constant 640 : i32
    %mul3A_94 = arith.muli %arg1, %mul3A_93 : i32
    "tpu.region"() ({
      %run_scoped3A_95 = tpu.sem_alloc : memref<!tpu.dma_semaphore, #tpu.memory_space<semaphore_mem>>
      %dma_start3A_96 = arith.constant 0 : i32
      %dma_start3A_97 = tpu.memref_slice %arg9[%arg0, %mul3A_94, %dma_start3A_96] : memref<2x10240x16xf32, #tpu.memory_space<hbm>> -> memref<1x640x16xf32, #tpu.memory_space<hbm>>
      %dma_start3A_98 = tpu.memref_squeeze %dma_start3A_97 : memref<1x640x16xf32, #tpu.memory_space<hbm>> -> memref<640x16xf32, #tpu.memory_space<hbm>>
      %dma_start3A_99 = arith.constant 0 : i32
      %dma_start3A_100 = tpu.memref_slice %arg16[%mul3A_92, %dma_start3A_99] : memref<10240x16xf32, #tpu.memory_space<vmem_shared>> -> memref<640x16xf32, #tpu.memory_space<vmem_shared>>
      tpu.enqueue_dma source(%dma_start3A_100 : memref<640x16xf32, #tpu.memory_space<vmem_shared>>) target(%dma_start3A_98 : memref<640x16xf32, #tpu.memory_space<hbm>>) target_semaphore(%run_scoped3A_95 : memref<!tpu.dma_semaphore, #tpu.memory_space<semaphore_mem>>)
      %dma_wait3A_101 = arith.constant 0 : i32
      %dma_wait3A_102 = tpu.memref_slice %arg9[%arg0, %mul3A_94, %dma_wait3A_101] : memref<2x10240x16xf32, #tpu.memory_space<hbm>> -> memref<1x640x16xf32, #tpu.memory_space<hbm>>
      %dma_wait3A_103 = tpu.memref_squeeze %dma_wait3A_102 : memref<1x640x16xf32, #tpu.memory_space<hbm>> -> memref<640x16xf32, #tpu.memory_space<hbm>>
      %dma_wait3A_104 = arith.constant 0 : i32
      %dma_wait3A_105 = tpu.memref_slice %arg16[%mul3A_92, %dma_wait3A_104] : memref<10240x16xf32, #tpu.memory_space<vmem_shared>> -> memref<640x16xf32, #tpu.memory_space<vmem_shared>>
      tpu.wait_dma2 semaphore(%run_scoped3A_95 : memref<!tpu.dma_semaphore, #tpu.memory_space<semaphore_mem>>) src(%dma_wait3A_105 : memref<640x16xf32, #tpu.memory_space<vmem_shared>>) dst(%dma_wait3A_103 : memref<640x16xf32, #tpu.memory_space<hbm>>)
      tpu.yield
    }) : () -> ()
    return
  }
}

module attributes {stable_mosaic.version = 14 : i64} {
  func.func @_mm_kernel(%arg0: i32, %arg1: memref<1000x128xf32, #tpu.memory_space<vmem>>, %arg2: memref<128x72xf32, #tpu.memory_space<vmem>>, %arg3: memref<1000x72xf32, #tpu.memory_space<vmem>>) attributes {dimension_semantics = [#tpu.dimension_semantics<arbitrary>], iteration_bounds = array<i64: 10>, scalar_prefetch = 0 : i64, scratch_operands = 0 : i64, tpu.core_type = #tpu.core_type<tc>, window_params = [{transform_indices = @transform_0, window_bounds = array<i64: 1000, 128>}, {pipeline_mode = #tpu.pipeline_mode<synchronous>, transform_indices = @transform_1, window_bounds = array<i64: 128, 72>}, {transform_indices = @transform_2, window_bounds = array<i64: 1000, 72>}]} {
    %get3A = arith.constant 0 : index
    %get3A_0 = arith.constant 0 : index
    %get3A_1 = vector.load %arg1[%get3A, %get3A_0] : memref<1000x128xf32, #tpu.memory_space<vmem>>, vector<1000x128xf32>
    %get3A_2 = arith.constant 0 : index
    %get3A_3 = arith.constant 0 : index
    %get3A_4 = vector.load %arg2[%get3A_2, %get3A_3] : memref<128x72xf32, #tpu.memory_space<vmem>>, vector<128x72xf32>
    %dot_general3A = arith.constant dense<0.000000e+00> : vector<1000x72xf32>
    %dot_general3A_5 = tpu.matmul %get3A_1, %get3A_4, %dot_general3A {dimension_numbers = #tpu.dot_dimension_numbers<[1], [0], [0], [1], [0, 0, 1, 1], [], []>, transpose_lhs_hint = false} : vector<1000x128xf32>, vector<128x72xf32>, vector<1000x72xf32> -> vector<1000x72xf32>
    %swap3A = arith.constant 0 : index
    %swap3A_6 = arith.constant 0 : index
    %swap3A_7 = vector.load %arg3[%swap3A, %swap3A_6] : memref<1000x72xf32, #tpu.memory_space<vmem>>, vector<1000x72xf32>
    tpu.vector_store %arg3[%swap3A, %swap3A_6], %dot_general3A_5 {strides = array<i32>} : memref<1000x72xf32, #tpu.memory_space<vmem>>, vector<1000x72xf32>,
    return
  }
  func.func @transform_0(%arg0: i32) -> (i32, i32) {
    %c0_i32 = arith.constant 0 : i32
    %c0_i32_0 = arith.constant 0 : i32
    return %arg0, %c0_i32 : i32, i32
  }
  func.func @transform_1(%arg0: i32) -> (i32, i32) {
    %c0_i32 = arith.constant 0 : i32
    %c0_i32_0 = arith.constant 0 : i32
    %c0_i32_1 = arith.constant 0 : i32
    return %c0_i32, %c0_i32_0 : i32, i32
  }
  func.func @transform_2(%arg0: i32) -> (i32, i32) {
    %c0_i32 = arith.constant 0 : i32
    %c0_i32_0 = arith.constant 0 : i32
    return %arg0, %c0_i32 : i32, i32
  }
}

module attributes {stable_mosaic.version = 14 : i64} {
  func.func @_stage_c_kernel(%arg0: i32, %arg1: memref<2x1000x64xf32, #tpu.memory_space<vmem>>, %arg2: memref<2x1000x16xf32, #tpu.memory_space<vmem>>, %arg3: memref<16x64xf32, #tpu.memory_space<vmem>>, %arg4: memref<64x18xf32, #tpu.memory_space<vmem>>, %arg5: memref<1000x18xf32, #tpu.memory_space<vmem>>) attributes {dimension_semantics = [#tpu.dimension_semantics<arbitrary>], iteration_bounds = array<i64: 10>, scalar_prefetch = 0 : i64, scratch_operands = 0 : i64, tpu.core_type = #tpu.core_type<tc>, window_params = [{transform_indices = @transform_0, window_bounds = array<i64: 2, 1000, 64>}, {transform_indices = @transform_1, window_bounds = array<i64: 2, 1000, 16>}, {pipeline_mode = #tpu.pipeline_mode<synchronous>, transform_indices = @transform_2, window_bounds = array<i64: 16, 64>}, {pipeline_mode = #tpu.pipeline_mode<synchronous>, transform_indices = @transform_3, window_bounds = array<i64: 64, 18>}, {transform_indices = @transform_4, window_bounds = array<i64: 1000, 18>}]} {
    %get3A = arith.constant 0 : index
    %get3A_0 = arith.constant 0 : index
    %get3A_1 = arith.constant 0 : index
    %get3A_2 = vector.load %arg1[%get3A, %get3A_0, %get3A_1] : memref<2x1000x64xf32, #tpu.memory_space<vmem>>, vector<1x1000x64xf32>
    %get3A_3 = vector.shape_cast %get3A_2 : vector<1x1000x64xf32> to vector<1000x64xf32>
    %get3A_4 = arith.constant 1 : index
    %get3A_5 = arith.constant 0 : index
    %get3A_6 = arith.constant 0 : index
    %get3A_7 = vector.load %arg1[%get3A_4, %get3A_5, %get3A_6] : memref<2x1000x64xf32, #tpu.memory_space<vmem>>, vector<1x1000x64xf32>
    %get3A_8 = vector.shape_cast %get3A_7 : vector<1x1000x64xf32> to vector<1000x64xf32>
    %add3A = arith.addf %get3A_3, %get3A_8 : vector<1000x64xf32>
    %get3A_9 = arith.constant 0 : index
    %get3A_10 = arith.constant 0 : index
    %get3A_11 = arith.constant 0 : index
    %get3A_12 = vector.load %arg2[%get3A_9, %get3A_10, %get3A_11] : memref<2x1000x16xf32, #tpu.memory_space<vmem>>, vector<1x1000x16xf32>
    %get3A_13 = vector.shape_cast %get3A_12 : vector<1x1000x16xf32> to vector<1000x16xf32>
    %get3A_14 = arith.constant 1 : index
    %get3A_15 = arith.constant 0 : index
    %get3A_16 = arith.constant 0 : index
    %get3A_17 = vector.load %arg2[%get3A_14, %get3A_15, %get3A_16] : memref<2x1000x16xf32, #tpu.memory_space<vmem>>, vector<1x1000x16xf32>
    %get3A_18 = vector.shape_cast %get3A_17 : vector<1x1000x16xf32> to vector<1000x16xf32>
    %add3A_19 = arith.addf %get3A_13, %get3A_18 : vector<1000x16xf32>
    %get3A_20 = arith.constant 0 : index
    %get3A_21 = arith.constant 0 : index
    %get3A_22 = vector.load %arg3[%get3A_20, %get3A_21] : memref<16x64xf32, #tpu.memory_space<vmem>>, vector<16x64xf32>
    %dot_general3A = arith.constant dense<0.000000e+00> : vector<1000x64xf32>
    %dot_general3A_23 = tpu.matmul %add3A_19, %get3A_22, %dot_general3A {dimension_numbers = #tpu.dot_dimension_numbers<[1], [0], [0], [1], [0, 0, 1, 1], [], []>, transpose_lhs_hint = false} : vector<1000x16xf32>, vector<16x64xf32>, vector<1000x64xf32> -> vector<1000x64xf32>
    %add3A_24 = arith.constant 9.99999971E-10 : f32
    %add3A_25 = vector.broadcast %add3A_24 : f32 to vector<1000x64xf32>
    %add3A_26 = arith.addf %dot_general3A_23, %add3A_25 : vector<1000x64xf32>
    %div3A = arith.divf %add3A, %add3A_26 : vector<1000x64xf32>
    %gt3A = arith.constant 0.000000e+00 : f32
    %gt3A_27 = vector.broadcast %gt3A : f32 to vector<1000x64xf32>
    %gt3A_28 = arith.cmpf ogt, %div3A, %gt3A_27 : vector<1000x64xf32>
    %exp3A = math.exp %div3A : vector<1000x64xf32>
    %sub3A = arith.constant 1.000000e+00 : f32
    %sub3A_29 = vector.broadcast %sub3A : f32 to vector<1000x64xf32>
    %sub3A_30 = arith.subf %exp3A, %sub3A_29 : vector<1000x64xf32>
    %select_n3A = arith.select %gt3A_28, %div3A, %sub3A_30 : vector<1000x64xi1>, vector<1000x64xf32>
    %get3A_31 = arith.constant 0 : index
    %get3A_32 = arith.constant 0 : index
    %get3A_33 = vector.load %arg4[%get3A_31, %get3A_32] : memref<64x18xf32, #tpu.memory_space<vmem>>, vector<64x18xf32>
    %dot_general3A_34 = arith.constant dense<0.000000e+00> : vector<1000x18xf32>
    %dot_general3A_35 = tpu.matmul %select_n3A, %get3A_33, %dot_general3A_34 {dimension_numbers = #tpu.dot_dimension_numbers<[1], [0], [0], [1], [0, 0, 1, 1], [], []>, transpose_lhs_hint = false} : vector<1000x64xf32>, vector<64x18xf32>, vector<1000x18xf32> -> vector<1000x18xf32>
    %swap3A = arith.constant 0 : index
    %swap3A_36 = arith.constant 0 : index
    %swap3A_37 = vector.load %arg5[%swap3A, %swap3A_36] : memref<1000x18xf32, #tpu.memory_space<vmem>>, vector<1000x18xf32>
    tpu.vector_store %arg5[%swap3A, %swap3A_36], %dot_general3A_35 {strides = array<i32>} : memref<1000x18xf32, #tpu.memory_space<vmem>>, vector<1000x18xf32>,
    return
  }
  func.func @transform_0(%arg0: i32) -> (i32, i32, i32) {
    %c0_i32 = arith.constant 0 : i32
    %c0_i32_0 = arith.constant 0 : i32
    %c0_i32_1 = arith.constant 0 : i32
    return %c0_i32, %arg0, %c0_i32_0 : i32, i32, i32
  }
  func.func @transform_1(%arg0: i32) -> (i32, i32, i32) {
    %c0_i32 = arith.constant 0 : i32
    %c0_i32_0 = arith.constant 0 : i32
    %c0_i32_1 = arith.constant 0 : i32
    return %c0_i32, %arg0, %c0_i32_0 : i32, i32, i32
  }
  func.func @transform_2(%arg0: i32) -> (i32, i32) {
    %c0_i32 = arith.constant 0 : i32
    %c0_i32_0 = arith.constant 0 : i32
    %c0_i32_1 = arith.constant 0 : i32
    return %c0_i32, %c0_i32_0 : i32, i32
  }
  func.func @transform_3(%arg0: i32) -> (i32, i32) {
    %c0_i32 = arith.constant 0 : i32
    %c0_i32_0 = arith.constant 0 : i32
    %c0_i32_1 = arith.constant 0 : i32
    return %c0_i32, %c0_i32_0 : i32, i32
  }
  func.func @transform_4(%arg0: i32) -> (i32, i32) {
    %c0_i32 = arith.constant 0 : i32
    %c0_i32_0 = arith.constant 0 : i32
    return %arg0, %c0_i32 : i32, i32
  }
}

module attributes {stable_mosaic.version = 14 : i64} {
  func.func @_stage_e_kernel(%arg0: i32, %arg1: memref<2x1000x16xf32, #tpu.memory_space<vmem>>, %arg2: memref<2x1000x16xf32, #tpu.memory_space<vmem>>, %arg3: memref<16x16xf32, #tpu.memory_space<vmem>>, %arg4: memref<1000x16xf32, #tpu.memory_space<vmem>>) attributes {dimension_semantics = [#tpu.dimension_semantics<arbitrary>], iteration_bounds = array<i64: 10>, scalar_prefetch = 0 : i64, scratch_operands = 0 : i64, tpu.core_type = #tpu.core_type<tc>, window_params = [{transform_indices = @transform_0, window_bounds = array<i64: 2, 1000, 16>}, {transform_indices = @transform_1, window_bounds = array<i64: 2, 1000, 16>}, {pipeline_mode = #tpu.pipeline_mode<synchronous>, transform_indices = @transform_2, window_bounds = array<i64: 16, 16>}, {transform_indices = @transform_3, window_bounds = array<i64: 1000, 16>}]} {
    %get3A = arith.constant 0 : index
    %get3A_0 = arith.constant 0 : index
    %get3A_1 = arith.constant 0 : index
    %get3A_2 = vector.load %arg1[%get3A, %get3A_0, %get3A_1] : memref<2x1000x16xf32, #tpu.memory_space<vmem>>, vector<1x1000x16xf32>
    %get3A_3 = vector.shape_cast %get3A_2 : vector<1x1000x16xf32> to vector<1000x16xf32>
    %get3A_4 = arith.constant 1 : index
    %get3A_5 = arith.constant 0 : index
    %get3A_6 = arith.constant 0 : index
    %get3A_7 = vector.load %arg1[%get3A_4, %get3A_5, %get3A_6] : memref<2x1000x16xf32, #tpu.memory_space<vmem>>, vector<1x1000x16xf32>
    %get3A_8 = vector.shape_cast %get3A_7 : vector<1x1000x16xf32> to vector<1000x16xf32>
    %add3A = arith.addf %get3A_3, %get3A_8 : vector<1000x16xf32>
    %get3A_9 = arith.constant 0 : index
    %get3A_10 = arith.constant 0 : index
    %get3A_11 = arith.constant 0 : index
    %get3A_12 = vector.load %arg2[%get3A_9, %get3A_10, %get3A_11] : memref<2x1000x16xf32, #tpu.memory_space<vmem>>, vector<1x1000x16xf32>
    %get3A_13 = vector.shape_cast %get3A_12 : vector<1x1000x16xf32> to vector<1000x16xf32>
    %get3A_14 = arith.constant 1 : index
    %get3A_15 = arith.constant 0 : index
    %get3A_16 = arith.constant 0 : index
    %get3A_17 = vector.load %arg2[%get3A_14, %get3A_15, %get3A_16] : memref<2x1000x16xf32, #tpu.memory_space<vmem>>, vector<1x1000x16xf32>
    %get3A_18 = vector.shape_cast %get3A_17 : vector<1x1000x16xf32> to vector<1000x16xf32>
    %add3A_19 = arith.addf %get3A_13, %get3A_18 : vector<1000x16xf32>
    %get3A_20 = arith.constant 0 : index
    %get3A_21 = arith.constant 0 : index
    %get3A_22 = vector.load %arg3[%get3A_20, %get3A_21] : memref<16x16xf32, #tpu.memory_space<vmem>>, vector<16x16xf32>
    %dot_general3A = arith.constant dense<0.000000e+00> : vector<1000x16xf32>
    %dot_general3A_23 = tpu.matmul %add3A_19, %get3A_22, %dot_general3A {dimension_numbers = #tpu.dot_dimension_numbers<[1], [0], [0], [1], [0, 0, 1, 1], [], []>, transpose_lhs_hint = false} : vector<1000x16xf32>, vector<16x16xf32>, vector<1000x16xf32> -> vector<1000x16xf32>
    %add3A_24 = arith.constant 9.99999971E-10 : f32
    %add3A_25 = vector.broadcast %add3A_24 : f32 to vector<1000x16xf32>
    %add3A_26 = arith.addf %dot_general3A_23, %add3A_25 : vector<1000x16xf32>
    %div3A = arith.divf %add3A, %add3A_26 : vector<1000x16xf32>
    %swap3A = arith.constant 0 : index
    %swap3A_27 = arith.constant 0 : index
    %swap3A_28 = vector.load %arg4[%swap3A, %swap3A_27] : memref<1000x16xf32, #tpu.memory_space<vmem>>, vector<1000x16xf32>
    tpu.vector_store %arg4[%swap3A, %swap3A_27], %div3A {strides = array<i32>} : memref<1000x16xf32, #tpu.memory_space<vmem>>, vector<1000x16xf32>,
    return
  }
  func.func @transform_0(%arg0: i32) -> (i32, i32, i32) {
    %c0_i32 = arith.constant 0 : i32
    %c0_i32_0 = arith.constant 0 : i32
    %c0_i32_1 = arith.constant 0 : i32
    return %c0_i32, %arg0, %c0_i32_0 : i32, i32, i32
  }
  func.func @transform_1(%arg0: i32) -> (i32, i32, i32) {
    %c0_i32 = arith.constant 0 : i32
    %c0_i32_0 = arith.constant 0 : i32
    %c0_i32_1 = arith.constant 0 : i32
    return %c0_i32, %arg0, %c0_i32_0 : i32, i32, i32
  }
  func.func @transform_2(%arg0: i32) -> (i32, i32) {
    %c0_i32 = arith.constant 0 : i32
    %c0_i32_0 = arith.constant 0 : i32
    %c0_i32_1 = arith.constant 0 : i32
    return %c0_i32, %c0_i32_0 : i32, i32
  }
  func.func @transform_3(%arg0: i32) -> (i32, i32) {
    %c0_i32 = arith.constant 0 : i32
    %c0_i32_0 = arith.constant 0 : i32
    return %arg0, %c0_i32 : i32, i32
  }
}

</mosaic_0001>

<sc_bundles>
// kernel: kernel.12.cloned.1.call-start
scs
__scs_entry_jumppad:
0x0: {  	(pc) =	sbr.rel $0x88, $3  }
0x1: {  	(tag) =	ssettag $0x0;
	lr =	simm.s32 $0x1  }
0x2: {  	[smem:$0x3F99] =	sst lr;
	_ =	strace $0xD0000000  }
0x3: {  	_ = 	snop  }
0x4: {  	_ = 	snop  }
0x5: {  	_ = 	snop  }
0x6: {  	_ = 	snop  }
0x7: {  	_ = 	snop  }
__scs_overlays_trampoline_lowered:
0x8: {  	[smem:$0x3FA8] =	sst s0  }
0x9: {  	[smem:$0x3FA9] =	sst s1  }
0xa: {  	[smem:$0x3FAA] =	sst s2  }
0xb: {  	[smem:$0x3FAB] =	sst s3  }
0xc: {  	[smem:$0x3FAC] =	sst s4  }
0xd: {  	[smem:$0x3FAD] =	sst s5  }
0xe: {  	[smem:$0x3FAE] =	sst s6  }
0xf: {  	[smem:$0x3FAF] =	sst s7  }
0x10: {  	[smem:$0x3FB0] =	sst s8  }
0x11: {  	[smem:$0x3FB1] =	sst s9;
	s0 =	simm.s32 @!p0 $0x0  }
0x12: {  	s1 =	sld [smem:$0x3F97];
	s0 =	simm.s32 @p0 $0x1  }
0x13: {  	[smem:$0x3FB2] =	sst s0;
	s0 =	simm.s32 @!p1 $0x0  }
0x14: {  	s2 =	sld [smem:$0x3F96];
	s0 =	simm.s32 @p1 $0x1  }
0x15: {  	[smem:$0x3FB3] =	sst s0;
	s0 =	simm.s32 @!p2 $0x0  }
0x16: {  	s3 =	sld [smem:$0x3FDB];
	s0 =	simm.s32 @p2 $0x1  }
0x17: {  	s4 =	simm.s32 $0x1BF5;
	[smem:$0x3FB5] =	sst s0  }
0x18: {  	s0 =	sld [smem:$0x3F98];
	_ =	swait.ge [sflag:s4], $0x0  }
0x19: {  	s7 =	sld [smem:$0x3F99]  }
0x1a: {  	s8 =	sadd.s32 $0xFFFFE003, lr  }
0x1b: {  	s9 =	sadd.s32 $0xFFFFFEF7, lr;
	s5 =	simm.s32 $0xFFFFFFFF;
	p2 =	slt.u32 s8, $0xFFFFF086  }
0x1c: {  	p1 =	slt.u32 s9, $0xF7A;
	s5 =	simm.s32 @!p2 $0x0  }
0x1d: {  	s5 =	simm.s32 @p1 $0x1;
	p0 =	seq.s32 s7, s2  }
0x1e: {  	s7 =	smul.u32 @!p0 $0xF7A, s2;
	p2 =	seq.s32 @!p0 s5, $0x0  }
0x1f: {  	s9 =	smul.u32 $0xF7A, s1;
	s8 =	simm.s32 @!p0 $0x1BF5;
	p2 =	por !p2, p0  }
0x20: {  	[sflag:s8] =	ssyncset.s32 @!p0 $0xFFFFF086;
	s6 =	sadd.s32 @!p0 s3, s7;
	s7 =	simm.s32 @!p0 $0x108  }
0x21: {  	s3 =	sadd.s32 s3, s9;
	s6 =	sadd.s32 @!p0 $0x88, s6;
	s7 =	simm.s32 @p2 $0x1082  }
0x22: {  	[simem:s7], [sflag:s8] =	dma.local @!p0 [hbm:s6], $0xF7A  }
0x23: {  	s9 =	sor.u32 $0xD0000000, s2;
	s6 =	simm.s32 $0x108;
	_ =	swait.ge @!p0 [sflag:s8], $0x0  }
0x24: {  	s3 =	sadd.s32 $0x88, s3;
	s6 =	simm.s32 @!p1 $0x1082;
	[sflag:s4] =	ssyncset.s32 $0xFFFFF086  }
0x25: {  	[simem:s6], [sflag:s4] =	dma.local [hbm:s3], $0xF7A  }
0x26: {  	[smem:$0x3F99] =	sst s1;
	(tag) =	ssettag s2;
	_ =	strace s9  }
0x27: {  	s1 =	sld [smem:$0x3FA9]  }
0x28: {  	s2 =	sld [smem:$0x3FAA]  }
0x29: {  	s4 =	sld [smem:$0x3FAC]  }
0x2a: {  	p0 =	seq.s32 s5, $0x0;
	s5 =	sld [smem:$0x3FAD]  }
0x2b: {  	s6 =	sld [smem:$0x3FAE]  }
0x2c: {  	s7 =	sld [smem:$0x3FAF]  }
0x2d: {  	s3 =	simm.s32 $0x108;
	s8 =	sld [smem:$0x3FB0]  }
0x2e: {  	s3 =	simm.s32 @!p0 $0x1082;
	s9 =	sld [smem:$0x3FB1]  }
0x2f: {  	lr =	sadd.s32 s0, s3;
	s0 =	sld [smem:$0x3FA8]  }
0x30: {  	s3 =	sld [smem:$0x3FAB]  }
0x31: {  	[smem:$0x3FB4] =	sst s10  }
0x32: {  	s10 =	sld [smem:$0x3FB2];
	_ =	sdelay $0x3  }
0x33: {  	p0 =	seq.s32 s10, $0x1;
	s10 =	sld [smem:$0x3FB4];
	_ =	sdelay $0x3  }
0x34: {  	[smem:$0x3FB4] =	sst s10  }
0x35: {  	s10 =	sld [smem:$0x3FB3];
	_ =	sdelay $0x3  }
0x36: {  	p1 =	seq.s32 s10, $0x1;
	s10 =	sld [smem:$0x3FB4];
	_ =	sdelay $0x3  }
0x37: {  	[smem:$0x3FB4] =	sst s10  }
0x38: {  	s10 =	sld [smem:$0x3FB5]  }
0x39: {  	_ = 	snop;
	(pc) =	sbr.ind lr, $3  }
0x3a: {  	_ = 	snop  }
0x3b: {  	_ = 	snop  }
0x3c: {  	p2 =	seq.s32 s10, $0x1;
	s10 =	sld [smem:$0x3FB4]  }
0x3d: {  	_ =	shalt  }
0x3e: {  	_ =	shalt  }
0x3f: {  	_ =	shalt  }
0x40: {  	_ =	shalt  }
0x41: {  	_ =	shalt  }
0x42: {  	_ =	shalt  }
0x43: {  	_ =	shalt  }
0x44: {  	_ =	shalt  }
0x45: {  	_ =	shalt  }
0x46: {  	_ =	shalt  }
0x47: {  	_ =	shalt  }
0x48: {  	_ =	shalt  }
0x49: {  	_ =	shalt  }
0x4a: {  	_ =	shalt  }
0x4b: {  	_ =	shalt  }
0x4c: {  	_ =	shalt  }
0x4d: {  	_ =	shalt  }
0x4e: {  	_ =	shalt  }
0x4f: {  	_ =	shalt  }
0x50: {  	_ =	shalt  }
0x51: {  	_ =	shalt  }
0x52: {  	_ =	shalt  }
0x53: {  	_ =	shalt  }
0x54: {  	_ =	shalt  }
0x55: {  	_ =	shalt  }
0x56: {  	_ =	shalt  }
0x57: {  	_ =	shalt  }
0x58: {  	_ =	shalt  }
0x59: {  	_ =	shalt  }
0x5a: {  	_ =	shalt  }
0x5b: {  	_ =	shalt  }
0x5c: {  	_ =	shalt  }
0x5d: {  	_ =	shalt  }
0x5e: {  	_ =	shalt  }
0x5f: {  	_ =	shalt  }
0x60: {  	_ =	shalt  }
0x61: {  	_ =	shalt  }
0x62: {  	_ =	shalt  }
0x63: {  	_ =	shalt  }
0x64: {  	_ =	shalt  }
0x65: {  	_ =	shalt  }
0x66: {  	_ =	shalt  }
0x67: {  	_ =	shalt  }
0x68: {  	_ =	shalt  }
0x69: {  	_ =	shalt  }
0x6a: {  	_ =	shalt  }
0x6b: {  	_ =	shalt  }
0x6c: {  	_ =	shalt  }
0x6d: {  	_ =	shalt  }
0x6e: {  	_ =	shalt  }
0x6f: {  	_ =	shalt  }
0x70: {  	_ =	shalt  }
0x71: {  	_ =	shalt  }
0x72: {  	_ =	shalt  }
0x73: {  	_ =	shalt  }
0x74: {  	_ =	shalt  }
0x75: {  	_ =	shalt  }
0x76: {  	_ =	shalt  }
0x77: {  	_ =	shalt  }
0x78: {  	_ =	shalt  }
0x79: {  	_ =	shalt  }
0x7a: {  	_ =	shalt  }
0x7b: {  	_ =	shalt  }
0x7c: {  	_ =	shalt  }
0x7d: {  	_ =	shalt  }
0x7e: {  	_ =	shalt  }
0x7f: {  	_ =	shalt  }
0x80: {  	_ =	shalt  }
0x81: {  	_ =	shalt  }
0x82: {  	_ =	shalt  }
0x83: {  	_ =	shalt  }
0x84: {  	_ =	shalt  }
0x85: {  	_ =	shalt  }
0x86: {  	_ =	shalt  }
0x87: {  	_ =	shalt  }
.Lfunc_end0:
.L_simem_size_0:
called_computation.1_lowered:
.L_overlay_start_0:
0x88: {  	s2 =	sld [smem:$0x3FD9]  }
0x89: {  	s3 =	sld [smem:$0x3FFE];
	_ =	sdelay $0x1  }
0x8a: {  	s1 =	srdreg.scid  }
0x8b: {  	s0 =	sand.u32 $0x1, s1  }
0x8c: {  	s16 =	sshll.u32 s0, $0xA;
	s2 =	sadd.s32 s3, s2  }
0x8d: {  	s2 =	sadd.s32 s2, s16  }
0x8e: {  	[smem:$0x3FC0] =	sst s2  }
0x8f: {  	_ = 	snop  }
0x90: {  	(tm) =	ssettm $0x1  }
0x91: {  	s17 =	sld [smem:$0x3FFB];
	_ =	sdelay $0x3  }
0x92: {  	_ =	strace s17  }
0x93: {  	s2 =	sld [smem:$0x3FFC];
	_ =	sdelay $0x3  }
0x94: {  	_ =	strace s2  }
0x95: {  	s2 =	sld [smem:$0x3FFD];
	_ =	sdelay $0x3  }
0x96: {  	_ =	strace s2  }
0x97: {  	_ =	strace $0x8FFFFFFF  }
0x98: {  	s18 =	sld [smem:$0x3FDB];
	_ =	sdelay $0x1  }
0x99: {  	s19 =	simm.s32 $_scs_section_size  }
0x9a: {  	s4 =	simm.s32 $_size__tile_overlayer_lowered;
	s5 =	simm.s32 $_tile_overlayer_lowered  }
0x9b: {  	s22 =	simm.s32 $0x1BFF;
	s21 =	sshll.u32 s5, $0x1;
	s2 =	sadd.s32 s19, s18  }
0x9c: {  	s6 =	simm.s32 $0x0;
	s20 =	sshll.u32 s4, $0x1;
	s4 =	sadd.s32 s21, s2  }
0x9d: {  	[timem:s6], [sflag:s22] =	dma.local [hbm:s4], s20  }
0x9e: {  	_ =	swait.ge [sflag:s22], s20  }
0x9f: {  	s3 =	ssub.s32 $0x0, s20;
	[sflag:s22] =	ssyncset.done $0x0  }
0xa0: {  	[sflag:s22] =	ssyncadd.s32 s3;
	_ =	sdelay $0x1  }
0xa1: {  	s23 =	simm.s32 $0x1B8B  }
0xa2: {  	_ =	swait.ge [sflag:s23], $0x1  }
0xa3: {  	[sflag:s23] =	ssyncset.done $0x0  }
0xa4: {  	s25 =	simm.s32 $0x1B8E;
	s24 =	sld [smem:$0x3FFE];
	[sflag:s23] =	ssyncadd.s32 $0xFFFFFFFF  }
0xa5: {  	s26 =	simm.s32 $execute0_lowered;
	[smem:$0x3FD2] =	sst s25  }
0xa6: {  	s4 =	sshll.u32 s26, $0x1;
	_ =	strace $0x80000049;
	[dreg:$0x1] =	wrdreg $0xFFFFFFFF  }
0xa7: {  	s28 =	simm.s32 $_size_execute0_lowered;
	s2 =	sadd.s32 s2, s4;
	[dreg:$0x0] =	wrdreg $0x0  }
0xa8: {  	s4 =	sshll.u32 s28, $0x1;
	[dreg:$0x2] =	wrdreg s2  }
0xa9: {  	[dreg:$0x3] =	wrdreg s4  }
0xaa: {  	[dreg:$0x4] =	wrdreg $0xC0  }
0xab: {  	_ =	task [dreg:s6], $0x5FFFF  }
0xac: {  	[dreg:$0x1] =	wrdreg $0xFFFFFFFF  }
0xad: {  	[dreg:$0x0] =	wrdreg $0x60  }
0xae: {  	[dreg:$0x2] =	wrdreg s24  }
0xaf: {  	[dreg:$0x3] =	wrdreg $0x10CC00  }
0xb0: {  	[dreg:$0x4] =	wrdreg $0x1ACC00  }
0xb1: {  	[dreg:$0x5] =	wrdreg $0x9  }
0xb2: {  	_ =	task.clear_ibuf [dreg:s6], $0x6FFFF;
	_ =	strace $0x90000049  }
0xb3: {  	s29 =	simm.s32 $0x9;
	_ =	strace $0x8000004B  }
0xb4: {  	_ =	swait.ge [sflag:s29], $0x1  }
0xb5: {  	[sflag:s29] =	ssyncadd.s32 $0xFFFFFFFF  }
0xb6: {  	_ =	strace $0x9000004B  }
0xb7: {  	_ =	sfence  }
0xb8: {  	s30 =	sld [smem:$0x0];
	_ =	sdelay $0x2  }
0xb9: {  	s31 =	sshll.u32 s1, $0xD;
	s1 =	sshrl.u32 s1, $0x2  }
0xba: {  	s3 =	sand.u32 $0x4000, s31;
	s1 =	sadd.s32 s1, s30  }
0xbb: {  	s0 =	sor.u32 s3, s0;
	s1 =	sshll.u32 s1, $0x11  }
0xbc: {  	s0 =	sor.u32 s1, s0  }
0xbd: {  	s0 =	sadd.s32 $0x8F2B, s0  }
0xbe: {  	[sflag:s0] =	ssyncadd.remote.s32 $0x1  }
0xbf: {  	_ =	sfence.sel $0xFFFF  }
0xc0: {  	[dreg:$0x0] =	wrdreg $0xFFFFFFFF;
	(pc) =	sbr.abs _section_cstart, $3  }
0xc1: {  	[dreg:$0x1] =	wrdreg $0xFFFFFFFF  }
0xc2: {  	_ =	task.clear_ibuf [dreg:s6], $0x2FFFF;
	_ =	strace $0x9FFFFFFF  }
0xc3: {  	(tm) =	ssettm $0x7FFFFFFF  }
tec
execute0_lowered:
.L_overlay_start_1:
0x0: {  	(tag) =	ssettag $0x1  }
0x1: {  	s0 =	rddreg [dreg:$0x0]  }
0x2: {  	s2 =	rddreg [dreg:$0x1]  }
0x3: {  	s3 =	rddreg [dreg:$0x2];
	s4 =	simm.s32 $0x0;
	s16 =	stileid.u32  }
0x4: {  	s1 =	srdreg.scid;
	s31 =	simm.s32 $0x190;
	[smem:$0x7FF] =	sst s4  }
0x5: {  	s10 =	smul.u32 $0xA000, s16;
	s1 =	sand.u32 $0x1, s1;
	s5 =	sadd.s32 $0xC000, s0  }
0x6: {  	s6 =	sadd.s32 $0x2200, s0;
	s7 =	sadd.s32 $0x15E00, s0;
	s12 =	smul.u32 $0x2800, s16  }
0x7: {  	s8 =	sadd.s32 $0x3D000, s0;
	s25 =	sshll.u32 s16, $0x6;
	s9 =	smul.u32 $0xA0000, s1  }
0x8: {  	_ =	strace $0x8000004A;
	s14 =	smul.u32 $0x28000, s1;
	s22 =	ssub.s32 $0x2, s1  }
0x9: {  	s1 =	sshll.u32 s1, $0x4;
	s11 =	sshrl.u32 s10, $0x3;
	s13 =	sshrl.u32 s12, $0x3  }
0xa: {  	s15 =	sshrl.u32 s22, $0x1;
	s1 =	sor.u32 s16, s1;
	s23 =	sadd.s32 s10, s2  }
0xb: {  	s26 =	sadd.s32 s12, s3;
	s9 =	sadd.s32 s10, s9;
	s11 =	sadd.s32 s11, s0  }
0xc: {  	s13 =	sadd.s32 s13, s0;
	s21 =	sadd.s32 s12, s14;
	s22 =	ssub.s32 s22, s15  }
0xd: {  	vm0 =	vcmask $0x300;
	[dreg:$0x5] =	wrdreg s26;
	s23 =	sshrl.u32 s23, $0x3;
	s9 =	sshrl.u32 s9, $0x3  }
0xe: {  	v4 =	vimm.f32 $0.0e+00;
	vm14 =	vcmask $0x704;
	vm15 =	vcmask $0xB08;
	s24 =	sadd.s32 $0x55A00, s11;
	s20 =	sadd.s32 s9, s0;
	s9 =	sshrl.u32 s21, $0x3  }
0xf: {  	vm1 =	vcmask $0xF0C;
	v3 =	vimm.s32 $0x0;
	v5 =	vimm.s32 $0x1;
	s11 =	sor.u32 $0x1C05, s25;
	s0 =	sadd.s32 s9, s0;
	s9 =	smul.u32 $0x2710, s1  }
0x10: {  	v6 =	vimm.s32 $0x2;
	v7 =	vimm.s32 $0x3;
	v8 =	vimm.s32 $0x4;
	s29 =	sadd.s32 $0x50A00, s13;
	s22 =	smax.u32 s22, $0x1;
	[dreg:$0x4] =	wrdreg s24  }
0x11: {  	v9 =	vimm.s32 $0x5;
	v10 =	vimm.s32 $0x6;
	v11 =	vimm.s32 $0x7;
	s25 =	simm.s32 $0x0;
	[dreg:$0x6] =	wrdreg s29;
	s28 =	sshrl.u32 s9, $0x3  }
0x12: {  	v12 =	vimm.s32 $0x8;
	v13 =	vimm.s32 $0x9;
	v14 =	vimm.s32 $0xA;
	s24 =	simm.s32 $0x5;
	s20 =	sadd.s32 $0x69A00, s20;
	s30 =	sadd.s32 s5, s28  }
0x13: {  	v15 =	vimm.s32 $0xB;
	v16 =	vimm.s32 $0xC;
	v17 =	vimm.s32 $0xD;
	s1 =	simm.s32 $0x3;
	s10 =	sadd.s32 s6, s28;
	[dreg:$0x7] =	wrdreg s30  }
0x14: {  	v18 =	vimm.s32 $0xE;
	v19 =	vimm.s32 $0xF;
	v0 =	vsel vm0, $0x3F800000, v4;
	s21 =	sadd.s32 $0x91A00, s0;
	s15 =	sadd.s32 s7, s28;
	[dreg:$0x8] =	wrdreg s10  }
0x15: {  	v1 =	vsel vm14, $0x3F800000, v4;
	v2 =	vsel vm15, $0x3F800000, v4;
	v4 =	vsel vm1, $0x3F800000, v4;
	s17 =	sadd.s32 $0x9C40, s15;
	s18 =	sadd.s32 $0x13880, s15;
	s19 =	sadd.s32 $0x1D4C0, s15  }
.LBB2_1:
0x16: {  	s0 =	rddreg [dreg:$0x4]  }
0x17: {  	[spmem:s23], [sflag:s11] =	dma.local [hbm:s0], $0x1400  }
0x18: {  	_ =	swait.ge [sflag:s24], $0x1400  }
0x19: {  	[sflag:s24] =	ssyncset.done $0x0;
	s30 =	rddreg [dreg:$0x5]  }
0x1a: {  	s10 =	rddreg [dreg:$0x6];
	[sflag:s24] =	ssyncadd.s32 $0xFFFFEC00;
	s26 =	sshrl.u32 s30, $0x3  }
0x1b: {  	[spmem:s26], [sflag:s11] =	dma.local [hbm:s10], $0x500  }
0x1c: {  	_ =	swait.ge [sflag:s24], $0x500  }
0x1d: {  	[sflag:s24] =	ssyncset.done $0x0  }
0x1e: {  	[sflag:s24] =	ssyncadd.s32 $0xFFFFFB00  }
0x1f: {  	[bflag:$0x0] =	sbarrier.arrive $0xFFFF  }
0x20: {  	s12 =	rddreg [dreg:$0x7]  }
0x21: {  	[tilespmem:s4], [sflag:$0x5] =	stream.linear.gather [hbm4b:s12+s4], $0x190, $0x38;
	[tilespmem:$0x1D4C0] =	vst v63  }
0x22: {  	_ =	swait.ge [sflag:s24], $0x190  }
0x23: {  	[sflag:s24] =	ssyncset.done $0x0  }
0x24: {  	s10 =	simm.s32 $0x320;
	s13 =	rddreg [dreg:$0x8];
	[sflag:s24] =	ssyncadd.s32 $0xFFFFFE70  }
0x25: {  	[tilespmem:s10], [sflag:$0x5] =	stream.linear.gather [hbm4b:s13+s4], $0x190, $0x38;
	[tilespmem:$0x1D4C0] =	vst v63  }
0x26: {  	_ =	swait.ge [sflag:s24], $0x190  }
0x27: {  	[sflag:s24] =	ssyncset.done $0x0  }
0x28: {  	s14 =	simm.s32 $0xCE40;
	[sflag:s24] =	ssyncadd.s32 $0xFFFFFE70  }
0x29: {  	[tilespmem:s14], [sflag:$0x1] =	stream.linear.gather [hbm4b:s15+s4], $0x190, $0x38;
	[tilespmem:$0x1D4C0] =	vst v63  }
0x2a: {  	s16 =	simm.s32 $0xCFD0  }
0x2b: {  	[tilespmem:s16], [sflag:$0x1] =	stream.linear.gather [hbm4b:s17+s4], $0x190, $0x38;
	[tilespmem:$0x1D4C0] =	vst v63  }
0x2c: {  	s28 =	simm.s32 $0xD160  }
0x2d: {  	[tilespmem:s28], [sflag:$0x1] =	stream.linear.gather [hbm4b:s18+s4], $0x190, $0x38;
	[tilespmem:$0x1D4C0] =	vst v63  }
0x2e: {  	s29 =	simm.s32 $0xD2F0  }
0x2f: {  	[tilespmem:s29], [sflag:$0x1] =	stream.linear.gather [hbm4b:s19+s4], $0x190, $0x38;
	[tilespmem:$0x1D4C0] =	vst v63  }
0x30: {  	s30 =	simm.s32 $0x640;
	s10 =	simm.s32 $0x0  }
0x31: {  	[tilespmem:s30], [sflag:$0x1] =	stream.indirect.gather [hbm4b:s8+s31], $0x40, s4, s31, $0xb8;
	[tilespmem:$0x1D4C0] =	vst v63  }
.LBB2_2:
0x32: {  	s28 =	sand.u32 $0x1, s10  }
0x33: {  	p0 =	seq.s32 s10, $0x0;
	s0 =	sxor.u32 $0x1, s28  }
0x34: {  	p1 =	seq.s32 @!p0 s10, $0x18;
	s12 =	sadd.s32 @!p0 $0x3, s0  }
0x35: {  	p1 =	por p0, !p1;
	_ =	swait.ge @!p0 [sflag:s12], $0x6400  }
.Ltmp0:
0x36: {  	[sflag:s12] =	ssyncset.done @!p0 $0x0;
	(pc) =	sbr.rel @!p1 .LBB2_4-.Ltmp0, $4  }
0x37: {  	[sflag:s12] =	ssyncadd.s32 @!p0 $0xFFFF9C00  }
0x38: {  	_ =	swait.ge @!p0 [sflag:s12], $0x1900  }
0x39: {  	[sflag:s12] =	ssyncset.done @!p0 $0x0  }
0x3a: {  	s29 =	simm.s32 @!p0 $0x19;
	[sflag:s12] =	ssyncadd.s32 @!p0 $0xFFFFE700  }
0x3b: {  	s29 =	sadd.s32 @!p0 $0x1, s10  }
0x3c: {  	s29 =	simm.s32 @p0 $0x1  }
0x3d: {  	s14 =	smul.u32 $0x190, s29;
	_ =	sdelay $0x1  }
0x3e: {  	s10 =	sadd.s32 s9, s14  }
0x3f: {  	s12 =	smul.u32 $0x190, s0;
	s10 =	sshrl.u32 s10, $0x3  }
0x40: {  	s13 =	sadd.s32 s5, s10  }
0x41: {  	[tilespmem:s12], [sflag:$0x5] =	stream.linear.gather [hbm4b:s13+s4], $0x190, $0x38;
	[tilespmem:$0x1D4C0] =	vst v63  }
0x42: {  	_ =	swait.ge [sflag:s24], $0x190  }
0x43: {  	s16 =	sadd.s32 $0x320, s12;
	[sflag:s24] =	ssyncset.done $0x0  }
0x44: {  	s14 =	smul.u32 $0x1900, s0;
	s30 =	sadd.s32 s6, s10;
	[sflag:s24] =	ssyncadd.s32 $0xFFFFFE70  }
0x45: {  	[tilespmem:s16], [sflag:$0x5] =	stream.linear.gather [hbm4b:s30+s4], $0x190, $0x38;
	[tilespmem:$0x1D4C0] =	vst v63  }
0x46: {  	_ =	swait.ge [sflag:s24], $0x190  }
0x47: {  	s10 =	sadd.s32 s7, s10;
	s13 =	sshrl.u32 s14, $0x2;
	[sflag:s24] =	ssyncset.done $0x0  }
0x48: {  	s14 =	sadd.s32 $0xCE40, s13;
	s30 =	sadd.s32 $0x1, s0;
	[sflag:s24] =	ssyncadd.s32 $0xFFFFFE70  }
0x49: {  	[tilespmem:s14], [sflag:s30] =	stream.linear.gather [hbm4b:s10+s4], $0x190, $0x38;
	[tilespmem:$0x1D4C0] =	vst v63  }
0x4a: {  	s16 =	sadd.s32 $0x9C40, s10;
	s14 =	sadd.s32 $0xCFD0, s13  }
0x4b: {  	[tilespmem:s14], [sflag:s30] =	stream.linear.gather [hbm4b:s16+s4], $0x190, $0x38;
	[tilespmem:$0x1D4C0] =	vst v63  }
0x4c: {  	s14 =	sadd.s32 $0xD160, s13;
	s16 =	sadd.s32 $0x13880, s10  }
0x4d: {  	[tilespmem:s14], [sflag:s30] =	stream.linear.gather [hbm4b:s16+s4], $0x190, $0x38;
	[tilespmem:$0x1D4C0] =	vst v63  }
0x4e: {  	s13 =	sadd.s32 $0xD2F0, s13;
	s10 =	sadd.s32 $0x1D4C0, s10;
	s16 =	smul.u32 $0x19000, s0  }
0x4f: {  	[tilespmem:s13], [sflag:s30] =	stream.linear.gather [hbm4b:s10+s4], $0x190, $0x38;
	[tilespmem:$0x1D4C0] =	vst v63  }
0x50: {  	s0 =	sshrl.u32 s16, $0x2  }
0x51: {  	s0 =	sadd.s32 $0x640, s0  }
0x52: {  	[tilespmem:s0], [sflag:s30] =	stream.indirect.gather [hbm4b:s8+s31], $0x40, s12, s31, $0xb8;
	[tilespmem:$0x1D4C0] =	vst v63  }
.LBB2_4:
0x53: {  	s0 =	sadd.s32 $0x1, s28  }
0x54: {  	_ =	swait.ge [sflag:s0], $0x190  }
0x55: {  	[sflag:s0] =	ssyncset.done $0x0  }
0x56: {  	[sflag:s0] =	ssyncadd.s32 $0xFFFFFE70  }
0x57: {  	_ =	swait.ge [sflag:s0], $0x190  }
0x58: {  	[sflag:s0] =	ssyncset.done $0x0  }
0x59: {  	[sflag:s0] =	ssyncadd.s32 $0xFFFFFE70  }
0x5a: {  	_ =	swait.ge [sflag:s0], $0x190  }
0x5b: {  	s10 =	smul.u32 $0x1900, s28;
	[sflag:s0] =	ssyncset.done $0x0  }
0x5c: {  	[sflag:s0] =	ssyncadd.s32 $0xFFFFFE70  }
0x5d: {  	s12 =	smul.u32 $0x6400, s28;
	s10 =	sshrl.u32 s10, $0x2;
	_ =	swait.ge [sflag:s0], $0x190  }
0x5e: {  	s13 =	smul.u32 $0x19000, s28;
	s14 =	sadd.s32 $0xCE40, s10;
	[sflag:s0] =	ssyncset.done $0x0  }
0x5f: {  	s30 =	sadd.s32 $0x640, s12;
	v20 =	vmov s14;
	[sflag:s0] =	ssyncadd.s32 $0xFFFFFE70  }
0x60: {  	s16 =	sshrl.u32 s13, $0x2;
	s13 =	simm.s32 $0x640;
	_ =	swait.ge [sflag:s0], $0x6400  }
0x61: {  	s10 =	sshrl.u32 s12, $0x2;
	s12 =	sadd.s32 $0x840, s16;
	[sflag:s0] =	ssyncset.done $0x0  }
0x62: {  	[sflag:s0] =	ssyncadd.s32 $0xFFFF9C00;
	s0 =	sadd.s32 $0xDAC0, s10;
	s10 =	sadd.s32 $0xDB40, s10  }
.LBB2_5:
0x63: {  	s14 =	sshra.s32 s13, $0x2  }
0x64: {  	v24 =	vld.idx.msk [tilespmem:v20+s14+$0xFFFFFE70 ss:$0x1], $0xffff;
	_ =	sdelay $0x1  }
0x65: {  	v21 =	vld [tilespmem:s12+$0xFFFFFE00]  }
0x66: {  	v23 =	vld.idx.msk [tilespmem:v20+s14+$0x0 ss:$0x1], $0xffff  }
0x67: {  	v22 =	vld.idx.msk [tilespmem:v20+s14+$0x190 ss:$0x1], $0xffff  }
0x68: {  	v25 =	vperm.xlane v24, v3  }
0x69: {  	v62 =	vld [tilespmem:s12+$0xFFFFFE10]  }
0x6a: {  	v26 =	vmul.f32 v21, v25;
	v21 =	vld.idx.msk [tilespmem:v20+s14+$0x320 ss:$0x1], $0xffff  }
0x6b: {  	v27 =	vperm.xlane v23, v3;
	v25 =	vmul.f32 v0, v25  }
0x6c: {  	v63 =	vld [tilespmem:s12+$0xFFFFFE20];
	v28 =	vperm.xlane v22, v3  }
0x6d: {  	v33 =	vld [tilespmem:s12+$0xFFFFFE30];
	v32 =	vmul.f32 v1, v27;
	v25 =	vadd.f32 $0.0e+00, v25  }
0x6e: {  	v34 =	vmul.f32 v2, v28  }
0x6f: {  	[tilespmem:s12+$0xFFFFFE00] =	vst v26;
	v26 =	vmul.f32 v62, v27;
	v25 =	vadd.f32 v32, v25;
	v35 =	vperm.xlane v21, v3;
	_ =	sdelay $0x1  }
0x70: {  	[tilespmem:s12+$0xFFFFFE10] =	vst v26;
	v26 =	vmul.f32 v63, v28;
	v25 =	vadd.f32 v34, v25;
	v36 =	vmul.f32 v4, v35  }
0x71: {  	v27 =	vmul.f32 v33, v35  }
0x72: {  	[tilespmem:s12+$0xFFFFFE20] =	vst v26;
	v25 =	vadd.f32 v36, v25  }
0x73: {  	[tilespmem:s12+$0xFFFFFE30] =	vst v27  }
0x74: {  	[tilespmem:s10+$0xFFFFFF80] =	vst v25  }
0x75: {  	v25 =	vld [tilespmem:s12+$0xFFFFFE40];
	_ =	sdelay $0x1  }
0x76: {  	v38 =	vld [tilespmem:s12+$0xFFFFFE50]  }
0x77: {  	v37 =	vperm.xlane v24, v5  }
0x78: {  	v40 =	vld [tilespmem:s12+$0xFFFFFE60]  }
0x79: {  	v39 =	vperm.xlane v23, v5;
	v25 =	vmul.f32 v25, v37  }
0x7a: {  	v41 =	vperm.xlane v22, v5  }
0x7b: {  	v26 =	vmul.f32 v0, v37;
	[tilespmem:s12+$0xFFFFFE40] =	vst v25;
	v25 =	vmul.f32 v38, v39;
	_ =	sdelay $0x1  }
0x7c: {  	v43 =	vmul.f32 v1, v39;
	v42 =	vadd.f32 $0.0e+00, v26;
	v44 =	vld [tilespmem:s12+$0xFFFFFE70];
	[tilespmem:s12+$0xFFFFFE50] =	vst v25;
	v25 =	vmul.f32 v40, v41;
	_ =	sdelay $0x1  }
0x7d: {  	v45 =	vmul.f32 v2, v41;
	v46 =	vperm.xlane v21, v5;
	[tilespmem:s12+$0xFFFFFE60] =	vst v25;
	v25 =	vadd.f32 v43, v42;
	_ =	sdelay $0x1  }
0x7e: {  	v47 =	vmul.f32 v4, v46;
	v25 =	vadd.f32 v45, v25  }
0x7f: {  	v27 =	vmul.f32 v44, v46  }
0x80: {  	v25 =	vadd.f32 v47, v25  }
0x81: {  	[tilespmem:s12+$0xFFFFFE70] =	vst v27  }
0x82: {  	[tilespmem:s10+$0xFFFFFF90] =	vst v25  }
0x83: {  	v25 =	vld [tilespmem:s12+$0xFFFFFE80];
	_ =	sdelay $0x1  }
0x84: {  	v49 =	vld [tilespmem:s12+$0xFFFFFE90]  }
0x85: {  	v48 =	vperm.xlane v24, v6  }
0x86: {  	v51 =	vld [tilespmem:s12+$0xFFFFFEA0]  }
0x87: {  	v50 =	vperm.xlane v23, v6;
	v25 =	vmul.f32 v25, v48  }
0x88: {  	v52 =	vperm.xlane v22, v6  }
0x89: {  	v26 =	vmul.f32 v0, v48;
	[tilespmem:s12+$0xFFFFFE80] =	vst v25;
	v25 =	vmul.f32 v49, v50;
	_ =	sdelay $0x1  }
0x8a: {  	v54 =	vmul.f32 v1, v50;
	v53 =	vadd.f32 $0.0e+00, v26;
	v55 =	vld [tilespmem:s12+$0xFFFFFEB0];
	[tilespmem:s12+$0xFFFFFE90] =	vst v25;
	v25 =	vmul.f32 v51, v52;
	_ =	sdelay $0x1  }
0x8b: {  	v56 =	vmul.f32 v2, v52;
	v57 =	vperm.xlane v21, v6;
	[tilespmem:s12+$0xFFFFFEA0] =	vst v25;
	v25 =	vadd.f32 v54, v53;
	_ =	sdelay $0x1  }
0x8c: {  	v58 =	vmul.f32 v4, v57;
	v25 =	vadd.f32 v56, v25  }
0x8d: {  	v27 =	vmul.f32 v55, v57  }
0x8e: {  	v25 =	vadd.f32 v58, v25  }
0x8f: {  	[tilespmem:s12+$0xFFFFFEB0] =	vst v27  }
0x90: {  	[tilespmem:s10+$0xFFFFFFA0] =	vst v25  }
0x91: {  	v25 =	vld [tilespmem:s12+$0xFFFFFEC0];
	_ =	sdelay $0x1  }
0x92: {  	v60 =	vld [tilespmem:s12+$0xFFFFFED0]  }
0x93: {  	v59 =	vperm.xlane v24, v7  }
0x94: {  	v62 =	vld [tilespmem:s12+$0xFFFFFEE0]  }
0x95: {  	v61 =	vperm.xlane v23, v7;
	v25 =	vmul.f32 v25, v59  }
0x96: {  	v63 =	vperm.xlane v22, v7  }
0x97: {  	v26 =	vmul.f32 v0, v59;
	[tilespmem:s12+$0xFFFFFEC0] =	vst v25;
	v25 =	vmul.f32 v60, v61;
	_ =	sdelay $0x1  }
0x98: {  	v32 =	vmul.f32 v1, v61;
	v31 =	vadd.f32 $0.0e+00, v26;
	v33 =	vld [tilespmem:s12+$0xFFFFFEF0];
	[tilespmem:s12+$0xFFFFFED0] =	vst v25;
	v25 =	vmul.f32 v62, v63;
	_ =	sdelay $0x1  }
0x99: {  	v34 =	vmul.f32 v2, v63;
	v35 =	vperm.xlane v21, v7;
	[tilespmem:s12+$0xFFFFFEE0] =	vst v25;
	v25 =	vadd.f32 v32, v31;
	_ =	sdelay $0x1  }
0x9a: {  	v36 =	vmul.f32 v4, v35;
	v25 =	vadd.f32 v34, v25  }
0x9b: {  	v27 =	vmul.f32 v33, v35  }
0x9c: {  	v25 =	vadd.f32 v36, v25  }
0x9d: {  	[tilespmem:s12+$0xFFFFFEF0] =	vst v27  }
0x9e: {  	[tilespmem:s10+$0xFFFFFFB0] =	vst v25  }
0x9f: {  	v25 =	vld [tilespmem:s12+$0xFFFFFF00];
	_ =	sdelay $0x1  }
0xa0: {  	v38 =	vld [tilespmem:s12+$0xFFFFFF10]  }
0xa1: {  	v37 =	vperm.xlane v24, v8  }
0xa2: {  	v40 =	vld [tilespmem:s12+$0xFFFFFF20]  }
0xa3: {  	v39 =	vperm.xlane v23, v8;
	v25 =	vmul.f32 v25, v37  }
0xa4: {  	v26 =	vmul.f32 v0, v37  }
0xa5: {  	v41 =	vperm.xlane v22, v8;
	[tilespmem:s12+$0xFFFFFF00] =	vst v25;
	v25 =	vmul.f32 v38, v39;
	_ =	sdelay $0x1  }
0xa6: {  	v42 =	vadd.f32 $0.0e+00, v26;
	v43 =	vmul.f32 v1, v39;
	v44 =	vld [tilespmem:s12+$0xFFFFFF30];
	[tilespmem:s12+$0xFFFFFF10] =	vst v25;
	v25 =	vmul.f32 v40, v41;
	_ =	sdelay $0x1  }
0xa7: {  	v46 =	vperm.xlane v21, v8;
	v45 =	vmul.f32 v2, v41;
	[tilespmem:s12+$0xFFFFFF20] =	vst v25;
	v25 =	vadd.f32 v43, v42;
	_ =	sdelay $0x1  }
0xa8: {  	v47 =	vmul.f32 v4, v46;
	v25 =	vadd.f32 v45, v25  }
0xa9: {  	v27 =	vmul.f32 v44, v46  }
0xaa: {  	v25 =	vadd.f32 v47, v25  }
0xab: {  	[tilespmem:s12+$0xFFFFFF30] =	vst v27  }
0xac: {  	[tilespmem:s10+$0xFFFFFFC0] =	vst v25  }
0xad: {  	v25 =	vld [tilespmem:s12+$0xFFFFFF40];
	_ =	sdelay $0x1  }
0xae: {  	v49 =	vld [tilespmem:s12+$0xFFFFFF50]  }
0xaf: {  	v48 =	vperm.xlane v24, v9  }
0xb0: {  	v51 =	vld [tilespmem:s12+$0xFFFFFF60]  }
0xb1: {  	v50 =	vperm.xlane v23, v9;
	v25 =	vmul.f32 v25, v48  }
0xb2: {  	v26 =	vmul.f32 v0, v48  }
0xb3: {  	v52 =	vperm.xlane v22, v9;
	[tilespmem:s12+$0xFFFFFF40] =	vst v25;
	v25 =	vmul.f32 v49, v50;
	_ =	sdelay $0x1  }
0xb4: {  	v53 =	vadd.f32 $0.0e+00, v26;
	v54 =	vmul.f32 v1, v50;
	v55 =	vld [tilespmem:s12+$0xFFFFFF70];
	[tilespmem:s12+$0xFFFFFF50] =	vst v25;
	v25 =	vmul.f32 v51, v52;
	_ =	sdelay $0x1  }
0xb5: {  	v57 =	vperm.xlane v21, v9;
	v56 =	vmul.f32 v2, v52;
	[tilespmem:s12+$0xFFFFFF60] =	vst v25;
	v25 =	vadd.f32 v54, v53;
	_ =	sdelay $0x1  }
0xb6: {  	v58 =	vmul.f32 v4, v57;
	v25 =	vadd.f32 v56, v25  }
0xb7: {  	v27 =	vmul.f32 v55, v57  }
0xb8: {  	v25 =	vadd.f32 v58, v25  }
0xb9: {  	[tilespmem:s12+$0xFFFFFF70] =	vst v27  }
0xba: {  	[tilespmem:s10+$0xFFFFFFD0] =	vst v25  }
0xbb: {  	v25 =	vld [tilespmem:s12+$0xFFFFFF80];
	_ =	sdelay $0x1  }
0xbc: {  	v60 =	vld [tilespmem:s12+$0xFFFFFF90]  }
0xbd: {  	v59 =	vperm.xlane v24, v10  }
0xbe: {  	v62 =	vld [tilespmem:s12+$0xFFFFFFA0]  }
0xbf: {  	v61 =	vperm.xlane v23, v10;
	v25 =	vmul.f32 v25, v59  }
0xc0: {  	v26 =	vmul.f32 v0, v59  }
0xc1: {  	v63 =	vperm.xlane v22, v10;
	[tilespmem:s12+$0xFFFFFF80] =	vst v25;
	v25 =	vmul.f32 v60, v61;
	_ =	sdelay $0x1  }
0xc2: {  	v31 =	vadd.f32 $0.0e+00, v26;
	v32 =	vmul.f32 v1, v61;
	v33 =	vld [tilespmem:s12+$0xFFFFFFB0];
	[tilespmem:s12+$0xFFFFFF90] =	vst v25;
	v25 =	vmul.f32 v62, v63;
	_ =	sdelay $0x1  }
0xc3: {  	v35 =	vperm.xlane v21, v10;
	v34 =	vmul.f32 v2, v63;
	[tilespmem:s12+$0xFFFFFFA0] =	vst v25;
	v25 =	vadd.f32 v32, v31;
	_ =	sdelay $0x1  }
0xc4: {  	v36 =	vmul.f32 v4, v35;
	v25 =	vadd.f32 v34, v25  }
0xc5: {  	v27 =	vmul.f32 v33, v35  }
0xc6: {  	v25 =	vadd.f32 v36, v25  }
0xc7: {  	[tilespmem:s12+$0xFFFFFFB0] =	vst v27  }
0xc8: {  	[tilespmem:s10+$0xFFFFFFE0] =	vst v25  }
0xc9: {  	v25 =	vld [tilespmem:s12+$0xFFFFFFC0];
	_ =	sdelay $0x1  }
0xca: {  	v38 =	vld [tilespmem:s12+$0xFFFFFFD0]  }
0xcb: {  	v37 =	vperm.xlane v24, v11  }
0xcc: {  	v40 =	vld [tilespmem:s12+$0xFFFFFFE0]  }
0xcd: {  	v39 =	vperm.xlane v23, v11;
	v25 =	vmul.f32 v25, v37  }
0xce: {  	v26 =	vmul.f32 v0, v37  }
0xcf: {  	v41 =	vperm.xlane v22, v11;
	[tilespmem:s12+$0xFFFFFFC0] =	vst v25;
	v25 =	vmul.f32 v38, v39;
	_ =	sdelay $0x1  }
0xd0: {  	v42 =	vadd.f32 $0.0e+00, v26;
	v43 =	vmul.f32 v1, v39;
	v44 =	vld [tilespmem:s12+$0xFFFFFFF0];
	[tilespmem:s12+$0xFFFFFFD0] =	vst v25;
	v25 =	vmul.f32 v40, v41;
	_ =	sdelay $0x1  }
0xd1: {  	v46 =	vperm.xlane v21, v11;
	v45 =	vmul.f32 v2, v41;
	[tilespmem:s12+$0xFFFFFFE0] =	vst v25;
	v25 =	vadd.f32 v43, v42;
	_ =	sdelay $0x1  }
0xd2: {  	v47 =	vmul.f32 v4, v46;
	v25 =	vadd.f32 v45, v25  }
0xd3: {  	v27 =	vmul.f32 v44, v46  }
0xd4: {  	v25 =	vadd.f32 v47, v25  }
0xd5: {  	[tilespmem:s12+$0xFFFFFFF0] =	vst v27  }
0xd6: {  	[tilespmem:s10+$0xFFFFFFF0] =	vst v25  }
0xd7: {  	v25 =	vld [tilespmem:s12+$0x0];
	_ =	sdelay $0x1  }
0xd8: {  	v49 =	vld [tilespmem:s12+$0x10]  }
0xd9: {  	v48 =	vperm.xlane v24, v12  }
0xda: {  	v51 =	vld [tilespmem:s12+$0x20]  }
0xdb: {  	v50 =	vperm.xlane v23, v12;
	v25 =	vmul.f32 v25, v48  }
0xdc: {  	v26 =	vmul.f32 v0, v48  }
0xdd: {  	v52 =	vperm.xlane v22, v12;
	[tilespmem:s12+$0x0] =	vst v25;
	v25 =	vmul.f32 v49, v50;
	_ =	sdelay $0x1  }
0xde: {  	v53 =	vadd.f32 $0.0e+00, v26;
	v54 =	vmul.f32 v1, v50;
	v55 =	vld [tilespmem:s12+$0x30];
	[tilespmem:s12+$0x10] =	vst v25;
	v25 =	vmul.f32 v51, v52;
	_ =	sdelay $0x1  }
0xdf: {  	v57 =	vperm.xlane v21, v12;
	v56 =	vmul.f32 v2, v52;
	[tilespmem:s12+$0x20] =	vst v25;
	v25 =	vadd.f32 v54, v53;
	_ =	sdelay $0x1  }
0xe0: {  	v58 =	vmul.f32 v4, v57;
	v25 =	vadd.f32 v56, v25  }
0xe1: {  	v27 =	vmul.f32 v55, v57  }
0xe2: {  	v25 =	vadd.f32 v58, v25  }
0xe3: {  	[tilespmem:s12+$0x30] =	vst v27  }
0xe4: {  	[tilespmem:s10+$0x0] =	vst v25  }
0xe5: {  	v25 =	vld [tilespmem:s12+$0x40];
	_ =	sdelay $0x1  }
0xe6: {  	v60 =	vld [tilespmem:s12+$0x50]  }
0xe7: {  	v59 =	vperm.xlane v24, v13  }
0xe8: {  	v62 =	vld [tilespmem:s12+$0x60]  }
0xe9: {  	v61 =	vperm.xlane v23, v13;
	v25 =	vmul.f32 v25, v59  }
0xea: {  	v26 =	vmul.f32 v0, v59  }
0xeb: {  	v63 =	vperm.xlane v22, v13;
	[tilespmem:s12+$0x40] =	vst v25;
	v25 =	vmul.f32 v60, v61;
	_ =	sdelay $0x1  }
0xec: {  	v33 =	vmul.f32 v1, v61;
	v32 =	vadd.f32 $0.0e+00, v26;
	v34 =	vld [tilespmem:s12+$0x70];
	[tilespmem:s12+$0x50] =	vst v25;
	v25 =	vmul.f32 v62, v63;
	_ =	sdelay $0x1  }
0xed: {  	v35 =	vmul.f32 v2, v63;
	v36 =	vperm.xlane v21, v13;
	[tilespmem:s12+$0x60] =	vst v25;
	v25 =	vadd.f32 v33, v32;
	_ =	sdelay $0x1  }
0xee: {  	v37 =	vmul.f32 v4, v36;
	v25 =	vadd.f32 v35, v25  }
0xef: {  	v27 =	vmul.f32 v34, v36  }
0xf0: {  	v25 =	vadd.f32 v37, v25  }
0xf1: {  	[tilespmem:s12+$0x70] =	vst v27  }
0xf2: {  	[tilespmem:s10+$0x10] =	vst v25  }
0xf3: {  	v25 =	vld [tilespmem:s12+$0x80];
	_ =	sdelay $0x1  }
0xf4: {  	v39 =	vld [tilespmem:s12+$0x90]  }
0xf5: {  	v38 =	vperm.xlane v24, v14  }
0xf6: {  	v41 =	vld [tilespmem:s12+$0xA0]  }
0xf7: {  	v40 =	vperm.xlane v23, v14;
	v25 =	vmul.f32 v25, v38  }
0xf8: {  	v26 =	vmul.f32 v0, v38  }
0xf9: {  	v42 =	vperm.xlane v22, v14;
	[tilespmem:s12+$0x80] =	vst v25;
	v25 =	vmul.f32 v39, v40;
	_ =	sdelay $0x1  }
0xfa: {  	v43 =	vadd.f32 $0.0e+00, v26;
	v44 =	vmul.f32 v1, v40;
	v45 =	vld [tilespmem:s12+$0xB0];
	[tilespmem:s12+$0x90] =	vst v25;
	v25 =	vmul.f32 v41, v42;
	_ =	sdelay $0x1  }
0xfb: {  	v46 =	vmul.f32 v2, v42;
	v47 =	vperm.xlane v21, v14;
	[tilespmem:s12+$0xA0] =	vst v25;
	v25 =	vadd.f32 v44, v43;
	_ =	sdelay $0x1  }
0xfc: {  	v48 =	vmul.f32 v4, v47;
	v25 =	vadd.f32 v46, v25  }
0xfd: {  	v27 =	vmul.f32 v45, v47  }
0xfe: {  	v25 =	vadd.f32 v48, v25  }
0xff: {  	[tilespmem:s12+$0xB0] =	vst v27  }
0x100: {  	[tilespmem:s10+$0x20] =	vst v25  }
0x101: {  	v25 =	vld [tilespmem:s12+$0xC0];
	_ =	sdelay $0x1  }
0x102: {  	v50 =	vld [tilespmem:s12+$0xD0]  }
0x103: {  	v49 =	vperm.xlane v24, v15  }
0x104: {  	v52 =	vld [tilespmem:s12+$0xE0]  }
0x105: {  	v51 =	vperm.xlane v23, v15;
	v25 =	vmul.f32 v25, v49  }
0x106: {  	v26 =	vmul.f32 v0, v49  }
0x107: {  	v53 =	vperm.xlane v22, v15;
	[tilespmem:s12+$0xC0] =	vst v25;
	v25 =	vmul.f32 v50, v51;
	_ =	sdelay $0x1  }
0x108: {  	v54 =	vadd.f32 $0.0e+00, v26;
	v55 =	vmul.f32 v1, v51;
	v56 =	vld [tilespmem:s12+$0xF0];
	[tilespmem:s12+$0xD0] =	vst v25;
	v25 =	vmul.f32 v52, v53;
	_ =	sdelay $0x1  }
0x109: {  	v57 =	vmul.f32 v2, v53;
	v58 =	vperm.xlane v21, v15;
	[tilespmem:s12+$0xE0] =	vst v25;
	v25 =	vadd.f32 v55, v54;
	_ =	sdelay $0x1  }
0x10a: {  	v59 =	vmul.f32 v4, v58;
	v25 =	vadd.f32 v57, v25  }
0x10b: {  	v27 =	vmul.f32 v56, v58  }
0x10c: {  	v25 =	vadd.f32 v59, v25  }
0x10d: {  	[tilespmem:s12+$0xF0] =	vst v27  }
0x10e: {  	[tilespmem:s10+$0x30] =	vst v25  }
0x10f: {  	v25 =	vld [tilespmem:s12+$0x100];
	_ =	sdelay $0x1  }
0x110: {  	v61 =	vld [tilespmem:s12+$0x110]  }
0x111: {  	v60 =	vperm.xlane v24, v16  }
0x112: {  	v63 =	vld [tilespmem:s12+$0x120]  }
0x113: {  	v62 =	vperm.xlane v23, v16;
	v25 =	vmul.f32 v25, v60  }
0x114: {  	v26 =	vmul.f32 v0, v60  }
0x115: {  	v32 =	vperm.xlane v22, v16;
	[tilespmem:s12+$0x100] =	vst v25;
	v25 =	vmul.f32 v61, v62;
	_ =	sdelay $0x1  }
0x116: {  	v33 =	vadd.f32 $0.0e+00, v26;
	v34 =	vmul.f32 v1, v62;
	v35 =	vld [tilespmem:s12+$0x130];
	[tilespmem:s12+$0x110] =	vst v25;
	v25 =	vmul.f32 v63, v32;
	_ =	sdelay $0x1  }
0x117: {  	v36 =	vmul.f32 v2, v32;
	v37 =	vperm.xlane v21, v16;
	[tilespmem:s12+$0x120] =	vst v25;
	v25 =	vadd.f32 v34, v33;
	_ =	sdelay $0x1  }
0x118: {  	v38 =	vmul.f32 v4, v37;
	v25 =	vadd.f32 v36, v25  }
0x119: {  	v27 =	vmul.f32 v35, v37  }
0x11a: {  	v25 =	vadd.f32 v38, v25  }
0x11b: {  	[tilespmem:s12+$0x130] =	vst v27  }
0x11c: {  	[tilespmem:s10+$0x40] =	vst v25  }
0x11d: {  	v25 =	vld [tilespmem:s12+$0x140];
	_ =	sdelay $0x1  }
0x11e: {  	v40 =	vld [tilespmem:s12+$0x150]  }
0x11f: {  	v39 =	vperm.xlane v24, v17  }
0x120: {  	v42 =	vld [tilespmem:s12+$0x160]  }
0x121: {  	v41 =	vperm.xlane v23, v17;
	v25 =	vmul.f32 v25, v39  }
0x122: {  	v26 =	vmul.f32 v0, v39  }
0x123: {  	v43 =	vperm.xlane v22, v17;
	[tilespmem:s12+$0x140] =	vst v25;
	v25 =	vmul.f32 v40, v41;
	_ =	sdelay $0x1  }
0x124: {  	v44 =	vadd.f32 $0.0e+00, v26;
	v45 =	vmul.f32 v1, v41;
	v46 =	vld [tilespmem:s12+$0x170];
	[tilespmem:s12+$0x150] =	vst v25;
	v25 =	vmul.f32 v42, v43;
	_ =	sdelay $0x1  }
0x125: {  	v47 =	vmul.f32 v2, v43;
	v48 =	vperm.xlane v21, v17;
	[tilespmem:s12+$0x160] =	vst v25;
	v25 =	vadd.f32 v45, v44;
	_ =	sdelay $0x1  }
0x126: {  	v49 =	vmul.f32 v4, v48;
	v25 =	vadd.f32 v47, v25  }
0x127: {  	v27 =	vmul.f32 v46, v48  }
0x128: {  	v25 =	vadd.f32 v49, v25  }
0x129: {  	[tilespmem:s12+$0x170] =	vst v27  }
0x12a: {  	[tilespmem:s10+$0x50] =	vst v25  }
0x12b: {  	v25 =	vld [tilespmem:s12+$0x180];
	_ =	sdelay $0x1  }
0x12c: {  	v51 =	vld [tilespmem:s12+$0x190]  }
0x12d: {  	v50 =	vperm.xlane v24, v18  }
0x12e: {  	v53 =	vld [tilespmem:s12+$0x1A0]  }
0x12f: {  	v52 =	vperm.xlane v23, v18;
	v25 =	vmul.f32 v25, v50  }
0x130: {  	v26 =	vmul.f32 v0, v50  }
0x131: {  	v54 =	vperm.xlane v22, v18;
	[tilespmem:s12+$0x180] =	vst v25;
	v25 =	vmul.f32 v51, v52;
	_ =	sdelay $0x1  }
0x132: {  	v55 =	vadd.f32 $0.0e+00, v26;
	v56 =	vmul.f32 v1, v52;
	v57 =	vld [tilespmem:s12+$0x1B0];
	[tilespmem:s12+$0x190] =	vst v25;
	v25 =	vmul.f32 v53, v54;
	_ =	sdelay $0x1  }
0x133: {  	v58 =	vmul.f32 v2, v54;
	v59 =	vperm.xlane v21, v18;
	[tilespmem:s12+$0x1A0] =	vst v25;
	v25 =	vadd.f32 v56, v55;
	_ =	sdelay $0x1  }
0x134: {  	v60 =	vmul.f32 v4, v59;
	v25 =	vadd.f32 v58, v25  }
0x135: {  	v27 =	vmul.f32 v57, v59  }
0x136: {  	v25 =	vadd.f32 v60, v25  }
0x137: {  	[tilespmem:s12+$0x1B0] =	vst v27  }
0x138: {  	[tilespmem:s10+$0x60] =	vst v25  }
0x139: {  	v25 =	vld [tilespmem:s12+$0x1C0];
	_ =	sdelay $0x1  }
0x13a: {  	v61 =	vld [tilespmem:s12+$0x1D0]  }
0x13b: {  	v24 =	vperm.xlane v24, v19  }
0x13c: {  	v23 =	vperm.xlane v23, v19;
	v62 =	vld [tilespmem:s12+$0x1E0]  }
0x13d: {  	v25 =	vmul.f32 v25, v24;
	v24 =	vmul.f32 v0, v24  }
0x13e: {  	v22 =	vperm.xlane v22, v19  }
0x13f: {  	v63 =	vld [tilespmem:s12+$0x1F0];
	[tilespmem:s12+$0x1C0] =	vst v25;
	v25 =	vmul.f32 v61, v23;
	v24 =	vadd.f32 $0.0e+00, v24;
	v23 =	vmul.f32 v1, v23  }
0x140: {  	v21 =	vperm.xlane v21, v19  }
0x141: {  	[tilespmem:s12+$0x1D0] =	vst v25;
	v25 =	vmul.f32 v62, v22;
	v23 =	vadd.f32 v23, v24;
	v22 =	vmul.f32 v2, v22  }
0x142: {  	p0 =	sne.s32 s13, $0xC40  }
.Ltmp1:
0x143: {  	v22 =	vadd.f32 v22, v23;
	v23 =	vmul.f32 v4, v21;
	(pc) =	sbr.rel @p0 .LBB2_5-.Ltmp1, $4  }
0x144: {  	v21 =	vmul.f32 v63, v21  }
0x145: {  	[tilespmem:s12+$0x1E0] =	vst v25;
	v22 =	vadd.f32 v23, v22  }
0x146: {  	[tilespmem:s12+$0x1F0] =	vst v21  }
0x147: {  	s13 =	sadd.s32 $0x40, s13;
	s12 =	sadd.s32 $0x400, s12;
	[tilespmem:s10+$0x70] =	vst v22;
	s10 =	sadd.s32 $0x100, s10  }
0x148: {  	s10 =	smul.u32 $0x640, s28;
	_ =	sdelay $0x1  }
0x149: {  	p0 =	slt.u32 s29, $0x19;
	s10 =	sshrl.u32 s10, $0x2  }
.Ltmp2:
0x14a: {  	s12 =	sadd.s32 $0x3, s28;
	s10 =	sadd.s32 $0x320, s10;
	(pc) =	sbr.rel @p0 .LBB2_2-.Ltmp2, $4  }
0x14b: {  	[spmem:s2] =	stream.indirect.scatter.add.f32 [tilespmem:s30], [sflag:s12], $0x40, s10, s31, $0xb8;
	[tilespmem:$0x1D4C0] =	vst v63  }
0x14c: {  	_ = 	snop  }
0x14d: {  	[spmem:s3] =	stream.indirect.scatter.add.f32 [tilespmem:s0], [sflag:s12], $0x10, s10, s31, $0xb8;
	[tilespmem:$0x1D4C0] =	vst v63  }
0x14e: {  	s10 =	smov.u32 s29  }
0x14f: {  	_ =	swait.ge [sflag:s1], $0x6400  }
0x150: {  	[sflag:s1] =	ssyncset.done $0x0  }
0x151: {  	[sflag:s1] =	ssyncadd.s32 $0xFFFF9C00  }
0x152: {  	_ =	swait.ge [sflag:s1], $0x1900  }
0x153: {  	[sflag:s1] =	ssyncset.done $0x0  }
0x154: {  	[sflag:s1] =	ssyncadd.s32 $0xFFFFE700  }
0x155: {  	[bflag:$0x0] =	sbarrier.arrive $0xFFFF  }
0x156: {  	[hbm:s20], [sflag:s11] =	dma.local [spmem:s23], $0x1400  }
0x157: {  	s25 =	sadd.s32 $0x1, s25;
	_ =	swait.ge [sflag:s24], $0x1400  }
0x158: {  	p0 =	sne.s32 s25, s22;
	[sflag:s24] =	ssyncset.done $0x0  }
.Ltmp3:
0x159: {  	[sflag:s24] =	ssyncadd.s32 $0xFFFFEC00;
	(pc) =	sbr.rel @p0 .LBB2_1-.Ltmp3, $4  }
0x15a: {  	[hbm:s21], [sflag:s11] =	dma.local [spmem:s26], $0x500  }
0x15b: {  	_ =	swait.ge [sflag:s24], $0x500  }
0x15c: {  	[sflag:s24] =	ssyncset.done $0x0  }
0x15d: {  	[sflag:s24] =	ssyncadd.s32 $0xFFFFFB00  }
0x15e: {  	_ =	sfence.sel $0x180000  }
0x15f: {  	[bflag:$0x0] =	sbarrier.arrive $0xFFFF  }
0x160: {  	_ =	strace $0x9000004A  }
0x161: {  	s0 =	stileid.u32;
	[bflag:$0x2] =	sbarrier.arrive $0xFFFF  }
0x162: {  	p0 =	sne.s32 s0, $0x0;
	s0 =	rddreg [dreg:$0x3]  }
0x163: {  	s0 =	sadd.s32 @!p0 $0x100000, s0  }
0x164: {  	[sflag:s0] =	ssyncadd.tile.s32 @!p0 $0x1;
	_ =	shalt  }
.Lfunc_end2:
_tile_overlayer_lowered:
.L_overlay_start_2:
0x165: {  	(tag) =	ssettag $0x2  }
0x166: {  	s0 =	rddreg [dreg:$0x0];
	s2 =	stileid.u32  }
0x167: {  	s1 =	rddreg [dreg:$0x1];
	p0 =	sne.s32 s2, $0x0  }
0x168: {  	s3 =	rddreg [dreg:$0x2];
	[bflag:$0x3] =	sbarrier.arrive $0xFFFF;
	s2 =	simm.s32 @!p0 $0x1C05  }
0x169: {  	[timem:s3], [sflag:s2] =	dma.local @!p0 [hbm:s0], s1  }
0x16a: {  	s0 =	simm.s32 @!p0 $0x5  }
0x16b: {  	_ =	swait.ge @!p0 [sflag:s0], s1  }
0x16c: {  	s1 =	ssub.s32 @!p0 $0x0, s1;
	[sflag:s0] =	ssyncset.done @!p0 $0x0  }
0x16d: {  	[sflag:s0] =	ssyncadd.s32 @!p0 s1  }
0x16e: {  	[bflag:$0x3] =	sbarrier.arrive $0xFFFF  }
0x16f: {  	_ =	shalt  }

// kernel: kernel.15.cloned.1.call-start
scs
__scs_entry_jumppad:
0x0: {  	(pc) =	sbr.rel $0x88, $3  }
0x1: {  	(tag) =	ssettag $0x0;
	lr =	simm.s32 $0x1  }
0x2: {  	[smem:$0x3F99] =	sst lr;
	_ =	strace $0xD0000000  }
0x3: {  	_ = 	snop  }
0x4: {  	_ = 	snop  }
0x5: {  	_ = 	snop  }
0x6: {  	_ = 	snop  }
0x7: {  	_ = 	snop  }
__scs_overlays_trampoline_lowered:
0x8: {  	[smem:$0x3FA8] =	sst s0  }
0x9: {  	[smem:$0x3FA9] =	sst s1  }
0xa: {  	[smem:$0x3FAA] =	sst s2  }
0xb: {  	[smem:$0x3FAB] =	sst s3  }
0xc: {  	[smem:$0x3FAC] =	sst s4  }
0xd: {  	[smem:$0x3FAD] =	sst s5  }
0xe: {  	[smem:$0x3FAE] =	sst s6  }
0xf: {  	[smem:$0x3FAF] =	sst s7  }
0x10: {  	[smem:$0x3FB0] =	sst s8  }
0x11: {  	[smem:$0x3FB1] =	sst s9;
	s0 =	simm.s32 @!p0 $0x0  }
0x12: {  	s1 =	sld [smem:$0x3F97];
	s0 =	simm.s32 @p0 $0x1  }
0x13: {  	[smem:$0x3FB2] =	sst s0;
	s0 =	simm.s32 @!p1 $0x0  }
0x14: {  	s2 =	sld [smem:$0x3F96];
	s0 =	simm.s32 @p1 $0x1  }
0x15: {  	[smem:$0x3FB3] =	sst s0;
	s0 =	simm.s32 @!p2 $0x0  }
0x16: {  	s3 =	sld [smem:$0x3FDB];
	s0 =	simm.s32 @p2 $0x1  }
0x17: {  	s4 =	simm.s32 $0x1BF5;
	[smem:$0x3FB5] =	sst s0  }
0x18: {  	s0 =	sld [smem:$0x3F98];
	_ =	swait.ge [sflag:s4], $0x0  }
0x19: {  	s7 =	sld [smem:$0x3F99]  }
0x1a: {  	s8 =	sadd.s32 $0xFFFFE003, lr  }
0x1b: {  	s9 =	sadd.s32 $0xFFFFFEF7, lr;
	s5 =	simm.s32 $0xFFFFFFFF;
	p2 =	slt.u32 s8, $0xFFFFF086  }
0x1c: {  	p1 =	slt.u32 s9, $0xF7A;
	s5 =	simm.s32 @!p2 $0x0  }
0x1d: {  	s5 =	simm.s32 @p1 $0x1;
	p0 =	seq.s32 s7, s2  }
0x1e: {  	s7 =	smul.u32 @!p0 $0xF7A, s2;
	p2 =	seq.s32 @!p0 s5, $0x0  }
0x1f: {  	s9 =	smul.u32 $0xF7A, s1;
	s8 =	simm.s32 @!p0 $0x1BF5;
	p2 =	por !p2, p0  }
0x20: {  	[sflag:s8] =	ssyncset.s32 @!p0 $0xFFFFF086;
	s6 =	sadd.s32 @!p0 s3, s7;
	s7 =	simm.s32 @!p0 $0x108  }
0x21: {  	s3 =	sadd.s32 s3, s9;
	s6 =	sadd.s32 @!p0 $0x88, s6;
	s7 =	simm.s32 @p2 $0x1082  }
0x22: {  	[simem:s7], [sflag:s8] =	dma.local @!p0 [hbm:s6], $0xF7A  }
0x23: {  	s9 =	sor.u32 $0xD0000000, s2;
	s6 =	simm.s32 $0x108;
	_ =	swait.ge @!p0 [sflag:s8], $0x0  }
0x24: {  	s3 =	sadd.s32 $0x88, s3;
	s6 =	simm.s32 @!p1 $0x1082;
	[sflag:s4] =	ssyncset.s32 $0xFFFFF086  }
0x25: {  	[simem:s6], [sflag:s4] =	dma.local [hbm:s3], $0xF7A  }
0x26: {  	[smem:$0x3F99] =	sst s1;
	(tag) =	ssettag s2;
	_ =	strace s9  }
0x27: {  	s1 =	sld [smem:$0x3FA9]  }
0x28: {  	s2 =	sld [smem:$0x3FAA]  }
0x29: {  	s4 =	sld [smem:$0x3FAC]  }
0x2a: {  	p0 =	seq.s32 s5, $0x0;
	s5 =	sld [smem:$0x3FAD]  }
0x2b: {  	s6 =	sld [smem:$0x3FAE]  }
0x2c: {  	s7 =	sld [smem:$0x3FAF]  }
0x2d: {  	s3 =	simm.s32 $0x108;
	s8 =	sld [smem:$0x3FB0]  }
0x2e: {  	s3 =	simm.s32 @!p0 $0x1082;
	s9 =	sld [smem:$0x3FB1]  }
0x2f: {  	lr =	sadd.s32 s0, s3;
	s0 =	sld [smem:$0x3FA8]  }
0x30: {  	s3 =	sld [smem:$0x3FAB]  }
0x31: {  	[smem:$0x3FB4] =	sst s10  }
0x32: {  	s10 =	sld [smem:$0x3FB2];
	_ =	sdelay $0x3  }
0x33: {  	p0 =	seq.s32 s10, $0x1;
	s10 =	sld [smem:$0x3FB4];
	_ =	sdelay $0x3  }
0x34: {  	[smem:$0x3FB4] =	sst s10  }
0x35: {  	s10 =	sld [smem:$0x3FB3];
	_ =	sdelay $0x3  }
0x36: {  	p1 =	seq.s32 s10, $0x1;
	s10 =	sld [smem:$0x3FB4];
	_ =	sdelay $0x3  }
0x37: {  	[smem:$0x3FB4] =	sst s10  }
0x38: {  	s10 =	sld [smem:$0x3FB5]  }
0x39: {  	_ = 	snop;
	(pc) =	sbr.ind lr, $3  }
0x3a: {  	_ = 	snop  }
0x3b: {  	_ = 	snop  }
0x3c: {  	p2 =	seq.s32 s10, $0x1;
	s10 =	sld [smem:$0x3FB4]  }
0x3d: {  	_ =	shalt  }
0x3e: {  	_ =	shalt  }
0x3f: {  	_ =	shalt  }
0x40: {  	_ =	shalt  }
0x41: {  	_ =	shalt  }
0x42: {  	_ =	shalt  }
0x43: {  	_ =	shalt  }
0x44: {  	_ =	shalt  }
0x45: {  	_ =	shalt  }
0x46: {  	_ =	shalt  }
0x47: {  	_ =	shalt  }
0x48: {  	_ =	shalt  }
0x49: {  	_ =	shalt  }
0x4a: {  	_ =	shalt  }
0x4b: {  	_ =	shalt  }
0x4c: {  	_ =	shalt  }
0x4d: {  	_ =	shalt  }
0x4e: {  	_ =	shalt  }
0x4f: {  	_ =	shalt  }
0x50: {  	_ =	shalt  }
0x51: {  	_ =	shalt  }
0x52: {  	_ =	shalt  }
0x53: {  	_ =	shalt  }
0x54: {  	_ =	shalt  }
0x55: {  	_ =	shalt  }
0x56: {  	_ =	shalt  }
0x57: {  	_ =	shalt  }
0x58: {  	_ =	shalt  }
0x59: {  	_ =	shalt  }
0x5a: {  	_ =	shalt  }
0x5b: {  	_ =	shalt  }
0x5c: {  	_ =	shalt  }
0x5d: {  	_ =	shalt  }
0x5e: {  	_ =	shalt  }
0x5f: {  	_ =	shalt  }
0x60: {  	_ =	shalt  }
0x61: {  	_ =	shalt  }
0x62: {  	_ =	shalt  }
0x63: {  	_ =	shalt  }
0x64: {  	_ =	shalt  }
0x65: {  	_ =	shalt  }
0x66: {  	_ =	shalt  }
0x67: {  	_ =	shalt  }
0x68: {  	_ =	shalt  }
0x69: {  	_ =	shalt  }
0x6a: {  	_ =	shalt  }
0x6b: {  	_ =	shalt  }
0x6c: {  	_ =	shalt  }
0x6d: {  	_ =	shalt  }
0x6e: {  	_ =	shalt  }
0x6f: {  	_ =	shalt  }
0x70: {  	_ =	shalt  }
0x71: {  	_ =	shalt  }
0x72: {  	_ =	shalt  }
0x73: {  	_ =	shalt  }
0x74: {  	_ =	shalt  }
0x75: {  	_ =	shalt  }
0x76: {  	_ =	shalt  }
0x77: {  	_ =	shalt  }
0x78: {  	_ =	shalt  }
0x79: {  	_ =	shalt  }
0x7a: {  	_ =	shalt  }
0x7b: {  	_ =	shalt  }
0x7c: {  	_ =	shalt  }
0x7d: {  	_ =	shalt  }
0x7e: {  	_ =	shalt  }
0x7f: {  	_ =	shalt  }
0x80: {  	_ =	shalt  }
0x81: {  	_ =	shalt  }
0x82: {  	_ =	shalt  }
0x83: {  	_ =	shalt  }
0x84: {  	_ =	shalt  }
0x85: {  	_ =	shalt  }
0x86: {  	_ =	shalt  }
0x87: {  	_ =	shalt  }
.Lfunc_end0:
.L_simem_size_0:
called_computation.2_lowered:
.L_overlay_start_0:
0x88: {  	s2 =	sld [smem:$0x3FD9]  }
0x89: {  	s3 =	sld [smem:$0x3FFE];
	_ =	sdelay $0x1  }
0x8a: {  	s1 =	srdreg.scid  }
0x8b: {  	s0 =	sand.u32 $0x1, s1  }
0x8c: {  	s16 =	sshll.u32 s0, $0xA;
	s2 =	sadd.s32 s3, s2  }
0x8d: {  	s2 =	sadd.s32 s2, s16  }
0x8e: {  	[smem:$0x3FC0] =	sst s2  }
0x8f: {  	_ = 	snop  }
0x90: {  	(tm) =	ssettm $0x1  }
0x91: {  	s17 =	sld [smem:$0x3FFB];
	_ =	sdelay $0x3  }
0x92: {  	_ =	strace s17  }
0x93: {  	s2 =	sld [smem:$0x3FFC];
	_ =	sdelay $0x3  }
0x94: {  	_ =	strace s2  }
0x95: {  	s2 =	sld [smem:$0x3FFD];
	_ =	sdelay $0x3  }
0x96: {  	_ =	strace s2  }
0x97: {  	_ =	strace $0x8FFFFFFF  }
0x98: {  	s18 =	sld [smem:$0x3FDB];
	_ =	sdelay $0x1  }
0x99: {  	s19 =	simm.s32 $_scs_section_size  }
0x9a: {  	s4 =	simm.s32 $_size__tile_overlayer_lowered;
	s5 =	simm.s32 $_tile_overlayer_lowered  }
0x9b: {  	s22 =	simm.s32 $0x1BFF;
	s21 =	sshll.u32 s5, $0x1;
	s2 =	sadd.s32 s19, s18  }
0x9c: {  	s6 =	simm.s32 $0x0;
	s20 =	sshll.u32 s4, $0x1;
	s4 =	sadd.s32 s21, s2  }
0x9d: {  	[timem:s6], [sflag:s22] =	dma.local [hbm:s4], s20  }
0x9e: {  	_ =	swait.ge [sflag:s22], s20  }
0x9f: {  	s3 =	ssub.s32 $0x0, s20;
	[sflag:s22] =	ssyncset.done $0x0  }
0xa0: {  	[sflag:s22] =	ssyncadd.s32 s3;
	_ =	sdelay $0x1  }
0xa1: {  	s23 =	simm.s32 $0x1B8B  }
0xa2: {  	_ =	swait.ge [sflag:s23], $0x1  }
0xa3: {  	[sflag:s23] =	ssyncset.done $0x0  }
0xa4: {  	s25 =	simm.s32 $0x1B8E;
	s24 =	sld [smem:$0x3FFE];
	[sflag:s23] =	ssyncadd.s32 $0xFFFFFFFF  }
0xa5: {  	s26 =	simm.s32 $execute0_lowered;
	[smem:$0x3FD2] =	sst s25  }
0xa6: {  	s4 =	sshll.u32 s26, $0x1;
	_ =	strace $0x8000004C;
	[dreg:$0x1] =	wrdreg $0xFFFFFFFF  }
0xa7: {  	s28 =	simm.s32 $_size_execute0_lowered;
	s2 =	sadd.s32 s2, s4;
	[dreg:$0x0] =	wrdreg $0x0  }
0xa8: {  	s4 =	sshll.u32 s28, $0x1;
	[dreg:$0x2] =	wrdreg s2  }
0xa9: {  	[dreg:$0x3] =	wrdreg s4  }
0xaa: {  	[dreg:$0x4] =	wrdreg $0xC0  }
0xab: {  	_ =	task [dreg:s6], $0x5FFFF  }
0xac: {  	[dreg:$0x1] =	wrdreg $0xFFFFFFFF  }
0xad: {  	[dreg:$0x0] =	wrdreg $0x60  }
0xae: {  	[dreg:$0x2] =	wrdreg s24  }
0xaf: {  	[dreg:$0x3] =	wrdreg $0x9  }
0xb0: {  	_ =	task.clear_ibuf [dreg:s6], $0x4FFFF;
	_ =	strace $0x9000004C  }
0xb1: {  	s29 =	simm.s32 $0x9;
	_ =	strace $0x8000004E  }
0xb2: {  	_ =	swait.ge [sflag:s29], $0x1  }
0xb3: {  	[sflag:s29] =	ssyncadd.s32 $0xFFFFFFFF  }
0xb4: {  	_ =	strace $0x9000004E  }
0xb5: {  	_ =	sfence  }
0xb6: {  	s30 =	sld [smem:$0x0];
	_ =	sdelay $0x2  }
0xb7: {  	s31 =	sshll.u32 s1, $0xD;
	s1 =	sshrl.u32 s1, $0x2  }
0xb8: {  	s3 =	sand.u32 $0x4000, s31;
	s1 =	sadd.s32 s1, s30  }
0xb9: {  	s0 =	sor.u32 s3, s0;
	s1 =	sshll.u32 s1, $0x11  }
0xba: {  	s0 =	sor.u32 s1, s0  }
0xbb: {  	s0 =	sadd.s32 $0x8F2B, s0  }
0xbc: {  	[sflag:s0] =	ssyncadd.remote.s32 $0x1  }
0xbd: {  	_ =	sfence.sel $0xFFFF  }
0xbe: {  	[dreg:$0x0] =	wrdreg $0xFFFFFFFF;
	(pc) =	sbr.abs _section_cstart, $3  }
0xbf: {  	[dreg:$0x1] =	wrdreg $0xFFFFFFFF  }
0xc0: {  	_ =	task.clear_ibuf [dreg:s6], $0x2FFFF;
	_ =	strace $0x9FFFFFFF  }
0xc1: {  	(tm) =	ssettm $0x7FFFFFFF  }
tec
execute0_lowered:
.L_overlay_start_1:
0x0: {  	(tag) =	ssettag $0x1  }
0x1: {  	s6 =	rddreg [dreg:$0x0]  }
0x2: {  	s0 =	rddreg [dreg:$0x1];
	s1 =	simm.s32 $0x0  }
0x3: {  	s2 =	srdreg.scid;
	s10 =	simm.s32 $0x4E20;
	s11 =	simm.s32 $0x55F0  }
0x4: {  	s12 =	simm.s32 $0x5DC0;
	s13 =	simm.s32 $0x0;
	[smem:$0x7FF] =	sst s1  }
0x5: {  	s3 =	sadd.s32 $0xC000, s6;
	s4 =	sadd.s32 $0x2200, s6;
	s5 =	sand.u32 $0x1, s2  }
0x6: {  	s2 =	stileid.u32;
	_ =	strace $0x8000004D;
	s7 =	ssub.s32 $0x2, s5  }
0x7: {  	s8 =	sshll.u32 s5, $0x4;
	s5 =	sadd.s32 $0x15E00, s6;
	s9 =	sshrl.u32 s7, $0x1  }
0x8: {  	s6 =	sadd.s32 $0x16800, s6;
	s8 =	sor.u32 s2, s8;
	s9 =	ssub.s32 s7, s9  }
0x9: {  	s7 =	smul.u32 $0x2710, s8;
	s8 =	smax.u32 s9, $0x1;
	s9 =	simm.s32 $0x1  }
.LBB2_1:
0xa: {  	[tilespmem:s1], [sflag:$0x1] =	stream.linear.gather [hbm4b:s5+s1], $0x4E20, $0x38;
	[tilespmem:$0x6590] =	vst v63  }
0xb: {  	_ =	swait.ge [sflag:s9], $0x4E20  }
0xc: {  	[sflag:s9] =	ssyncset.done $0x0  }
0xd: {  	s14 =	simm.s32 $0x0;
	[sflag:s9] =	ssyncadd.s32 $0xFFFFB1E0  }
.LBB2_2:
0xe: {  	s15 =	smul.u32 $0x7D0, s14;
	_ =	sdelay $0x1  }
0xf: {  	s15 =	sadd.s32 s7, s15  }
0x10: {  	s15 =	sshrl.u32 s15, $0x3  }
0x11: {  	s17 =	simm.s32 $0x0;
	s16 =	sadd.s32 s3, s15  }
0x12: {  	[tilespmem:s10], [sflag:$0x1] =	stream.linear.gather [hbm4b:s16+s17], $0x7D0, $0x38;
	[tilespmem:$0x6590] =	vst v63  }
0x13: {  	_ =	swait.ge [sflag:s9], $0x7D0  }
0x14: {  	[sflag:s9] =	ssyncset.done $0x0  }
0x15: {  	s31 =	sadd.s32 s4, s15;
	[sflag:s9] =	ssyncadd.s32 $0xFFFFF830  }
0x16: {  	[tilespmem:s11], [sflag:$0x1] =	stream.linear.gather [hbm4b:s31+s17], $0x7D0, $0x38;
	[tilespmem:$0x6590] =	vst v63  }
0x17: {  	_ =	swait.ge [sflag:s9], $0x7D0  }
0x18: {  	[sflag:s9] =	ssyncset.done $0x0  }
0x19: {  	s16 =	simm.s32 $0x0;
	[sflag:s9] =	ssyncadd.s32 $0xFFFFF830  }
0x1a: {  	v0 =	vld [tilespmem:s16+$0x55F0]  }
0x1b: {  	v1 =	vld [tilespmem:s16+$0x4E20];
	_ =	sdelay $0x4  }
0x1c: {  	v0 =	vshll.u32 v0, $0x1;
	v1 =	vshll.u32 v1, $0x1  }
0x1d: {  	v0 =	vor.u32 $0x1, v0;
	_ =	sdelay $0x3  }
0x1e: {  	v1 =	vld.idx.msk [tilespmem:v1+s1+$0x0], $0xffff  }
0x1f: {  	v0 =	vld.idx.msk [tilespmem:v0+s1+$0x0], $0xffff;
	_ =	sdelay $0x4  }
0x20: {  	v0 =	vadd.f32 v0, v1;
	_ =	sdelay $0x1  }
0x21: {  	v1 =	vmul.f32 $2.000000030e-01, v0  }
0x22: {  	vm0 =	vgt.f32 v0, $0.0e+00  }
0x23: {  	v0 =	vsel vm0, v0, v1  }
0x24: {  	v1 =	vmul.f32 $1.442695020e+00, v0  }
0x25: {  	s18 =	simm.s32 $0x10  }
0x26: {  	s17 =	simm.s32 $0x80;
	v0 =	vld [tilespmem:s18+$0x55F0];
	(erf) = vpow2.f32 v1  }
.LBB2_3:
0x27: {  	p0 =	sne.s32 s17, $0x1F00  }
0x28: {  	v1 =	vld [tilespmem:s18+$0x4E20];
	_ =	sdelay $0x2  }
0x29: {  	v0 =	vshll.u32 v0, $0x1  }
0x2a: {  	v0 =	vor.u32 $0x1, v0  }
0x2b: {  	v1 =	vshll.u32 v1, $0x1;
	_ =	sdelay $0x1  }
0x2c: {  	v2 =	vpop (erf)  }
0x2d: {  	[tilespmem:s16+$0x5DC0] =	vst v2;
	s16 =	smov.u32 s18  }
0x2e: {  	v0 =	vld.idx.msk [tilespmem:v0+s1+$0x0], $0xffff  }
0x2f: {  	v1 =	vld.idx.msk [tilespmem:v1+s1+$0x0], $0xffff;
	_ =	sdelay $0x5  }
0x30: {  	v0 =	vadd.f32 v0, v1;
	_ =	sdelay $0x1  }
0x31: {  	v1 =	vmul.f32 $2.000000030e-01, v0  }
.Ltmp0:
0x32: {  	vm0 =	vgt.f32 v0, $0.0e+00;
	(pc) =	sbr.rel @p0 .LBB2_3-.Ltmp0, $4  }
0x33: {  	v0 =	vsel vm0, v0, v1  }
0x34: {  	v1 =	vmul.f32 $1.442695020e+00, v0  }
0x35: {  	s18 =	sshra.s32 s17, $0x2  }
0x36: {  	s17 =	sadd.s32 $0x40, s17;
	v0 =	vld [tilespmem:s18+$0x55F0];
	(erf) = vpow2.f32 v1  }
0x37: {  	_ = 	snop  }
0x38: {  	v1 =	vld [tilespmem:s18+$0x4E20];
	_ =	sdelay $0x2  }
0x39: {  	v0 =	vshll.u32 v0, $0x1  }
0x3a: {  	v0 =	vor.u32 $0x1, v0  }
0x3b: {  	v1 =	vshll.u32 v1, $0x1;
	_ =	sdelay $0x1  }
0x3c: {  	v2 =	vpop (erf)  }
0x3d: {  	[tilespmem:s16+$0x5DC0] =	vst v2  }
0x3e: {  	v0 =	vld.idx.msk [tilespmem:v0+s1+$0x0], $0xffff  }
0x3f: {  	v1 =	vld.idx.msk [tilespmem:v1+s1+$0x0], $0xffff;
	_ =	sdelay $0x4  }
0x40: {  	v0 =	vadd.f32 v0, v1;
	_ =	sdelay $0x1  }
0x41: {  	v1 =	vmul.f32 $2.000000030e-01, v0  }
0x42: {  	vm0 =	vgt.f32 v0, $0.0e+00  }
0x43: {  	v0 =	vsel vm0, v0, v1  }
0x44: {  	v0 =	vmul.f32 $1.442695020e+00, v0;
	_ =	sdelay $0x1  }
0x45: {  	(erf) = vpow2.f32 v0;
	_ =	sdelay $0x7  }
0x46: {  	s14 =	sadd.s32 $0x1, s14  }
0x47: {  	p0 =	sne.s32 s14, $0x5;
	v0 =	vpop (erf)  }
.Ltmp1:
0x48: {  	s15 =	sadd.s32 s6, s15;
	[tilespmem:s18+$0x5DC0] =	vst v0;
	(pc) =	sbr.rel @p0 .LBB2_2-.Ltmp1, $4  }
0x49: {  	[hbm4b:s15+s1] =	stream.linear.scatter [tilespmem:s12], [sflag:$0x1], $0x7D0, $0x38;
	[tilespmem:$0x6590] =	vst v63  }
0x4a: {  	_ =	swait.ge [sflag:s9], $0x7D0  }
0x4b: {  	[sflag:s9] =	ssyncset.done $0x0  }
0x4c: {  	[sflag:s9] =	ssyncadd.s32 $0xFFFFF830  }
0x4d: {  	s13 =	sadd.s32 $0x1, s13  }
0x4e: {  	p0 =	sne.s32 s13, s8  }
.Ltmp2:
0x4f: {  	_ = 	snop;
	(pc) =	sbr.rel @p0 .LBB2_1-.Ltmp2, $1  }
0x50: {  	_ =	sdelay $0x3  }
0x51: {  	_ =	sfence.sel $0x180000  }
0x52: {  	[bflag:$0x0] =	sbarrier.arrive $0xFFFF  }
0x53: {  	p0 =	sne.s32 s2, $0x0;
	_ =	strace $0x9000004D  }
0x54: {  	s0 =	sadd.s32 @!p0 $0x100000, s0;
	[bflag:$0x2] =	sbarrier.arrive $0xFFFF  }
0x55: {  	[sflag:s0] =	ssyncadd.tile.s32 @!p0 $0x1;
	_ =	shalt  }
.Lfunc_end2:
_tile_overlayer_lowered:
.L_overlay_start_2:
0x56: {  	(tag) =	ssettag $0x2  }
0x57: {  	s0 =	rddreg [dreg:$0x0];
	s2 =	stileid.u32  }
0x58: {  	s1 =	rddreg [dreg:$0x1];
	p0 =	sne.s32 s2, $0x0  }
0x59: {  	s3 =	rddreg [dreg:$0x2];
	[bflag:$0x3] =	sbarrier.arrive $0xFFFF;
	s2 =	simm.s32 @!p0 $0x1C01  }
0x5a: {  	[timem:s3], [sflag:s2] =	dma.local @!p0 [hbm:s0], s1  }
0x5b: {  	s0 =	simm.s32 @!p0 $0x1  }
0x5c: {  	_ =	swait.ge @!p0 [sflag:s0], s1  }
0x5d: {  	s1 =	ssub.s32 @!p0 $0x0, s1;
	[sflag:s0] =	ssyncset.done @!p0 $0x0  }
0x5e: {  	[sflag:s0] =	ssyncadd.s32 @!p0 s1  }
0x5f: {  	[bflag:$0x3] =	sbarrier.arrive $0xFFFF  }
0x60: {  	_ =	shalt  }

// kernel: kernel.18.cloned.1.call-start
scs
__scs_entry_jumppad:
0x0: {  	(pc) =	sbr.rel $0x88, $3  }
0x1: {  	(tag) =	ssettag $0x0;
	lr =	simm.s32 $0x1  }
0x2: {  	[smem:$0x3F99] =	sst lr;
	_ =	strace $0xD0000000  }
0x3: {  	_ = 	snop  }
0x4: {  	_ = 	snop  }
0x5: {  	_ = 	snop  }
0x6: {  	_ = 	snop  }
0x7: {  	_ = 	snop  }
__scs_overlays_trampoline_lowered:
0x8: {  	[smem:$0x3FA8] =	sst s0  }
0x9: {  	[smem:$0x3FA9] =	sst s1  }
0xa: {  	[smem:$0x3FAA] =	sst s2  }
0xb: {  	[smem:$0x3FAB] =	sst s3  }
0xc: {  	[smem:$0x3FAC] =	sst s4  }
0xd: {  	[smem:$0x3FAD] =	sst s5  }
0xe: {  	[smem:$0x3FAE] =	sst s6  }
0xf: {  	[smem:$0x3FAF] =	sst s7  }
0x10: {  	[smem:$0x3FB0] =	sst s8  }
0x11: {  	[smem:$0x3FB1] =	sst s9;
	s0 =	simm.s32 @!p0 $0x0  }
0x12: {  	s1 =	sld [smem:$0x3F97];
	s0 =	simm.s32 @p0 $0x1  }
0x13: {  	[smem:$0x3FB2] =	sst s0;
	s0 =	simm.s32 @!p1 $0x0  }
0x14: {  	s2 =	sld [smem:$0x3F96];
	s0 =	simm.s32 @p1 $0x1  }
0x15: {  	[smem:$0x3FB3] =	sst s0;
	s0 =	simm.s32 @!p2 $0x0  }
0x16: {  	s3 =	sld [smem:$0x3FDB];
	s0 =	simm.s32 @p2 $0x1  }
0x17: {  	s4 =	simm.s32 $0x1BF5;
	[smem:$0x3FB5] =	sst s0  }
0x18: {  	s0 =	sld [smem:$0x3F98];
	_ =	swait.ge [sflag:s4], $0x0  }
0x19: {  	s7 =	sld [smem:$0x3F99]  }
0x1a: {  	s8 =	sadd.s32 $0xFFFFE003, lr  }
0x1b: {  	s9 =	sadd.s32 $0xFFFFFEF7, lr;
	s5 =	simm.s32 $0xFFFFFFFF;
	p2 =	slt.u32 s8, $0xFFFFF086  }
0x1c: {  	p1 =	slt.u32 s9, $0xF7A;
	s5 =	simm.s32 @!p2 $0x0  }
0x1d: {  	s5 =	simm.s32 @p1 $0x1;
	p0 =	seq.s32 s7, s2  }
0x1e: {  	s7 =	smul.u32 @!p0 $0xF7A, s2;
	p2 =	seq.s32 @!p0 s5, $0x0  }
0x1f: {  	s9 =	smul.u32 $0xF7A, s1;
	s8 =	simm.s32 @!p0 $0x1BF5;
	p2 =	por !p2, p0  }
0x20: {  	[sflag:s8] =	ssyncset.s32 @!p0 $0xFFFFF086;
	s6 =	sadd.s32 @!p0 s3, s7;
	s7 =	simm.s32 @!p0 $0x108  }
0x21: {  	s3 =	sadd.s32 s3, s9;
	s6 =	sadd.s32 @!p0 $0x88, s6;
	s7 =	simm.s32 @p2 $0x1082  }
0x22: {  	[simem:s7], [sflag:s8] =	dma.local @!p0 [hbm:s6], $0xF7A  }
0x23: {  	s9 =	sor.u32 $0xD0000000, s2;
	s6 =	simm.s32 $0x108;
	_ =	swait.ge @!p0 [sflag:s8], $0x0  }
0x24: {  	s3 =	sadd.s32 $0x88, s3;
	s6 =	simm.s32 @!p1 $0x1082;
	[sflag:s4] =	ssyncset.s32 $0xFFFFF086  }
0x25: {  	[simem:s6], [sflag:s4] =	dma.local [hbm:s3], $0xF7A  }
0x26: {  	[smem:$0x3F99] =	sst s1;
	(tag) =	ssettag s2;
	_ =	strace s9  }
0x27: {  	s1 =	sld [smem:$0x3FA9]  }
0x28: {  	s2 =	sld [smem:$0x3FAA]  }
0x29: {  	s4 =	sld [smem:$0x3FAC]  }
0x2a: {  	p0 =	seq.s32 s5, $0x0;
	s5 =	sld [smem:$0x3FAD]  }
0x2b: {  	s6 =	sld [smem:$0x3FAE]  }
0x2c: {  	s7 =	sld [smem:$0x3FAF]  }
0x2d: {  	s3 =	simm.s32 $0x108;
	s8 =	sld [smem:$0x3FB0]  }
0x2e: {  	s3 =	simm.s32 @!p0 $0x1082;
	s9 =	sld [smem:$0x3FB1]  }
0x2f: {  	lr =	sadd.s32 s0, s3;
	s0 =	sld [smem:$0x3FA8]  }
0x30: {  	s3 =	sld [smem:$0x3FAB]  }
0x31: {  	[smem:$0x3FB4] =	sst s10  }
0x32: {  	s10 =	sld [smem:$0x3FB2];
	_ =	sdelay $0x3  }
0x33: {  	p0 =	seq.s32 s10, $0x1;
	s10 =	sld [smem:$0x3FB4];
	_ =	sdelay $0x3  }
0x34: {  	[smem:$0x3FB4] =	sst s10  }
0x35: {  	s10 =	sld [smem:$0x3FB3];
	_ =	sdelay $0x3  }
0x36: {  	p1 =	seq.s32 s10, $0x1;
	s10 =	sld [smem:$0x3FB4];
	_ =	sdelay $0x3  }
0x37: {  	[smem:$0x3FB4] =	sst s10  }
0x38: {  	s10 =	sld [smem:$0x3FB5]  }
0x39: {  	_ = 	snop;
	(pc) =	sbr.ind lr, $3  }
0x3a: {  	_ = 	snop  }
0x3b: {  	_ = 	snop  }
0x3c: {  	p2 =	seq.s32 s10, $0x1;
	s10 =	sld [smem:$0x3FB4]  }
0x3d: {  	_ =	shalt  }
0x3e: {  	_ =	shalt  }
0x3f: {  	_ =	shalt  }
0x40: {  	_ =	shalt  }
0x41: {  	_ =	shalt  }
0x42: {  	_ =	shalt  }
0x43: {  	_ =	shalt  }
0x44: {  	_ =	shalt  }
0x45: {  	_ =	shalt  }
0x46: {  	_ =	shalt  }
0x47: {  	_ =	shalt  }
0x48: {  	_ =	shalt  }
0x49: {  	_ =	shalt  }
0x4a: {  	_ =	shalt  }
0x4b: {  	_ =	shalt  }
0x4c: {  	_ =	shalt  }
0x4d: {  	_ =	shalt  }
0x4e: {  	_ =	shalt  }
0x4f: {  	_ =	shalt  }
0x50: {  	_ =	shalt  }
0x51: {  	_ =	shalt  }
0x52: {  	_ =	shalt  }
0x53: {  	_ =	shalt  }
0x54: {  	_ =	shalt  }
0x55: {  	_ =	shalt  }
0x56: {  	_ =	shalt  }
0x57: {  	_ =	shalt  }
0x58: {  	_ =	shalt  }
0x59: {  	_ =	shalt  }
0x5a: {  	_ =	shalt  }
0x5b: {  	_ =	shalt  }
0x5c: {  	_ =	shalt  }
0x5d: {  	_ =	shalt  }
0x5e: {  	_ =	shalt  }
0x5f: {  	_ =	shalt  }
0x60: {  	_ =	shalt  }
0x61: {  	_ =	shalt  }
0x62: {  	_ =	shalt  }
0x63: {  	_ =	shalt  }
0x64: {  	_ =	shalt  }
0x65: {  	_ =	shalt  }
0x66: {  	_ =	shalt  }
0x67: {  	_ =	shalt  }
0x68: {  	_ =	shalt  }
0x69: {  	_ =	shalt  }
0x6a: {  	_ =	shalt  }
0x6b: {  	_ =	shalt  }
0x6c: {  	_ =	shalt  }
0x6d: {  	_ =	shalt  }
0x6e: {  	_ =	shalt  }
0x6f: {  	_ =	shalt  }
0x70: {  	_ =	shalt  }
0x71: {  	_ =	shalt  }
0x72: {  	_ =	shalt  }
0x73: {  	_ =	shalt  }
0x74: {  	_ =	shalt  }
0x75: {  	_ =	shalt  }
0x76: {  	_ =	shalt  }
0x77: {  	_ =	shalt  }
0x78: {  	_ =	shalt  }
0x79: {  	_ =	shalt  }
0x7a: {  	_ =	shalt  }
0x7b: {  	_ =	shalt  }
0x7c: {  	_ =	shalt  }
0x7d: {  	_ =	shalt  }
0x7e: {  	_ =	shalt  }
0x7f: {  	_ =	shalt  }
0x80: {  	_ =	shalt  }
0x81: {  	_ =	shalt  }
0x82: {  	_ =	shalt  }
0x83: {  	_ =	shalt  }
0x84: {  	_ =	shalt  }
0x85: {  	_ =	shalt  }
0x86: {  	_ =	shalt  }
0x87: {  	_ =	shalt  }
.Lfunc_end0:
.L_simem_size_0:
called_computation.3_lowered:
.L_overlay_start_0:
0x88: {  	s2 =	sld [smem:$0x3FD9]  }
0x89: {  	s3 =	sld [smem:$0x3FFE];
	_ =	sdelay $0x1  }
0x8a: {  	s1 =	srdreg.scid  }
0x8b: {  	s0 =	sand.u32 $0x1, s1  }
0x8c: {  	s17 =	sshll.u32 s0, $0xA;
	s2 =	sadd.s32 s3, s2  }
0x8d: {  	s2 =	sadd.s32 s2, s17  }
0x8e: {  	[smem:$0x3FC0] =	sst s2  }
0x8f: {  	_ = 	snop  }
0x90: {  	s2 =	sld [smem:$0x3FD0];
	(tm) =	ssettm $0x1  }
0x91: {  	s18 =	sld [smem:$0x3FFB];
	_ =	sdelay $0x3  }
0x92: {  	_ =	strace s18  }
0x93: {  	s3 =	sld [smem:$0x3FFC];
	_ =	sdelay $0x3  }
0x94: {  	_ =	strace s3  }
0x95: {  	s3 =	sld [smem:$0x3FFD];
	_ =	sdelay $0x3  }
0x96: {  	_ =	strace s3  }
0x97: {  	_ =	strace $0x8FFFFFFF  }
0x98: {  	s19 =	sld [smem:$0x3FDB];
	_ =	sdelay $0x1  }
0x99: {  	s4 =	simm.s32 $_scs_section_size  }
0x9a: {  	s5 =	simm.s32 $_size__tile_overlayer_lowered;
	s6 =	simm.s32 $_tile_overlayer_lowered  }
0x9b: {  	s22 =	simm.s32 $0x1BFF;
	s21 =	sshll.u32 s6, $0x1;
	s3 =	sadd.s32 s4, s19  }
0x9c: {  	s7 =	simm.s32 $0x0;
	s20 =	sshll.u32 s5, $0x1;
	s5 =	sadd.s32 s21, s3  }
0x9d: {  	[timem:s7], [sflag:s22] =	dma.local [hbm:s5], s20  }
0x9e: {  	_ =	swait.ge [sflag:s22], s20  }
0x9f: {  	s4 =	ssub.s32 $0x0, s20;
	[sflag:s22] =	ssyncset.done $0x0  }
0xa0: {  	[sflag:s22] =	ssyncadd.s32 s4;
	_ =	sdelay $0x1  }
0xa1: {  	s23 =	simm.s32 $0x1B8B  }
0xa2: {  	_ =	swait.ge [sflag:s23], $0x1  }
0xa3: {  	[sflag:s23] =	ssyncset.done $0x0  }
0xa4: {  	s25 =	simm.s32 $0x1B8E;
	s24 =	sld [smem:$0x3FFE];
	[sflag:s23] =	ssyncadd.s32 $0xFFFFFFFF  }
0xa5: {  	s26 =	simm.s32 $execute0_lowered;
	[smem:$0x3FD2] =	sst s25  }
0xa6: {  	s5 =	sshll.u32 s26, $0x1;
	_ =	strace $0x8000004F;
	[dreg:$0x1] =	wrdreg $0xFFFFFFFF  }
0xa7: {  	s28 =	simm.s32 $_size_execute0_lowered;
	s3 =	sadd.s32 s3, s5;
	[dreg:$0x0] =	wrdreg $0x0  }
0xa8: {  	s5 =	sshll.u32 s28, $0x1;
	[dreg:$0x2] =	wrdreg s3  }
0xa9: {  	[dreg:$0x3] =	wrdreg s5  }
0xaa: {  	[dreg:$0x4] =	wrdreg $0xC0  }
0xab: {  	_ =	task [dreg:s7], $0x5FFFF  }
0xac: {  	[dreg:$0x1] =	wrdreg $0xFFFFFFFF  }
0xad: {  	[dreg:$0x0] =	wrdreg $0x60  }
0xae: {  	[dreg:$0x2] =	wrdreg s24  }
0xaf: {  	[dreg:$0x3] =	wrdreg s2  }
0xb0: {  	[dreg:$0x4] =	wrdreg $0x6D600  }
0xb1: {  	[dreg:$0x5] =	wrdreg $0x95600  }
0xb2: {  	[dreg:$0x6] =	wrdreg $0x9  }
0xb3: {  	_ =	task.clear_ibuf [dreg:s7], $0x7FFFF;
	_ =	strace $0x9000004F  }
0xb4: {  	s29 =	simm.s32 $0x9;
	_ =	strace $0x80000051  }
0xb5: {  	_ =	swait.ge [sflag:s29], $0x1  }
0xb6: {  	[sflag:s29] =	ssyncadd.s32 $0xFFFFFFFF  }
0xb7: {  	_ =	strace $0x90000051  }
0xb8: {  	_ =	sfence  }
0xb9: {  	s30 =	sld [smem:$0x0];
	_ =	sdelay $0x2  }
0xba: {  	s31 =	sshll.u32 s1, $0xD;
	s1 =	sshrl.u32 s1, $0x2  }
0xbb: {  	s3 =	sand.u32 $0x4000, s31;
	s1 =	sadd.s32 s1, s30  }
0xbc: {  	s0 =	sor.u32 s3, s0;
	s1 =	sshll.u32 s1, $0x11  }
0xbd: {  	s0 =	sor.u32 s1, s0  }
0xbe: {  	s0 =	sadd.s32 $0x8F2B, s0  }
0xbf: {  	[sflag:s0] =	ssyncadd.remote.s32 $0x1  }
0xc0: {  	_ =	sfence.sel $0xFFFF  }
0xc1: {  	[dreg:$0x0] =	wrdreg $0xFFFFFFFF;
	(pc) =	sbr.abs _section_cstart, $3  }
0xc2: {  	[dreg:$0x1] =	wrdreg $0xFFFFFFFF  }
0xc3: {  	_ =	task.clear_ibuf [dreg:s7], $0x2FFFF;
	_ =	strace $0x9FFFFFFF  }
0xc4: {  	(tm) =	ssettm $0x7FFFFFFF  }
0xc5: {  	_ =	shalt  }
tec
execute0_lowered:
.L_overlay_start_1:
0x0: {  	(tag) =	ssettag $0x1  }
0x1: {  	s0 =	rddreg [dreg:$0x0]  }
0x2: {  	s1 =	rddreg [dreg:$0x1]  }
0x3: {  	s2 =	rddreg [dreg:$0x2]  }
0x4: {  	s4 =	rddreg [dreg:$0x3]  }
0x5: {  	s5 =	simm.s32 $0x0;
	s14 =	stileid.u32;
	s6 =	srdreg.scid  }
0x6: {  	s19 =	simm.s32 $0x5;
	s22 =	simm.s32 $0x3840;
	s23 =	simm.s32 $0x190  }
0x7: {  	s24 =	simm.s32 $0x640;
	s25 =	simm.s32 $0x3;
	s26 =	simm.s32 $0x0  }
0x8: {  	[smem:$0x7FF] =	sst s5;
	s3 =	smul.u32 $0x2800, s14;
	s9 =	sand.u32 $0x1, s6  }
0x9: {  	s6 =	sadd.s32 $0xC000, s0;
	s7 =	sadd.s32 $0x2200, s0;
	s8 =	sadd.s32 $0x16800, s0  }
0xa: {  	s30 =	sshll.u32 s14, $0x6;
	_ =	strace $0x80000050;
	s11 =	smul.u32 $0x28000, s9  }
0xb: {  	s12 =	ssub.s32 $0x2, s9;
	s9 =	sshll.u32 s9, $0x4;
	s10 =	sshrl.u32 s3, $0x3  }
0xc: {  	vm0 =	vcmask $0x300;
	s13 =	sshrl.u32 s12, $0x1;
	s9 =	sor.u32 s14, s9;
	s18 =	sadd.s32 s3, s2  }
0xd: {  	v1 =	vimm.f32 $0.0e+00;
	v0 =	vimm.s32 $0x0;
	v2 =	vimm.s32 $0x1;
	s10 =	sadd.s32 s10, s0;
	s11 =	sadd.s32 s3, s11;
	s17 =	ssub.s32 s12, s13  }
0xe: {  	v3 =	vimm.s32 $0x2;
	v4 =	vimm.s32 $0x3;
	v5 =	vimm.s32 $0x4;
	s9 =	smul.u32 $0x2710, s9;
	s3 =	sadd.s32 s3, s4;
	s18 =	sshrl.u32 s18, $0x3  }
0xf: {  	v6 =	vimm.s32 $0x5;
	v7 =	vimm.s32 $0x6;
	v8 =	vimm.s32 $0x7;
	s11 =	sshrl.u32 s11, $0x3;
	s10 =	sadd.s32 $0x50A00, s10;
	s17 =	smax.u32 s17, $0x1  }
0x10: {  	v9 =	vimm.s32 $0x8;
	v10 =	vimm.s32 $0x9;
	v11 =	vimm.s32 $0xA;
	s20 =	sshrl.u32 s3, $0x3;
	s0 =	sadd.s32 s11, s0;
	s31 =	sshrl.u32 s9, $0x3  }
0x11: {  	v12 =	vimm.s32 $0xB;
	v13 =	vimm.s32 $0xC;
	v14 =	vimm.s32 $0xD;
	s11 =	sor.u32 $0x1C05, s30;
	s12 =	sadd.s32 s6, s31;
	s13 =	sadd.s32 s7, s31  }
0x12: {  	v15 =	vimm.s32 $0xE;
	v16 =	vimm.s32 $0xF;
	v1 =	vsel vm0, $0x3F800000, v1;
	s14 =	sadd.s32 s8, s31;
	s15 =	sadd.s32 $0x20600, s0;
	s16 =	sadd.s32 $0x2A600, s0  }
.LBB2_1:
0x13: {  	[spmem:s18], [sflag:s11] =	dma.local [hbm:s10], $0x500  }
0x14: {  	_ =	swait.ge [sflag:s19], $0x500  }
0x15: {  	[sflag:s19] =	ssyncset.done $0x0  }
0x16: {  	[sflag:s19] =	ssyncadd.s32 $0xFFFFFB00  }
0x17: {  	[spmem:s20], [sflag:s11] =	dma.local [hbm:s10], $0x500  }
0x18: {  	_ =	swait.ge [sflag:s19], $0x500  }
0x19: {  	[sflag:s19] =	ssyncset.done $0x0  }
0x1a: {  	[sflag:s19] =	ssyncadd.s32 $0xFFFFFB00  }
0x1b: {  	[bflag:$0x0] =	sbarrier.arrive $0xFFFF  }
0x1c: {  	[tilespmem:s5], [sflag:$0x5] =	stream.linear.gather [hbm4b:s12+s5], $0x190, $0x38;
	[tilespmem:$0xBD60] =	vst v63  }
0x1d: {  	_ =	swait.ge [sflag:s19], $0x190  }
0x1e: {  	[sflag:s19] =	ssyncset.done $0x0  }
0x1f: {  	s0 =	simm.s32 $0x320;
	[sflag:s19] =	ssyncadd.s32 $0xFFFFFE70  }
0x20: {  	[tilespmem:s0], [sflag:$0x5] =	stream.linear.gather [hbm4b:s13+s5], $0x190, $0x38;
	[tilespmem:$0xBD60] =	vst v63  }
0x21: {  	_ =	swait.ge [sflag:s19], $0x190  }
0x22: {  	[sflag:s19] =	ssyncset.done $0x0  }
0x23: {  	[sflag:s19] =	ssyncadd.s32 $0xFFFFFE70  }
0x24: {  	[tilespmem:s22], [sflag:$0x1] =	stream.linear.gather [hbm4b:s14+s5], $0x190, $0x38;
	[tilespmem:$0xBD60] =	vst v63  }
0x25: {  	s3 =	simm.s32 $0x0  }
0x26: {  	[tilespmem:s24], [sflag:$0x1] =	stream.indirect.gather [hbm4b:s1+s23], $0x10, s5, s23, $0xb8;
	[tilespmem:$0xBD60] =	vst v63  }
.LBB2_2:
0x27: {  	s28 =	sand.u32 $0x1, s3  }
0x28: {  	p0 =	seq.s32 s3, $0x0;
	s0 =	sxor.u32 $0x1, s28  }
0x29: {  	p1 =	seq.s32 @!p0 s3, $0x18;
	s21 =	sadd.s32 @!p0 $0x3, s0  }
0x2a: {  	p1 =	por p0, !p1;
	_ =	swait.ge @!p0 [sflag:s21], $0x1900  }
.Ltmp0:
0x2b: {  	[sflag:s21] =	ssyncset.done @!p0 $0x0;
	(pc) =	sbr.rel @!p1 .LBB2_4-.Ltmp0, $4  }
0x2c: {  	[sflag:s21] =	ssyncadd.s32 @!p0 $0xFFFFE700  }
0x2d: {  	_ =	swait.ge @!p0 [sflag:s21], $0x1900  }
0x2e: {  	[sflag:s21] =	ssyncset.done @!p0 $0x0  }
0x2f: {  	s29 =	simm.s32 @!p0 $0x19;
	[sflag:s21] =	ssyncadd.s32 @!p0 $0xFFFFE700  }
0x30: {  	s29 =	sadd.s32 @!p0 $0x1, s3  }
0x31: {  	s29 =	simm.s32 @p0 $0x1  }
0x32: {  	s31 =	smul.u32 $0x190, s29;
	_ =	sdelay $0x1  }
0x33: {  	s3 =	sadd.s32 s9, s31  }
0x34: {  	s21 =	smul.u32 $0x190, s0;
	s3 =	sshrl.u32 s3, $0x3  }
0x35: {  	s30 =	sadd.s32 s6, s3  }
0x36: {  	[tilespmem:s21], [sflag:$0x5] =	stream.linear.gather [hbm4b:s30+s5], $0x190, $0x38;
	[tilespmem:$0xBD60] =	vst v63  }
0x37: {  	_ =	swait.ge [sflag:s19], $0x190  }
0x38: {  	[sflag:s19] =	ssyncset.done $0x0  }
0x39: {  	s31 =	sadd.s32 s7, s3;
	s30 =	sadd.s32 $0x320, s21;
	[sflag:s19] =	ssyncadd.s32 $0xFFFFFE70  }
0x3a: {  	[tilespmem:s30], [sflag:$0x5] =	stream.linear.gather [hbm4b:s31+s5], $0x190, $0x38;
	[tilespmem:$0xBD60] =	vst v63  }
0x3b: {  	s31 =	sadd.s32 $0x1, s0;
	s0 =	smul.u32 $0x6400, s0;
	_ =	swait.ge [sflag:s19], $0x190  }
0x3c: {  	s3 =	sadd.s32 s8, s3;
	[sflag:s19] =	ssyncset.done $0x0  }
0x3d: {  	s30 =	sadd.s32 $0x3840, s21;
	s0 =	sshrl.u32 s0, $0x2;
	[sflag:s19] =	ssyncadd.s32 $0xFFFFFE70  }
0x3e: {  	[tilespmem:s30], [sflag:s31] =	stream.linear.gather [hbm4b:s3+s5], $0x190, $0x38;
	[tilespmem:$0xBD60] =	vst v63  }
0x3f: {  	s0 =	sadd.s32 $0x640, s0  }
0x40: {  	[tilespmem:s0], [sflag:s31] =	stream.indirect.gather [hbm4b:s1+s23], $0x10, s21, s23, $0xb8;
	[tilespmem:$0xBD60] =	vst v63  }
.LBB2_4:
0x41: {  	s0 =	sadd.s32 $0x1, s28  }
0x42: {  	s3 =	smul.u32 $0x6400, s28;
	_ =	swait.ge [sflag:s0], $0x190  }
0x43: {  	[sflag:s0] =	ssyncset.done $0x0  }
0x44: {  	s21 =	smul.u32 $0x640, s28;
	s3 =	sshrl.u32 s3, $0x2;
	[sflag:s0] =	ssyncadd.s32 $0xFFFFFE70  }
0x45: {  	s31 =	sadd.s32 $0x6C0, s3;
	_ =	swait.ge [sflag:s0], $0x1900  }
0x46: {  	s30 =	sshrl.u32 s21, $0x2;
	v17 =	vmov s31;
	[sflag:s0] =	ssyncset.done $0x0  }
0x47: {  	s31 =	sadd.s32 $0x3840, s30;
	[sflag:s0] =	ssyncadd.s32 $0xFFFFE700  }
0x48: {  	v19 =	vld [tilespmem:s31+$0x0];
	_ =	sdelay $0x1  }
0x49: {  	s0 =	simm.s32 $0x0  }
0x4a: {  	v20 =	vld.idx.msk [tilespmem:v17+s0+$0xFFFFFF80 ss:$0x1], $0xffff;
	_ =	sdelay $0x1  }
0x4b: {  	s3 =	sadd.s32 $0x3BE0, s3;
	v21 =	vperm.xlane v19, v0  }
0x4c: {  	v18 =	vmov s3  }
0x4d: {  	v22 =	vmul.f32 v1, v21  }
0x4e: {  	v20 =	vmul.f32 v20, v21  }
0x4f: {  	v60 =	vadd.f32 $0.0e+00, v22  }
0x50: {  	[tilespmem:v17+s0+$0xFFFFFF80 ss:$0x1] =	vst.idx.msk $0xffff, v20  }
0x51: {  	[tilespmem:v18+s0+$0xFFFFFF80 ss:$0x1] =	vst.idx.msk $0xffff, v60  }
0x52: {  	v20 =	vld.idx.msk [tilespmem:v17+s0+$0xFFFFFF90 ss:$0x1], $0xffff;
	_ =	sdelay $0x1  }
0x53: {  	v61 =	vperm.xlane v19, v2;
	_ =	sdelay $0x1  }
0x54: {  	v62 =	vmul.f32 v1, v61  }
0x55: {  	v20 =	vmul.f32 v20, v61  }
0x56: {  	v63 =	vadd.f32 $0.0e+00, v62  }
0x57: {  	[tilespmem:v17+s0+$0xFFFFFF90 ss:$0x1] =	vst.idx.msk $0xffff, v20  }
0x58: {  	[tilespmem:v18+s0+$0xFFFFFF90 ss:$0x1] =	vst.idx.msk $0xffff, v63  }
0x59: {  	v20 =	vld.idx.msk [tilespmem:v17+s0+$0xFFFFFFA0 ss:$0x1], $0xffff;
	_ =	sdelay $0x1  }
0x5a: {  	v24 =	vperm.xlane v19, v3;
	_ =	sdelay $0x1  }
0x5b: {  	v25 =	vmul.f32 v1, v24  }
0x5c: {  	v20 =	vmul.f32 v20, v24  }
0x5d: {  	v26 =	vadd.f32 $0.0e+00, v25  }
0x5e: {  	[tilespmem:v17+s0+$0xFFFFFFA0 ss:$0x1] =	vst.idx.msk $0xffff, v20  }
0x5f: {  	[tilespmem:v18+s0+$0xFFFFFFA0 ss:$0x1] =	vst.idx.msk $0xffff, v26  }
0x60: {  	v20 =	vld.idx.msk [tilespmem:v17+s0+$0xFFFFFFB0 ss:$0x1], $0xffff;
	_ =	sdelay $0x1  }
0x61: {  	v27 =	vperm.xlane v19, v4;
	_ =	sdelay $0x1  }
0x62: {  	v28 =	vmul.f32 v1, v27  }
0x63: {  	v20 =	vmul.f32 v20, v27  }
0x64: {  	v29 =	vadd.f32 $0.0e+00, v28  }
0x65: {  	[tilespmem:v17+s0+$0xFFFFFFB0 ss:$0x1] =	vst.idx.msk $0xffff, v20  }
0x66: {  	[tilespmem:v18+s0+$0xFFFFFFB0 ss:$0x1] =	vst.idx.msk $0xffff, v29  }
0x67: {  	v20 =	vld.idx.msk [tilespmem:v17+s0+$0xFFFFFFC0 ss:$0x1], $0xffff;
	_ =	sdelay $0x1  }
0x68: {  	v30 =	vperm.xlane v19, v5;
	_ =	sdelay $0x1  }
0x69: {  	v31 =	vmul.f32 v1, v30  }
0x6a: {  	v20 =	vmul.f32 v20, v30  }
0x6b: {  	v32 =	vadd.f32 $0.0e+00, v31  }
0x6c: {  	[tilespmem:v17+s0+$0xFFFFFFC0 ss:$0x1] =	vst.idx.msk $0xffff, v20  }
0x6d: {  	[tilespmem:v18+s0+$0xFFFFFFC0 ss:$0x1] =	vst.idx.msk $0xffff, v32  }
0x6e: {  	v20 =	vld.idx.msk [tilespmem:v17+s0+$0xFFFFFFD0 ss:$0x1], $0xffff;
	_ =	sdelay $0x1  }
0x6f: {  	v33 =	vperm.xlane v19, v6;
	_ =	sdelay $0x1  }
0x70: {  	v34 =	vmul.f32 v1, v33  }
0x71: {  	v20 =	vmul.f32 v20, v33  }
0x72: {  	v35 =	vadd.f32 $0.0e+00, v34  }
0x73: {  	[tilespmem:v17+s0+$0xFFFFFFD0 ss:$0x1] =	vst.idx.msk $0xffff, v20  }
0x74: {  	[tilespmem:v18+s0+$0xFFFFFFD0 ss:$0x1] =	vst.idx.msk $0xffff, v35  }
0x75: {  	v20 =	vld.idx.msk [tilespmem:v17+s0+$0xFFFFFFE0 ss:$0x1], $0xffff;
	_ =	sdelay $0x1  }
0x76: {  	v36 =	vperm.xlane v19, v7;
	_ =	sdelay $0x1  }
0x77: {  	v37 =	vmul.f32 v1, v36  }
0x78: {  	v20 =	vmul.f32 v20, v36  }
0x79: {  	v38 =	vadd.f32 $0.0e+00, v37  }
0x7a: {  	[tilespmem:v17+s0+$0xFFFFFFE0 ss:$0x1] =	vst.idx.msk $0xffff, v20  }
0x7b: {  	[tilespmem:v18+s0+$0xFFFFFFE0 ss:$0x1] =	vst.idx.msk $0xffff, v38  }
0x7c: {  	v20 =	vld.idx.msk [tilespmem:v17+s0+$0xFFFFFFF0 ss:$0x1], $0xffff;
	_ =	sdelay $0x1  }
0x7d: {  	v39 =	vperm.xlane v19, v8;
	_ =	sdelay $0x1  }
0x7e: {  	v40 =	vmul.f32 v1, v39  }
0x7f: {  	v20 =	vmul.f32 v20, v39  }
0x80: {  	v41 =	vadd.f32 $0.0e+00, v40  }
0x81: {  	[tilespmem:v17+s0+$0xFFFFFFF0 ss:$0x1] =	vst.idx.msk $0xffff, v20  }
0x82: {  	[tilespmem:v18+s0+$0xFFFFFFF0 ss:$0x1] =	vst.idx.msk $0xffff, v41  }
0x83: {  	v20 =	vld.idx.msk [tilespmem:v17+s0+$0x0 ss:$0x1], $0xffff;
	_ =	sdelay $0x1  }
0x84: {  	v42 =	vperm.xlane v19, v9;
	_ =	sdelay $0x1  }
0x85: {  	v43 =	vmul.f32 v1, v42  }
0x86: {  	v20 =	vmul.f32 v20, v42  }
0x87: {  	v44 =	vadd.f32 $0.0e+00, v43  }
0x88: {  	[tilespmem:v17+s0+$0x0 ss:$0x1] =	vst.idx.msk $0xffff, v20  }
0x89: {  	[tilespmem:v18+s0+$0x0 ss:$0x1] =	vst.idx.msk $0xffff, v44  }
0x8a: {  	v20 =	vld.idx.msk [tilespmem:v17+s0+$0x10 ss:$0x1], $0xffff;
	_ =	sdelay $0x1  }
0x8b: {  	v45 =	vperm.xlane v19, v10;
	_ =	sdelay $0x1  }
0x8c: {  	v46 =	vmul.f32 v1, v45  }
0x8d: {  	v20 =	vmul.f32 v20, v45  }
0x8e: {  	v47 =	vadd.f32 $0.0e+00, v46  }
0x8f: {  	[tilespmem:v17+s0+$0x10 ss:$0x1] =	vst.idx.msk $0xffff, v20  }
0x90: {  	[tilespmem:v18+s0+$0x10 ss:$0x1] =	vst.idx.msk $0xffff, v47  }
0x91: {  	v20 =	vld.idx.msk [tilespmem:v17+s0+$0x20 ss:$0x1], $0xffff;
	_ =	sdelay $0x1  }
0x92: {  	v48 =	vperm.xlane v19, v11;
	_ =	sdelay $0x1  }
0x93: {  	v49 =	vmul.f32 v1, v48  }
0x94: {  	v20 =	vmul.f32 v20, v48  }
0x95: {  	v50 =	vadd.f32 $0.0e+00, v49  }
0x96: {  	[tilespmem:v17+s0+$0x20 ss:$0x1] =	vst.idx.msk $0xffff, v20  }
0x97: {  	[tilespmem:v18+s0+$0x20 ss:$0x1] =	vst.idx.msk $0xffff, v50  }
0x98: {  	v20 =	vld.idx.msk [tilespmem:v17+s0+$0x30 ss:$0x1], $0xffff;
	_ =	sdelay $0x1  }
0x99: {  	v51 =	vperm.xlane v19, v12;
	_ =	sdelay $0x1  }
0x9a: {  	v52 =	vmul.f32 v1, v51  }
0x9b: {  	v20 =	vmul.f32 v20, v51  }
0x9c: {  	v53 =	vadd.f32 $0.0e+00, v52  }
0x9d: {  	[tilespmem:v17+s0+$0x30 ss:$0x1] =	vst.idx.msk $0xffff, v20  }
0x9e: {  	[tilespmem:v18+s0+$0x30 ss:$0x1] =	vst.idx.msk $0xffff, v53  }
0x9f: {  	v20 =	vld.idx.msk [tilespmem:v17+s0+$0x40 ss:$0x1], $0xffff;
	_ =	sdelay $0x1  }
0xa0: {  	v54 =	vperm.xlane v19, v13;
	_ =	sdelay $0x1  }
0xa1: {  	v55 =	vmul.f32 v1, v54  }
0xa2: {  	v20 =	vmul.f32 v20, v54  }
0xa3: {  	v56 =	vadd.f32 $0.0e+00, v55  }
0xa4: {  	[tilespmem:v17+s0+$0x40 ss:$0x1] =	vst.idx.msk $0xffff, v20  }
0xa5: {  	[tilespmem:v18+s0+$0x40 ss:$0x1] =	vst.idx.msk $0xffff, v56  }
0xa6: {  	v20 =	vld.idx.msk [tilespmem:v17+s0+$0x50 ss:$0x1], $0xffff;
	_ =	sdelay $0x1  }
0xa7: {  	v57 =	vperm.xlane v19, v14;
	_ =	sdelay $0x1  }
0xa8: {  	v58 =	vmul.f32 v1, v57  }
0xa9: {  	v20 =	vmul.f32 v20, v57  }
0xaa: {  	v59 =	vadd.f32 $0.0e+00, v58  }
0xab: {  	[tilespmem:v17+s0+$0x50 ss:$0x1] =	vst.idx.msk $0xffff, v20  }
0xac: {  	[tilespmem:v18+s0+$0x50 ss:$0x1] =	vst.idx.msk $0xffff, v59  }
0xad: {  	v20 =	vld.idx.msk [tilespmem:v17+s0+$0x60 ss:$0x1], $0xffff;
	_ =	sdelay $0x1  }
0xae: {  	v60 =	vperm.xlane v19, v15;
	_ =	sdelay $0x1  }
0xaf: {  	v61 =	vmul.f32 v1, v60  }
0xb0: {  	v20 =	vmul.f32 v20, v60  }
0xb1: {  	v62 =	vadd.f32 $0.0e+00, v61  }
0xb2: {  	[tilespmem:v17+s0+$0x60 ss:$0x1] =	vst.idx.msk $0xffff, v20  }
0xb3: {  	[tilespmem:v18+s0+$0x60 ss:$0x1] =	vst.idx.msk $0xffff, v62  }
0xb4: {  	v20 =	vld.idx.msk [tilespmem:v17+s0+$0x70 ss:$0x1], $0xffff;
	_ =	sdelay $0x2  }
0xb5: {  	v19 =	vperm.xlane v19, v16;
	_ =	sdelay $0x1  }
0xb6: {  	v63 =	vmul.f32 v1, v19;
	v20 =	vmul.f32 v20, v19;
	_ =	sdelay $0x1  }
0xb7: {  	s21 =	simm.s32 $0x400;
	s3 =	smul.u32 $0x1900, s28;
	v19 =	vadd.f32 $0.0e+00, v63;
	[tilespmem:v17+s0+$0x70 ss:$0x1] =	vst.idx.msk $0xffff, v20  }
.LBB2_5:
0xb8: {  	p0 =	sne.s32 s21, $0x6000  }
0xb9: {  	[tilespmem:v18+s0+$0x70 ss:$0x1] =	vst.idx.msk $0xffff, v19;
	s31 =	sadd.s32 $0x10, s31;
	s0 =	smov.u32 s21;
	s21 =	sadd.s32 $0x400, s21  }
0xba: {  	v19 =	vld [tilespmem:s31+$0x0];
	s0 =	sshra.s32 s0, $0x2  }
0xbb: {  	v20 =	vld.idx.msk [tilespmem:v17+s0+$0xFFFFFF80 ss:$0x1], $0xffff;
	_ =	sdelay $0x3  }
0xbc: {  	v21 =	vperm.xlane v19, v0;
	_ =	sdelay $0x1  }
0xbd: {  	v22 =	vmul.f32 v1, v21;
	v20 =	vmul.f32 v20, v21;
	_ =	sdelay $0x1  }
0xbe: {  	v21 =	vadd.f32 $0.0e+00, v22  }
0xbf: {  	[tilespmem:v17+s0+$0xFFFFFF80 ss:$0x1] =	vst.idx.msk $0xffff, v20  }
0xc0: {  	[tilespmem:v18+s0+$0xFFFFFF80 ss:$0x1] =	vst.idx.msk $0xffff, v21  }
0xc1: {  	v20 =	vld.idx.msk [tilespmem:v17+s0+$0xFFFFFF90 ss:$0x1], $0xffff;
	_ =	sdelay $0x2  }
0xc2: {  	v21 =	vperm.xlane v19, v2;
	_ =	sdelay $0x1  }
0xc3: {  	v22 =	vmul.f32 v1, v21  }
0xc4: {  	v20 =	vmul.f32 v20, v21  }
0xc5: {  	v21 =	vadd.f32 $0.0e+00, v22  }
0xc6: {  	[tilespmem:v17+s0+$0xFFFFFF90 ss:$0x1] =	vst.idx.msk $0xffff, v20  }
0xc7: {  	[tilespmem:v18+s0+$0xFFFFFF90 ss:$0x1] =	vst.idx.msk $0xffff, v21  }
0xc8: {  	v20 =	vld.idx.msk [tilespmem:v17+s0+$0xFFFFFFA0 ss:$0x1], $0xffff;
	_ =	sdelay $0x2  }
0xc9: {  	v21 =	vperm.xlane v19, v3;
	_ =	sdelay $0x1  }
0xca: {  	v22 =	vmul.f32 v1, v21  }
0xcb: {  	v20 =	vmul.f32 v20, v21  }
0xcc: {  	v21 =	vadd.f32 $0.0e+00, v22  }
0xcd: {  	[tilespmem:v17+s0+$0xFFFFFFA0 ss:$0x1] =	vst.idx.msk $0xffff, v20  }
0xce: {  	[tilespmem:v18+s0+$0xFFFFFFA0 ss:$0x1] =	vst.idx.msk $0xffff, v21  }
0xcf: {  	v20 =	vld.idx.msk [tilespmem:v17+s0+$0xFFFFFFB0 ss:$0x1], $0xffff;
	_ =	sdelay $0x2  }
0xd0: {  	v21 =	vperm.xlane v19, v4;
	_ =	sdelay $0x1  }
0xd1: {  	v22 =	vmul.f32 v1, v21  }
0xd2: {  	v20 =	vmul.f32 v20, v21  }
0xd3: {  	v21 =	vadd.f32 $0.0e+00, v22  }
0xd4: {  	[tilespmem:v17+s0+$0xFFFFFFB0 ss:$0x1] =	vst.idx.msk $0xffff, v20  }
0xd5: {  	[tilespmem:v18+s0+$0xFFFFFFB0 ss:$0x1] =	vst.idx.msk $0xffff, v21  }
0xd6: {  	v20 =	vld.idx.msk [tilespmem:v17+s0+$0xFFFFFFC0 ss:$0x1], $0xffff;
	_ =	sdelay $0x2  }
0xd7: {  	v21 =	vperm.xlane v19, v5;
	_ =	sdelay $0x1  }
0xd8: {  	v22 =	vmul.f32 v1, v21  }
0xd9: {  	v20 =	vmul.f32 v20, v21  }
0xda: {  	v21 =	vadd.f32 $0.0e+00, v22  }
0xdb: {  	[tilespmem:v17+s0+$0xFFFFFFC0 ss:$0x1] =	vst.idx.msk $0xffff, v20  }
0xdc: {  	[tilespmem:v18+s0+$0xFFFFFFC0 ss:$0x1] =	vst.idx.msk $0xffff, v21  }
0xdd: {  	v20 =	vld.idx.msk [tilespmem:v17+s0+$0xFFFFFFD0 ss:$0x1], $0xffff;
	_ =	sdelay $0x2  }
0xde: {  	v21 =	vperm.xlane v19, v6;
	_ =	sdelay $0x1  }
0xdf: {  	v22 =	vmul.f32 v1, v21  }
0xe0: {  	v20 =	vmul.f32 v20, v21  }
0xe1: {  	v21 =	vadd.f32 $0.0e+00, v22  }
0xe2: {  	[tilespmem:v17+s0+$0xFFFFFFD0 ss:$0x1] =	vst.idx.msk $0xffff, v20  }
0xe3: {  	[tilespmem:v18+s0+$0xFFFFFFD0 ss:$0x1] =	vst.idx.msk $0xffff, v21  }
0xe4: {  	v20 =	vld.idx.msk [tilespmem:v17+s0+$0xFFFFFFE0 ss:$0x1], $0xffff;
	_ =	sdelay $0x2  }
0xe5: {  	v21 =	vperm.xlane v19, v7;
	_ =	sdelay $0x1  }
0xe6: {  	v22 =	vmul.f32 v1, v21  }
0xe7: {  	v20 =	vmul.f32 v20, v21  }
0xe8: {  	v21 =	vadd.f32 $0.0e+00, v22  }
0xe9: {  	[tilespmem:v17+s0+$0xFFFFFFE0 ss:$0x1] =	vst.idx.msk $0xffff, v20  }
0xea: {  	[tilespmem:v18+s0+$0xFFFFFFE0 ss:$0x1] =	vst.idx.msk $0xffff, v21  }
0xeb: {  	v20 =	vld.idx.msk [tilespmem:v17+s0+$0xFFFFFFF0 ss:$0x1], $0xffff;
	_ =	sdelay $0x2  }
0xec: {  	v21 =	vperm.xlane v19, v8;
	_ =	sdelay $0x1  }
0xed: {  	v22 =	vmul.f32 v1, v21  }
0xee: {  	v20 =	vmul.f32 v20, v21  }
0xef: {  	v21 =	vadd.f32 $0.0e+00, v22  }
0xf0: {  	[tilespmem:v17+s0+$0xFFFFFFF0 ss:$0x1] =	vst.idx.msk $0xffff, v20  }
0xf1: {  	[tilespmem:v18+s0+$0xFFFFFFF0 ss:$0x1] =	vst.idx.msk $0xffff, v21  }
0xf2: {  	v20 =	vld.idx.msk [tilespmem:v17+s0+$0x0 ss:$0x1], $0xffff;
	_ =	sdelay $0x2  }
0xf3: {  	v21 =	vperm.xlane v19, v9;
	_ =	sdelay $0x1  }
0xf4: {  	v22 =	vmul.f32 v1, v21  }
0xf5: {  	v20 =	vmul.f32 v20, v21  }
0xf6: {  	v21 =	vadd.f32 $0.0e+00, v22  }
0xf7: {  	[tilespmem:v17+s0+$0x0 ss:$0x1] =	vst.idx.msk $0xffff, v20  }
0xf8: {  	[tilespmem:v18+s0+$0x0 ss:$0x1] =	vst.idx.msk $0xffff, v21  }
0xf9: {  	v20 =	vld.idx.msk [tilespmem:v17+s0+$0x10 ss:$0x1], $0xffff;
	_ =	sdelay $0x2  }
0xfa: {  	v21 =	vperm.xlane v19, v10;
	_ =	sdelay $0x1  }
0xfb: {  	v22 =	vmul.f32 v1, v21  }
0xfc: {  	v20 =	vmul.f32 v20, v21  }
0xfd: {  	v21 =	vadd.f32 $0.0e+00, v22  }
0xfe: {  	[tilespmem:v17+s0+$0x10 ss:$0x1] =	vst.idx.msk $0xffff, v20  }
0xff: {  	[tilespmem:v18+s0+$0x10 ss:$0x1] =	vst.idx.msk $0xffff, v21  }
0x100: {  	v20 =	vld.idx.msk [tilespmem:v17+s0+$0x20 ss:$0x1], $0xffff;
	_ =	sdelay $0x2  }
0x101: {  	v21 =	vperm.xlane v19, v11;
	_ =	sdelay $0x1  }
0x102: {  	v22 =	vmul.f32 v1, v21  }
0x103: {  	v20 =	vmul.f32 v20, v21  }
0x104: {  	v21 =	vadd.f32 $0.0e+00, v22  }
0x105: {  	[tilespmem:v17+s0+$0x20 ss:$0x1] =	vst.idx.msk $0xffff, v20  }
0x106: {  	[tilespmem:v18+s0+$0x20 ss:$0x1] =	vst.idx.msk $0xffff, v21  }
0x107: {  	v20 =	vld.idx.msk [tilespmem:v17+s0+$0x30 ss:$0x1], $0xffff;
	_ =	sdelay $0x2  }
0x108: {  	v21 =	vperm.xlane v19, v12;
	_ =	sdelay $0x1  }
0x109: {  	v22 =	vmul.f32 v1, v21  }
0x10a: {  	v20 =	vmul.f32 v20, v21  }
0x10b: {  	v21 =	vadd.f32 $0.0e+00, v22  }
0x10c: {  	[tilespmem:v17+s0+$0x30 ss:$0x1] =	vst.idx.msk $0xffff, v20  }
0x10d: {  	[tilespmem:v18+s0+$0x30 ss:$0x1] =	vst.idx.msk $0xffff, v21  }
0x10e: {  	v20 =	vld.idx.msk [tilespmem:v17+s0+$0x40 ss:$0x1], $0xffff;
	_ =	sdelay $0x2  }
0x10f: {  	v21 =	vperm.xlane v19, v13;
	_ =	sdelay $0x1  }
0x110: {  	v22 =	vmul.f32 v1, v21  }
0x111: {  	v20 =	vmul.f32 v20, v21  }
0x112: {  	v21 =	vadd.f32 $0.0e+00, v22  }
0x113: {  	[tilespmem:v17+s0+$0x40 ss:$0x1] =	vst.idx.msk $0xffff, v20  }
0x114: {  	[tilespmem:v18+s0+$0x40 ss:$0x1] =	vst.idx.msk $0xffff, v21  }
0x115: {  	v20 =	vld.idx.msk [tilespmem:v17+s0+$0x50 ss:$0x1], $0xffff;
	_ =	sdelay $0x2  }
0x116: {  	v21 =	vperm.xlane v19, v14;
	_ =	sdelay $0x1  }
0x117: {  	v22 =	vmul.f32 v1, v21  }
0x118: {  	v20 =	vmul.f32 v20, v21  }
0x119: {  	v21 =	vadd.f32 $0.0e+00, v22  }
0x11a: {  	[tilespmem:v17+s0+$0x50 ss:$0x1] =	vst.idx.msk $0xffff, v20  }
0x11b: {  	[tilespmem:v18+s0+$0x50 ss:$0x1] =	vst.idx.msk $0xffff, v21  }
0x11c: {  	v20 =	vld.idx.msk [tilespmem:v17+s0+$0x60 ss:$0x1], $0xffff;
	_ =	sdelay $0x2  }
0x11d: {  	v21 =	vperm.xlane v19, v15;
	_ =	sdelay $0x1  }
0x11e: {  	v22 =	vmul.f32 v1, v21  }
0x11f: {  	v20 =	vmul.f32 v20, v21  }
0x120: {  	v21 =	vadd.f32 $0.0e+00, v22  }
0x121: {  	[tilespmem:v17+s0+$0x60 ss:$0x1] =	vst.idx.msk $0xffff, v20  }
0x122: {  	[tilespmem:v18+s0+$0x60 ss:$0x1] =	vst.idx.msk $0xffff, v21  }
0x123: {  	v20 =	vld.idx.msk [tilespmem:v17+s0+$0x70 ss:$0x1], $0xffff;
	_ =	sdelay $0x2  }
0x124: {  	v19 =	vperm.xlane v19, v16  }
.Ltmp1:
0x125: {  	(pc) =	sbr.rel @p0 .LBB2_5-.Ltmp1, $4  }
0x126: {  	v21 =	vmul.f32 v1, v19  }
0x127: {  	v20 =	vmul.f32 v20, v19  }
0x128: {  	v19 =	vadd.f32 $0.0e+00, v21  }
0x129: {  	[tilespmem:v17+s0+$0x70 ss:$0x1] =	vst.idx.msk $0xffff, v20  }
0x12a: {  	_ =	sdelay $0x1  }
0x12b: {  	p0 =	slt.u32 s29, $0x19  }
.Ltmp2:
0x12c: {  	_ = 	snop;
	(pc) =	sbr.rel @p0 .LBB2_2-.Ltmp2, $4  }
0x12d: {  	[tilespmem:v18+s0+$0x70 ss:$0x1] =	vst.idx.msk $0xffff, v19;
	s31 =	sadd.s32 $0x640, s3;
	s21 =	sadd.s32 $0x320, s30;
	s28 =	sadd.s32 $0x3, s28  }
0x12e: {  	[spmem:s2] =	stream.indirect.scatter.add.f32 [tilespmem:s31], [sflag:s28], $0x10, s21, s23, $0xb8;
	[tilespmem:$0xBD60] =	vst v63  }
0x12f: {  	s31 =	sadd.s32 $0x3B60, s3;
	s3 =	smov.u32 s29  }
0x130: {  	[spmem:s4] =	stream.indirect.scatter.add.f32 [tilespmem:s31], [sflag:s28], $0x10, s21, s23, $0xb8;
	[tilespmem:$0xBD60] =	vst v63  }
0x131: {  	_ =	swait.ge [sflag:s25], $0x1900  }
0x132: {  	[sflag:s25] =	ssyncset.done $0x0  }
0x133: {  	[sflag:s25] =	ssyncadd.s32 $0xFFFFE700  }
0x134: {  	_ =	swait.ge [sflag:s25], $0x1900  }
0x135: {  	[sflag:s25] =	ssyncset.done $0x0  }
0x136: {  	[sflag:s25] =	ssyncadd.s32 $0xFFFFE700  }
0x137: {  	[bflag:$0x0] =	sbarrier.arrive $0xFFFF  }
0x138: {  	[hbm:s15], [sflag:s11] =	dma.local [spmem:s18], $0x500  }
0x139: {  	s26 =	sadd.s32 $0x1, s26;
	_ =	swait.ge [sflag:s19], $0x500  }
0x13a: {  	p0 =	sne.s32 s26, s17;
	[sflag:s19] =	ssyncset.done $0x0  }
.Ltmp3:
0x13b: {  	[sflag:s19] =	ssyncadd.s32 $0xFFFFFB00;
	(pc) =	sbr.rel @p0 .LBB2_1-.Ltmp3, $4  }
0x13c: {  	[hbm:s16], [sflag:s11] =	dma.local [spmem:s20], $0x500  }
0x13d: {  	_ =	swait.ge [sflag:s19], $0x500  }
0x13e: {  	[sflag:s19] =	ssyncset.done $0x0  }
0x13f: {  	[sflag:s19] =	ssyncadd.s32 $0xFFFFFB00  }
0x140: {  	_ =	sfence.sel $0x180000  }
0x141: {  	[bflag:$0x0] =	sbarrier.arrive $0xFFFF  }
0x142: {  	_ =	strace $0x90000050  }
0x143: {  	s0 =	stileid.u32;
	[bflag:$0x2] =	sbarrier.arrive $0xFFFF  }
0x144: {  	p0 =	sne.s32 s0, $0x0;
	s0 =	rddreg [dreg:$0x4]  }
0x145: {  	s0 =	sadd.s32 @!p0 $0x100000, s0  }
0x146: {  	[sflag:s0] =	ssyncadd.tile.s32 @!p0 $0x1;
	_ =	shalt  }
.Lfunc_end2:
_tile_overlayer_lowered:
.L_overlay_start_2:
0x147: {  	(tag) =	ssettag $0x2  }
0x148: {  	s0 =	rddreg [dreg:$0x0];
	s2 =	stileid.u32  }
0x149: {  	s1 =	rddreg [dreg:$0x1];
	p0 =	sne.s32 s2, $0x0  }
0x14a: {  	s3 =	rddreg [dreg:$0x2];
	[bflag:$0x3] =	sbarrier.arrive $0xFFFF;
	s2 =	simm.s32 @!p0 $0x1C05  }
0x14b: {  	[timem:s3], [sflag:s2] =	dma.local @!p0 [hbm:s0], s1  }
0x14c: {  	s0 =	simm.s32 @!p0 $0x5  }
0x14d: {  	_ =	swait.ge @!p0 [sflag:s0], s1  }
0x14e: {  	s1 =	ssub.s32 @!p0 $0x0, s1;
	[sflag:s0] =	ssyncset.done @!p0 $0x0  }
0x14f: {  	[sflag:s0] =	ssyncadd.s32 @!p0 s1  }
0x150: {  	[bflag:$0x3] =	sbarrier.arrive $0xFFFF  }
0x151: {  	_ =	shalt  }

// kernel: kernel.9.cloned.1.call-start
scs
__scs_entry_jumppad:
0x0: {  	(pc) =	sbr.rel $0x88, $3  }
0x1: {  	(tag) =	ssettag $0x0;
	lr =	simm.s32 $0x1  }
0x2: {  	[smem:$0x3F99] =	sst lr;
	_ =	strace $0xD0000000  }
0x3: {  	_ = 	snop  }
0x4: {  	_ = 	snop  }
0x5: {  	_ = 	snop  }
0x6: {  	_ = 	snop  }
0x7: {  	_ = 	snop  }
__scs_overlays_trampoline_lowered:
0x8: {  	[smem:$0x3FA8] =	sst s0  }
0x9: {  	[smem:$0x3FA9] =	sst s1  }
0xa: {  	[smem:$0x3FAA] =	sst s2  }
0xb: {  	[smem:$0x3FAB] =	sst s3  }
0xc: {  	[smem:$0x3FAC] =	sst s4  }
0xd: {  	[smem:$0x3FAD] =	sst s5  }
0xe: {  	[smem:$0x3FAE] =	sst s6  }
0xf: {  	[smem:$0x3FAF] =	sst s7  }
0x10: {  	[smem:$0x3FB0] =	sst s8  }
0x11: {  	[smem:$0x3FB1] =	sst s9;
	s0 =	simm.s32 @!p0 $0x0  }
0x12: {  	s1 =	sld [smem:$0x3F97];
	s0 =	simm.s32 @p0 $0x1  }
0x13: {  	[smem:$0x3FB2] =	sst s0;
	s0 =	simm.s32 @!p1 $0x0  }
0x14: {  	s2 =	sld [smem:$0x3F96];
	s0 =	simm.s32 @p1 $0x1  }
0x15: {  	[smem:$0x3FB3] =	sst s0;
	s0 =	simm.s32 @!p2 $0x0  }
0x16: {  	s3 =	sld [smem:$0x3FDB];
	s0 =	simm.s32 @p2 $0x1  }
0x17: {  	s4 =	simm.s32 $0x1BF5;
	[smem:$0x3FB5] =	sst s0  }
0x18: {  	s0 =	sld [smem:$0x3F98];
	_ =	swait.ge [sflag:s4], $0x0  }
0x19: {  	s7 =	sld [smem:$0x3F99]  }
0x1a: {  	s8 =	sadd.s32 $0xFFFFE003, lr  }
0x1b: {  	s9 =	sadd.s32 $0xFFFFFEF7, lr;
	s5 =	simm.s32 $0xFFFFFFFF;
	p2 =	slt.u32 s8, $0xFFFFF086  }
0x1c: {  	p1 =	slt.u32 s9, $0xF7A;
	s5 =	simm.s32 @!p2 $0x0  }
0x1d: {  	s5 =	simm.s32 @p1 $0x1;
	p0 =	seq.s32 s7, s2  }
0x1e: {  	s7 =	smul.u32 @!p0 $0xF7A, s2;
	p2 =	seq.s32 @!p0 s5, $0x0  }
0x1f: {  	s9 =	smul.u32 $0xF7A, s1;
	s8 =	simm.s32 @!p0 $0x1BF5;
	p2 =	por !p2, p0  }
0x20: {  	[sflag:s8] =	ssyncset.s32 @!p0 $0xFFFFF086;
	s6 =	sadd.s32 @!p0 s3, s7;
	s7 =	simm.s32 @!p0 $0x108  }
0x21: {  	s3 =	sadd.s32 s3, s9;
	s6 =	sadd.s32 @!p0 $0x88, s6;
	s7 =	simm.s32 @p2 $0x1082  }
0x22: {  	[simem:s7], [sflag:s8] =	dma.local @!p0 [hbm:s6], $0xF7A  }
0x23: {  	s9 =	sor.u32 $0xD0000000, s2;
	s6 =	simm.s32 $0x108;
	_ =	swait.ge @!p0 [sflag:s8], $0x0  }
0x24: {  	s3 =	sadd.s32 $0x88, s3;
	s6 =	simm.s32 @!p1 $0x1082;
	[sflag:s4] =	ssyncset.s32 $0xFFFFF086  }
0x25: {  	[simem:s6], [sflag:s4] =	dma.local [hbm:s3], $0xF7A  }
0x26: {  	[smem:$0x3F99] =	sst s1;
	(tag) =	ssettag s2;
	_ =	strace s9  }
0x27: {  	s1 =	sld [smem:$0x3FA9]  }
0x28: {  	s2 =	sld [smem:$0x3FAA]  }
0x29: {  	s4 =	sld [smem:$0x3FAC]  }
0x2a: {  	p0 =	seq.s32 s5, $0x0;
	s5 =	sld [smem:$0x3FAD]  }
0x2b: {  	s6 =	sld [smem:$0x3FAE]  }
0x2c: {  	s7 =	sld [smem:$0x3FAF]  }
0x2d: {  	s3 =	simm.s32 $0x108;
	s8 =	sld [smem:$0x3FB0]  }
0x2e: {  	s3 =	simm.s32 @!p0 $0x1082;
	s9 =	sld [smem:$0x3FB1]  }
0x2f: {  	lr =	sadd.s32 s0, s3;
	s0 =	sld [smem:$0x3FA8]  }
0x30: {  	s3 =	sld [smem:$0x3FAB]  }
0x31: {  	[smem:$0x3FB4] =	sst s10  }
0x32: {  	s10 =	sld [smem:$0x3FB2];
	_ =	sdelay $0x3  }
0x33: {  	p0 =	seq.s32 s10, $0x1;
	s10 =	sld [smem:$0x3FB4];
	_ =	sdelay $0x3  }
0x34: {  	[smem:$0x3FB4] =	sst s10  }
0x35: {  	s10 =	sld [smem:$0x3FB3];
	_ =	sdelay $0x3  }
0x36: {  	p1 =	seq.s32 s10, $0x1;
	s10 =	sld [smem:$0x3FB4];
	_ =	sdelay $0x3  }
0x37: {  	[smem:$0x3FB4] =	sst s10  }
0x38: {  	s10 =	sld [smem:$0x3FB5]  }
0x39: {  	_ = 	snop;
	(pc) =	sbr.ind lr, $3  }
0x3a: {  	_ = 	snop  }
0x3b: {  	_ = 	snop  }
0x3c: {  	p2 =	seq.s32 s10, $0x1;
	s10 =	sld [smem:$0x3FB4]  }
0x3d: {  	_ =	shalt  }
0x3e: {  	_ =	shalt  }
0x3f: {  	_ =	shalt  }
0x40: {  	_ =	shalt  }
0x41: {  	_ =	shalt  }
0x42: {  	_ =	shalt  }
0x43: {  	_ =	shalt  }
0x44: {  	_ =	shalt  }
0x45: {  	_ =	shalt  }
0x46: {  	_ =	shalt  }
0x47: {  	_ =	shalt  }
0x48: {  	_ =	shalt  }
0x49: {  	_ =	shalt  }
0x4a: {  	_ =	shalt  }
0x4b: {  	_ =	shalt  }
0x4c: {  	_ =	shalt  }
0x4d: {  	_ =	shalt  }
0x4e: {  	_ =	shalt  }
0x4f: {  	_ =	shalt  }
0x50: {  	_ =	shalt  }
0x51: {  	_ =	shalt  }
0x52: {  	_ =	shalt  }
0x53: {  	_ =	shalt  }
0x54: {  	_ =	shalt  }
0x55: {  	_ =	shalt  }
0x56: {  	_ =	shalt  }
0x57: {  	_ =	shalt  }
0x58: {  	_ =	shalt  }
0x59: {  	_ =	shalt  }
0x5a: {  	_ =	shalt  }
0x5b: {  	_ =	shalt  }
0x5c: {  	_ =	shalt  }
0x5d: {  	_ =	shalt  }
0x5e: {  	_ =	shalt  }
0x5f: {  	_ =	shalt  }
0x60: {  	_ =	shalt  }
0x61: {  	_ =	shalt  }
0x62: {  	_ =	shalt  }
0x63: {  	_ =	shalt  }
0x64: {  	_ =	shalt  }
0x65: {  	_ =	shalt  }
0x66: {  	_ =	shalt  }
0x67: {  	_ =	shalt  }
0x68: {  	_ =	shalt  }
0x69: {  	_ =	shalt  }
0x6a: {  	_ =	shalt  }
0x6b: {  	_ =	shalt  }
0x6c: {  	_ =	shalt  }
0x6d: {  	_ =	shalt  }
0x6e: {  	_ =	shalt  }
0x6f: {  	_ =	shalt  }
0x70: {  	_ =	shalt  }
0x71: {  	_ =	shalt  }
0x72: {  	_ =	shalt  }
0x73: {  	_ =	shalt  }
0x74: {  	_ =	shalt  }
0x75: {  	_ =	shalt  }
0x76: {  	_ =	shalt  }
0x77: {  	_ =	shalt  }
0x78: {  	_ =	shalt  }
0x79: {  	_ =	shalt  }
0x7a: {  	_ =	shalt  }
0x7b: {  	_ =	shalt  }
0x7c: {  	_ =	shalt  }
0x7d: {  	_ =	shalt  }
0x7e: {  	_ =	shalt  }
0x7f: {  	_ =	shalt  }
0x80: {  	_ =	shalt  }
0x81: {  	_ =	shalt  }
0x82: {  	_ =	shalt  }
0x83: {  	_ =	shalt  }
0x84: {  	_ =	shalt  }
0x85: {  	_ =	shalt  }
0x86: {  	_ =	shalt  }
0x87: {  	_ =	shalt  }
.Lfunc_end0:
.L_simem_size_0:
called_computation_lowered:
.L_overlay_start_0:
0x88: {  	s2 =	sld [smem:$0x3FD9]  }
0x89: {  	s3 =	sld [smem:$0x3FFE];
	_ =	sdelay $0x1  }
0x8a: {  	s1 =	srdreg.scid  }
0x8b: {  	s0 =	sand.u32 $0x1, s1  }
0x8c: {  	s17 =	sshll.u32 s0, $0xA;
	s2 =	sadd.s32 s3, s2  }
0x8d: {  	s2 =	sadd.s32 s2, s17  }
0x8e: {  	[smem:$0x3FC0] =	sst s2  }
0x8f: {  	_ = 	snop  }
0x90: {  	s2 =	sld [smem:$0x3FD0];
	(tm) =	ssettm $0x1  }
0x91: {  	s18 =	sld [smem:$0x3FFB];
	_ =	sdelay $0x3  }
0x92: {  	_ =	strace s18  }
0x93: {  	s3 =	sld [smem:$0x3FFC];
	_ =	sdelay $0x3  }
0x94: {  	_ =	strace s3  }
0x95: {  	s3 =	sld [smem:$0x3FFD];
	_ =	sdelay $0x3  }
0x96: {  	_ =	strace s3  }
0x97: {  	_ =	strace $0x8FFFFFFF  }
0x98: {  	s19 =	sld [smem:$0x3FDB];
	_ =	sdelay $0x1  }
0x99: {  	s4 =	simm.s32 $_scs_section_size  }
0x9a: {  	s5 =	simm.s32 $_size__tile_overlayer_lowered;
	s6 =	simm.s32 $_tile_overlayer_lowered  }
0x9b: {  	s22 =	simm.s32 $0x1BFF;
	s21 =	sshll.u32 s6, $0x1;
	s3 =	sadd.s32 s4, s19  }
0x9c: {  	s7 =	simm.s32 $0x0;
	s20 =	sshll.u32 s5, $0x1;
	s5 =	sadd.s32 s21, s3  }
0x9d: {  	[timem:s7], [sflag:s22] =	dma.local [hbm:s5], s20  }
0x9e: {  	_ =	swait.ge [sflag:s22], s20  }
0x9f: {  	s4 =	ssub.s32 $0x0, s20;
	[sflag:s22] =	ssyncset.done $0x0  }
0xa0: {  	[sflag:s22] =	ssyncadd.s32 s4;
	_ =	sdelay $0x1  }
0xa1: {  	s23 =	simm.s32 $0x1B8B  }
0xa2: {  	_ =	swait.ge [sflag:s23], $0x1  }
0xa3: {  	[sflag:s23] =	ssyncset.done $0x0  }
0xa4: {  	s25 =	simm.s32 $0x1B8E;
	s24 =	sld [smem:$0x3FFE];
	[sflag:s23] =	ssyncadd.s32 $0xFFFFFFFF  }
0xa5: {  	s26 =	simm.s32 $execute0_lowered;
	[smem:$0x3FD2] =	sst s25  }
0xa6: {  	s5 =	sshll.u32 s26, $0x1;
	_ =	strace $0x80000046;
	[dreg:$0x1] =	wrdreg $0xFFFFFFFF  }
0xa7: {  	s28 =	simm.s32 $_size_execute0_lowered;
	s3 =	sadd.s32 s3, s5;
	[dreg:$0x0] =	wrdreg $0x0  }
0xa8: {  	s5 =	sshll.u32 s28, $0x1;
	[dreg:$0x2] =	wrdreg s3  }
0xa9: {  	[dreg:$0x3] =	wrdreg s5  }
0xaa: {  	[dreg:$0x4] =	wrdreg $0xC0  }
0xab: {  	_ =	task [dreg:s7], $0x5FFFF  }
0xac: {  	[dreg:$0x1] =	wrdreg $0xFFFFFFFF  }
0xad: {  	[dreg:$0x0] =	wrdreg $0x60  }
0xae: {  	[dreg:$0x2] =	wrdreg s24  }
0xaf: {  	[dreg:$0x3] =	wrdreg s2  }
0xb0: {  	[dreg:$0x4] =	wrdreg $0x9  }
0xb1: {  	_ =	task.clear_ibuf [dreg:s7], $0x5FFFF;
	_ =	strace $0x90000046  }
0xb2: {  	s29 =	simm.s32 $0x9;
	_ =	strace $0x80000048  }
0xb3: {  	_ =	swait.ge [sflag:s29], $0x1  }
0xb4: {  	[sflag:s29] =	ssyncadd.s32 $0xFFFFFFFF  }
0xb5: {  	_ =	strace $0x90000048  }
0xb6: {  	_ =	sfence  }
0xb7: {  	s30 =	sld [smem:$0x0];
	_ =	sdelay $0x2  }
0xb8: {  	s31 =	sshll.u32 s1, $0xD;
	s1 =	sshrl.u32 s1, $0x2  }
0xb9: {  	s3 =	sand.u32 $0x4000, s31;
	s1 =	sadd.s32 s1, s30  }
0xba: {  	s0 =	sor.u32 s3, s0;
	s1 =	sshll.u32 s1, $0x11  }
0xbb: {  	s0 =	sor.u32 s1, s0  }
0xbc: {  	s0 =	sadd.s32 $0x8F2B, s0  }
0xbd: {  	[sflag:s0] =	ssyncadd.remote.s32 $0x1  }
0xbe: {  	_ =	sfence.sel $0xFFFF  }
0xbf: {  	[dreg:$0x0] =	wrdreg $0xFFFFFFFF;
	(pc) =	sbr.abs _section_cstart, $3  }
0xc0: {  	[dreg:$0x1] =	wrdreg $0xFFFFFFFF  }
0xc1: {  	_ =	task.clear_ibuf [dreg:s7], $0x2FFFF;
	_ =	strace $0x9FFFFFFF  }
0xc2: {  	(tm) =	ssettm $0x7FFFFFFF  }
0xc3: {  	_ =	shalt  }
tec
execute0_lowered:
.L_overlay_start_1:
0x0: {  	(tag) =	ssettag $0x1  }
0x1: {  	s6 =	rddreg [dreg:$0x0]  }
0x2: {  	s1 =	rddreg [dreg:$0x1]  }
0x3: {  	s0 =	rddreg [dreg:$0x2]  }
0x4: {  	s2 =	simm.s32 $0x0;
	s3 =	srdreg.scid;
	s10 =	simm.s32 $0x13880  }
0x5: {  	s11 =	simm.s32 $0x14050;
	s12 =	simm.s32 $0x14820;
	s13 =	simm.s32 $0x14FF0  }
0x6: {  	s14 =	simm.s32 $0x157C0;
	s15 =	simm.s32 $0x15F90;
	s16 =	simm.s32 $0x0  }
0x7: {  	[smem:$0x7FF] =	sst s2;
	s4 =	sadd.s32 $0xC000, s6;
	s5 =	sand.u32 $0x1, s3  }
0x8: {  	s3 =	stileid.u32;
	_ =	strace $0x80000047;
	s7 =	ssub.s32 $0x2, s5  }
0x9: {  	s8 =	sshll.u32 s5, $0x4;
	s5 =	sadd.s32 $0x2200, s6;
	s9 =	sshrl.u32 s7, $0x1  }
0xa: {  	s6 =	sadd.s32 $0x15E00, s6;
	s8 =	sor.u32 s3, s8;
	s9 =	ssub.s32 s7, s9  }
0xb: {  	s7 =	smul.u32 $0x2710, s8;
	s8 =	smax.u32 s9, $0x1;
	s9 =	simm.s32 $0x1  }
.LBB2_1:
0xc: {  	[tilespmem:s2], [sflag:$0x1] =	stream.linear.gather [hbm4b:s1+s2], $0x13880, $0x38;
	[tilespmem:$0x16760] =	vst v63  }
0xd: {  	_ =	swait.ge [sflag:s9], $0x13880  }
0xe: {  	[sflag:s9] =	ssyncset.done $0x0  }
0xf: {  	s17 =	simm.s32 $0x0;
	[sflag:s9] =	ssyncadd.s32 $0xFFFEC780  }
.LBB2_2:
0x10: {  	s18 =	smul.u32 $0x7D0, s17;
	_ =	sdelay $0x1  }
0x11: {  	s18 =	sadd.s32 s7, s18  }
0x12: {  	s18 =	sshrl.u32 s18, $0x3  }
0x13: {  	s20 =	simm.s32 $0x0;
	s19 =	sadd.s32 s4, s18  }
0x14: {  	[tilespmem:s10], [sflag:$0x1] =	stream.linear.gather [hbm4b:s19+s20], $0x7D0, $0x38;
	[tilespmem:$0x16760] =	vst v63  }
0x15: {  	_ =	swait.ge [sflag:s9], $0x7D0  }
0x16: {  	[sflag:s9] =	ssyncset.done $0x0  }
0x17: {  	s31 =	sadd.s32 s5, s18;
	[sflag:s9] =	ssyncadd.s32 $0xFFFFF830  }
0x18: {  	[tilespmem:s11], [sflag:$0x1] =	stream.linear.gather [hbm4b:s31+s20], $0x7D0, $0x38;
	[tilespmem:$0x16760] =	vst v63  }
0x19: {  	_ =	swait.ge [sflag:s9], $0x7D0  }
0x1a: {  	[sflag:s9] =	ssyncset.done $0x0  }
0x1b: {  	s19 =	simm.s32 $0x0;
	[sflag:s9] =	ssyncadd.s32 $0xFFFFF830  }
0x1c: {  	v0 =	vld [tilespmem:s19+$0x14050]  }
0x1d: {  	v1 =	vld [tilespmem:s19+$0x13880];
	_ =	sdelay $0x4  }
0x1e: {  	v0 =	vshll.u32 v0, $0x3;
	v1 =	vshll.u32 v1, $0x3  }
0x1f: {  	v2 =	vor.u32 $0x4, v0;
	_ =	sdelay $0x3  }
0x20: {  	v3 =	vld.idx.msk [tilespmem:v1+s2+$0x0], $0xffff  }
0x21: {  	v2 =	vld.idx.msk [tilespmem:v2+s2+$0x0], $0xffff;
	_ =	sdelay $0x4  }
0x22: {  	v2 =	vadd.f32 v2, v3;
	_ =	sdelay $0x1  }
0x23: {  	v3 =	vmul.f32 $2.000000030e-01, v2  }
0x24: {  	vm0 =	vgt.f32 v2, $0.0e+00  }
0x25: {  	v2 =	vsel vm0, v2, v3  }
0x26: {  	v2 =	vmul.f32 $1.442695020e+00, v2;
	_ =	sdelay $0x1  }
0x27: {  	(erf) = vpow2.f32 v2;
	_ =	sdelay $0x5  }
0x28: {  	v2 =	vor.u32 $0x1, v1  }
0x29: {  	v3 =	vor.u32 $0x5, v0;
	_ =	sdelay $0x1  }
0x2a: {  	v4 =	vpop (erf)  }
0x2b: {  	[tilespmem:s19+$0x14820] =	vst v4  }
0x2c: {  	v2 =	vld.idx.msk [tilespmem:v2+s2+$0x0], $0xffff  }
0x2d: {  	v3 =	vld.idx.msk [tilespmem:v3+s2+$0x0], $0xffff;
	_ =	sdelay $0x4  }
0x2e: {  	v2 =	vadd.f32 v3, v2;
	_ =	sdelay $0x1  }
0x2f: {  	v3 =	vmul.f32 $2.000000030e-01, v2  }
0x30: {  	vm13 =	vgt.f32 v2, $0.0e+00  }
0x31: {  	v2 =	vsel vm13, v2, v3  }
0x32: {  	v2 =	vmul.f32 $1.442695020e+00, v2;
	_ =	sdelay $0x1  }
0x33: {  	(erf) = vpow2.f32 v2;
	_ =	sdelay $0x5  }
0x34: {  	v2 =	vor.u32 $0x2, v1  }
0x35: {  	v3 =	vor.u32 $0x6, v0;
	_ =	sdelay $0x1  }
0x36: {  	v63 =	vpop (erf)  }
0x37: {  	[tilespmem:s19+$0x14FF0] =	vst v63  }
0x38: {  	v2 =	vld.idx.msk [tilespmem:v2+s2+$0x0], $0xffff  }
0x39: {  	v3 =	vld.idx.msk [tilespmem:v3+s2+$0x0], $0xffff;
	_ =	sdelay $0x4  }
0x3a: {  	v2 =	vadd.f32 v3, v2;
	_ =	sdelay $0x1  }
0x3b: {  	v3 =	vmul.f32 $2.000000030e-01, v2  }
0x3c: {  	vm14 =	vgt.f32 v2, $0.0e+00  }
0x3d: {  	v2 =	vsel vm14, v2, v3  }
0x3e: {  	v2 =	vmul.f32 $1.442695020e+00, v2;
	_ =	sdelay $0x1  }
0x3f: {  	(erf) = vpow2.f32 v2;
	_ =	sdelay $0x5  }
0x40: {  	v1 =	vor.u32 $0x3, v1  }
0x41: {  	v0 =	vor.u32 $0x7, v0;
	_ =	sdelay $0x1  }
0x42: {  	v2 =	vpop (erf)  }
0x43: {  	[tilespmem:s19+$0x157C0] =	vst v2  }
0x44: {  	v1 =	vld.idx.msk [tilespmem:v1+s2+$0x0], $0xffff  }
0x45: {  	v0 =	vld.idx.msk [tilespmem:v0+s2+$0x0], $0xffff;
	_ =	sdelay $0x4  }
0x46: {  	v0 =	vadd.f32 v0, v1;
	_ =	sdelay $0x1  }
0x47: {  	v1 =	vmul.f32 $2.000000030e-01, v0  }
0x48: {  	vm15 =	vgt.f32 v0, $0.0e+00  }
0x49: {  	v0 =	vsel vm15, v0, v1  }
0x4a: {  	v0 =	vmul.f32 $1.442695020e+00, v0  }
0x4b: {  	s22 =	simm.s32 $0x10  }
0x4c: {  	v2 =	vld [tilespmem:s22+$0x14050];
	(erf) = vpow2.f32 v0  }
0x4d: {  	v1 =	vld [tilespmem:s22+$0x13880];
	_ =	sdelay $0x3  }
0x4e: {  	s20 =	simm.s32 $0x80;
	v0 =	vshll.u32 v2, $0x3  }
.LBB2_3:
0x4f: {  	p0 =	sne.s32 s20, $0x1F00;
	v1 =	vshll.u32 v1, $0x3;
	v2 =	vor.u32 $0x4, v0;
	s21 =	smov.u32 s20;
	s20 =	sadd.s32 $0x40, s20  }
0x50: {  	_ =	sdelay $0x1  }
0x51: {  	v3 =	vpop (erf)  }
0x52: {  	[tilespmem:s19+$0x15F90] =	vst v3;
	s19 =	smov.u32 s22  }
0x53: {  	v2 =	vld.idx.msk [tilespmem:v2+s2+$0x0], $0xffff  }
0x54: {  	v3 =	vld.idx.msk [tilespmem:v1+s2+$0x0], $0xffff;
	_ =	sdelay $0x5  }
0x55: {  	v2 =	vadd.f32 v2, v3;
	_ =	sdelay $0x1  }
0x56: {  	v3 =	vmul.f32 $2.000000030e-01, v2  }
0x57: {  	vm0 =	vgt.f32 v2, $0.0e+00  }
0x58: {  	v2 =	vsel vm0, v2, v3  }
0x59: {  	v2 =	vmul.f32 $1.442695020e+00, v2;
	_ =	sdelay $0x1  }
0x5a: {  	(erf) = vpow2.f32 v2;
	_ =	sdelay $0x5  }
0x5b: {  	v2 =	vor.u32 $0x1, v1  }
0x5c: {  	v3 =	vor.u32 $0x5, v0;
	_ =	sdelay $0x1  }
0x5d: {  	v4 =	vpop (erf)  }
0x5e: {  	[tilespmem:s19+$0x14820] =	vst v4  }
0x5f: {  	v2 =	vld.idx.msk [tilespmem:v2+s2+$0x0], $0xffff  }
0x60: {  	v3 =	vld.idx.msk [tilespmem:v3+s2+$0x0], $0xffff;
	_ =	sdelay $0x5  }
0x61: {  	v2 =	vadd.f32 v3, v2;
	_ =	sdelay $0x1  }
0x62: {  	v3 =	vmul.f32 $2.000000030e-01, v2  }
0x63: {  	vm0 =	vgt.f32 v2, $0.0e+00  }
0x64: {  	v2 =	vsel vm0, v2, v3  }
0x65: {  	v2 =	vmul.f32 $1.442695020e+00, v2;
	_ =	sdelay $0x1  }
0x66: {  	(erf) = vpow2.f32 v2;
	_ =	sdelay $0x5  }
0x67: {  	v2 =	vor.u32 $0x2, v1  }
0x68: {  	v3 =	vor.u32 $0x6, v0;
	_ =	sdelay $0x1  }
0x69: {  	v4 =	vpop (erf)  }
0x6a: {  	[tilespmem:s19+$0x14FF0] =	vst v4  }
0x6b: {  	v2 =	vld.idx.msk [tilespmem:v2+s2+$0x0], $0xffff  }
0x6c: {  	v3 =	vld.idx.msk [tilespmem:v3+s2+$0x0], $0xffff;
	_ =	sdelay $0x5  }
0x6d: {  	v2 =	vadd.f32 v3, v2;
	_ =	sdelay $0x1  }
0x6e: {  	v3 =	vmul.f32 $2.000000030e-01, v2  }
0x6f: {  	vm0 =	vgt.f32 v2, $0.0e+00  }
0x70: {  	v2 =	vsel vm0, v2, v3  }
0x71: {  	v2 =	vmul.f32 $1.442695020e+00, v2;
	_ =	sdelay $0x1  }
0x72: {  	(erf) = vpow2.f32 v2;
	_ =	sdelay $0x5  }
0x73: {  	v0 =	vor.u32 $0x7, v0;
	v1 =	vor.u32 $0x3, v1;
	_ =	sdelay $0x2  }
0x74: {  	v2 =	vpop (erf)  }
0x75: {  	[tilespmem:s19+$0x157C0] =	vst v2  }
0x76: {  	v1 =	vld.idx.msk [tilespmem:v1+s2+$0x0], $0xffff  }
0x77: {  	v0 =	vld.idx.msk [tilespmem:v0+s2+$0x0], $0xffff;
	_ =	sdelay $0x5  }
0x78: {  	v0 =	vadd.f32 v0, v1;
	_ =	sdelay $0x1  }
0x79: {  	vm0 =	vgt.f32 v0, $0.0e+00;
	v1 =	vmul.f32 $2.000000030e-01, v0;
	_ =	sdelay $0x1  }
0x7a: {  	v0 =	vsel vm0, v0, v1  }
0x7b: {  	v0 =	vmul.f32 $1.442695020e+00, v0  }
0x7c: {  	s22 =	sshra.s32 s21, $0x2  }
0x7d: {  	v2 =	vld [tilespmem:s22+$0x14050];
	(erf) = vpow2.f32 v0  }
.Ltmp0:
0x7e: {  	v1 =	vld [tilespmem:s22+$0x13880];
	(pc) =	sbr.rel @p0 .LBB2_3-.Ltmp0, $2  }
0x7f: {  	_ =	sdelay $0x2  }
0x80: {  	v0 =	vshll.u32 v2, $0x3  }
0x81: {  	v2 =	vor.u32 $0x4, v0  }
0x82: {  	v1 =	vshll.u32 v1, $0x3;
	_ =	sdelay $0x1  }
0x83: {  	v3 =	vpop (erf)  }
0x84: {  	[tilespmem:s19+$0x15F90] =	vst v3  }
0x85: {  	v2 =	vld.idx.msk [tilespmem:v2+s2+$0x0], $0xffff  }
0x86: {  	v3 =	vld.idx.msk [tilespmem:v1+s2+$0x0], $0xffff;
	_ =	sdelay $0x4  }
0x87: {  	v2 =	vadd.f32 v2, v3;
	_ =	sdelay $0x1  }
0x88: {  	v3 =	vmul.f32 $2.000000030e-01, v2  }
0x89: {  	vm0 =	vgt.f32 v2, $0.0e+00  }
0x8a: {  	v2 =	vsel vm0, v2, v3  }
0x8b: {  	v2 =	vmul.f32 $1.442695020e+00, v2;
	_ =	sdelay $0x1  }
0x8c: {  	(erf) = vpow2.f32 v2;
	_ =	sdelay $0x5  }
0x8d: {  	v58 =	vor.u32 $0x1, v1  }
0x8e: {  	v59 =	vor.u32 $0x5, v0;
	_ =	sdelay $0x1  }
0x8f: {  	v4 =	vpop (erf)  }
0x90: {  	[tilespmem:s22+$0x14820] =	vst v4  }
0x91: {  	v2 =	vld.idx.msk [tilespmem:v58+s2+$0x0], $0xffff  }
0x92: {  	v3 =	vld.idx.msk [tilespmem:v59+s2+$0x0], $0xffff;
	_ =	sdelay $0x4  }
0x93: {  	v2 =	vadd.f32 v3, v2;
	_ =	sdelay $0x1  }
0x94: {  	v3 =	vmul.f32 $2.000000030e-01, v2  }
0x95: {  	vm13 =	vgt.f32 v2, $0.0e+00  }
0x96: {  	v2 =	vsel vm13, v2, v3  }
0x97: {  	v2 =	vmul.f32 $1.442695020e+00, v2;
	_ =	sdelay $0x1  }
0x98: {  	(erf) = vpow2.f32 v2;
	_ =	sdelay $0x5  }
0x99: {  	v60 =	vor.u32 $0x2, v1  }
0x9a: {  	v61 =	vor.u32 $0x6, v0;
	_ =	sdelay $0x1  }
0x9b: {  	v62 =	vpop (erf)  }
0x9c: {  	[tilespmem:s22+$0x14FF0] =	vst v62  }
0x9d: {  	v2 =	vld.idx.msk [tilespmem:v60+s2+$0x0], $0xffff  }
0x9e: {  	v3 =	vld.idx.msk [tilespmem:v61+s2+$0x0], $0xffff;
	_ =	sdelay $0x4  }
0x9f: {  	v2 =	vadd.f32 v3, v2;
	_ =	sdelay $0x1  }
0xa0: {  	v3 =	vmul.f32 $2.000000030e-01, v2  }
0xa1: {  	vm14 =	vgt.f32 v2, $0.0e+00  }
0xa2: {  	v2 =	vsel vm14, v2, v3  }
0xa3: {  	v2 =	vmul.f32 $1.442695020e+00, v2;
	_ =	sdelay $0x1  }
0xa4: {  	(erf) = vpow2.f32 v2;
	_ =	sdelay $0x5  }
0xa5: {  	v1 =	vor.u32 $0x3, v1  }
0xa6: {  	v63 =	vor.u32 $0x7, v0;
	_ =	sdelay $0x1  }
0xa7: {  	v2 =	vpop (erf)  }
0xa8: {  	[tilespmem:s22+$0x157C0] =	vst v2  }
0xa9: {  	v1 =	vld.idx.msk [tilespmem:v1+s2+$0x0], $0xffff  }
0xaa: {  	v0 =	vld.idx.msk [tilespmem:v63+s2+$0x0], $0xffff;
	_ =	sdelay $0x4  }
0xab: {  	v0 =	vadd.f32 v0, v1;
	_ =	sdelay $0x1  }
0xac: {  	v1 =	vmul.f32 $2.000000030e-01, v0  }
0xad: {  	vm15 =	vgt.f32 v0, $0.0e+00  }
0xae: {  	v0 =	vsel vm15, v0, v1  }
0xaf: {  	v0 =	vmul.f32 $1.442695020e+00, v0;
	_ =	sdelay $0x1  }
0xb0: {  	(erf) = vpow2.f32 v0;
	_ =	sdelay $0x8  }
0xb1: {  	v0 =	vpop (erf)  }
0xb2: {  	s18 =	sadd.s32 s6, s18;
	[tilespmem:s22+$0x15F90] =	vst v0  }
0xb3: {  	[hbm4b:s18+s2] =	stream.linear.scatter [tilespmem:s12], [sflag:$0x1], $0x7D0, $0x38;
	[tilespmem:$0x16760] =	vst v63  }
0xb4: {  	_ =	swait.ge [sflag:s9], $0x7D0  }
0xb5: {  	[sflag:s9] =	ssyncset.done $0x0  }
0xb6: {  	s30 =	sadd.s32 $0x9C40, s18;
	[sflag:s9] =	ssyncadd.s32 $0xFFFFF830  }
0xb7: {  	[hbm4b:s30+s2] =	stream.linear.scatter [tilespmem:s13], [sflag:$0x1], $0x7D0, $0x38;
	[tilespmem:$0x16760] =	vst v63  }
0xb8: {  	_ =	swait.ge [sflag:s9], $0x7D0  }
0xb9: {  	[sflag:s9] =	ssyncset.done $0x0  }
0xba: {  	s31 =	sadd.s32 $0x13880, s18;
	[sflag:s9] =	ssyncadd.s32 $0xFFFFF830  }
0xbb: {  	[hbm4b:s31+s2] =	stream.linear.scatter [tilespmem:s14], [sflag:$0x1], $0x7D0, $0x38;
	[tilespmem:$0x16760] =	vst v63  }
0xbc: {  	s17 =	sadd.s32 $0x1, s17;
	_ =	swait.ge [sflag:s9], $0x7D0  }
0xbd: {  	p0 =	sne.s32 s17, $0x5;
	[sflag:s9] =	ssyncset.done $0x0  }
.Ltmp1:
0xbe: {  	s18 =	sadd.s32 $0x1D4C0, s18;
	[sflag:s9] =	ssyncadd.s32 $0xFFFFF830;
	(pc) =	sbr.rel @p0 .LBB2_2-.Ltmp1, $4  }
0xbf: {  	[hbm4b:s18+s2] =	stream.linear.scatter [tilespmem:s15], [sflag:$0x1], $0x7D0, $0x38;
	[tilespmem:$0x16760] =	vst v63  }
0xc0: {  	_ =	swait.ge [sflag:s9], $0x7D0  }
0xc1: {  	[sflag:s9] =	ssyncset.done $0x0  }
0xc2: {  	[sflag:s9] =	ssyncadd.s32 $0xFFFFF830  }
0xc3: {  	s16 =	sadd.s32 $0x1, s16  }
0xc4: {  	p0 =	sne.s32 s16, s8  }
.Ltmp2:
0xc5: {  	_ = 	snop;
	(pc) =	sbr.rel @p0 .LBB2_1-.Ltmp2, $1  }
0xc6: {  	_ =	sdelay $0x3  }
0xc7: {  	_ =	sfence.sel $0x180000  }
0xc8: {  	[bflag:$0x0] =	sbarrier.arrive $0xFFFF  }
0xc9: {  	p0 =	sne.s32 s3, $0x0;
	_ =	strace $0x90000047  }
0xca: {  	s0 =	sadd.s32 @!p0 $0x100000, s0;
	[bflag:$0x2] =	sbarrier.arrive $0xFFFF  }
0xcb: {  	[sflag:s0] =	ssyncadd.tile.s32 @!p0 $0x1;
	_ =	shalt  }
.Lfunc_end2:
_tile_overlayer_lowered:
.L_overlay_start_2:
0xcc: {  	(tag) =	ssettag $0x2  }
0xcd: {  	s0 =	rddreg [dreg:$0x0];
	s2 =	stileid.u32  }
0xce: {  	s1 =	rddreg [dreg:$0x1];
	p0 =	sne.s32 s2, $0x0  }
0xcf: {  	s3 =	rddreg [dreg:$0x2];
	[bflag:$0x3] =	sbarrier.arrive $0xFFFF;
	s2 =	simm.s32 @!p0 $0x1C01  }
0xd0: {  	[timem:s3], [sflag:s2] =	dma.local @!p0 [hbm:s0], s1  }
0xd1: {  	s0 =	simm.s32 @!p0 $0x1  }
0xd2: {  	_ =	swait.ge @!p0 [sflag:s0], s1  }
0xd3: {  	s1 =	ssub.s32 @!p0 $0x0, s1;
	[sflag:s0] =	ssyncset.done @!p0 $0x0  }
0xd4: {  	[sflag:s0] =	ssyncadd.s32 @!p0 s1  }
0xd5: {  	[bflag:$0x3] =	sbarrier.arrive $0xFFFF  }
0xd6: {  	_ =	shalt  }

</sc_bundles>
